<compile_context>
chip_gen: v7x
topology: tpu7x:2x2x1
jax: 0.10.2.dev20260603
libtpu: 0.0.44.dev20260713+nightly
codegen_flags: <defaults>
</compile_context>

<pallas_src>
import functools

import jax
import jax.numpy as jnp
from jax import lax
from jax.experimental import pallas as pl
from jax.experimental.pallas import tpu as pltpu
from jax.experimental.pallas import tpu_sc as plsc

NUM_EXPERTS = 8
TOP_K = 2
HIDDEN = 1024
INTER = 4096
NUM_TOKENS = 2048

TB = 256
IB = 1024
NB = (NUM_TOKENS * TOP_K) // TB + NUM_EXPERTS
P = NB * TB
NW = 32
DISPATCH_CHUNK = 32
COMBINE_CHUNK = 32


def _routing_kernel(x_ref, wg_ref, eidx_ref, ew_ref):
    logits = jnp.dot(x_ref[...], wg_ref[...],
                     preferred_element_type=jnp.float32)
    lanes = lax.broadcasted_iota(jnp.int32, logits.shape, 1)
    big = jnp.int32(NUM_EXPERTS)
    m1 = jnp.max(logits, axis=1, keepdims=True)
    i1 = jnp.min(jnp.where(logits == m1, lanes, big), axis=1, keepdims=True)
    l2 = jnp.where(lanes == i1, -jnp.inf, logits)
    m2 = jnp.max(l2, axis=1, keepdims=True)
    i2 = jnp.min(jnp.where(l2 == m2, lanes, big), axis=1, keepdims=True)
    klane = lax.broadcasted_iota(jnp.int32, eidx_ref.shape, 1)
    eidx_ref[...] = jnp.where(klane == 0, i1, i2)
    w1 = 1.0 / (1.0 + jnp.exp(m2 - m1))
    ew_ref[...] = jnp.where(klane == 0, w1, 1.0 - w1)


def _routing(hidden_states, w_gate):
    return pl.pallas_call(
        _routing_kernel,
        grid=(NUM_TOKENS // TB,),
        in_specs=[
            pl.BlockSpec((TB, HIDDEN), lambda t: (t, 0)),
            pl.BlockSpec((HIDDEN, NUM_EXPERTS), lambda t: (0, 0)),
        ],
        out_specs=[
            pl.BlockSpec((TB, TOP_K), lambda t: (t, 0)),
            pl.BlockSpec((TB, TOP_K), lambda t: (t, 0)),
        ],
        out_shape=[
            jax.ShapeDtypeStruct((NUM_TOKENS, TOP_K), jnp.int32),
            jax.ShapeDtypeStruct((NUM_TOKENS, TOP_K), jnp.float32),
        ],
    )(hidden_states, w_gate)


def _dispatch_metadata(eidx, ew):
    e_flat = eidx.reshape(-1)
    w_flat = ew.reshape(-1)
    onehot = (e_flat[:, None] == jnp.arange(NUM_EXPERTS)[None, :]).astype(
        jnp.int32)
    ranks = jnp.cumsum(onehot, axis=0)
    counts = ranks[-1]
    rank = jnp.take_along_axis(ranks, e_flat[:, None], axis=1)[:, 0] - 1
    blocks_per_e = (counts + TB - 1) // TB
    bcum = jnp.cumsum(blocks_per_e)
    bstart = bcum - blocks_per_e
    pos = (bstart[e_flat] * TB + rank).astype(jnp.int32)
    block_expert = jnp.searchsorted(
        bcum, jnp.arange(NB, dtype=jnp.int32), side="right").astype(jnp.int32)
    block_expert = jnp.minimum(block_expert, NUM_EXPERTS - 1)
    pos2 = pos.reshape(NUM_TOKENS, TOP_K)
    tok_w = NUM_TOKENS // NW
    pos3 = pos2.reshape(NW, tok_w, TOP_K).transpose(0, 2, 1).reshape(
        NW * TOP_K, tok_w)
    comb_idx = jnp.concatenate([pos2[:, 0], pos2[:, 1]]).astype(jnp.int32)
    comb_w = jnp.broadcast_to(
        jnp.concatenate([ew[:, 0], ew[:, 1]]).astype(jnp.float32)[:, None],
        (NUM_TOKENS * TOP_K, 16))
    nb_used = bcum[-1].astype(jnp.int32)
    return pos3, block_expert, comb_idx, comb_w, nb_used


@functools.cache
def _dispatch_kernel():
    mesh = plsc.VectorSubcoreMesh(core_axis_name="c", subcore_axis_name="s")
    tok_w = NUM_TOKENS // NW

    @functools.partial(
        pl.kernel,
        mesh=mesh,
        out_type=jax.ShapeDtypeStruct((P, HIDDEN), jnp.float32),
        scratch_types=[
            pltpu.VMEM((tok_w,), jnp.int32),
            pltpu.VMEM((tok_w,), jnp.int32),
            pltpu.VMEM((tok_w, HIDDEN), jnp.float32),
            pltpu.SemaphoreType.DMA,
            pltpu.SemaphoreType.DMA,
        ],
    )
    def dispatch(x_hbm, idx_hbm, out_hbm, ia_v, ib_v, xbuf, s0, s1):
        wid = lax.axis_index("s") * 2 + lax.axis_index("c")
        pltpu.sync_copy(idx_hbm.at[wid * TOP_K], ia_v)
        pltpu.sync_copy(idx_hbm.at[wid * TOP_K + 1], ib_v)
        pltpu.sync_copy(x_hbm.at[pl.ds(wid * tok_w, tok_w)], xbuf)
        c0 = pltpu.async_copy(xbuf, out_hbm.at[ia_v], s0)
        c1 = pltpu.async_copy(xbuf, out_hbm.at[ib_v], s1)
        c0.wait()
        c1.wait()

    return dispatch


def _dispatch_call(x, pos3):
    return _dispatch_kernel()(x, pos3)


def _ffn_kernel(be_ref, x_ref, w1_ref, w3_ref, w2_ref, y_ref):
    ib = pl.program_id(1)
    x = x_ref[...]
    h = jnp.dot(x, w1_ref[0], preferred_element_type=jnp.float32)
    g = jnp.dot(x, w3_ref[0], preferred_element_type=jnp.float32)
    act = (h / (1.0 + jnp.exp(-h))) * g
    y = jnp.dot(act, w2_ref[0], preferred_element_type=jnp.float32)

    @pl.when(ib == 0)
    def _():
        y_ref[...] = y

    @pl.when(ib > 0)
    def _():
        y_ref[...] += y


def _ffn(block_expert, x_sorted, w1, w3, w2, nb_used):
    grid_spec = pltpu.PrefetchScalarGridSpec(
        num_scalar_prefetch=1,
        grid=(nb_used, INTER // IB),
        in_specs=[
            pl.BlockSpec((TB, HIDDEN), lambda b, ib, be: (b, 0)),
            pl.BlockSpec((1, HIDDEN, IB), lambda b, ib, be: (be[b], 0, ib)),
            pl.BlockSpec((1, HIDDEN, IB), lambda b, ib, be: (be[b], 0, ib)),
            pl.BlockSpec((1, IB, HIDDEN), lambda b, ib, be: (be[b], ib, 0)),
        ],
        out_specs=pl.BlockSpec((TB, HIDDEN), lambda b, ib, be: (b, 0)),
    )
    return pl.pallas_call(
        _ffn_kernel,
        grid_spec=grid_spec,
        out_shape=jax.ShapeDtypeStruct((P, HIDDEN), jnp.float32),
        compiler_params=pltpu.CompilerParams(
            dimension_semantics=("arbitrary", "arbitrary"),
        ),
    )(block_expert, x_sorted, w1, w3, w2)


@functools.cache
def _combine_kernel():
    mesh = plsc.VectorSubcoreMesh(core_axis_name="c", subcore_axis_name="s")

    @functools.partial(
        pl.kernel,
        mesh=mesh,
        out_type=jax.ShapeDtypeStruct((NUM_TOKENS, HIDDEN), jnp.float32),
        scratch_types=[
            pltpu.VMEM((COMBINE_CHUNK,), jnp.int32),
            pltpu.VMEM((COMBINE_CHUNK,), jnp.int32),
            pltpu.VMEM((COMBINE_CHUNK, 16), jnp.float32),
            pltpu.VMEM((COMBINE_CHUNK, 16), jnp.float32),
            pltpu.VMEM((COMBINE_CHUNK, HIDDEN), jnp.float32),
            pltpu.VMEM((COMBINE_CHUNK, HIDDEN), jnp.float32),
            pltpu.SemaphoreType.DMA,
            pltpu.SemaphoreType.DMA,
        ],
    )
    def combine(y_hbm, idx_hbm, w_hbm, out_hbm,
                ia_v, ib_v, wa_v, wb_v, a_v, b_v, sa, sb):
        wid = lax.axis_index("s") * 2 + lax.axis_index("c")
        tok_w = NUM_TOKENS // NW
        base = wid * tok_w
        for c in range(tok_w // COMBINE_CHUNK):
            off = base + c * COMBINE_CHUNK
            pltpu.sync_copy(idx_hbm.at[pl.ds(off, COMBINE_CHUNK)], ia_v)
            pltpu.sync_copy(
                idx_hbm.at[pl.ds(NUM_TOKENS + off, COMBINE_CHUNK)], ib_v)
            pltpu.sync_copy(w_hbm.at[pl.ds(off, COMBINE_CHUNK), :], wa_v)
            pltpu.sync_copy(
                w_hbm.at[pl.ds(NUM_TOKENS + off, COMBINE_CHUNK), :], wb_v)
            ca = pltpu.async_copy(y_hbm.at[ia_v], a_v, sa)
            cb = pltpu.async_copy(y_hbm.at[ib_v], b_v, sb)
            ca.wait()
            cb.wait()

            def body(r, carry):
                wa = wa_v[r, :]
                wb = wb_v[r, :]
                for j in range(HIDDEN // 16):
                    sl = pl.ds(j * 16, 16)
                    a_v[r, sl] = a_v[r, sl] * wa + b_v[r, sl] * wb
                return carry

            lax.fori_loop(0, COMBINE_CHUNK, body, 0)
            pltpu.sync_copy(a_v, out_hbm.at[pl.ds(off, COMBINE_CHUNK)])

    return combine


def _combine_call(y_sorted, comb_idx, comb_w):
    return _combine_kernel()(y_sorted, comb_idx, comb_w)


@jax.jit
def kernel(hidden_states, w_gate, w1, w2, w3):
    eidx, ew = _routing(hidden_states, w_gate)
    pos3, block_expert, comb_idx, comb_w, nb_used = (
        _dispatch_metadata(eidx, ew))
    x_sorted = _dispatch_call(hidden_states, pos3)
    y_sorted = _ffn(block_expert, x_sorted, w1, w3, w2, nb_used)
    return _combine_call(y_sorted, comb_idx, comb_w)

# --- scband reference (transcript-rebuilt; emitter-appended) ---
"""Pipeline reference for scband-mixtral-mo-e-2087354105877 (READ-ONLY COPY).

The authoritative reference and input builder live on the scoring server;
editing this copy changes nothing except your own understanding.
"""

import jax, jax.numpy as jnp
import numpy as np

NUM_EXPERTS = 8
TOP_K = 2
HIDDEN = 1024
INTER = 4096
NUM_TOKENS = 2048


def setup_inputs(seed: int = 0) -> dict:
    key = jax.random.key(seed)
    k0, k1, k2, k3, k4 = jax.random.split(key, 5)
    hidden_states = jax.random.normal(k0, (NUM_TOKENS, HIDDEN), dtype=jnp.float32)
    w_gate = jax.random.normal(k1, (HIDDEN, NUM_EXPERTS), dtype=jnp.float32) * 0.02
    w1 = jax.random.normal(k2, (NUM_EXPERTS, HIDDEN, INTER), dtype=jnp.float32) * 0.02
    w3 = jax.random.normal(k3, (NUM_EXPERTS, HIDDEN, INTER), dtype=jnp.float32) * 0.02
    w2 = jax.random.normal(k4, (NUM_EXPERTS, INTER, HIDDEN), dtype=jnp.float32) * 0.02
    return {"hidden_states": hidden_states, "w_gate": w_gate, "w1": w1, "w2": w2, "w3": w3}


def reference(hidden_states, w_gate, w1, w2, w3):
    num_tokens, hidden_size = hidden_states.shape
    # Gate (ReplicatedLinear, no bias)
    router_logits = hidden_states @ w_gate
    # FusedMoE with renormalize=True: softmax -> top-k -> renormalize
    probs = jax.nn.softmax(router_logits, axis=-1)
    topk_w, topk_idx = jax.lax.top_k(probs, TOP_K)
    topk_w = topk_w / jnp.sum(topk_w, axis=-1, keepdims=True)
    out = jnp.zeros((num_tokens, hidden_size), dtype=jnp.float32)
    for e in range(NUM_EXPERTS):
        w_e = jnp.sum(jnp.where(topk_idx == e, topk_w, jnp.zeros_like(topk_w)), axis=-1)
        act = jax.nn.silu(hidden_states @ w1[e]) * (hidden_states @ w3[e])
        ye = act @ w2[e]
        out = out + ye * w_e[:, None]
    return out

if __name__ == "__main__":
    import jax
    _d = setup_inputs()
    print(jax.jit(kernel)(*tuple(_d.values())))

</pallas_src>

<mosaic_0001>
#map = affine_map<(d0, d1) -> (0, 0)>
module attributes {stable_mosaic.version = 14 : i64} {
  func.func @dispatch(%arg0: i32, %arg1: i32, %arg2: memref<2048x1024xf32, #tpu.memory_space<hbm>>, %arg3: memref<64x64xi32, #tpu.memory_space<hbm>>, %arg4: memref<6144x1024xf32, #tpu.memory_space<hbm>>, %arg5: memref<64xi32, #tpu.memory_space<vmem>>, %arg6: memref<64xi32, #tpu.memory_space<vmem>>, %arg7: memref<64x1024xf32, #tpu.memory_space<vmem>>, %arg8: memref<!tpu.dma_semaphore, #tpu.memory_space<semaphore_mem>>, %arg9: memref<!tpu.dma_semaphore, #tpu.memory_space<semaphore_mem>>) attributes {dimension_semantics = [#tpu.dimension_semantics<core_parallel>, #tpu.dimension_semantics<subcore_parallel>], iteration_bounds = array<i64: 2, 16>, scalar_prefetch = 0 : i64, scratch_operands = 5 : i64, tpu.core_type = #tpu.core_type<sc_vector_subcore>, window_params = [{transform_indices = #map}, {transform_indices = #map}, {transform_indices = #map}]} {
    %mul3A = arith.constant 2 : i32
    %mul3A_0 = arith.muli %arg1, %mul3A : i32
    %add3A = arith.addi %mul3A_0, %arg0 : i32
    %mul3A_1 = arith.constant 2 : i32
    %mul3A_2 = arith.muli %add3A, %mul3A_1 : i32
    "tpu.region"() ({
      %run_scoped3A = tpu.sem_alloc : memref<!tpu.dma_semaphore, #tpu.memory_space<semaphore_mem>>
      %dma_start3A_19 = arith.constant 0 : i32
      %dma_start3A_20 = tpu.memref_slice %arg3[%mul3A_2, %dma_start3A_19] : memref<64x64xi32, #tpu.memory_space<hbm>> -> memref<1x64xi32, #tpu.memory_space<hbm>>
      %dma_start3A_21 = tpu.memref_squeeze %dma_start3A_20 : memref<1x64xi32, #tpu.memory_space<hbm>> -> memref<64xi32, #tpu.memory_space<hbm>>
      %dma_start3A_22 = arith.constant 0 : i32
      %dma_start3A_23 = tpu.memref_slice %arg3[%mul3A_2, %dma_start3A_22] : memref<64x64xi32, #tpu.memory_space<hbm>> -> memref<1x64xi32, #tpu.memory_space<hbm>>
      %dma_start3A_24 = tpu.memref_squeeze %dma_start3A_23 : memref<1x64xi32, #tpu.memory_space<hbm>> -> memref<64xi32, #tpu.memory_space<hbm>>
      tpu.enqueue_dma source(%dma_start3A_24 : memref<64xi32, #tpu.memory_space<hbm>>) target(%arg5 : memref<64xi32, #tpu.memory_space<vmem>>) target_semaphore(%run_scoped3A : memref<!tpu.dma_semaphore, #tpu.memory_space<semaphore_mem>>)
      %dma_wait3A_25 = arith.constant 0 : i32
      %dma_wait3A_26 = tpu.memref_slice %arg3[%mul3A_2, %dma_wait3A_25] : memref<64x64xi32, #tpu.memory_space<hbm>> -> memref<1x64xi32, #tpu.memory_space<hbm>>
      %dma_wait3A_27 = tpu.memref_squeeze %dma_wait3A_26 : memref<1x64xi32, #tpu.memory_space<hbm>> -> memref<64xi32, #tpu.memory_space<hbm>>
      %dma_wait3A_28 = arith.constant 0 : i32
      %dma_wait3A_29 = tpu.memref_slice %arg3[%mul3A_2, %dma_wait3A_28] : memref<64x64xi32, #tpu.memory_space<hbm>> -> memref<1x64xi32, #tpu.memory_space<hbm>>
      %dma_wait3A_30 = tpu.memref_squeeze %dma_wait3A_29 : memref<1x64xi32, #tpu.memory_space<hbm>> -> memref<64xi32, #tpu.memory_space<hbm>>
      tpu.wait_dma2 semaphore(%run_scoped3A : memref<!tpu.dma_semaphore, #tpu.memory_space<semaphore_mem>>) src(%dma_wait3A_30 : memref<64xi32, #tpu.memory_space<hbm>>) dst(%arg5 : memref<64xi32, #tpu.memory_space<vmem>>)
      tpu.yield
    }) : () -> ()
    %mul3A_3 = arith.constant 2 : i32
    %mul3A_4 = arith.muli %add3A, %mul3A_3 : i32
    %add3A_5 = arith.constant 1 : i32
    %add3A_6 = arith.addi %mul3A_4, %add3A_5 : i32
    "tpu.region"() ({
      %run_scoped3A = tpu.sem_alloc : memref<!tpu.dma_semaphore, #tpu.memory_space<semaphore_mem>>
      %dma_start3A_19 = arith.constant 0 : i32
      %dma_start3A_20 = tpu.memref_slice %arg3[%add3A_6, %dma_start3A_19] : memref<64x64xi32, #tpu.memory_space<hbm>> -> memref<1x64xi32, #tpu.memory_space<hbm>>
      %dma_start3A_21 = tpu.memref_squeeze %dma_start3A_20 : memref<1x64xi32, #tpu.memory_space<hbm>> -> memref<64xi32, #tpu.memory_space<hbm>>
      %dma_start3A_22 = arith.constant 0 : i32
      %dma_start3A_23 = tpu.memref_slice %arg3[%add3A_6, %dma_start3A_22] : memref<64x64xi32, #tpu.memory_space<hbm>> -> memref<1x64xi32, #tpu.memory_space<hbm>>
      %dma_start3A_24 = tpu.memref_squeeze %dma_start3A_23 : memref<1x64xi32, #tpu.memory_space<hbm>> -> memref<64xi32, #tpu.memory_space<hbm>>
      tpu.enqueue_dma source(%dma_start3A_24 : memref<64xi32, #tpu.memory_space<hbm>>) target(%arg6 : memref<64xi32, #tpu.memory_space<vmem>>) target_semaphore(%run_scoped3A : memref<!tpu.dma_semaphore, #tpu.memory_space<semaphore_mem>>)
      %dma_wait3A_25 = arith.constant 0 : i32
      %dma_wait3A_26 = tpu.memref_slice %arg3[%add3A_6, %dma_wait3A_25] : memref<64x64xi32, #tpu.memory_space<hbm>> -> memref<1x64xi32, #tpu.memory_space<hbm>>
      %dma_wait3A_27 = tpu.memref_squeeze %dma_wait3A_26 : memref<1x64xi32, #tpu.memory_space<hbm>> -> memref<64xi32, #tpu.memory_space<hbm>>
      %dma_wait3A_28 = arith.constant 0 : i32
      %dma_wait3A_29 = tpu.memref_slice %arg3[%add3A_6, %dma_wait3A_28] : memref<64x64xi32, #tpu.memory_space<hbm>> -> memref<1x64xi32, #tpu.memory_space<hbm>>
      %dma_wait3A_30 = tpu.memref_squeeze %dma_wait3A_29 : memref<1x64xi32, #tpu.memory_space<hbm>> -> memref<64xi32, #tpu.memory_space<hbm>>
      tpu.wait_dma2 semaphore(%run_scoped3A : memref<!tpu.dma_semaphore, #tpu.memory_space<semaphore_mem>>) src(%dma_wait3A_30 : memref<64xi32, #tpu.memory_space<hbm>>) dst(%arg6 : memref<64xi32, #tpu.memory_space<vmem>>)
      tpu.yield
    }) : () -> ()
    %mul3A_7 = arith.constant 64 : i32
    %mul3A_8 = arith.muli %add3A, %mul3A_7 : i32
    "tpu.region"() ({
      %run_scoped3A = tpu.sem_alloc : memref<!tpu.dma_semaphore, #tpu.memory_space<semaphore_mem>>
      %dma_start3A_19 = arith.constant 0 : i32
      %dma_start3A_20 = tpu.memref_slice %arg2[%mul3A_8, %dma_start3A_19] : memref<2048x1024xf32, #tpu.memory_space<hbm>> -> memref<64x1024xf32, #tpu.memory_space<hbm>>
      %dma_start3A_21 = arith.constant 0 : i32
      %dma_start3A_22 = tpu.memref_slice %arg2[%mul3A_8, %dma_start3A_21] : memref<2048x1024xf32, #tpu.memory_space<hbm>> -> memref<64x1024xf32, #tpu.memory_space<hbm>>
      tpu.enqueue_dma source(%dma_start3A_22 : memref<64x1024xf32, #tpu.memory_space<hbm>>) target(%arg7 : memref<64x1024xf32, #tpu.memory_space<vmem>>) target_semaphore(%run_scoped3A : memref<!tpu.dma_semaphore, #tpu.memory_space<semaphore_mem>>)
      %dma_wait3A_23 = arith.constant 0 : i32
      %dma_wait3A_24 = tpu.memref_slice %arg2[%mul3A_8, %dma_wait3A_23] : memref<2048x1024xf32, #tpu.memory_space<hbm>> -> memref<64x1024xf32, #tpu.memory_space<hbm>>
      %dma_wait3A_25 = arith.constant 0 : i32
      %dma_wait3A_26 = tpu.memref_slice %arg2[%mul3A_8, %dma_wait3A_25] : memref<2048x1024xf32, #tpu.memory_space<hbm>> -> memref<64x1024xf32, #tpu.memory_space<hbm>>
      tpu.wait_dma2 semaphore(%run_scoped3A : memref<!tpu.dma_semaphore, #tpu.memory_space<semaphore_mem>>) src(%dma_wait3A_26 : memref<64x1024xf32, #tpu.memory_space<hbm>>) dst(%arg7 : memref<64x1024xf32, #tpu.memory_space<vmem>>)
      tpu.yield
    }) : () -> ()
    %dma_start3A = arith.constant 0 : i32
    %dma_start3A_9 = arith.constant 0 : i32
    %dma_start3A_10 = tpu.memref_slice %arg4[%dma_start3A, %dma_start3A_9] : memref<6144x1024xf32, #tpu.memory_space<hbm>> -> memref<6144x1024xf32, #tpu.memory_space<hbm>>
    tpu.enqueue_indirect_dma source(%arg7 : memref<64x1024xf32, #tpu.memory_space<vmem>>) target(%dma_start3A_10 : memref<6144x1024xf32, #tpu.memory_space<hbm>>) offsets(%arg5 : memref<64xi32, #tpu.memory_space<vmem>>) semaphore(%arg8 : memref<!tpu.dma_semaphore, #tpu.memory_space<semaphore_mem>>)
    %dma_start3A_11 = arith.constant 0 : i32
    %dma_start3A_12 = arith.constant 0 : i32
    %dma_start3A_13 = tpu.memref_slice %arg4[%dma_start3A_11, %dma_start3A_12] : memref<6144x1024xf32, #tpu.memory_space<hbm>> -> memref<6144x1024xf32, #tpu.memory_space<hbm>>
    tpu.enqueue_indirect_dma source(%arg7 : memref<64x1024xf32, #tpu.memory_space<vmem>>) target(%dma_start3A_13 : memref<6144x1024xf32, #tpu.memory_space<hbm>>) offsets(%arg6 : memref<64xi32, #tpu.memory_space<vmem>>) semaphore(%arg9 : memref<!tpu.dma_semaphore, #tpu.memory_space<semaphore_mem>>)
    %dma_wait3A = arith.constant 0 : i32
    %dma_wait3A_14 = arith.constant 0 : i32
    %dma_wait3A_15 = tpu.memref_slice %arg4[%dma_wait3A, %dma_wait3A_14] : memref<6144x1024xf32, #tpu.memory_space<hbm>> -> memref<6144x1024xf32, #tpu.memory_space<hbm>>
    tpu.wait_indirect_dma semaphore(%arg8 : memref<!tpu.dma_semaphore, #tpu.memory_space<semaphore_mem>>) src(%arg7 : memref<64x1024xf32, #tpu.memory_space<vmem>>) dst(%dma_wait3A_15 : memref<6144x1024xf32, #tpu.memory_space<hbm>>)
    %dma_wait3A_16 = arith.constant 0 : i32
    %dma_wait3A_17 = arith.constant 0 : i32
    %dma_wait3A_18 = tpu.memref_slice %arg4[%dma_wait3A_16, %dma_wait3A_17] : memref<6144x1024xf32, #tpu.memory_space<hbm>> -> memref<6144x1024xf32, #tpu.memory_space<hbm>>
    tpu.wait_indirect_dma semaphore(%arg9 : memref<!tpu.dma_semaphore, #tpu.memory_space<semaphore_mem>>) src(%arg7 : memref<64x1024xf32, #tpu.memory_space<vmem>>) dst(%dma_wait3A_18 : memref<6144x1024xf32, #tpu.memory_space<hbm>>)
    return
  }
}

#map = affine_map<(d0, d1) -> (0, 0)>
#map1 = affine_map<(d0, d1) -> (0)>
module attributes {stable_mosaic.version = 14 : i64} {
  func.func @combine(%arg0: i32, %arg1: i32, %arg2: memref<6144x1024xf32, #tpu.memory_space<hbm>>, %arg3: memref<4096xi32, #tpu.memory_space<hbm>>, %arg4: memref<4096x16xf32, #tpu.memory_space<hbm>>, %arg5: memref<2048x1024xf32, #tpu.memory_space<hbm>>, %arg6: memref<32xi32, #tpu.memory_space<vmem>>, %arg7: memref<32xi32, #tpu.memory_space<vmem>>, %arg8: memref<32x16xf32, #tpu.memory_space<vmem>>, %arg9: memref<32x16xf32, #tpu.memory_space<vmem>>, %arg10: memref<32x1024xf32, #tpu.memory_space<vmem>>, %arg11: memref<32x1024xf32, #tpu.memory_space<vmem>>, %arg12: memref<!tpu.dma_semaphore, #tpu.memory_space<semaphore_mem>>, %arg13: memref<!tpu.dma_semaphore, #tpu.memory_space<semaphore_mem>>) attributes {dimension_semantics = [#tpu.dimension_semantics<core_parallel>, #tpu.dimension_semantics<subcore_parallel>], iteration_bounds = array<i64: 2, 16>, scalar_prefetch = 0 : i64, scratch_operands = 8 : i64, tpu.core_type = #tpu.core_type<sc_vector_subcore>, window_params = [{transform_indices = #map}, {transform_indices = #map1}, {transform_indices = #map}, {transform_indices = #map}]} {
    %mul3A = arith.constant 2 : i32
    %mul3A_0 = arith.muli %arg1, %mul3A : i32
    %add3A = arith.addi %mul3A_0, %arg0 : i32
    %mul3A_1 = arith.constant 64 : i32
    %mul3A_2 = arith.muli %add3A, %mul3A_1 : i32
    %add3A_3 = arith.constant 0 : i32
    %add3A_4 = arith.addi %mul3A_2, %add3A_3 : i32
    "tpu.region"() ({
      %run_scoped3A = tpu.sem_alloc : memref<!tpu.dma_semaphore, #tpu.memory_space<semaphore_mem>>
      %dma_start3A_48 = tpu.memref_slice %arg3[%add3A_4] : memref<4096xi32, #tpu.memory_space<hbm>> -> memref<32xi32, #tpu.memory_space<hbm>>
      %dma_start3A_49 = tpu.memref_slice %arg3[%add3A_4] : memref<4096xi32, #tpu.memory_space<hbm>> -> memref<32xi32, #tpu.memory_space<hbm>>
      tpu.enqueue_dma source(%dma_start3A_49 : memref<32xi32, #tpu.memory_space<hbm>>) target(%arg6 : memref<32xi32, #tpu.memory_space<vmem>>) target_semaphore(%run_scoped3A : memref<!tpu.dma_semaphore, #tpu.memory_space<semaphore_mem>>)
      %dma_wait3A_50 = tpu.memref_slice %arg3[%add3A_4] : memref<4096xi32, #tpu.memory_space<hbm>> -> memref<32xi32, #tpu.memory_space<hbm>>
      %dma_wait3A_51 = tpu.memref_slice %arg3[%add3A_4] : memref<4096xi32, #tpu.memory_space<hbm>> -> memref<32xi32, #tpu.memory_space<hbm>>
      tpu.wait_dma2 semaphore(%run_scoped3A : memref<!tpu.dma_semaphore, #tpu.memory_space<semaphore_mem>>) src(%dma_wait3A_51 : memref<32xi32, #tpu.memory_space<hbm>>) dst(%arg6 : memref<32xi32, #tpu.memory_space<vmem>>)
      tpu.yield
    }) : () -> ()
    %add3A_5 = arith.constant 2048 : i32
    %add3A_6 = arith.addi %add3A_5, %add3A_4 : i32
    "tpu.region"() ({
      %run_scoped3A = tpu.sem_alloc : memref<!tpu.dma_semaphore, #tpu.memory_space<semaphore_mem>>
      %dma_start3A_48 = tpu.memref_slice %arg3[%add3A_6] : memref<4096xi32, #tpu.memory_space<hbm>> -> memref<32xi32, #tpu.memory_space<hbm>>
      %dma_start3A_49 = tpu.memref_slice %arg3[%add3A_6] : memref<4096xi32, #tpu.memory_space<hbm>> -> memref<32xi32, #tpu.memory_space<hbm>>
      tpu.enqueue_dma source(%dma_start3A_49 : memref<32xi32, #tpu.memory_space<hbm>>) target(%arg7 : memref<32xi32, #tpu.memory_space<vmem>>) target_semaphore(%run_scoped3A : memref<!tpu.dma_semaphore, #tpu.memory_space<semaphore_mem>>)
      %dma_wait3A_50 = tpu.memref_slice %arg3[%add3A_6] : memref<4096xi32, #tpu.memory_space<hbm>> -> memref<32xi32, #tpu.memory_space<hbm>>
      %dma_wait3A_51 = tpu.memref_slice %arg3[%add3A_6] : memref<4096xi32, #tpu.memory_space<hbm>> -> memref<32xi32, #tpu.memory_space<hbm>>
      tpu.wait_dma2 semaphore(%run_scoped3A : memref<!tpu.dma_semaphore, #tpu.memory_space<semaphore_mem>>) src(%dma_wait3A_51 : memref<32xi32, #tpu.memory_space<hbm>>) dst(%arg7 : memref<32xi32, #tpu.memory_space<vmem>>)
      tpu.yield
    }) : () -> ()
    "tpu.region"() ({
      %run_scoped3A = tpu.sem_alloc : memref<!tpu.dma_semaphore, #tpu.memory_space<semaphore_mem>>
      %dma_start3A_48 = arith.constant 0 : i32
      %dma_start3A_49 = tpu.memref_slice %arg4[%add3A_4, %dma_start3A_48] : memref<4096x16xf32, #tpu.memory_space<hbm>> -> memref<32x16xf32, #tpu.memory_space<hbm>>
      %dma_start3A_50 = arith.constant 0 : i32
      %dma_start3A_51 = tpu.memref_slice %arg4[%add3A_4, %dma_start3A_50] : memref<4096x16xf32, #tpu.memory_space<hbm>> -> memref<32x16xf32, #tpu.memory_space<hbm>>
      tpu.enqueue_dma source(%dma_start3A_51 : memref<32x16xf32, #tpu.memory_space<hbm>>) target(%arg8 : memref<32x16xf32, #tpu.memory_space<vmem>>) target_semaphore(%run_scoped3A : memref<!tpu.dma_semaphore, #tpu.memory_space<semaphore_mem>>)
      %dma_wait3A_52 = arith.constant 0 : i32
      %dma_wait3A_53 = tpu.memref_slice %arg4[%add3A_4, %dma_wait3A_52] : memref<4096x16xf32, #tpu.memory_space<hbm>> -> memref<32x16xf32, #tpu.memory_space<hbm>>
      %dma_wait3A_54 = arith.constant 0 : i32
      %dma_wait3A_55 = tpu.memref_slice %arg4[%add3A_4, %dma_wait3A_54] : memref<4096x16xf32, #tpu.memory_space<hbm>> -> memref<32x16xf32, #tpu.memory_space<hbm>>
      tpu.wait_dma2 semaphore(%run_scoped3A : memref<!tpu.dma_semaphore, #tpu.memory_space<semaphore_mem>>) src(%dma_wait3A_55 : memref<32x16xf32, #tpu.memory_space<hbm>>) dst(%arg8 : memref<32x16xf32, #tpu.memory_space<vmem>>)
      tpu.yield
    }) : () -> ()
    %add3A_7 = arith.constant 2048 : i32
    %add3A_8 = arith.addi %add3A_7, %add3A_4 : i32
    "tpu.region"() ({
      %run_scoped3A = tpu.sem_alloc : memref<!tpu.dma_semaphore, #tpu.memory_space<semaphore_mem>>
      %dma_start3A_48 = arith.constant 0 : i32
      %dma_start3A_49 = tpu.memref_slice %arg4[%add3A_8, %dma_start3A_48] : memref<4096x16xf32, #tpu.memory_space<hbm>> -> memref<32x16xf32, #tpu.memory_space<hbm>>
      %dma_start3A_50 = arith.constant 0 : i32
      %dma_start3A_51 = tpu.memref_slice %arg4[%add3A_8, %dma_start3A_50] : memref<4096x16xf32, #tpu.memory_space<hbm>> -> memref<32x16xf32, #tpu.memory_space<hbm>>
      tpu.enqueue_dma source(%dma_start3A_51 : memref<32x16xf32, #tpu.memory_space<hbm>>) target(%arg9 : memref<32x16xf32, #tpu.memory_space<vmem>>) target_semaphore(%run_scoped3A : memref<!tpu.dma_semaphore, #tpu.memory_space<semaphore_mem>>)
      %dma_wait3A_52 = arith.constant 0 : i32
      %dma_wait3A_53 = tpu.memref_slice %arg4[%add3A_8, %dma_wait3A_52] : memref<4096x16xf32, #tpu.memory_space<hbm>> -> memref<32x16xf32, #tpu.memory_space<hbm>>
      %dma_wait3A_54 = arith.constant 0 : i32
      %dma_wait3A_55 = tpu.memref_slice %arg4[%add3A_8, %dma_wait3A_54] : memref<4096x16xf32, #tpu.memory_space<hbm>> -> memref<32x16xf32, #tpu.memory_space<hbm>>
      tpu.wait_dma2 semaphore(%run_scoped3A : memref<!tpu.dma_semaphore, #tpu.memory_space<semaphore_mem>>) src(%dma_wait3A_55 : memref<32x16xf32, #tpu.memory_space<hbm>>) dst(%arg9 : memref<32x16xf32, #tpu.memory_space<vmem>>)
      tpu.yield
    }) : () -> ()
    %dma_start3A = arith.constant 0 : i32
    %dma_start3A_9 = arith.constant 0 : i32
    %dma_start3A_10 = tpu.memref_slice %arg2[%dma_start3A, %dma_start3A_9] : memref<6144x1024xf32, #tpu.memory_space<hbm>> -> memref<6144x1024xf32, #tpu.memory_space<hbm>>
    tpu.enqueue_indirect_dma source(%dma_start3A_10 : memref<6144x1024xf32, #tpu.memory_space<hbm>>) target(%arg10 : memref<32x1024xf32, #tpu.memory_space<vmem>>) offsets(%arg6 : memref<32xi32, #tpu.memory_space<vmem>>) semaphore(%arg12 : memref<!tpu.dma_semaphore, #tpu.memory_space<semaphore_mem>>)
    %dma_start3A_11 = arith.constant 0 : i32
    %dma_start3A_12 = arith.constant 0 : i32
    %dma_start3A_13 = tpu.memref_slice %arg2[%dma_start3A_11, %dma_start3A_12] : memref<6144x1024xf32, #tpu.memory_space<hbm>> -> memref<6144x1024xf32, #tpu.memory_space<hbm>>
    tpu.enqueue_indirect_dma source(%dma_start3A_13 : memref<6144x1024xf32, #tpu.memory_space<hbm>>) target(%arg11 : memref<32x1024xf32, #tpu.memory_space<vmem>>) offsets(%arg7 : memref<32xi32, #tpu.memory_space<vmem>>) semaphore(%arg13 : memref<!tpu.dma_semaphore, #tpu.memory_space<semaphore_mem>>)
    %dma_wait3A = arith.constant 0 : i32
    %dma_wait3A_14 = arith.constant 0 : i32
    %dma_wait3A_15 = tpu.memref_slice %arg2[%dma_wait3A, %dma_wait3A_14] : memref<6144x1024xf32, #tpu.memory_space<hbm>> -> memref<6144x1024xf32, #tpu.memory_space<hbm>>
    tpu.wait_indirect_dma semaphore(%arg12 : memref<!tpu.dma_semaphore, #tpu.memory_space<semaphore_mem>>) src(%dma_wait3A_15 : memref<6144x1024xf32, #tpu.memory_space<hbm>>) dst(%arg10 : memref<32x1024xf32, #tpu.memory_space<vmem>>)
    %dma_wait3A_16 = arith.constant 0 : i32
    %dma_wait3A_17 = arith.constant 0 : i32
    %dma_wait3A_18 = tpu.memref_slice %arg2[%dma_wait3A_16, %dma_wait3A_17] : memref<6144x1024xf32, #tpu.memory_space<hbm>> -> memref<6144x1024xf32, #tpu.memory_space<hbm>>
    tpu.wait_indirect_dma semaphore(%arg13 : memref<!tpu.dma_semaphore, #tpu.memory_space<semaphore_mem>>) src(%dma_wait3A_18 : memref<6144x1024xf32, #tpu.memory_space<hbm>>) dst(%arg11 : memref<32x1024xf32, #tpu.memory_space<vmem>>)
    %scan3A = arith.constant 0 : i32
    %scan3A_19 = arith.constant 0 : i32
    %scan3A_20 = arith.constant 32 : i32
    %scan3A_21 = arith.addi %scan3A_19, %scan3A_20 : i32
    %scan3A_22 = arith.constant 1 : i32
    scf.for %scan3A_48 = %scan3A_19 to %scan3A_21 step %scan3A_22  : i32 {
      %get3A = arith.index_cast %scan3A_48 : i32 to index
      %get3A_49 = arith.constant 0 : index
      %get3A_50 = tpu.vector_load %arg8[%get3A, %get3A_49] {strides = array<i32>} : memref<32x16xf32, #tpu.memory_space<vmem>>, vector<1x16xf32>,
      %get3A_51 = vector.shape_cast %get3A_50 : vector<1x16xf32> to vector<16xf32>
      %get3A_52 = arith.index_cast %scan3A_48 : i32 to index
      %get3A_53 = arith.constant 0 : index
      %get3A_54 = tpu.vector_load %arg9[%get3A_52, %get3A_53] {strides = array<i32>} : memref<32x16xf32, #tpu.memory_space<vmem>>, vector<1x16xf32>,
      %get3A_55 = vector.shape_cast %get3A_54 : vector<1x16xf32> to vector<16xf32>
      %get3A_56 = arith.index_cast %scan3A_48 : i32 to index
      %get3A_57 = arith.constant 0 : index
      %get3A_58 = tpu.vector_load %arg10[%get3A_56, %get3A_57] {strides = array<i32>} : memref<32x1024xf32, #tpu.memory_space<vmem>>, vector<1x16xf32>,
      %get3A_59 = vector.shape_cast %get3A_58 : vector<1x16xf32> to vector<16xf32>
      %mul3A_60 = arith.mulf %get3A_59, %get3A_51 : vector<16xf32>
      %get3A_61 = arith.index_cast %scan3A_48 : i32 to index
      %get3A_62 = arith.constant 0 : index
      %get3A_63 = tpu.vector_load %arg11[%get3A_61, %get3A_62] {strides = array<i32>} : memref<32x1024xf32, #tpu.memory_space<vmem>>, vector<1x16xf32>,
      %get3A_64 = vector.shape_cast %get3A_63 : vector<1x16xf32> to vector<16xf32>
      %mul3A_65 = arith.mulf %get3A_64, %get3A_55 : vector<16xf32>
      %add3A_66 = arith.addf %mul3A_60, %mul3A_65 : vector<16xf32>
      %swap3A = arith.index_cast %scan3A_48 : i32 to index
      %swap3A_67 = arith.constant 0 : index
      %swap3A_68 = tpu.vector_load %arg10[%swap3A, %swap3A_67] {strides = array<i32>} : memref<32x1024xf32, #tpu.memory_space<vmem>>, vector<1x16xf32>,
      %swap3A_69 = vector.shape_cast %swap3A_68 : vector<1x16xf32> to vector<16xf32>
      %swap3A_70 = vector.shape_cast %add3A_66 : vector<16xf32> to vector<1x16xf32>
      tpu.vector_store %arg10[%swap3A, %swap3A_67], %swap3A_70 {strides = array<i32>} : memref<32x1024xf32, #tpu.memory_space<vmem>>, vector<1x16xf32>,
      %get3A_71 = arith.index_cast %scan3A_48 : i32 to index
      %get3A_72 = arith.constant 16 : index
      %get3A_73 = tpu.vector_load %arg10[%get3A_71, %get3A_72] {strides = array<i32>} : memref<32x1024xf32, #tpu.memory_space<vmem>>, vector<1x16xf32>,
      %get3A_74 = vector.shape_cast %get3A_73 : vector<1x16xf32> to vector<16xf32>
      %mul3A_75 = arith.mulf %get3A_74, %get3A_51 : vector<16xf32>
      %get3A_76 = arith.index_cast %scan3A_48 : i32 to index
      %get3A_77 = arith.constant 16 : index
      %get3A_78 = tpu.vector_load %arg11[%get3A_76, %get3A_77] {strides = array<i32>} : memref<32x1024xf32, #tpu.memory_space<vmem>>, vector<1x16xf32>,
      %get3A_79 = vector.shape_cast %get3A_78 : vector<1x16xf32> to vector<16xf32>
      %mul3A_80 = arith.mulf %get3A_79, %get3A_55 : vector<16xf32>
      %add3A_81 = arith.addf %mul3A_75, %mul3A_80 : vector<16xf32>
      %swap3A_82 = arith.index_cast %scan3A_48 : i32 to index
      %swap3A_83 = arith.constant 16 : index
      %swap3A_84 = tpu.vector_load %arg10[%swap3A_82, %swap3A_83] {strides = array<i32>} : memref<32x1024xf32, #tpu.memory_space<vmem>>, vector<1x16xf32>,
      %swap3A_85 = vector.shape_cast %swap3A_84 : vector<1x16xf32> to vector<16xf32>
      %swap3A_86 = vector.shape_cast %add3A_81 : vector<16xf32> to vector<1x16xf32>
      tpu.vector_store %arg10[%swap3A_82, %swap3A_83], %swap3A_86 {strides = array<i32>} : memref<32x1024xf32, #tpu.memory_space<vmem>>, vector<1x16xf32>,
      %get3A_87 = arith.index_cast %scan3A_48 : i32 to index
      %get3A_88 = arith.constant 32 : index
      %get3A_89 = tpu.vector_load %arg10[%get3A_87, %get3A_88] {strides = array<i32>} : memref<32x1024xf32, #tpu.memory_space<vmem>>, vector<1x16xf32>,
      %get3A_90 = vector.shape_cast %get3A_89 : vector<1x16xf32> to vector<16xf32>
      %mul3A_91 = arith.mulf %get3A_90, %get3A_51 : vector<16xf32>
      %get3A_92 = arith.index_cast %scan3A_48 : i32 to index
      %get3A_93 = arith.constant 32 : index
      %get3A_94 = tpu.vector_load %arg11[%get3A_92, %get3A_93] {strides = array<i32>} : memref<32x1024xf32, #tpu.memory_space<vmem>>, vector<1x16xf32>,
      %get3A_95 = vector.shape_cast %get3A_94 : vector<1x16xf32> to vector<16xf32>
      %mul3A_96 = arith.mulf %get3A_95, %get3A_55 : vector<16xf32>
      %add3A_97 = arith.addf %mul3A_91, %mul3A_96 : vector<16xf32>
      %swap3A_98 = arith.index_cast %scan3A_48 : i32 to index
      %swap3A_99 = arith.constant 32 : index
      %swap3A_100 = tpu.vector_load %arg10[%swap3A_98, %swap3A_99] {strides = array<i32>} : memref<32x1024xf32, #tpu.memory_space<vmem>>, vector<1x16xf32>,
      %swap3A_101 = vector.shape_cast %swap3A_100 : vector<1x16xf32> to vector<16xf32>
      %swap3A_102 = vector.shape_cast %add3A_97 : vector<16xf32> to vector<1x16xf32>
      tpu.vector_store %arg10[%swap3A_98, %swap3A_99], %swap3A_102 {strides = array<i32>} : memref<32x1024xf32, #tpu.memory_space<vmem>>, vector<1x16xf32>,
      %get3A_103 = arith.index_cast %scan3A_48 : i32 to index
      %get3A_104 = arith.constant 48 : index
      %get3A_105 = tpu.vector_load %arg10[%get3A_103, %get3A_104] {strides = array<i32>} : memref<32x1024xf32, #tpu.memory_space<vmem>>, vector<1x16xf32>,
      %get3A_106 = vector.shape_cast %get3A_105 : vector<1x16xf32> to vector<16xf32>
      %mul3A_107 = arith.mulf %get3A_106, %get3A_51 : vector<16xf32>
      %get3A_108 = arith.index_cast %scan3A_48 : i32 to index
      %get3A_109 = arith.constant 48 : index
      %get3A_110 = tpu.vector_load %arg11[%get3A_108, %get3A_109] {strides = array<i32>} : memref<32x1024xf32, #tpu.memory_space<vmem>>, vector<1x16xf32>,
      %get3A_111 = vector.shape_cast %get3A_110 : vector<1x16xf32> to vector<16xf32>
      %mul3A_112 = arith.mulf %get3A_111, %get3A_55 : vector<16xf32>
      %add3A_113 = arith.addf %mul3A_107, %mul3A_112 : vector<16xf32>
      %swap3A_114 = arith.index_cast %scan3A_48 : i32 to index
      %swap3A_115 = arith.constant 48 : index
      %swap3A_116 = tpu.vector_load %arg10[%swap3A_114, %swap3A_115] {strides = array<i32>} : memref<32x1024xf32, #tpu.memory_space<vmem>>, vector<1x16xf32>,
      %swap3A_117 = vector.shape_cast %swap3A_116 : vector<1x16xf32> to vector<16xf32>
      %swap3A_118 = vector.shape_cast %add3A_113 : vector<16xf32> to vector<1x16xf32>
      tpu.vector_store %arg10[%swap3A_114, %swap3A_115], %swap3A_118 {strides = array<i32>} : memref<32x1024xf32, #tpu.memory_space<vmem>>, vector<1x16xf32>,
      %get3A_119 = arith.index_cast %scan3A_48 : i32 to index
      %get3A_120 = arith.constant 64 : index
      %get3A_121 = tpu.vector_load %arg10[%get3A_119, %get3A_120] {strides = array<i32>} : memref<32x1024xf32, #tpu.memory_space<vmem>>, vector<1x16xf32>,
      %get3A_122 = vector.shape_cast %get3A_121 : vector<1x16xf32> to vector<16xf32>
      %mul3A_123 = arith.mulf %get3A_122, %get3A_51 : vector<16xf32>
      %get3A_124 = arith.index_cast %scan3A_48 : i32 to index
      %get3A_125 = arith.constant 64 : index
      %get3A_126 = tpu.vector_load %arg11[%get3A_124, %get3A_125] {strides = array<i32>} : memref<32x1024xf32, #tpu.memory_space<vmem>>, vector<1x16xf32>,
      %get3A_127 = vector.shape_cast %get3A_126 : vector<1x16xf32> to vector<16xf32>
      %mul3A_128 = arith.mulf %get3A_127, %get3A_55 : vector<16xf32>
      %add3A_129 = arith.addf %mul3A_123, %mul3A_128 : vector<16xf32>
      %swap3A_130 = arith.index_cast %scan3A_48 : i32 to index
      %swap3A_131 = arith.constant 64 : index
      %swap3A_132 = tpu.vector_load %arg10[%swap3A_130, %swap3A_131] {strides = array<i32>} : memref<32x1024xf32, #tpu.memory_space<vmem>>, vector<1x16xf32>,
      %swap3A_133 = vector.shape_cast %swap3A_132 : vector<1x16xf32> to vector<16xf32>
      %swap3A_134 = vector.shape_cast %add3A_129 : vector<16xf32> to vector<1x16xf32>
      tpu.vector_store %arg10[%swap3A_130, %swap3A_131], %swap3A_134 {strides = array<i32>} : memref<32x1024xf32, #tpu.memory_space<vmem>>, vector<1x16xf32>,
      %get3A_135 = arith.index_cast %scan3A_48 : i32 to index
      %get3A_136 = arith.constant 80 : index
      %get3A_137 = tpu.vector_load %arg10[%get3A_135, %get3A_136] {strides = array<i32>} : memref<32x1024xf32, #tpu.memory_space<vmem>>, vector<1x16xf32>,
      %get3A_138 = vector.shape_cast %get3A_137 : vector<1x16xf32> to vector<16xf32>
      %mul3A_139 = arith.mulf %get3A_138, %get3A_51 : vector<16xf32>
      %get3A_140 = arith.index_cast %scan3A_48 : i32 to index
      %get3A_141 = arith.constant 80 : index
      %get3A_142 = tpu.vector_load %arg11[%get3A_140, %get3A_141] {strides = array<i32>} : memref<32x1024xf32, #tpu.memory_space<vmem>>, vector<1x16xf32>,
      %get3A_143 = vector.shape_cast %get3A_142 : vector<1x16xf32> to vector<16xf32>
      %mul3A_144 = arith.mulf %get3A_143, %get3A_55 : vector<16xf32>
      %add3A_145 = arith.addf %mul3A_139, %mul3A_144 : vector<16xf32>
      %swap3A_146 = arith.index_cast %scan3A_48 : i32 to index
      %swap3A_147 = arith.constant 80 : index
      %swap3A_148 = tpu.vector_load %arg10[%swap3A_146, %swap3A_147] {strides = array<i32>} : memref<32x1024xf32, #tpu.memory_space<vmem>>, vector<1x16xf32>,
      %swap3A_149 = vector.shape_cast %swap3A_148 : vector<1x16xf32> to vector<16xf32>
      %swap3A_150 = vector.shape_cast %add3A_145 : vector<16xf32> to vector<1x16xf32>
      tpu.vector_store %arg10[%swap3A_146, %swap3A_147], %swap3A_150 {strides = array<i32>} : memref<32x1024xf32, #tpu.memory_space<vmem>>, vector<1x16xf32>,
      %get3A_151 = arith.index_cast %scan3A_48 : i32 to index
      %get3A_152 = arith.constant 96 : index
      %get3A_153 = tpu.vector_load %arg10[%get3A_151, %get3A_152] {strides = array<i32>} : memref<32x1024xf32, #tpu.memory_space<vmem>>, vector<1x16xf32>,
      %get3A_154 = vector.shape_cast %get3A_153 : vector<1x16xf32> to vector<16xf32>
      %mul3A_155 = arith.mulf %get3A_154, %get3A_51 : vector<16xf32>
      %get3A_156 = arith.index_cast %scan3A_48 : i32 to index
      %get3A_157 = arith.constant 96 : index
      %get3A_158 = tpu.vector_load %arg11[%get3A_156, %get3A_157] {strides = array<i32>} : memref<32x1024xf32, #tpu.memory_space<vmem>>, vector<1x16xf32>,
      %get3A_159 = vector.shape_cast %get3A_158 : vector<1x16xf32> to vector<16xf32>
      %mul3A_160 = arith.mulf %get3A_159, %get3A_55 : vector<16xf32>
      %add3A_161 = arith.addf %mul3A_155, %mul3A_160 : vector<16xf32>
      %swap3A_162 = arith.index_cast %scan3A_48 : i32 to index
      %swap3A_163 = arith.constant 96 : index
      %swap3A_164 = tpu.vector_load %arg10[%swap3A_162, %swap3A_163] {strides = array<i32>} : memref<32x1024xf32, #tpu.memory_space<vmem>>, vector<1x16xf32>,
      %swap3A_165 = vector.shape_cast %swap3A_164 : vector<1x16xf32> to vector<16xf32>
      %swap3A_166 = vector.shape_cast %add3A_161 : vector<16xf32> to vector<1x16xf32>
      tpu.vector_store %arg10[%swap3A_162, %swap3A_163], %swap3A_166 {strides = array<i32>} : memref<32x1024xf32, #tpu.memory_space<vmem>>, vector<1x16xf32>,
      %get3A_167 = arith.index_cast %scan3A_48 : i32 to index
      %get3A_168 = arith.constant 112 : index
      %get3A_169 = tpu.vector_load %arg10[%get3A_167, %get3A_168] {strides = array<i32>} : memref<32x1024xf32, #tpu.memory_space<vmem>>, vector<1x16xf32>,
      %get3A_170 = vector.shape_cast %get3A_169 : vector<1x16xf32> to vector<16xf32>
      %mul3A_171 = arith.mulf %get3A_170, %get3A_51 : vector<16xf32>
      %get3A_172 = arith.index_cast %scan3A_48 : i32 to index
      %get3A_173 = arith.constant 112 : index
      %get3A_174 = tpu.vector_load %arg11[%get3A_172, %get3A_173] {strides = array<i32>} : memref<32x1024xf32, #tpu.memory_space<vmem>>, vector<1x16xf32>,
      %get3A_175 = vector.shape_cast %get3A_174 : vector<1x16xf32> to vector<16xf32>
      %mul3A_176 = arith.mulf %get3A_175, %get3A_55 : vector<16xf32>
      %add3A_177 = arith.addf %mul3A_171, %mul3A_176 : vector<16xf32>
      %swap3A_178 = arith.index_cast %scan3A_48 : i32 to index
      %swap3A_179 = arith.constant 112 : index
      %swap3A_180 = tpu.vector_load %arg10[%swap3A_178, %swap3A_179] {strides = array<i32>} : memref<32x1024xf32, #tpu.memory_space<vmem>>, vector<1x16xf32>,
      %swap3A_181 = vector.shape_cast %swap3A_180 : vector<1x16xf32> to vector<16xf32>
      %swap3A_182 = vector.shape_cast %add3A_177 : vector<16xf32> to vector<1x16xf32>
      tpu.vector_store %arg10[%swap3A_178, %swap3A_179], %swap3A_182 {strides = array<i32>} : memref<32x1024xf32, #tpu.memory_space<vmem>>, vector<1x16xf32>,
      %get3A_183 = arith.index_cast %scan3A_48 : i32 to index
      %get3A_184 = arith.constant 128 : index
      %get3A_185 = tpu.vector_load %arg10[%get3A_183, %get3A_184] {strides = array<i32>} : memref<32x1024xf32, #tpu.memory_space<vmem>>, vector<1x16xf32>,
      %get3A_186 = vector.shape_cast %get3A_185 : vector<1x16xf32> to vector<16xf32>
      %mul3A_187 = arith.mulf %get3A_186, %get3A_51 : vector<16xf32>
      %get3A_188 = arith.index_cast %scan3A_48 : i32 to index
      %get3A_189 = arith.constant 128 : index
      %get3A_190 = tpu.vector_load %arg11[%get3A_188, %get3A_189] {strides = array<i32>} : memref<32x1024xf32, #tpu.memory_space<vmem>>, vector<1x16xf32>,
      %get3A_191 = vector.shape_cast %get3A_190 : vector<1x16xf32> to vector<16xf32>
      %mul3A_192 = arith.mulf %get3A_191, %get3A_55 : vector<16xf32>
      %add3A_193 = arith.addf %mul3A_187, %mul3A_192 : vector<16xf32>
      %swap3A_194 = arith.index_cast %scan3A_48 : i32 to index
      %swap3A_195 = arith.constant 128 : index
      %swap3A_196 = tpu.vector_load %arg10[%swap3A_194, %swap3A_195] {strides = array<i32>} : memref<32x1024xf32, #tpu.memory_space<vmem>>, vector<1x16xf32>,
      %swap3A_197 = vector.shape_cast %swap3A_196 : vector<1x16xf32> to vector<16xf32>
      %swap3A_198 = vector.shape_cast %add3A_193 : vector<16xf32> to vector<1x16xf32>
      tpu.vector_store %arg10[%swap3A_194, %swap3A_195], %swap3A_198 {strides = array<i32>} : memref<32x1024xf32, #tpu.memory_space<vmem>>, vector<1x16xf32>,
      %get3A_199 = arith.index_cast %scan3A_48 : i32 to index
      %get3A_200 = arith.constant 144 : index
      %get3A_201 = tpu.vector_load %arg10[%get3A_199, %get3A_200] {strides = array<i32>} : memref<32x1024xf32, #tpu.memory_space<vmem>>, vector<1x16xf32>,
      %get3A_202 = vector.shape_cast %get3A_201 : vector<1x16xf32> to vector<16xf32>
      %mul3A_203 = arith.mulf %get3A_202, %get3A_51 : vector<16xf32>
      %get3A_204 = arith.index_cast %scan3A_48 : i32 to index
      %get3A_205 = arith.constant 144 : index
      %get3A_206 = tpu.vector_load %arg11[%get3A_204, %get3A_205] {strides = array<i32>} : memref<32x1024xf32, #tpu.memory_space<vmem>>, vector<1x16xf32>,
      %get3A_207 = vector.shape_cast %get3A_206 : vector<1x16xf32> to vector<16xf32>
      %mul3A_208 = arith.mulf %get3A_207, %get3A_55 : vector<16xf32>
      %add3A_209 = arith.addf %mul3A_203, %mul3A_208 : vector<16xf32>
      %swap3A_210 = arith.index_cast %scan3A_48 : i32 to index
      %swap3A_211 = arith.constant 144 : index
      %swap3A_212 = tpu.vector_load %arg10[%swap3A_210, %swap3A_211] {strides = array<i32>} : memref<32x1024xf32, #tpu.memory_space<vmem>>, vector<1x16xf32>,
      %swap3A_213 = vector.shape_cast %swap3A_212 : vector<1x16xf32> to vector<16xf32>
      %swap3A_214 = vector.shape_cast %add3A_209 : vector<16xf32> to vector<1x16xf32>
      tpu.vector_store %arg10[%swap3A_210, %swap3A_211], %swap3A_214 {strides = array<i32>} : memref<32x1024xf32, #tpu.memory_space<vmem>>, vector<1x16xf32>,
      %get3A_215 = arith.index_cast %scan3A_48 : i32 to index
      %get3A_216 = arith.constant 160 : index
      %get3A_217 = tpu.vector_load %arg10[%get3A_215, %get3A_216] {strides = array<i32>} : memref<32x1024xf32, #tpu.memory_space<vmem>>, vector<1x16xf32>,
      %get3A_218 = vector.shape_cast %get3A_217 : vector<1x16xf32> to vector<16xf32>
      %mul3A_219 = arith.mulf %get3A_218, %get3A_51 : vector<16xf32>
      %get3A_220 = arith.index_cast %scan3A_48 : i32 to index
      %get3A_221 = arith.constant 160 : index
      %get3A_222 = tpu.vector_load %arg11[%get3A_220, %get3A_221] {strides = array<i32>} : memref<32x1024xf32, #tpu.memory_space<vmem>>, vector<1x16xf32>,
      %get3A_223 = vector.shape_cast %get3A_222 : vector<1x16xf32> to vector<16xf32>
      %mul3A_224 = arith.mulf %get3A_223, %get3A_55 : vector<16xf32>
      %add3A_225 = arith.addf %mul3A_219, %mul3A_224 : vector<16xf32>
      %swap3A_226 = arith.index_cast %scan3A_48 : i32 to index
      %swap3A_227 = arith.constant 160 : index
      %swap3A_228 = tpu.vector_load %arg10[%swap3A_226, %swap3A_227] {strides = array<i32>} : memref<32x1024xf32, #tpu.memory_space<vmem>>, vector<1x16xf32>,
      %swap3A_229 = vector.shape_cast %swap3A_228 : vector<1x16xf32> to vector<16xf32>
      %swap3A_230 = vector.shape_cast %add3A_225 : vector<16xf32> to vector<1x16xf32>
      tpu.vector_store %arg10[%swap3A_226, %swap3A_227], %swap3A_230 {strides = array<i32>} : memref<32x1024xf32, #tpu.memory_space<vmem>>, vector<1x16xf32>,
      %get3A_231 = arith.index_cast %scan3A_48 : i32 to index
      %get3A_232 = arith.constant 176 : index
      %get3A_233 = tpu.vector_load %arg10[%get3A_231, %get3A_232] {strides = array<i32>} : memref<32x1024xf32, #tpu.memory_space<vmem>>, vector<1x16xf32>,
      %get3A_234 = vector.shape_cast %get3A_233 : vector<1x16xf32> to vector<16xf32>
      %mul3A_235 = arith.mulf %get3A_234, %get3A_51 : vector<16xf32>
      %get3A_236 = arith.index_cast %scan3A_48 : i32 to index
      %get3A_237 = arith.constant 176 : index
      %get3A_238 = tpu.vector_load %arg11[%get3A_236, %get3A_237] {strides = array<i32>} : memref<32x1024xf32, #tpu.memory_space<vmem>>, vector<1x16xf32>,
      %get3A_239 = vector.shape_cast %get3A_238 : vector<1x16xf32> to vector<16xf32>
      %mul3A_240 = arith.mulf %get3A_239, %get3A_55 : vector<16xf32>
      %add3A_241 = arith.addf %mul3A_235, %mul3A_240 : vector<16xf32>
      %swap3A_242 = arith.index_cast %scan3A_48 : i32 to index
      %swap3A_243 = arith.constant 176 : index
      %swap3A_244 = tpu.vector_load %arg10[%swap3A_242, %swap3A_243] {strides = array<i32>} : memref<32x1024xf32, #tpu.memory_space<vmem>>, vector<1x16xf32>,
      %swap3A_245 = vector.shape_cast %swap3A_244 : vector<1x16xf32> to vector<16xf32>
      %swap3A_246 = vector.shape_cast %add3A_241 : vector<16xf32> to vector<1x16xf32>
      tpu.vector_store %arg10[%swap3A_242, %swap3A_243], %swap3A_246 {strides = array<i32>} : memref<32x1024xf32, #tpu.memory_space<vmem>>, vector<1x16xf32>,
      %get3A_247 = arith.index_cast %scan3A_48 : i32 to index
      %get3A_248 = arith.constant 192 : index
      %get3A_249 = tpu.vector_load %arg10[%get3A_247, %get3A_248] {strides = array<i32>} : memref<32x1024xf32, #tpu.memory_space<vmem>>, vector<1x16xf32>,
      %get3A_250 = vector.shape_cast %get3A_249 : vector<1x16xf32> to vector<16xf32>
      %mul3A_251 = arith.mulf %get3A_250, %get3A_51 : vector<16xf32>
      %get3A_252 = arith.index_cast %scan3A_48 : i32 to index
      %get3A_253 = arith.constant 192 : index
      %get3A_254 = tpu.vector_load %arg11[%get3A_252, %get3A_253] {strides = array<i32>} : memref<32x1024xf32, #tpu.memory_space<vmem>>, vector<1x16xf32>,
      %get3A_255 = vector.shape_cast %get3A_254 : vector<1x16xf32> to vector<16xf32>
      %mul3A_256 = arith.mulf %get3A_255, %get3A_55 : vector<16xf32>
      %add3A_257 = arith.addf %mul3A_251, %mul3A_256 : vector<16xf32>
      %swap3A_258 = arith.index_cast %scan3A_48 : i32 to index
      %swap3A_259 = arith.constant 192 : index
      %swap3A_260 = tpu.vector_load %arg10[%swap3A_258, %swap3A_259] {strides = array<i32>} : memref<32x1024xf32, #tpu.memory_space<vmem>>, vector<1x16xf32>,
      %swap3A_261 = vector.shape_cast %swap3A_260 : vector<1x16xf32> to vector<16xf32>
      %swap3A_262 = vector.shape_cast %add3A_257 : vector<16xf32> to vector<1x16xf32>
      tpu.vector_store %arg10[%swap3A_258, %swap3A_259], %swap3A_262 {strides = array<i32>} : memref<32x1024xf32, #tpu.memory_space<vmem>>, vector<1x16xf32>,
      %get3A_263 = arith.index_cast %scan3A_48 : i32 to index
      %get3A_264 = arith.constant 208 : index
      %get3A_265 = tpu.vector_load %arg10[%get3A_263, %get3A_264] {strides = array<i32>} : memref<32x1024xf32, #tpu.memory_space<vmem>>, vector<1x16xf32>,
      %get3A_266 = vector.shape_cast %get3A_265 : vector<1x16xf32> to vector<16xf32>
      %mul3A_267 = arith.mulf %get3A_266, %get3A_51 : vector<16xf32>
      %get3A_268 = arith.index_cast %scan3A_48 : i32 to index
      %get3A_269 = arith.constant 208 : index
      %get3A_270 = tpu.vector_load %arg11[%get3A_268, %get3A_269] {strides = array<i32>} : memref<32x1024xf32, #tpu.memory_space<vmem>>, vector<1x16xf32>,
      %get3A_271 = vector.shape_cast %get3A_270 : vector<1x16xf32> to vector<16xf32>
      %mul3A_272 = arith.mulf %get3A_271, %get3A_55 : vector<16xf32>
      %add3A_273 = arith.addf %mul3A_267, %mul3A_272 : vector<16xf32>
      %swap3A_274 = arith.index_cast %scan3A_48 : i32 to index
      %swap3A_275 = arith.constant 208 : index
      %swap3A_276 = tpu.vector_load %arg10[%swap3A_274, %swap3A_275] {strides = array<i32>} : memref<32x1024xf32, #tpu.memory_space<vmem>>, vector<1x16xf32>,
      %swap3A_277 = vector.shape_cast %swap3A_276 : vector<1x16xf32> to vector<16xf32>
      %swap3A_278 = vector.shape_cast %add3A_273 : vector<16xf32> to vector<1x16xf32>
      tpu.vector_store %arg10[%swap3A_274, %swap3A_275], %swap3A_278 {strides = array<i32>} : memref<32x1024xf32, #tpu.memory_space<vmem>>, vector<1x16xf32>,
      %get3A_279 = arith.index_cast %scan3A_48 : i32 to index
      %get3A_280 = arith.constant 224 : index
      %get3A_281 = tpu.vector_load %arg10[%get3A_279, %get3A_280] {strides = array<i32>} : memref<32x1024xf32, #tpu.memory_space<vmem>>, vector<1x16xf32>,
      %get3A_282 = vector.shape_cast %get3A_281 : vector<1x16xf32> to vector<16xf32>
      %mul3A_283 = arith.mulf %get3A_282, %get3A_51 : vector<16xf32>
      %get3A_284 = arith.index_cast %scan3A_48 : i32 to index
      %get3A_285 = arith.constant 224 : index
      %get3A_286 = tpu.vector_load %arg11[%get3A_284, %get3A_285] {strides = array<i32>} : memref<32x1024xf32, #tpu.memory_space<vmem>>, vector<1x16xf32>,
      %get3A_287 = vector.shape_cast %get3A_286 : vector<1x16xf32> to vector<16xf32>
      %mul3A_288 = arith.mulf %get3A_287, %get3A_55 : vector<16xf32>
      %add3A_289 = arith.addf %mul3A_283, %mul3A_288 : vector<16xf32>
      %swap3A_290 = arith.index_cast %scan3A_48 : i32 to index
      %swap3A_291 = arith.constant 224 : index
      %swap3A_292 = tpu.vector_load %arg10[%swap3A_290, %swap3A_291] {strides = array<i32>} : memref<32x1024xf32, #tpu.memory_space<vmem>>, vector<1x16xf32>,
      %swap3A_293 = vector.shape_cast %swap3A_292 : vector<1x16xf32> to vector<16xf32>
      %swap3A_294 = vector.shape_cast %add3A_289 : vector<16xf32> to vector<1x16xf32>
      tpu.vector_store %arg10[%swap3A_290, %swap3A_291], %swap3A_294 {strides = array<i32>} : memref<32x1024xf32, #tpu.memory_space<vmem>>, vector<1x16xf32>,
      %get3A_295 = arith.index_cast %scan3A_48 : i32 to index
      %get3A_296 = arith.constant 240 : index
      %get3A_297 = tpu.vector_load %arg10[%get3A_295, %get3A_296] {strides = array<i32>} : memref<32x1024xf32, #tpu.memory_space<vmem>>, vector<1x16xf32>,
      %get3A_298 = vector.shape_cast %get3A_297 : vector<1x16xf32> to vector<16xf32>
      %mul3A_299 = arith.mulf %get3A_298, %get3A_51 : vector<16xf32>
      %get3A_300 = arith.index_cast %scan3A_48 : i32 to index
      %get3A_301 = arith.constant 240 : index
      %get3A_302 = tpu.vector_load %arg11[%get3A_300, %get3A_301] {strides = array<i32>} : memref<32x1024xf32, #tpu.memory_space<vmem>>, vector<1x16xf32>,
      %get3A_303 = vector.shape_cast %get3A_302 : vector<1x16xf32> to vector<16xf32>
      %mul3A_304 = arith.mulf %get3A_303, %get3A_55 : vector<16xf32>
      %add3A_305 = arith.addf %mul3A_299, %mul3A_304 : vector<16xf32>
      %swap3A_306 = arith.index_cast %scan3A_48 : i32 to index
      %swap3A_307 = arith.constant 240 : index
      %swap3A_308 = tpu.vector_load %arg10[%swap3A_306, %swap3A_307] {strides = array<i32>} : memref<32x1024xf32, #tpu.memory_space<vmem>>, vector<1x16xf32>,
      %swap3A_309 = vector.shape_cast %swap3A_308 : vector<1x16xf32> to vector<16xf32>
      %swap3A_310 = vector.shape_cast %add3A_305 : vector<16xf32> to vector<1x16xf32>
      tpu.vector_store %arg10[%swap3A_306, %swap3A_307], %swap3A_310 {strides = array<i32>} : memref<32x1024xf32, #tpu.memory_space<vmem>>, vector<1x16xf32>,
      %get3A_311 = arith.index_cast %scan3A_48 : i32 to index
      %get3A_312 = arith.constant 256 : index
      %get3A_313 = tpu.vector_load %arg10[%get3A_311, %get3A_312] {strides = array<i32>} : memref<32x1024xf32, #tpu.memory_space<vmem>>, vector<1x16xf32>,
      %get3A_314 = vector.shape_cast %get3A_313 : vector<1x16xf32> to vector<16xf32>
      %mul3A_315 = arith.mulf %get3A_314, %get3A_51 : vector<16xf32>
      %get3A_316 = arith.index_cast %scan3A_48 : i32 to index
      %get3A_317 = arith.constant 256 : index
      %get3A_318 = tpu.vector_load %arg11[%get3A_316, %get3A_317] {strides = array<i32>} : memref<32x1024xf32, #tpu.memory_space<vmem>>, vector<1x16xf32>,
      %get3A_319 = vector.shape_cast %get3A_318 : vector<1x16xf32> to vector<16xf32>
      %mul3A_320 = arith.mulf %get3A_319, %get3A_55 : vector<16xf32>
      %add3A_321 = arith.addf %mul3A_315, %mul3A_320 : vector<16xf32>
      %swap3A_322 = arith.index_cast %scan3A_48 : i32 to index
      %swap3A_323 = arith.constant 256 : index
      %swap3A_324 = tpu.vector_load %arg10[%swap3A_322, %swap3A_323] {strides = array<i32>} : memref<32x1024xf32, #tpu.memory_space<vmem>>, vector<1x16xf32>,
      %swap3A_325 = vector.shape_cast %swap3A_324 : vector<1x16xf32> to vector<16xf32>
      %swap3A_326 = vector.shape_cast %add3A_321 : vector<16xf32> to vector<1x16xf32>
      tpu.vector_store %arg10[%swap3A_322, %swap3A_323], %swap3A_326 {strides = array<i32>} : memref<32x1024xf32, #tpu.memory_space<vmem>>, vector<1x16xf32>,
      %get3A_327 = arith.index_cast %scan3A_48 : i32 to index
      %get3A_328 = arith.constant 272 : index
      %get3A_329 = tpu.vector_load %arg10[%get3A_327, %get3A_328] {strides = array<i32>} : memref<32x1024xf32, #tpu.memory_space<vmem>>, vector<1x16xf32>,
      %get3A_330 = vector.shape_cast %get3A_329 : vector<1x16xf32> to vector<16xf32>
      %mul3A_331 = arith.mulf %get3A_330, %get3A_51 : vector<16xf32>
      %get3A_332 = arith.index_cast %scan3A_48 : i32 to index
      %get3A_333 = arith.constant 272 : index
      %get3A_334 = tpu.vector_load %arg11[%get3A_332, %get3A_333] {strides = array<i32>} : memref<32x1024xf32, #tpu.memory_space<vmem>>, vector<1x16xf32>,
      %get3A_335 = vector.shape_cast %get3A_334 : vector<1x16xf32> to vector<16xf32>
      %mul3A_336 = arith.mulf %get3A_335, %get3A_55 : vector<16xf32>
      %add3A_337 = arith.addf %mul3A_331, %mul3A_336 : vector<16xf32>
      %swap3A_338 = arith.index_cast %scan3A_48 : i32 to index
      %swap3A_339 = arith.constant 272 : index
      %swap3A_340 = tpu.vector_load %arg10[%swap3A_338, %swap3A_339] {strides = array<i32>} : memref<32x1024xf32, #tpu.memory_space<vmem>>, vector<1x16xf32>,
      %swap3A_341 = vector.shape_cast %swap3A_340 : vector<1x16xf32> to vector<16xf32>
      %swap3A_342 = vector.shape_cast %add3A_337 : vector<16xf32> to vector<1x16xf32>
      tpu.vector_store %arg10[%swap3A_338, %swap3A_339], %swap3A_342 {strides = array<i32>} : memref<32x1024xf32, #tpu.memory_space<vmem>>, vector<1x16xf32>,
      %get3A_343 = arith.index_cast %scan3A_48 : i32 to index
      %get3A_344 = arith.constant 288 : index
      %get3A_345 = tpu.vector_load %arg10[%get3A_343, %get3A_344] {strides = array<i32>} : memref<32x1024xf32, #tpu.memory_space<vmem>>, vector<1x16xf32>,
      %get3A_346 = vector.shape_cast %get3A_345 : vector<1x16xf32> to vector<16xf32>
      %mul3A_347 = arith.mulf %get3A_346, %get3A_51 : vector<16xf32>
      %get3A_348 = arith.index_cast %scan3A_48 : i32 to index
      %get3A_349 = arith.constant 288 : index
      %get3A_350 = tpu.vector_load %arg11[%get3A_348, %get3A_349] {strides = array<i32>} : memref<32x1024xf32, #tpu.memory_space<vmem>>, vector<1x16xf32>,
      %get3A_351 = vector.shape_cast %get3A_350 : vector<1x16xf32> to vector<16xf32>
      %mul3A_352 = arith.mulf %get3A_351, %get3A_55 : vector<16xf32>
      %add3A_353 = arith.addf %mul3A_347, %mul3A_352 : vector<16xf32>
      %swap3A_354 = arith.index_cast %scan3A_48 : i32 to index
      %swap3A_355 = arith.constant 288 : index
      %swap3A_356 = tpu.vector_load %arg10[%swap3A_354, %swap3A_355] {strides = array<i32>} : memref<32x1024xf32, #tpu.memory_space<vmem>>, vector<1x16xf32>,
      %swap3A_357 = vector.shape_cast %swap3A_356 : vector<1x16xf32> to vector<16xf32>
      %swap3A_358 = vector.shape_cast %add3A_353 : vector<16xf32> to vector<1x16xf32>
      tpu.vector_store %arg10[%swap3A_354, %swap3A_355], %swap3A_358 {strides = array<i32>} : memref<32x1024xf32, #tpu.memory_space<vmem>>, vector<1x16xf32>,
      %get3A_359 = arith.index_cast %scan3A_48 : i32 to index
      %get3A_360 = arith.constant 304 : index
      %get3A_361 = tpu.vector_load %arg10[%get3A_359, %get3A_360] {strides = array<i32>} : memref<32x1024xf32, #tpu.memory_space<vmem>>, vector<1x16xf32>,
      %get3A_362 = vector.shape_cast %get3A_361 : vector<1x16xf32> to vector<16xf32>
      %mul3A_363 = arith.mulf %get3A_362, %get3A_51 : vector<16xf32>
      %get3A_364 = arith.index_cast %scan3A_48 : i32 to index
      %get3A_365 = arith.constant 304 : index
      %get3A_366 = tpu.vector_load %arg11[%get3A_364, %get3A_365] {strides = array<i32>} : memref<32x1024xf32, #tpu.memory_space<vmem>>, vector<1x16xf32>,
      %get3A_367 = vector.shape_cast %get3A_366 : vector<1x16xf32> to vector<16xf32>
      %mul3A_368 = arith.mulf %get3A_367, %get3A_55 : vector<16xf32>
      %add3A_369 = arith.addf %mul3A_363, %mul3A_368 : vector<16xf32>
      %swap3A_370 = arith.index_cast %scan3A_48 : i32 to index
      %swap3A_371 = arith.constant 304 : index
      %swap3A_372 = tpu.vector_load %arg10[%swap3A_370, %swap3A_371] {strides = array<i32>} : memref<32x1024xf32, #tpu.memory_space<vmem>>, vector<1x16xf32>,
      %swap3A_373 = vector.shape_cast %swap3A_372 : vector<1x16xf32> to vector<16xf32>
      %swap3A_374 = vector.shape_cast %add3A_369 : vector<16xf32> to vector<1x16xf32>
      tpu.vector_store %arg10[%swap3A_370, %swap3A_371], %swap3A_374 {strides = array<i32>} : memref<32x1024xf32, #tpu.memory_space<vmem>>, vector<1x16xf32>,
      %get3A_375 = arith.index_cast %scan3A_48 : i32 to index
      %get3A_376 = arith.constant 320 : index
      %get3A_377 = tpu.vector_load %arg10[%get3A_375, %get3A_376] {strides = array<i32>} : memref<32x1024xf32, #tpu.memory_space<vmem>>, vector<1x16xf32>,
      %get3A_378 = vector.shape_cast %get3A_377 : vector<1x16xf32> to vector<16xf32>
      %mul3A_379 = arith.mulf %get3A_378, %get3A_51 : vector<16xf32>
      %get3A_380 = arith.index_cast %scan3A_48 : i32 to index
      %get3A_381 = arith.constant 320 : index
      %get3A_382 = tpu.vector_load %arg11[%get3A_380, %get3A_381] {strides = array<i32>} : memref<32x1024xf32, #tpu.memory_space<vmem>>, vector<1x16xf32>,
      %get3A_383 = vector.shape_cast %get3A_382 : vector<1x16xf32> to vector<16xf32>
      %mul3A_384 = arith.mulf %get3A_383, %get3A_55 : vector<16xf32>
      %add3A_385 = arith.addf %mul3A_379, %mul3A_384 : vector<16xf32>
      %swap3A_386 = arith.index_cast %scan3A_48 : i32 to index
      %swap3A_387 = arith.constant 320 : index
      %swap3A_388 = tpu.vector_load %arg10[%swap3A_386, %swap3A_387] {strides = array<i32>} : memref<32x1024xf32, #tpu.memory_space<vmem>>, vector<1x16xf32>,
      %swap3A_389 = vector.shape_cast %swap3A_388 : vector<1x16xf32> to vector<16xf32>
      %swap3A_390 = vector.shape_cast %add3A_385 : vector<16xf32> to vector<1x16xf32>
      tpu.vector_store %arg10[%swap3A_386, %swap3A_387], %swap3A_390 {strides = array<i32>} : memref<32x1024xf32, #tpu.memory_space<vmem>>, vector<1x16xf32>,
      %get3A_391 = arith.index_cast %scan3A_48 : i32 to index
      %get3A_392 = arith.constant 336 : index
      %get3A_393 = tpu.vector_load %arg10[%get3A_391, %get3A_392] {strides = array<i32>} : memref<32x1024xf32, #tpu.memory_space<vmem>>, vector<1x16xf32>,
      %get3A_394 = vector.shape_cast %get3A_393 : vector<1x16xf32> to vector<16xf32>
      %mul3A_395 = arith.mulf %get3A_394, %get3A_51 : vector<16xf32>
      %get3A_396 = arith.index_cast %scan3A_48 : i32 to index
      %get3A_397 = arith.constant 336 : index
      %get3A_398 = tpu.vector_load %arg11[%get3A_396, %get3A_397] {strides = array<i32>} : memref<32x1024xf32, #tpu.memory_space<vmem>>, vector<1x16xf32>,
      %get3A_399 = vector.shape_cast %get3A_398 : vector<1x16xf32> to vector<16xf32>
      %mul3A_400 = arith.mulf %get3A_399, %get3A_55 : vector<16xf32>
      %add3A_401 = arith.addf %mul3A_395, %mul3A_400 : vector<16xf32>
      %swap3A_402 = arith.index_cast %scan3A_48 : i32 to index
      %swap3A_403 = arith.constant 336 : index
      %swap3A_404 = tpu.vector_load %arg10[%swap3A_402, %swap3A_403] {strides = array<i32>} : memref<32x1024xf32, #tpu.memory_space<vmem>>, vector<1x16xf32>,
      %swap3A_405 = vector.shape_cast %swap3A_404 : vector<1x16xf32> to vector<16xf32>
      %swap3A_406 = vector.shape_cast %add3A_401 : vector<16xf32> to vector<1x16xf32>
      tpu.vector_store %arg10[%swap3A_402, %swap3A_403], %swap3A_406 {strides = array<i32>} : memref<32x1024xf32, #tpu.memory_space<vmem>>, vector<1x16xf32>,
      %get3A_407 = arith.index_cast %scan3A_48 : i32 to index
      %get3A_408 = arith.constant 352 : index
      %get3A_409 = tpu.vector_load %arg10[%get3A_407, %get3A_408] {strides = array<i32>} : memref<32x1024xf32, #tpu.memory_space<vmem>>, vector<1x16xf32>,
      %get3A_410 = vector.shape_cast %get3A_409 : vector<1x16xf32> to vector<16xf32>
      %mul3A_411 = arith.mulf %get3A_410, %get3A_51 : vector<16xf32>
      %get3A_412 = arith.index_cast %scan3A_48 : i32 to index
      %get3A_413 = arith.constant 352 : index
      %get3A_414 = tpu.vector_load %arg11[%get3A_412, %get3A_413] {strides = array<i32>} : memref<32x1024xf32, #tpu.memory_space<vmem>>, vector<1x16xf32>,
      %get3A_415 = vector.shape_cast %get3A_414 : vector<1x16xf32> to vector<16xf32>
      %mul3A_416 = arith.mulf %get3A_415, %get3A_55 : vector<16xf32>
      %add3A_417 = arith.addf %mul3A_411, %mul3A_416 : vector<16xf32>
      %swap3A_418 = arith.index_cast %scan3A_48 : i32 to index
      %swap3A_419 = arith.constant 352 : index
      %swap3A_420 = tpu.vector_load %arg10[%swap3A_418, %swap3A_419] {strides = array<i32>} : memref<32x1024xf32, #tpu.memory_space<vmem>>, vector<1x16xf32>,
      %swap3A_421 = vector.shape_cast %swap3A_420 : vector<1x16xf32> to vector<16xf32>
      %swap3A_422 = vector.shape_cast %add3A_417 : vector<16xf32> to vector<1x16xf32>
      tpu.vector_store %arg10[%swap3A_418, %swap3A_419], %swap3A_422 {strides = array<i32>} : memref<32x1024xf32, #tpu.memory_space<vmem>>, vector<1x16xf32>,
      %get3A_423 = arith.index_cast %scan3A_48 : i32 to index
      %get3A_424 = arith.constant 368 : index
      %get3A_425 = tpu.vector_load %arg10[%get3A_423, %get3A_424] {strides = array<i32>} : memref<32x1024xf32, #tpu.memory_space<vmem>>, vector<1x16xf32>,
      %get3A_426 = vector.shape_cast %get3A_425 : vector<1x16xf32> to vector<16xf32>
      %mul3A_427 = arith.mulf %get3A_426, %get3A_51 : vector<16xf32>
      %get3A_428 = arith.index_cast %scan3A_48 : i32 to index
      %get3A_429 = arith.constant 368 : index
      %get3A_430 = tpu.vector_load %arg11[%get3A_428, %get3A_429] {strides = array<i32>} : memref<32x1024xf32, #tpu.memory_space<vmem>>, vector<1x16xf32>,
      %get3A_431 = vector.shape_cast %get3A_430 : vector<1x16xf32> to vector<16xf32>
      %mul3A_432 = arith.mulf %get3A_431, %get3A_55 : vector<16xf32>
      %add3A_433 = arith.addf %mul3A_427, %mul3A_432 : vector<16xf32>
      %swap3A_434 = arith.index_cast %scan3A_48 : i32 to index
      %swap3A_435 = arith.constant 368 : index
      %swap3A_436 = tpu.vector_load %arg10[%swap3A_434, %swap3A_435] {strides = array<i32>} : memref<32x1024xf32, #tpu.memory_space<vmem>>, vector<1x16xf32>,
      %swap3A_437 = vector.shape_cast %swap3A_436 : vector<1x16xf32> to vector<16xf32>
      %swap3A_438 = vector.shape_cast %add3A_433 : vector<16xf32> to vector<1x16xf32>
      tpu.vector_store %arg10[%swap3A_434, %swap3A_435], %swap3A_438 {strides = array<i32>} : memref<32x1024xf32, #tpu.memory_space<vmem>>, vector<1x16xf32>,
      %get3A_439 = arith.index_cast %scan3A_48 : i32 to index
      %get3A_440 = arith.constant 384 : index
      %get3A_441 = tpu.vector_load %arg10[%get3A_439, %get3A_440] {strides = array<i32>} : memref<32x1024xf32, #tpu.memory_space<vmem>>, vector<1x16xf32>,
      %get3A_442 = vector.shape_cast %get3A_441 : vector<1x16xf32> to vector<16xf32>
      %mul3A_443 = arith.mulf %get3A_442, %get3A_51 : vector<16xf32>
      %get3A_444 = arith.index_cast %scan3A_48 : i32 to index
      %get3A_445 = arith.constant 384 : index
      %get3A_446 = tpu.vector_load %arg11[%get3A_444, %get3A_445] {strides = array<i32>} : memref<32x1024xf32, #tpu.memory_space<vmem>>, vector<1x16xf32>,
      %get3A_447 = vector.shape_cast %get3A_446 : vector<1x16xf32> to vector<16xf32>
      %mul3A_448 = arith.mulf %get3A_447, %get3A_55 : vector<16xf32>
      %add3A_449 = arith.addf %mul3A_443, %mul3A_448 : vector<16xf32>
      %swap3A_450 = arith.index_cast %scan3A_48 : i32 to index
      %swap3A_451 = arith.constant 384 : index
      %swap3A_452 = tpu.vector_load %arg10[%swap3A_450, %swap3A_451] {strides = array<i32>} : memref<32x1024xf32, #tpu.memory_space<vmem>>, vector<1x16xf32>,
      %swap3A_453 = vector.shape_cast %swap3A_452 : vector<1x16xf32> to vector<16xf32>
      %swap3A_454 = vector.shape_cast %add3A_449 : vector<16xf32> to vector<1x16xf32>
      tpu.vector_store %arg10[%swap3A_450, %swap3A_451], %swap3A_454 {strides = array<i32>} : memref<32x1024xf32, #tpu.memory_space<vmem>>, vector<1x16xf32>,
      %get3A_455 = arith.index_cast %scan3A_48 : i32 to index
      %get3A_456 = arith.constant 400 : index
      %get3A_457 = tpu.vector_load %arg10[%get3A_455, %get3A_456] {strides = array<i32>} : memref<32x1024xf32, #tpu.memory_space<vmem>>, vector<1x16xf32>,
      %get3A_458 = vector.shape_cast %get3A_457 : vector<1x16xf32> to vector<16xf32>
      %mul3A_459 = arith.mulf %get3A_458, %get3A_51 : vector<16xf32>
      %get3A_460 = arith.index_cast %scan3A_48 : i32 to index
      %get3A_461 = arith.constant 400 : index
      %get3A_462 = tpu.vector_load %arg11[%get3A_460, %get3A_461] {strides = array<i32>} : memref<32x1024xf32, #tpu.memory_space<vmem>>, vector<1x16xf32>,
      %get3A_463 = vector.shape_cast %get3A_462 : vector<1x16xf32> to vector<16xf32>
      %mul3A_464 = arith.mulf %get3A_463, %get3A_55 : vector<16xf32>
      %add3A_465 = arith.addf %mul3A_459, %mul3A_464 : vector<16xf32>
      %swap3A_466 = arith.index_cast %scan3A_48 : i32 to index
      %swap3A_467 = arith.constant 400 : index
      %swap3A_468 = tpu.vector_load %arg10[%swap3A_466, %swap3A_467] {strides = array<i32>} : memref<32x1024xf32, #tpu.memory_space<vmem>>, vector<1x16xf32>,
      %swap3A_469 = vector.shape_cast %swap3A_468 : vector<1x16xf32> to vector<16xf32>
      %swap3A_470 = vector.shape_cast %add3A_465 : vector<16xf32> to vector<1x16xf32>
      tpu.vector_store %arg10[%swap3A_466, %swap3A_467], %swap3A_470 {strides = array<i32>} : memref<32x1024xf32, #tpu.memory_space<vmem>>, vector<1x16xf32>,
      %get3A_471 = arith.index_cast %scan3A_48 : i32 to index
      %get3A_472 = arith.constant 416 : index
      %get3A_473 = tpu.vector_load %arg10[%get3A_471, %get3A_472] {strides = array<i32>} : memref<32x1024xf32, #tpu.memory_space<vmem>>, vector<1x16xf32>,
      %get3A_474 = vector.shape_cast %get3A_473 : vector<1x16xf32> to vector<16xf32>
      %mul3A_475 = arith.mulf %get3A_474, %get3A_51 : vector<16xf32>
      %get3A_476 = arith.index_cast %scan3A_48 : i32 to index
      %get3A_477 = arith.constant 416 : index
      %get3A_478 = tpu.vector_load %arg11[%get3A_476, %get3A_477] {strides = array<i32>} : memref<32x1024xf32, #tpu.memory_space<vmem>>, vector<1x16xf32>,
      %get3A_479 = vector.shape_cast %get3A_478 : vector<1x16xf32> to vector<16xf32>
      %mul3A_480 = arith.mulf %get3A_479, %get3A_55 : vector<16xf32>
      %add3A_481 = arith.addf %mul3A_475, %mul3A_480 : vector<16xf32>
      %swap3A_482 = arith.index_cast %scan3A_48 : i32 to index
      %swap3A_483 = arith.constant 416 : index
      %swap3A_484 = tpu.vector_load %arg10[%swap3A_482, %swap3A_483] {strides = array<i32>} : memref<32x1024xf32, #tpu.memory_space<vmem>>, vector<1x16xf32>,
      %swap3A_485 = vector.shape_cast %swap3A_484 : vector<1x16xf32> to vector<16xf32>
      %swap3A_486 = vector.shape_cast %add3A_481 : vector<16xf32> to vector<1x16xf32>
      tpu.vector_store %arg10[%swap3A_482, %swap3A_483], %swap3A_486 {strides = array<i32>} : memref<32x1024xf32, #tpu.memory_space<vmem>>, vector<1x16xf32>,
      %get3A_487 = arith.index_cast %scan3A_48 : i32 to index
      %get3A_488 = arith.constant 432 : index
      %get3A_489 = tpu.vector_load %arg10[%get3A_487, %get3A_488] {strides = array<i32>} : memref<32x1024xf32, #tpu.memory_space<vmem>>, vector<1x16xf32>,
      %get3A_490 = vector.shape_cast %get3A_489 : vector<1x16xf32> to vector<16xf32>
      %mul3A_491 = arith.mulf %get3A_490, %get3A_51 : vector<16xf32>
      %get3A_492 = arith.index_cast %scan3A_48 : i32 to index
      %get3A_493 = arith.constant 432 : index
      %get3A_494 = tpu.vector_load %arg11[%get3A_492, %get3A_493] {strides = array<i32>} : memref<32x1024xf32, #tpu.memory_space<vmem>>, vector<1x16xf32>,
      %get3A_495 = vector.shape_cast %get3A_494 : vector<1x16xf32> to vector<16xf32>
      %mul3A_496 = arith.mulf %get3A_495, %get3A_55 : vector<16xf32>
      %add3A_497 = arith.addf %mul3A_491, %mul3A_496 : vector<16xf32>
      %swap3A_498 = arith.index_cast %scan3A_48 : i32 to index
      %swap3A_499 = arith.constant 432 : index
      %swap3A_500 = tpu.vector_load %arg10[%swap3A_498, %swap3A_499] {strides = array<i32>} : memref<32x1024xf32, #tpu.memory_space<vmem>>, vector<1x16xf32>,
      %swap3A_501 = vector.shape_cast %swap3A_500 : vector<1x16xf32> to vector<16xf32>
      %swap3A_502 = vector.shape_cast %add3A_497 : vector<16xf32> to vector<1x16xf32>
      tpu.vector_store %arg10[%swap3A_498, %swap3A_499], %swap3A_502 {strides = array<i32>} : memref<32x1024xf32, #tpu.memory_space<vmem>>, vector<1x16xf32>,
      %get3A_503 = arith.index_cast %scan3A_48 : i32 to index
      %get3A_504 = arith.constant 448 : index
      %get3A_505 = tpu.vector_load %arg10[%get3A_503, %get3A_504] {strides = array<i32>} : memref<32x1024xf32, #tpu.memory_space<vmem>>, vector<1x16xf32>,
      %get3A_506 = vector.shape_cast %get3A_505 : vector<1x16xf32> to vector<16xf32>
      %mul3A_507 = arith.mulf %get3A_506, %get3A_51 : vector<16xf32>
      %get3A_508 = arith.index_cast %scan3A_48 : i32 to index
      %get3A_509 = arith.constant 448 : index
      %get3A_510 = tpu.vector_load %arg11[%get3A_508, %get3A_509] {strides = array<i32>} : memref<32x1024xf32, #tpu.memory_space<vmem>>, vector<1x16xf32>,
      %get3A_511 = vector.shape_cast %get3A_510 : vector<1x16xf32> to vector<16xf32>
      %mul3A_512 = arith.mulf %get3A_511, %get3A_55 : vector<16xf32>
      %add3A_513 = arith.addf %mul3A_507, %mul3A_512 : vector<16xf32>
      %swap3A_514 = arith.index_cast %scan3A_48 : i32 to index
      %swap3A_515 = arith.constant 448 : index
      %swap3A_516 = tpu.vector_load %arg10[%swap3A_514, %swap3A_515] {strides = array<i32>} : memref<32x1024xf32, #tpu.memory_space<vmem>>, vector<1x16xf32>,
      %swap3A_517 = vector.shape_cast %swap3A_516 : vector<1x16xf32> to vector<16xf32>
      %swap3A_518 = vector.shape_cast %add3A_513 : vector<16xf32> to vector<1x16xf32>
      tpu.vector_store %arg10[%swap3A_514, %swap3A_515], %swap3A_518 {strides = array<i32>} : memref<32x1024xf32, #tpu.memory_space<vmem>>, vector<1x16xf32>,
      %get3A_519 = arith.index_cast %scan3A_48 : i32 to index
      %get3A_520 = arith.constant 464 : index
      %get3A_521 = tpu.vector_load %arg10[%get3A_519, %get3A_520] {strides = array<i32>} : memref<32x1024xf32, #tpu.memory_space<vmem>>, vector<1x16xf32>,
      %get3A_522 = vector.shape_cast %get3A_521 : vector<1x16xf32> to vector<16xf32>
      %mul3A_523 = arith.mulf %get3A_522, %get3A_51 : vector<16xf32>
      %get3A_524 = arith.index_cast %scan3A_48 : i32 to index
      %get3A_525 = arith.constant 464 : index
      %get3A_526 = tpu.vector_load %arg11[%get3A_524, %get3A_525] {strides = array<i32>} : memref<32x1024xf32, #tpu.memory_space<vmem>>, vector<1x16xf32>,
      %get3A_527 = vector.shape_cast %get3A_526 : vector<1x16xf32> to vector<16xf32>
      %mul3A_528 = arith.mulf %get3A_527, %get3A_55 : vector<16xf32>
      %add3A_529 = arith.addf %mul3A_523, %mul3A_528 : vector<16xf32>
      %swap3A_530 = arith.index_cast %scan3A_48 : i32 to index
      %swap3A_531 = arith.constant 464 : index
      %swap3A_532 = tpu.vector_load %arg10[%swap3A_530, %swap3A_531] {strides = array<i32>} : memref<32x1024xf32, #tpu.memory_space<vmem>>, vector<1x16xf32>,
      %swap3A_533 = vector.shape_cast %swap3A_532 : vector<1x16xf32> to vector<16xf32>
      %swap3A_534 = vector.shape_cast %add3A_529 : vector<16xf32> to vector<1x16xf32>
      tpu.vector_store %arg10[%swap3A_530, %swap3A_531], %swap3A_534 {strides = array<i32>} : memref<32x1024xf32, #tpu.memory_space<vmem>>, vector<1x16xf32>,
      %get3A_535 = arith.index_cast %scan3A_48 : i32 to index
      %get3A_536 = arith.constant 480 : index
      %get3A_537 = tpu.vector_load %arg10[%get3A_535, %get3A_536] {strides = array<i32>} : memref<32x1024xf32, #tpu.memory_space<vmem>>, vector<1x16xf32>,
      %get3A_538 = vector.shape_cast %get3A_537 : vector<1x16xf32> to vector<16xf32>
      %mul3A_539 = arith.mulf %get3A_538, %get3A_51 : vector<16xf32>
      %get3A_540 = arith.index_cast %scan3A_48 : i32 to index
      %get3A_541 = arith.constant 480 : index
      %get3A_542 = tpu.vector_load %arg11[%get3A_540, %get3A_541] {strides = array<i32>} : memref<32x1024xf32, #tpu.memory_space<vmem>>, vector<1x16xf32>,
      %get3A_543 = vector.shape_cast %get3A_542 : vector<1x16xf32> to vector<16xf32>
      %mul3A_544 = arith.mulf %get3A_543, %get3A_55 : vector<16xf32>
      %add3A_545 = arith.addf %mul3A_539, %mul3A_544 : vector<16xf32>
      %swap3A_546 = arith.index_cast %scan3A_48 : i32 to index
      %swap3A_547 = arith.constant 480 : index
      %swap3A_548 = tpu.vector_load %arg10[%swap3A_546, %swap3A_547] {strides = array<i32>} : memref<32x1024xf32, #tpu.memory_space<vmem>>, vector<1x16xf32>,
      %swap3A_549 = vector.shape_cast %swap3A_548 : vector<1x16xf32> to vector<16xf32>
      %swap3A_550 = vector.shape_cast %add3A_545 : vector<16xf32> to vector<1x16xf32>
      tpu.vector_store %arg10[%swap3A_546, %swap3A_547], %swap3A_550 {strides = array<i32>} : memref<32x1024xf32, #tpu.memory_space<vmem>>, vector<1x16xf32>,
      %get3A_551 = arith.index_cast %scan3A_48 : i32 to index
      %get3A_552 = arith.constant 496 : index
      %get3A_553 = tpu.vector_load %arg10[%get3A_551, %get3A_552] {strides = array<i32>} : memref<32x1024xf32, #tpu.memory_space<vmem>>, vector<1x16xf32>,
      %get3A_554 = vector.shape_cast %get3A_553 : vector<1x16xf32> to vector<16xf32>
      %mul3A_555 = arith.mulf %get3A_554, %get3A_51 : vector<16xf32>
      %get3A_556 = arith.index_cast %scan3A_48 : i32 to index
      %get3A_557 = arith.constant 496 : index
      %get3A_558 = tpu.vector_load %arg11[%get3A_556, %get3A_557] {strides = array<i32>} : memref<32x1024xf32, #tpu.memory_space<vmem>>, vector<1x16xf32>,
      %get3A_559 = vector.shape_cast %get3A_558 : vector<1x16xf32> to vector<16xf32>
      %mul3A_560 = arith.mulf %get3A_559, %get3A_55 : vector<16xf32>
      %add3A_561 = arith.addf %mul3A_555, %mul3A_560 : vector<16xf32>
      %swap3A_562 = arith.index_cast %scan3A_48 : i32 to index
      %swap3A_563 = arith.constant 496 : index
      %swap3A_564 = tpu.vector_load %arg10[%swap3A_562, %swap3A_563] {strides = array<i32>} : memref<32x1024xf32, #tpu.memory_space<vmem>>, vector<1x16xf32>,
      %swap3A_565 = vector.shape_cast %swap3A_564 : vector<1x16xf32> to vector<16xf32>
      %swap3A_566 = vector.shape_cast %add3A_561 : vector<16xf32> to vector<1x16xf32>
      tpu.vector_store %arg10[%swap3A_562, %swap3A_563], %swap3A_566 {strides = array<i32>} : memref<32x1024xf32, #tpu.memory_space<vmem>>, vector<1x16xf32>,
      %get3A_567 = arith.index_cast %scan3A_48 : i32 to index
      %get3A_568 = arith.constant 512 : index
      %get3A_569 = tpu.vector_load %arg10[%get3A_567, %get3A_568] {strides = array<i32>} : memref<32x1024xf32, #tpu.memory_space<vmem>>, vector<1x16xf32>,
      %get3A_570 = vector.shape_cast %get3A_569 : vector<1x16xf32> to vector<16xf32>
      %mul3A_571 = arith.mulf %get3A_570, %get3A_51 : vector<16xf32>
      %get3A_572 = arith.index_cast %scan3A_48 : i32 to index
      %get3A_573 = arith.constant 512 : index
      %get3A_574 = tpu.vector_load %arg11[%get3A_572, %get3A_573] {strides = array<i32>} : memref<32x1024xf32, #tpu.memory_space<vmem>>, vector<1x16xf32>,
      %get3A_575 = vector.shape_cast %get3A_574 : vector<1x16xf32> to vector<16xf32>
      %mul3A_576 = arith.mulf %get3A_575, %get3A_55 : vector<16xf32>
      %add3A_577 = arith.addf %mul3A_571, %mul3A_576 : vector<16xf32>
      %swap3A_578 = arith.index_cast %scan3A_48 : i32 to index
      %swap3A_579 = arith.constant 512 : index
      %swap3A_580 = tpu.vector_load %arg10[%swap3A_578, %swap3A_579] {strides = array<i32>} : memref<32x1024xf32, #tpu.memory_space<vmem>>, vector<1x16xf32>,
      %swap3A_581 = vector.shape_cast %swap3A_580 : vector<1x16xf32> to vector<16xf32>
      %swap3A_582 = vector.shape_cast %add3A_577 : vector<16xf32> to vector<1x16xf32>
      tpu.vector_store %arg10[%swap3A_578, %swap3A_579], %swap3A_582 {strides = array<i32>} : memref<32x1024xf32, #tpu.memory_space<vmem>>, vector<1x16xf32>,
      %get3A_583 = arith.index_cast %scan3A_48 : i32 to index
      %get3A_584 = arith.constant 528 : index
      %get3A_585 = tpu.vector_load %arg10[%get3A_583, %get3A_584] {strides = array<i32>} : memref<32x1024xf32, #tpu.memory_space<vmem>>, vector<1x16xf32>,
      %get3A_586 = vector.shape_cast %get3A_585 : vector<1x16xf32> to vector<16xf32>
      %mul3A_587 = arith.mulf %get3A_586, %get3A_51 : vector<16xf32>
      %get3A_588 = arith.index_cast %scan3A_48 : i32 to index
      %get3A_589 = arith.constant 528 : index
      %get3A_590 = tpu.vector_load %arg11[%get3A_588, %get3A_589] {strides = array<i32>} : memref<32x1024xf32, #tpu.memory_space<vmem>>, vector<1x16xf32>,
      %get3A_591 = vector.shape_cast %get3A_590 : vector<1x16xf32> to vector<16xf32>
      %mul3A_592 = arith.mulf %get3A_591, %get3A_55 : vector<16xf32>
      %add3A_593 = arith.addf %mul3A_587, %mul3A_592 : vector<16xf32>
      %swap3A_594 = arith.index_cast %scan3A_48 : i32 to index
      %swap3A_595 = arith.constant 528 : index
      %swap3A_596 = tpu.vector_load %arg10[%swap3A_594, %swap3A_595] {strides = array<i32>} : memref<32x1024xf32, #tpu.memory_space<vmem>>, vector<1x16xf32>,
      %swap3A_597 = vector.shape_cast %swap3A_596 : vector<1x16xf32> to vector<16xf32>
      %swap3A_598 = vector.shape_cast %add3A_593 : vector<16xf32> to vector<1x16xf32>
      tpu.vector_store %arg10[%swap3A_594, %swap3A_595], %swap3A_598 {strides = array<i32>} : memref<32x1024xf32, #tpu.memory_space<vmem>>, vector<1x16xf32>,
      %get3A_599 = arith.index_cast %scan3A_48 : i32 to index
      %get3A_600 = arith.constant 544 : index
      %get3A_601 = tpu.vector_load %arg10[%get3A_599, %get3A_600] {strides = array<i32>} : memref<32x1024xf32, #tpu.memory_space<vmem>>, vector<1x16xf32>,
      %get3A_602 = vector.shape_cast %get3A_601 : vector<1x16xf32> to vector<16xf32>
      %mul3A_603 = arith.mulf %get3A_602, %get3A_51 : vector<16xf32>
      %get3A_604 = arith.index_cast %scan3A_48 : i32 to index
      %get3A_605 = arith.constant 544 : index
      %get3A_606 = tpu.vector_load %arg11[%get3A_604, %get3A_605] {strides = array<i32>} : memref<32x1024xf32, #tpu.memory_space<vmem>>, vector<1x16xf32>,
      %get3A_607 = vector.shape_cast %get3A_606 : vector<1x16xf32> to vector<16xf32>
      %mul3A_608 = arith.mulf %get3A_607, %get3A_55 : vector<16xf32>
      %add3A_609 = arith.addf %mul3A_603, %mul3A_608 : vector<16xf32>
      %swap3A_610 = arith.index_cast %scan3A_48 : i32 to index
      %swap3A_611 = arith.constant 544 : index
      %swap3A_612 = tpu.vector_load %arg10[%swap3A_610, %swap3A_611] {strides = array<i32>} : memref<32x1024xf32, #tpu.memory_space<vmem>>, vector<1x16xf32>,
      %swap3A_613 = vector.shape_cast %swap3A_612 : vector<1x16xf32> to vector<16xf32>
      %swap3A_614 = vector.shape_cast %add3A_609 : vector<16xf32> to vector<1x16xf32>
      tpu.vector_store %arg10[%swap3A_610, %swap3A_611], %swap3A_614 {strides = array<i32>} : memref<32x1024xf32, #tpu.memory_space<vmem>>, vector<1x16xf32>,
      %get3A_615 = arith.index_cast %scan3A_48 : i32 to index
      %get3A_616 = arith.constant 560 : index
      %get3A_617 = tpu.vector_load %arg10[%get3A_615, %get3A_616] {strides = array<i32>} : memref<32x1024xf32, #tpu.memory_space<vmem>>, vector<1x16xf32>,
      %get3A_618 = vector.shape_cast %get3A_617 : vector<1x16xf32> to vector<16xf32>
      %mul3A_619 = arith.mulf %get3A_618, %get3A_51 : vector<16xf32>
      %get3A_620 = arith.index_cast %scan3A_48 : i32 to index
      %get3A_621 = arith.constant 560 : index
      %get3A_622 = tpu.vector_load %arg11[%get3A_620, %get3A_621] {strides = array<i32>} : memref<32x1024xf32, #tpu.memory_space<vmem>>, vector<1x16xf32>,
      %get3A_623 = vector.shape_cast %get3A_622 : vector<1x16xf32> to vector<16xf32>
      %mul3A_624 = arith.mulf %get3A_623, %get3A_55 : vector<16xf32>
      %add3A_625 = arith.addf %mul3A_619, %mul3A_624 : vector<16xf32>
      %swap3A_626 = arith.index_cast %scan3A_48 : i32 to index
      %swap3A_627 = arith.constant 560 : index
      %swap3A_628 = tpu.vector_load %arg10[%swap3A_626, %swap3A_627] {strides = array<i32>} : memref<32x1024xf32, #tpu.memory_space<vmem>>, vector<1x16xf32>,
      %swap3A_629 = vector.shape_cast %swap3A_628 : vector<1x16xf32> to vector<16xf32>
      %swap3A_630 = vector.shape_cast %add3A_625 : vector<16xf32> to vector<1x16xf32>
      tpu.vector_store %arg10[%swap3A_626, %swap3A_627], %swap3A_630 {strides = array<i32>} : memref<32x1024xf32, #tpu.memory_space<vmem>>, vector<1x16xf32>,
      %get3A_631 = arith.index_cast %scan3A_48 : i32 to index
      %get3A_632 = arith.constant 576 : index
      %get3A_633 = tpu.vector_load %arg10[%get3A_631, %get3A_632] {strides = array<i32>} : memref<32x1024xf32, #tpu.memory_space<vmem>>, vector<1x16xf32>,
      %get3A_634 = vector.shape_cast %get3A_633 : vector<1x16xf32> to vector<16xf32>
      %mul3A_635 = arith.mulf %get3A_634, %get3A_51 : vector<16xf32>
      %get3A_636 = arith.index_cast %scan3A_48 : i32 to index
      %get3A_637 = arith.constant 576 : index
      %get3A_638 = tpu.vector_load %arg11[%get3A_636, %get3A_637] {strides = array<i32>} : memref<32x1024xf32, #tpu.memory_space<vmem>>, vector<1x16xf32>,
      %get3A_639 = vector.shape_cast %get3A_638 : vector<1x16xf32> to vector<16xf32>
      %mul3A_640 = arith.mulf %get3A_639, %get3A_55 : vector<16xf32>
      %add3A_641 = arith.addf %mul3A_635, %mul3A_640 : vector<16xf32>
      %swap3A_642 = arith.index_cast %scan3A_48 : i32 to index
      %swap3A_643 = arith.constant 576 : index
      %swap3A_644 = tpu.vector_load %arg10[%swap3A_642, %swap3A_643] {strides = array<i32>} : memref<32x1024xf32, #tpu.memory_space<vmem>>, vector<1x16xf32>,
      %swap3A_645 = vector.shape_cast %swap3A_644 : vector<1x16xf32> to vector<16xf32>
      %swap3A_646 = vector.shape_cast %add3A_641 : vector<16xf32> to vector<1x16xf32>
      tpu.vector_store %arg10[%swap3A_642, %swap3A_643], %swap3A_646 {strides = array<i32>} : memref<32x1024xf32, #tpu.memory_space<vmem>>, vector<1x16xf32>,
      %get3A_647 = arith.index_cast %scan3A_48 : i32 to index
      %get3A_648 = arith.constant 592 : index
      %get3A_649 = tpu.vector_load %arg10[%get3A_647, %get3A_648] {strides = array<i32>} : memref<32x1024xf32, #tpu.memory_space<vmem>>, vector<1x16xf32>,
      %get3A_650 = vector.shape_cast %get3A_649 : vector<1x16xf32> to vector<16xf32>
      %mul3A_651 = arith.mulf %get3A_650, %get3A_51 : vector<16xf32>
      %get3A_652 = arith.index_cast %scan3A_48 : i32 to index
      %get3A_653 = arith.constant 592 : index
      %get3A_654 = tpu.vector_load %arg11[%get3A_652, %get3A_653] {strides = array<i32>} : memref<32x1024xf32, #tpu.memory_space<vmem>>, vector<1x16xf32>,
      %get3A_655 = vector.shape_cast %get3A_654 : vector<1x16xf32> to vector<16xf32>
      %mul3A_656 = arith.mulf %get3A_655, %get3A_55 : vector<16xf32>
      %add3A_657 = arith.addf %mul3A_651, %mul3A_656 : vector<16xf32>
      %swap3A_658 = arith.index_cast %scan3A_48 : i32 to index
      %swap3A_659 = arith.constant 592 : index
      %swap3A_660 = tpu.vector_load %arg10[%swap3A_658, %swap3A_659] {strides = array<i32>} : memref<32x1024xf32, #tpu.memory_space<vmem>>, vector<1x16xf32>,
      %swap3A_661 = vector.shape_cast %swap3A_660 : vector<1x16xf32> to vector<16xf32>
      %swap3A_662 = vector.shape_cast %add3A_657 : vector<16xf32> to vector<1x16xf32>
      tpu.vector_store %arg10[%swap3A_658, %swap3A_659], %swap3A_662 {strides = array<i32>} : memref<32x1024xf32, #tpu.memory_space<vmem>>, vector<1x16xf32>,
      %get3A_663 = arith.index_cast %scan3A_48 : i32 to index
      %get3A_664 = arith.constant 608 : index
      %get3A_665 = tpu.vector_load %arg10[%get3A_663, %get3A_664] {strides = array<i32>} : memref<32x1024xf32, #tpu.memory_space<vmem>>, vector<1x16xf32>,
      %get3A_666 = vector.shape_cast %get3A_665 : vector<1x16xf32> to vector<16xf32>
      %mul3A_667 = arith.mulf %get3A_666, %get3A_51 : vector<16xf32>
      %get3A_668 = arith.index_cast %scan3A_48 : i32 to index
      %get3A_669 = arith.constant 608 : index
      %get3A_670 = tpu.vector_load %arg11[%get3A_668, %get3A_669] {strides = array<i32>} : memref<32x1024xf32, #tpu.memory_space<vmem>>, vector<1x16xf32>,
      %get3A_671 = vector.shape_cast %get3A_670 : vector<1x16xf32> to vector<16xf32>
      %mul3A_672 = arith.mulf %get3A_671, %get3A_55 : vector<16xf32>
      %add3A_673 = arith.addf %mul3A_667, %mul3A_672 : vector<16xf32>
      %swap3A_674 = arith.index_cast %scan3A_48 : i32 to index
      %swap3A_675 = arith.constant 608 : index
      %swap3A_676 = tpu.vector_load %arg10[%swap3A_674, %swap3A_675] {strides = array<i32>} : memref<32x1024xf32, #tpu.memory_space<vmem>>, vector<1x16xf32>,
      %swap3A_677 = vector.shape_cast %swap3A_676 : vector<1x16xf32> to vector<16xf32>
      %swap3A_678 = vector.shape_cast %add3A_673 : vector<16xf32> to vector<1x16xf32>
      tpu.vector_store %arg10[%swap3A_674, %swap3A_675], %swap3A_678 {strides = array<i32>} : memref<32x1024xf32, #tpu.memory_space<vmem>>, vector<1x16xf32>,
      %get3A_679 = arith.index_cast %scan3A_48 : i32 to index
      %get3A_680 = arith.constant 624 : index
      %get3A_681 = tpu.vector_load %arg10[%get3A_679, %get3A_680] {strides = array<i32>} : memref<32x1024xf32, #tpu.memory_space<vmem>>, vector<1x16xf32>,
      %get3A_682 = vector.shape_cast %get3A_681 : vector<1x16xf32> to vector<16xf32>
      %mul3A_683 = arith.mulf %get3A_682, %get3A_51 : vector<16xf32>
      %get3A_684 = arith.index_cast %scan3A_48 : i32 to index
      %get3A_685 = arith.constant 624 : index
      %get3A_686 = tpu.vector_load %arg11[%get3A_684, %get3A_685] {strides = array<i32>} : memref<32x1024xf32, #tpu.memory_space<vmem>>, vector<1x16xf32>,
      %get3A_687 = vector.shape_cast %get3A_686 : vector<1x16xf32> to vector<16xf32>
      %mul3A_688 = arith.mulf %get3A_687, %get3A_55 : vector<16xf32>
      %add3A_689 = arith.addf %mul3A_683, %mul3A_688 : vector<16xf32>
      %swap3A_690 = arith.index_cast %scan3A_48 : i32 to index
      %swap3A_691 = arith.constant 624 : index
      %swap3A_692 = tpu.vector_load %arg10[%swap3A_690, %swap3A_691] {strides = array<i32>} : memref<32x1024xf32, #tpu.memory_space<vmem>>, vector<1x16xf32>,
      %swap3A_693 = vector.shape_cast %swap3A_692 : vector<1x16xf32> to vector<16xf32>
      %swap3A_694 = vector.shape_cast %add3A_689 : vector<16xf32> to vector<1x16xf32>
      tpu.vector_store %arg10[%swap3A_690, %swap3A_691], %swap3A_694 {strides = array<i32>} : memref<32x1024xf32, #tpu.memory_space<vmem>>, vector<1x16xf32>,
      %get3A_695 = arith.index_cast %scan3A_48 : i32 to index
      %get3A_696 = arith.constant 640 : index
      %get3A_697 = tpu.vector_load %arg10[%get3A_695, %get3A_696] {strides = array<i32>} : memref<32x1024xf32, #tpu.memory_space<vmem>>, vector<1x16xf32>,
      %get3A_698 = vector.shape_cast %get3A_697 : vector<1x16xf32> to vector<16xf32>
      %mul3A_699 = arith.mulf %get3A_698, %get3A_51 : vector<16xf32>
      %get3A_700 = arith.index_cast %scan3A_48 : i32 to index
      %get3A_701 = arith.constant 640 : index
      %get3A_702 = tpu.vector_load %arg11[%get3A_700, %get3A_701] {strides = array<i32>} : memref<32x1024xf32, #tpu.memory_space<vmem>>, vector<1x16xf32>,
      %get3A_703 = vector.shape_cast %get3A_702 : vector<1x16xf32> to vector<16xf32>
      %mul3A_704 = arith.mulf %get3A_703, %get3A_55 : vector<16xf32>
      %add3A_705 = arith.addf %mul3A_699, %mul3A_704 : vector<16xf32>
      %swap3A_706 = arith.index_cast %scan3A_48 : i32 to index
      %swap3A_707 = arith.constant 640 : index
      %swap3A_708 = tpu.vector_load %arg10[%swap3A_706, %swap3A_707] {strides = array<i32>} : memref<32x1024xf32, #tpu.memory_space<vmem>>, vector<1x16xf32>,
      %swap3A_709 = vector.shape_cast %swap3A_708 : vector<1x16xf32> to vector<16xf32>
      %swap3A_710 = vector.shape_cast %add3A_705 : vector<16xf32> to vector<1x16xf32>
      tpu.vector_store %arg10[%swap3A_706, %swap3A_707], %swap3A_710 {strides = array<i32>} : memref<32x1024xf32, #tpu.memory_space<vmem>>, vector<1x16xf32>,
      %get3A_711 = arith.index_cast %scan3A_48 : i32 to index
      %get3A_712 = arith.constant 656 : index
      %get3A_713 = tpu.vector_load %arg10[%get3A_711, %get3A_712] {strides = array<i32>} : memref<32x1024xf32, #tpu.memory_space<vmem>>, vector<1x16xf32>,
      %get3A_714 = vector.shape_cast %get3A_713 : vector<1x16xf32> to vector<16xf32>
      %mul3A_715 = arith.mulf %get3A_714, %get3A_51 : vector<16xf32>
      %get3A_716 = arith.index_cast %scan3A_48 : i32 to index
      %get3A_717 = arith.constant 656 : index
      %get3A_718 = tpu.vector_load %arg11[%get3A_716, %get3A_717] {strides = array<i32>} : memref<32x1024xf32, #tpu.memory_space<vmem>>, vector<1x16xf32>,
      %get3A_719 = vector.shape_cast %get3A_718 : vector<1x16xf32> to vector<16xf32>
      %mul3A_720 = arith.mulf %get3A_719, %get3A_55 : vector<16xf32>
      %add3A_721 = arith.addf %mul3A_715, %mul3A_720 : vector<16xf32>
      %swap3A_722 = arith.index_cast %scan3A_48 : i32 to index
      %swap3A_723 = arith.constant 656 : index
      %swap3A_724 = tpu.vector_load %arg10[%swap3A_722, %swap3A_723] {strides = array<i32>} : memref<32x1024xf32, #tpu.memory_space<vmem>>, vector<1x16xf32>,
      %swap3A_725 = vector.shape_cast %swap3A_724 : vector<1x16xf32> to vector<16xf32>
      %swap3A_726 = vector.shape_cast %add3A_721 : vector<16xf32> to vector<1x16xf32>
      tpu.vector_store %arg10[%swap3A_722, %swap3A_723], %swap3A_726 {strides = array<i32>} : memref<32x1024xf32, #tpu.memory_space<vmem>>, vector<1x16xf32>,
      %get3A_727 = arith.index_cast %scan3A_48 : i32 to index
      %get3A_728 = arith.constant 672 : index
      %get3A_729 = tpu.vector_load %arg10[%get3A_727, %get3A_728] {strides = array<i32>} : memref<32x1024xf32, #tpu.memory_space<vmem>>, vector<1x16xf32>,
      %get3A_730 = vector.shape_cast %get3A_729 : vector<1x16xf32> to vector<16xf32>
      %mul3A_731 = arith.mulf %get3A_730, %get3A_51 : vector<16xf32>
      %get3A_732 = arith.index_cast %scan3A_48 : i32 to index
      %get3A_733 = arith.constant 672 : index
      %get3A_734 = tpu.vector_load %arg11[%get3A_732, %get3A_733] {strides = array<i32>} : memref<32x1024xf32, #tpu.memory_space<vmem>>, vector<1x16xf32>,
      %get3A_735 = vector.shape_cast %get3A_734 : vector<1x16xf32> to vector<16xf32>
      %mul3A_736 = arith.mulf %get3A_735, %get3A_55 : vector<16xf32>
      %add3A_737 = arith.addf %mul3A_731, %mul3A_736 : vector<16xf32>
      %swap3A_738 = arith.index_cast %scan3A_48 : i32 to index
      %swap3A_739 = arith.constant 672 : index
      %swap3A_740 = tpu.vector_load %arg10[%swap3A_738, %swap3A_739] {strides = array<i32>} : memref<32x1024xf32, #tpu.memory_space<vmem>>, vector<1x16xf32>,
      %swap3A_741 = vector.shape_cast %swap3A_740 : vector<1x16xf32> to vector<16xf32>
      %swap3A_742 = vector.shape_cast %add3A_737 : vector<16xf32> to vector<1x16xf32>
      tpu.vector_store %arg10[%swap3A_738, %swap3A_739], %swap3A_742 {strides = array<i32>} : memref<32x1024xf32, #tpu.memory_space<vmem>>, vector<1x16xf32>,
      %get3A_743 = arith.index_cast %scan3A_48 : i32 to index
      %get3A_744 = arith.constant 688 : index
      %get3A_745 = tpu.vector_load %arg10[%get3A_743, %get3A_744] {strides = array<i32>} : memref<32x1024xf32, #tpu.memory_space<vmem>>, vector<1x16xf32>,
      %get3A_746 = vector.shape_cast %get3A_745 : vector<1x16xf32> to vector<16xf32>
      %mul3A_747 = arith.mulf %get3A_746, %get3A_51 : vector<16xf32>
      %get3A_748 = arith.index_cast %scan3A_48 : i32 to index
      %get3A_749 = arith.constant 688 : index
      %get3A_750 = tpu.vector_load %arg11[%get3A_748, %get3A_749] {strides = array<i32>} : memref<32x1024xf32, #tpu.memory_space<vmem>>, vector<1x16xf32>,
      %get3A_751 = vector.shape_cast %get3A_750 : vector<1x16xf32> to vector<16xf32>
      %mul3A_752 = arith.mulf %get3A_751, %get3A_55 : vector<16xf32>
      %add3A_753 = arith.addf %mul3A_747, %mul3A_752 : vector<16xf32>
      %swap3A_754 = arith.index_cast %scan3A_48 : i32 to index
      %swap3A_755 = arith.constant 688 : index
      %swap3A_756 = tpu.vector_load %arg10[%swap3A_754, %swap3A_755] {strides = array<i32>} : memref<32x1024xf32, #tpu.memory_space<vmem>>, vector<1x16xf32>,
      %swap3A_757 = vector.shape_cast %swap3A_756 : vector<1x16xf32> to vector<16xf32>
      %swap3A_758 = vector.shape_cast %add3A_753 : vector<16xf32> to vector<1x16xf32>
      tpu.vector_store %arg10[%swap3A_754, %swap3A_755], %swap3A_758 {strides = array<i32>} : memref<32x1024xf32, #tpu.memory_space<vmem>>, vector<1x16xf32>,
      %get3A_759 = arith.index_cast %scan3A_48 : i32 to index
      %get3A_760 = arith.constant 704 : index
      %get3A_761 = tpu.vector_load %arg10[%get3A_759, %get3A_760] {strides = array<i32>} : memref<32x1024xf32, #tpu.memory_space<vmem>>, vector<1x16xf32>,
      %get3A_762 = vector.shape_cast %get3A_761 : vector<1x16xf32> to vector<16xf32>
      %mul3A_763 = arith.mulf %get3A_762, %get3A_51 : vector<16xf32>
      %get3A_764 = arith.index_cast %scan3A_48 : i32 to index
      %get3A_765 = arith.constant 704 : index
      %get3A_766 = tpu.vector_load %arg11[%get3A_764, %get3A_765] {strides = array<i32>} : memref<32x1024xf32, #tpu.memory_space<vmem>>, vector<1x16xf32>,
      %get3A_767 = vector.shape_cast %get3A_766 : vector<1x16xf32> to vector<16xf32>
      %mul3A_768 = arith.mulf %get3A_767, %get3A_55 : vector<16xf32>
      %add3A_769 = arith.addf %mul3A_763, %mul3A_768 : vector<16xf32>
      %swap3A_770 = arith.index_cast %scan3A_48 : i32 to index
      %swap3A_771 = arith.constant 704 : index
      %swap3A_772 = tpu.vector_load %arg10[%swap3A_770, %swap3A_771] {strides = array<i32>} : memref<32x1024xf32, #tpu.memory_space<vmem>>, vector<1x16xf32>,
      %swap3A_773 = vector.shape_cast %swap3A_772 : vector<1x16xf32> to vector<16xf32>
      %swap3A_774 = vector.shape_cast %add3A_769 : vector<16xf32> to vector<1x16xf32>
      tpu.vector_store %arg10[%swap3A_770, %swap3A_771], %swap3A_774 {strides = array<i32>} : memref<32x1024xf32, #tpu.memory_space<vmem>>, vector<1x16xf32>,
      %get3A_775 = arith.index_cast %scan3A_48 : i32 to index
      %get3A_776 = arith.constant 720 : index
      %get3A_777 = tpu.vector_load %arg10[%get3A_775, %get3A_776] {strides = array<i32>} : memref<32x1024xf32, #tpu.memory_space<vmem>>, vector<1x16xf32>,
      %get3A_778 = vector.shape_cast %get3A_777 : vector<1x16xf32> to vector<16xf32>
      %mul3A_779 = arith.mulf %get3A_778, %get3A_51 : vector<16xf32>
      %get3A_780 = arith.index_cast %scan3A_48 : i32 to index
      %get3A_781 = arith.constant 720 : index
      %get3A_782 = tpu.vector_load %arg11[%get3A_780, %get3A_781] {strides = array<i32>} : memref<32x1024xf32, #tpu.memory_space<vmem>>, vector<1x16xf32>,
      %get3A_783 = vector.shape_cast %get3A_782 : vector<1x16xf32> to vector<16xf32>
      %mul3A_784 = arith.mulf %get3A_783, %get3A_55 : vector<16xf32>
      %add3A_785 = arith.addf %mul3A_779, %mul3A_784 : vector<16xf32>
      %swap3A_786 = arith.index_cast %scan3A_48 : i32 to index
      %swap3A_787 = arith.constant 720 : index
      %swap3A_788 = tpu.vector_load %arg10[%swap3A_786, %swap3A_787] {strides = array<i32>} : memref<32x1024xf32, #tpu.memory_space<vmem>>, vector<1x16xf32>,
      %swap3A_789 = vector.shape_cast %swap3A_788 : vector<1x16xf32> to vector<16xf32>
      %swap3A_790 = vector.shape_cast %add3A_785 : vector<16xf32> to vector<1x16xf32>
      tpu.vector_store %arg10[%swap3A_786, %swap3A_787], %swap3A_790 {strides = array<i32>} : memref<32x1024xf32, #tpu.memory_space<vmem>>, vector<1x16xf32>,
      %get3A_791 = arith.index_cast %scan3A_48 : i32 to index
      %get3A_792 = arith.constant 736 : index
      %get3A_793 = tpu.vector_load %arg10[%get3A_791, %get3A_792] {strides = array<i32>} : memref<32x1024xf32, #tpu.memory_space<vmem>>, vector<1x16xf32>,
      %get3A_794 = vector.shape_cast %get3A_793 : vector<1x16xf32> to vector<16xf32>
      %mul3A_795 = arith.mulf %get3A_794, %get3A_51 : vector<16xf32>
      %get3A_796 = arith.index_cast %scan3A_48 : i32 to index
      %get3A_797 = arith.constant 736 : index
      %get3A_798 = tpu.vector_load %arg11[%get3A_796, %get3A_797] {strides = array<i32>} : memref<32x1024xf32, #tpu.memory_space<vmem>>, vector<1x16xf32>,
      %get3A_799 = vector.shape_cast %get3A_798 : vector<1x16xf32> to vector<16xf32>
      %mul3A_800 = arith.mulf %get3A_799, %get3A_55 : vector<16xf32>
      %add3A_801 = arith.addf %mul3A_795, %mul3A_800 : vector<16xf32>
      %swap3A_802 = arith.index_cast %scan3A_48 : i32 to index
      %swap3A_803 = arith.constant 736 : index
      %swap3A_804 = tpu.vector_load %arg10[%swap3A_802, %swap3A_803] {strides = array<i32>} : memref<32x1024xf32, #tpu.memory_space<vmem>>, vector<1x16xf32>,
      %swap3A_805 = vector.shape_cast %swap3A_804 : vector<1x16xf32> to vector<16xf32>
      %swap3A_806 = vector.shape_cast %add3A_801 : vector<16xf32> to vector<1x16xf32>
      tpu.vector_store %arg10[%swap3A_802, %swap3A_803], %swap3A_806 {strides = array<i32>} : memref<32x1024xf32, #tpu.memory_space<vmem>>, vector<1x16xf32>,
      %get3A_807 = arith.index_cast %scan3A_48 : i32 to index
      %get3A_808 = arith.constant 752 : index
      %get3A_809 = tpu.vector_load %arg10[%get3A_807, %get3A_808] {strides = array<i32>} : memref<32x1024xf32, #tpu.memory_space<vmem>>, vector<1x16xf32>,
      %get3A_810 = vector.shape_cast %get3A_809 : vector<1x16xf32> to vector<16xf32>
      %mul3A_811 = arith.mulf %get3A_810, %get3A_51 : vector<16xf32>
      %get3A_812 = arith.index_cast %scan3A_48 : i32 to index
      %get3A_813 = arith.constant 752 : index
      %get3A_814 = tpu.vector_load %arg11[%get3A_812, %get3A_813] {strides = array<i32>} : memref<32x1024xf32, #tpu.memory_space<vmem>>, vector<1x16xf32>,
      %get3A_815 = vector.shape_cast %get3A_814 : vector<1x16xf32> to vector<16xf32>
      %mul3A_816 = arith.mulf %get3A_815, %get3A_55 : vector<16xf32>
      %add3A_817 = arith.addf %mul3A_811, %mul3A_816 : vector<16xf32>
      %swap3A_818 = arith.index_cast %scan3A_48 : i32 to index
      %swap3A_819 = arith.constant 752 : index
      %swap3A_820 = tpu.vector_load %arg10[%swap3A_818, %swap3A_819] {strides = array<i32>} : memref<32x1024xf32, #tpu.memory_space<vmem>>, vector<1x16xf32>,
      %swap3A_821 = vector.shape_cast %swap3A_820 : vector<1x16xf32> to vector<16xf32>
      %swap3A_822 = vector.shape_cast %add3A_817 : vector<16xf32> to vector<1x16xf32>
      tpu.vector_store %arg10[%swap3A_818, %swap3A_819], %swap3A_822 {strides = array<i32>} : memref<32x1024xf32, #tpu.memory_space<vmem>>, vector<1x16xf32>,
      %get3A_823 = arith.index_cast %scan3A_48 : i32 to index
      %get3A_824 = arith.constant 768 : index
      %get3A_825 = tpu.vector_load %arg10[%get3A_823, %get3A_824] {strides = array<i32>} : memref<32x1024xf32, #tpu.memory_space<vmem>>, vector<1x16xf32>,
      %get3A_826 = vector.shape_cast %get3A_825 : vector<1x16xf32> to vector<16xf32>
      %mul3A_827 = arith.mulf %get3A_826, %get3A_51 : vector<16xf32>
      %get3A_828 = arith.index_cast %scan3A_48 : i32 to index
      %get3A_829 = arith.constant 768 : index
      %get3A_830 = tpu.vector_load %arg11[%get3A_828, %get3A_829] {strides = array<i32>} : memref<32x1024xf32, #tpu.memory_space<vmem>>, vector<1x16xf32>,
      %get3A_831 = vector.shape_cast %get3A_830 : vector<1x16xf32> to vector<16xf32>
      %mul3A_832 = arith.mulf %get3A_831, %get3A_55 : vector<16xf32>
      %add3A_833 = arith.addf %mul3A_827, %mul3A_832 : vector<16xf32>
      %swap3A_834 = arith.index_cast %scan3A_48 : i32 to index
      %swap3A_835 = arith.constant 768 : index
      %swap3A_836 = tpu.vector_load %arg10[%swap3A_834, %swap3A_835] {strides = array<i32>} : memref<32x1024xf32, #tpu.memory_space<vmem>>, vector<1x16xf32>,
      %swap3A_837 = vector.shape_cast %swap3A_836 : vector<1x16xf32> to vector<16xf32>
      %swap3A_838 = vector.shape_cast %add3A_833 : vector<16xf32> to vector<1x16xf32>
      tpu.vector_store %arg10[%swap3A_834, %swap3A_835], %swap3A_838 {strides = array<i32>} : memref<32x1024xf32, #tpu.memory_space<vmem>>, vector<1x16xf32>,
      %get3A_839 = arith.index_cast %scan3A_48 : i32 to index
      %get3A_840 = arith.constant 784 : index
      %get3A_841 = tpu.vector_load %arg10[%get3A_839, %get3A_840] {strides = array<i32>} : memref<32x1024xf32, #tpu.memory_space<vmem>>, vector<1x16xf32>,
      %get3A_842 = vector.shape_cast %get3A_841 : vector<1x16xf32> to vector<16xf32>
      %mul3A_843 = arith.mulf %get3A_842, %get3A_51 : vector<16xf32>
      %get3A_844 = arith.index_cast %scan3A_48 : i32 to index
      %get3A_845 = arith.constant 784 : index
      %get3A_846 = tpu.vector_load %arg11[%get3A_844, %get3A_845] {strides = array<i32>} : memref<32x1024xf32, #tpu.memory_space<vmem>>, vector<1x16xf32>,
      %get3A_847 = vector.shape_cast %get3A_846 : vector<1x16xf32> to vector<16xf32>
      %mul3A_848 = arith.mulf %get3A_847, %get3A_55 : vector<16xf32>
      %add3A_849 = arith.addf %mul3A_843, %mul3A_848 : vector<16xf32>
      %swap3A_850 = arith.index_cast %scan3A_48 : i32 to index
      %swap3A_851 = arith.constant 784 : index
      %swap3A_852 = tpu.vector_load %arg10[%swap3A_850, %swap3A_851] {strides = array<i32>} : memref<32x1024xf32, #tpu.memory_space<vmem>>, vector<1x16xf32>,
      %swap3A_853 = vector.shape_cast %swap3A_852 : vector<1x16xf32> to vector<16xf32>
      %swap3A_854 = vector.shape_cast %add3A_849 : vector<16xf32> to vector<1x16xf32>
      tpu.vector_store %arg10[%swap3A_850, %swap3A_851], %swap3A_854 {strides = array<i32>} : memref<32x1024xf32, #tpu.memory_space<vmem>>, vector<1x16xf32>,
      %get3A_855 = arith.index_cast %scan3A_48 : i32 to index
      %get3A_856 = arith.constant 800 : index
      %get3A_857 = tpu.vector_load %arg10[%get3A_855, %get3A_856] {strides = array<i32>} : memref<32x1024xf32, #tpu.memory_space<vmem>>, vector<1x16xf32>,
      %get3A_858 = vector.shape_cast %get3A_857 : vector<1x16xf32> to vector<16xf32>
      %mul3A_859 = arith.mulf %get3A_858, %get3A_51 : vector<16xf32>
      %get3A_860 = arith.index_cast %scan3A_48 : i32 to index
      %get3A_861 = arith.constant 800 : index
      %get3A_862 = tpu.vector_load %arg11[%get3A_860, %get3A_861] {strides = array<i32>} : memref<32x1024xf32, #tpu.memory_space<vmem>>, vector<1x16xf32>,
      %get3A_863 = vector.shape_cast %get3A_862 : vector<1x16xf32> to vector<16xf32>
      %mul3A_864 = arith.mulf %get3A_863, %get3A_55 : vector<16xf32>
      %add3A_865 = arith.addf %mul3A_859, %mul3A_864 : vector<16xf32>
      %swap3A_866 = arith.index_cast %scan3A_48 : i32 to index
      %swap3A_867 = arith.constant 800 : index
      %swap3A_868 = tpu.vector_load %arg10[%swap3A_866, %swap3A_867] {strides = array<i32>} : memref<32x1024xf32, #tpu.memory_space<vmem>>, vector<1x16xf32>,
      %swap3A_869 = vector.shape_cast %swap3A_868 : vector<1x16xf32> to vector<16xf32>
      %swap3A_870 = vector.shape_cast %add3A_865 : vector<16xf32> to vector<1x16xf32>
      tpu.vector_store %arg10[%swap3A_866, %swap3A_867], %swap3A_870 {strides = array<i32>} : memref<32x1024xf32, #tpu.memory_space<vmem>>, vector<1x16xf32>,
      %get3A_871 = arith.index_cast %scan3A_48 : i32 to index
      %get3A_872 = arith.constant 816 : index
      %get3A_873 = tpu.vector_load %arg10[%get3A_871, %get3A_872] {strides = array<i32>} : memref<32x1024xf32, #tpu.memory_space<vmem>>, vector<1x16xf32>,
      %get3A_874 = vector.shape_cast %get3A_873 : vector<1x16xf32> to vector<16xf32>
      %mul3A_875 = arith.mulf %get3A_874, %get3A_51 : vector<16xf32>
      %get3A_876 = arith.index_cast %scan3A_48 : i32 to index
      %get3A_877 = arith.constant 816 : index
      %get3A_878 = tpu.vector_load %arg11[%get3A_876, %get3A_877] {strides = array<i32>} : memref<32x1024xf32, #tpu.memory_space<vmem>>, vector<1x16xf32>,
      %get3A_879 = vector.shape_cast %get3A_878 : vector<1x16xf32> to vector<16xf32>
      %mul3A_880 = arith.mulf %get3A_879, %get3A_55 : vector<16xf32>
      %add3A_881 = arith.addf %mul3A_875, %mul3A_880 : vector<16xf32>
      %swap3A_882 = arith.index_cast %scan3A_48 : i32 to index
      %swap3A_883 = arith.constant 816 : index
      %swap3A_884 = tpu.vector_load %arg10[%swap3A_882, %swap3A_883] {strides = array<i32>} : memref<32x1024xf32, #tpu.memory_space<vmem>>, vector<1x16xf32>,
      %swap3A_885 = vector.shape_cast %swap3A_884 : vector<1x16xf32> to vector<16xf32>
      %swap3A_886 = vector.shape_cast %add3A_881 : vector<16xf32> to vector<1x16xf32>
      tpu.vector_store %arg10[%swap3A_882, %swap3A_883], %swap3A_886 {strides = array<i32>} : memref<32x1024xf32, #tpu.memory_space<vmem>>, vector<1x16xf32>,
      %get3A_887 = arith.index_cast %scan3A_48 : i32 to index
      %get3A_888 = arith.constant 832 : index
      %get3A_889 = tpu.vector_load %arg10[%get3A_887, %get3A_888] {strides = array<i32>} : memref<32x1024xf32, #tpu.memory_space<vmem>>, vector<1x16xf32>,
      %get3A_890 = vector.shape_cast %get3A_889 : vector<1x16xf32> to vector<16xf32>
      %mul3A_891 = arith.mulf %get3A_890, %get3A_51 : vector<16xf32>
      %get3A_892 = arith.index_cast %scan3A_48 : i32 to index
      %get3A_893 = arith.constant 832 : index
      %get3A_894 = tpu.vector_load %arg11[%get3A_892, %get3A_893] {strides = array<i32>} : memref<32x1024xf32, #tpu.memory_space<vmem>>, vector<1x16xf32>,
      %get3A_895 = vector.shape_cast %get3A_894 : vector<1x16xf32> to vector<16xf32>
      %mul3A_896 = arith.mulf %get3A_895, %get3A_55 : vector<16xf32>
      %add3A_897 = arith.addf %mul3A_891, %mul3A_896 : vector<16xf32>
      %swap3A_898 = arith.index_cast %scan3A_48 : i32 to index
      %swap3A_899 = arith.constant 832 : index
      %swap3A_900 = tpu.vector_load %arg10[%swap3A_898, %swap3A_899] {strides = array<i32>} : memref<32x1024xf32, #tpu.memory_space<vmem>>, vector<1x16xf32>,
      %swap3A_901 = vector.shape_cast %swap3A_900 : vector<1x16xf32> to vector<16xf32>
      %swap3A_902 = vector.shape_cast %add3A_897 : vector<16xf32> to vector<1x16xf32>
      tpu.vector_store %arg10[%swap3A_898, %swap3A_899], %swap3A_902 {strides = array<i32>} : memref<32x1024xf32, #tpu.memory_space<vmem>>, vector<1x16xf32>,
      %get3A_903 = arith.index_cast %scan3A_48 : i32 to index
      %get3A_904 = arith.constant 848 : index
      %get3A_905 = tpu.vector_load %arg10[%get3A_903, %get3A_904] {strides = array<i32>} : memref<32x1024xf32, #tpu.memory_space<vmem>>, vector<1x16xf32>,
      %get3A_906 = vector.shape_cast %get3A_905 : vector<1x16xf32> to vector<16xf32>
      %mul3A_907 = arith.mulf %get3A_906, %get3A_51 : vector<16xf32>
      %get3A_908 = arith.index_cast %scan3A_48 : i32 to index
      %get3A_909 = arith.constant 848 : index
      %get3A_910 = tpu.vector_load %arg11[%get3A_908, %get3A_909] {strides = array<i32>} : memref<32x1024xf32, #tpu.memory_space<vmem>>, vector<1x16xf32>,
      %get3A_911 = vector.shape_cast %get3A_910 : vector<1x16xf32> to vector<16xf32>
      %mul3A_912 = arith.mulf %get3A_911, %get3A_55 : vector<16xf32>
      %add3A_913 = arith.addf %mul3A_907, %mul3A_912 : vector<16xf32>
      %swap3A_914 = arith.index_cast %scan3A_48 : i32 to index
      %swap3A_915 = arith.constant 848 : index
      %swap3A_916 = tpu.vector_load %arg10[%swap3A_914, %swap3A_915] {strides = array<i32>} : memref<32x1024xf32, #tpu.memory_space<vmem>>, vector<1x16xf32>,
      %swap3A_917 = vector.shape_cast %swap3A_916 : vector<1x16xf32> to vector<16xf32>
      %swap3A_918 = vector.shape_cast %add3A_913 : vector<16xf32> to vector<1x16xf32>
      tpu.vector_store %arg10[%swap3A_914, %swap3A_915], %swap3A_918 {strides = array<i32>} : memref<32x1024xf32, #tpu.memory_space<vmem>>, vector<1x16xf32>,
      %get3A_919 = arith.index_cast %scan3A_48 : i32 to index
      %get3A_920 = arith.constant 864 : index
      %get3A_921 = tpu.vector_load %arg10[%get3A_919, %get3A_920] {strides = array<i32>} : memref<32x1024xf32, #tpu.memory_space<vmem>>, vector<1x16xf32>,
      %get3A_922 = vector.shape_cast %get3A_921 : vector<1x16xf32> to vector<16xf32>
      %mul3A_923 = arith.mulf %get3A_922, %get3A_51 : vector<16xf32>
      %get3A_924 = arith.index_cast %scan3A_48 : i32 to index
      %get3A_925 = arith.constant 864 : index
      %get3A_926 = tpu.vector_load %arg11[%get3A_924, %get3A_925] {strides = array<i32>} : memref<32x1024xf32, #tpu.memory_space<vmem>>, vector<1x16xf32>,
      %get3A_927 = vector.shape_cast %get3A_926 : vector<1x16xf32> to vector<16xf32>
      %mul3A_928 = arith.mulf %get3A_927, %get3A_55 : vector<16xf32>
      %add3A_929 = arith.addf %mul3A_923, %mul3A_928 : vector<16xf32>
      %swap3A_930 = arith.index_cast %scan3A_48 : i32 to index
      %swap3A_931 = arith.constant 864 : index
      %swap3A_932 = tpu.vector_load %arg10[%swap3A_930, %swap3A_931] {strides = array<i32>} : memref<32x1024xf32, #tpu.memory_space<vmem>>, vector<1x16xf32>,
      %swap3A_933 = vector.shape_cast %swap3A_932 : vector<1x16xf32> to vector<16xf32>
      %swap3A_934 = vector.shape_cast %add3A_929 : vector<16xf32> to vector<1x16xf32>
      tpu.vector_store %arg10[%swap3A_930, %swap3A_931], %swap3A_934 {strides = array<i32>} : memref<32x1024xf32, #tpu.memory_space<vmem>>, vector<1x16xf32>,
      %get3A_935 = arith.index_cast %scan3A_48 : i32 to index
      %get3A_936 = arith.constant 880 : index
      %get3A_937 = tpu.vector_load %arg10[%get3A_935, %get3A_936] {strides = array<i32>} : memref<32x1024xf32, #tpu.memory_space<vmem>>, vector<1x16xf32>,
      %get3A_938 = vector.shape_cast %get3A_937 : vector<1x16xf32> to vector<16xf32>
      %mul3A_939 = arith.mulf %get3A_938, %get3A_51 : vector<16xf32>
      %get3A_940 = arith.index_cast %scan3A_48 : i32 to index
      %get3A_941 = arith.constant 880 : index
      %get3A_942 = tpu.vector_load %arg11[%get3A_940, %get3A_941] {strides = array<i32>} : memref<32x1024xf32, #tpu.memory_space<vmem>>, vector<1x16xf32>,
      %get3A_943 = vector.shape_cast %get3A_942 : vector<1x16xf32> to vector<16xf32>
      %mul3A_944 = arith.mulf %get3A_943, %get3A_55 : vector<16xf32>
      %add3A_945 = arith.addf %mul3A_939, %mul3A_944 : vector<16xf32>
      %swap3A_946 = arith.index_cast %scan3A_48 : i32 to index
      %swap3A_947 = arith.constant 880 : index
      %swap3A_948 = tpu.vector_load %arg10[%swap3A_946, %swap3A_947] {strides = array<i32>} : memref<32x1024xf32, #tpu.memory_space<vmem>>, vector<1x16xf32>,
      %swap3A_949 = vector.shape_cast %swap3A_948 : vector<1x16xf32> to vector<16xf32>
      %swap3A_950 = vector.shape_cast %add3A_945 : vector<16xf32> to vector<1x16xf32>
      tpu.vector_store %arg10[%swap3A_946, %swap3A_947], %swap3A_950 {strides = array<i32>} : memref<32x1024xf32, #tpu.memory_space<vmem>>, vector<1x16xf32>,
      %get3A_951 = arith.index_cast %scan3A_48 : i32 to index
      %get3A_952 = arith.constant 896 : index
      %get3A_953 = tpu.vector_load %arg10[%get3A_951, %get3A_952] {strides = array<i32>} : memref<32x1024xf32, #tpu.memory_space<vmem>>, vector<1x16xf32>,
      %get3A_954 = vector.shape_cast %get3A_953 : vector<1x16xf32> to vector<16xf32>
      %mul3A_955 = arith.mulf %get3A_954, %get3A_51 : vector<16xf32>
      %get3A_956 = arith.index_cast %scan3A_48 : i32 to index
      %get3A_957 = arith.constant 896 : index
      %get3A_958 = tpu.vector_load %arg11[%get3A_956, %get3A_957] {strides = array<i32>} : memref<32x1024xf32, #tpu.memory_space<vmem>>, vector<1x16xf32>,
      %get3A_959 = vector.shape_cast %get3A_958 : vector<1x16xf32> to vector<16xf32>
      %mul3A_960 = arith.mulf %get3A_959, %get3A_55 : vector<16xf32>
      %add3A_961 = arith.addf %mul3A_955, %mul3A_960 : vector<16xf32>
      %swap3A_962 = arith.index_cast %scan3A_48 : i32 to index
      %swap3A_963 = arith.constant 896 : index
      %swap3A_964 = tpu.vector_load %arg10[%swap3A_962, %swap3A_963] {strides = array<i32>} : memref<32x1024xf32, #tpu.memory_space<vmem>>, vector<1x16xf32>,
      %swap3A_965 = vector.shape_cast %swap3A_964 : vector<1x16xf32> to vector<16xf32>
      %swap3A_966 = vector.shape_cast %add3A_961 : vector<16xf32> to vector<1x16xf32>
      tpu.vector_store %arg10[%swap3A_962, %swap3A_963], %swap3A_966 {strides = array<i32>} : memref<32x1024xf32, #tpu.memory_space<vmem>>, vector<1x16xf32>,
      %get3A_967 = arith.index_cast %scan3A_48 : i32 to index
      %get3A_968 = arith.constant 912 : index
      %get3A_969 = tpu.vector_load %arg10[%get3A_967, %get3A_968] {strides = array<i32>} : memref<32x1024xf32, #tpu.memory_space<vmem>>, vector<1x16xf32>,
      %get3A_970 = vector.shape_cast %get3A_969 : vector<1x16xf32> to vector<16xf32>
      %mul3A_971 = arith.mulf %get3A_970, %get3A_51 : vector<16xf32>
      %get3A_972 = arith.index_cast %scan3A_48 : i32 to index
      %get3A_973 = arith.constant 912 : index
      %get3A_974 = tpu.vector_load %arg11[%get3A_972, %get3A_973] {strides = array<i32>} : memref<32x1024xf32, #tpu.memory_space<vmem>>, vector<1x16xf32>,
      %get3A_975 = vector.shape_cast %get3A_974 : vector<1x16xf32> to vector<16xf32>
      %mul3A_976 = arith.mulf %get3A_975, %get3A_55 : vector<16xf32>
      %add3A_977 = arith.addf %mul3A_971, %mul3A_976 : vector<16xf32>
      %swap3A_978 = arith.index_cast %scan3A_48 : i32 to index
      %swap3A_979 = arith.constant 912 : index
      %swap3A_980 = tpu.vector_load %arg10[%swap3A_978, %swap3A_979] {strides = array<i32>} : memref<32x1024xf32, #tpu.memory_space<vmem>>, vector<1x16xf32>,
      %swap3A_981 = vector.shape_cast %swap3A_980 : vector<1x16xf32> to vector<16xf32>
      %swap3A_982 = vector.shape_cast %add3A_977 : vector<16xf32> to vector<1x16xf32>
      tpu.vector_store %arg10[%swap3A_978, %swap3A_979], %swap3A_982 {strides = array<i32>} : memref<32x1024xf32, #tpu.memory_space<vmem>>, vector<1x16xf32>,
      %get3A_983 = arith.index_cast %scan3A_48 : i32 to index
      %get3A_984 = arith.constant 928 : index
      %get3A_985 = tpu.vector_load %arg10[%get3A_983, %get3A_984] {strides = array<i32>} : memref<32x1024xf32, #tpu.memory_space<vmem>>, vector<1x16xf32>,
      %get3A_986 = vector.shape_cast %get3A_985 : vector<1x16xf32> to vector<16xf32>
      %mul3A_987 = arith.mulf %get3A_986, %get3A_51 : vector<16xf32>
      %get3A_988 = arith.index_cast %scan3A_48 : i32 to index
      %get3A_989 = arith.constant 928 : index
      %get3A_990 = tpu.vector_load %arg11[%get3A_988, %get3A_989] {strides = array<i32>} : memref<32x1024xf32, #tpu.memory_space<vmem>>, vector<1x16xf32>,
      %get3A_991 = vector.shape_cast %get3A_990 : vector<1x16xf32> to vector<16xf32>
      %mul3A_992 = arith.mulf %get3A_991, %get3A_55 : vector<16xf32>
      %add3A_993 = arith.addf %mul3A_987, %mul3A_992 : vector<16xf32>
      %swap3A_994 = arith.index_cast %scan3A_48 : i32 to index
      %swap3A_995 = arith.constant 928 : index
      %swap3A_996 = tpu.vector_load %arg10[%swap3A_994, %swap3A_995] {strides = array<i32>} : memref<32x1024xf32, #tpu.memory_space<vmem>>, vector<1x16xf32>,
      %swap3A_997 = vector.shape_cast %swap3A_996 : vector<1x16xf32> to vector<16xf32>
      %swap3A_998 = vector.shape_cast %add3A_993 : vector<16xf32> to vector<1x16xf32>
      tpu.vector_store %arg10[%swap3A_994, %swap3A_995], %swap3A_998 {strides = array<i32>} : memref<32x1024xf32, #tpu.memory_space<vmem>>, vector<1x16xf32>,
      %get3A_999 = arith.index_cast %scan3A_48 : i32 to index
      %get3A_1000 = arith.constant 944 : index
      %get3A_1001 = tpu.vector_load %arg10[%get3A_999, %get3A_1000] {strides = array<i32>} : memref<32x1024xf32, #tpu.memory_space<vmem>>, vector<1x16xf32>,
      %get3A_1002 = vector.shape_cast %get3A_1001 : vector<1x16xf32> to vector<16xf32>
      %mul3A_1003 = arith.mulf %get3A_1002, %get3A_51 : vector<16xf32>
      %get3A_1004 = arith.index_cast %scan3A_48 : i32 to index
      %get3A_1005 = arith.constant 944 : index
      %get3A_1006 = tpu.vector_load %arg11[%get3A_1004, %get3A_1005] {strides = array<i32>} : memref<32x1024xf32, #tpu.memory_space<vmem>>, vector<1x16xf32>,
      %get3A_1007 = vector.shape_cast %get3A_1006 : vector<1x16xf32> to vector<16xf32>
      %mul3A_1008 = arith.mulf %get3A_1007, %get3A_55 : vector<16xf32>
      %add3A_1009 = arith.addf %mul3A_1003, %mul3A_1008 : vector<16xf32>
      %swap3A_1010 = arith.index_cast %scan3A_48 : i32 to index
      %swap3A_1011 = arith.constant 944 : index
      %swap3A_1012 = tpu.vector_load %arg10[%swap3A_1010, %swap3A_1011] {strides = array<i32>} : memref<32x1024xf32, #tpu.memory_space<vmem>>, vector<1x16xf32>,
      %swap3A_1013 = vector.shape_cast %swap3A_1012 : vector<1x16xf32> to vector<16xf32>
      %swap3A_1014 = vector.shape_cast %add3A_1009 : vector<16xf32> to vector<1x16xf32>
      tpu.vector_store %arg10[%swap3A_1010, %swap3A_1011], %swap3A_1014 {strides = array<i32>} : memref<32x1024xf32, #tpu.memory_space<vmem>>, vector<1x16xf32>,
      %get3A_1015 = arith.index_cast %scan3A_48 : i32 to index
      %get3A_1016 = arith.constant 960 : index
      %get3A_1017 = tpu.vector_load %arg10[%get3A_1015, %get3A_1016] {strides = array<i32>} : memref<32x1024xf32, #tpu.memory_space<vmem>>, vector<1x16xf32>,
      %get3A_1018 = vector.shape_cast %get3A_1017 : vector<1x16xf32> to vector<16xf32>
      %mul3A_1019 = arith.mulf %get3A_1018, %get3A_51 : vector<16xf32>
      %get3A_1020 = arith.index_cast %scan3A_48 : i32 to index
      %get3A_1021 = arith.constant 960 : index
      %get3A_1022 = tpu.vector_load %arg11[%get3A_1020, %get3A_1021] {strides = array<i32>} : memref<32x1024xf32, #tpu.memory_space<vmem>>, vector<1x16xf32>,
      %get3A_1023 = vector.shape_cast %get3A_1022 : vector<1x16xf32> to vector<16xf32>
      %mul3A_1024 = arith.mulf %get3A_1023, %get3A_55 : vector<16xf32>
      %add3A_1025 = arith.addf %mul3A_1019, %mul3A_1024 : vector<16xf32>
      %swap3A_1026 = arith.index_cast %scan3A_48 : i32 to index
      %swap3A_1027 = arith.constant 960 : index
      %swap3A_1028 = tpu.vector_load %arg10[%swap3A_1026, %swap3A_1027] {strides = array<i32>} : memref<32x1024xf32, #tpu.memory_space<vmem>>, vector<1x16xf32>,
      %swap3A_1029 = vector.shape_cast %swap3A_1028 : vector<1x16xf32> to vector<16xf32>
      %swap3A_1030 = vector.shape_cast %add3A_1025 : vector<16xf32> to vector<1x16xf32>
      tpu.vector_store %arg10[%swap3A_1026, %swap3A_1027], %swap3A_1030 {strides = array<i32>} : memref<32x1024xf32, #tpu.memory_space<vmem>>, vector<1x16xf32>,
      %get3A_1031 = arith.index_cast %scan3A_48 : i32 to index
      %get3A_1032 = arith.constant 976 : index
      %get3A_1033 = tpu.vector_load %arg10[%get3A_1031, %get3A_1032] {strides = array<i32>} : memref<32x1024xf32, #tpu.memory_space<vmem>>, vector<1x16xf32>,
      %get3A_1034 = vector.shape_cast %get3A_1033 : vector<1x16xf32> to vector<16xf32>
      %mul3A_1035 = arith.mulf %get3A_1034, %get3A_51 : vector<16xf32>
      %get3A_1036 = arith.index_cast %scan3A_48 : i32 to index
      %get3A_1037 = arith.constant 976 : index
      %get3A_1038 = tpu.vector_load %arg11[%get3A_1036, %get3A_1037] {strides = array<i32>} : memref<32x1024xf32, #tpu.memory_space<vmem>>, vector<1x16xf32>,
      %get3A_1039 = vector.shape_cast %get3A_1038 : vector<1x16xf32> to vector<16xf32>
      %mul3A_1040 = arith.mulf %get3A_1039, %get3A_55 : vector<16xf32>
      %add3A_1041 = arith.addf %mul3A_1035, %mul3A_1040 : vector<16xf32>
      %swap3A_1042 = arith.index_cast %scan3A_48 : i32 to index
      %swap3A_1043 = arith.constant 976 : index
      %swap3A_1044 = tpu.vector_load %arg10[%swap3A_1042, %swap3A_1043] {strides = array<i32>} : memref<32x1024xf32, #tpu.memory_space<vmem>>, vector<1x16xf32>,
      %swap3A_1045 = vector.shape_cast %swap3A_1044 : vector<1x16xf32> to vector<16xf32>
      %swap3A_1046 = vector.shape_cast %add3A_1041 : vector<16xf32> to vector<1x16xf32>
      tpu.vector_store %arg10[%swap3A_1042, %swap3A_1043], %swap3A_1046 {strides = array<i32>} : memref<32x1024xf32, #tpu.memory_space<vmem>>, vector<1x16xf32>,
      %get3A_1047 = arith.index_cast %scan3A_48 : i32 to index
      %get3A_1048 = arith.constant 992 : index
      %get3A_1049 = tpu.vector_load %arg10[%get3A_1047, %get3A_1048] {strides = array<i32>} : memref<32x1024xf32, #tpu.memory_space<vmem>>, vector<1x16xf32>,
      %get3A_1050 = vector.shape_cast %get3A_1049 : vector<1x16xf32> to vector<16xf32>
      %mul3A_1051 = arith.mulf %get3A_1050, %get3A_51 : vector<16xf32>
      %get3A_1052 = arith.index_cast %scan3A_48 : i32 to index
      %get3A_1053 = arith.constant 992 : index
      %get3A_1054 = tpu.vector_load %arg11[%get3A_1052, %get3A_1053] {strides = array<i32>} : memref<32x1024xf32, #tpu.memory_space<vmem>>, vector<1x16xf32>,
      %get3A_1055 = vector.shape_cast %get3A_1054 : vector<1x16xf32> to vector<16xf32>
      %mul3A_1056 = arith.mulf %get3A_1055, %get3A_55 : vector<16xf32>
      %add3A_1057 = arith.addf %mul3A_1051, %mul3A_1056 : vector<16xf32>
      %swap3A_1058 = arith.index_cast %scan3A_48 : i32 to index
      %swap3A_1059 = arith.constant 992 : index
      %swap3A_1060 = tpu.vector_load %arg10[%swap3A_1058, %swap3A_1059] {strides = array<i32>} : memref<32x1024xf32, #tpu.memory_space<vmem>>, vector<1x16xf32>,
      %swap3A_1061 = vector.shape_cast %swap3A_1060 : vector<1x16xf32> to vector<16xf32>
      %swap3A_1062 = vector.shape_cast %add3A_1057 : vector<16xf32> to vector<1x16xf32>
      tpu.vector_store %arg10[%swap3A_1058, %swap3A_1059], %swap3A_1062 {strides = array<i32>} : memref<32x1024xf32, #tpu.memory_space<vmem>>, vector<1x16xf32>,
      %get3A_1063 = arith.index_cast %scan3A_48 : i32 to index
      %get3A_1064 = arith.constant 1008 : index
      %get3A_1065 = tpu.vector_load %arg10[%get3A_1063, %get3A_1064] {strides = array<i32>} : memref<32x1024xf32, #tpu.memory_space<vmem>>, vector<1x16xf32>,
      %get3A_1066 = vector.shape_cast %get3A_1065 : vector<1x16xf32> to vector<16xf32>
      %mul3A_1067 = arith.mulf %get3A_1066, %get3A_51 : vector<16xf32>
      %get3A_1068 = arith.index_cast %scan3A_48 : i32 to index
      %get3A_1069 = arith.constant 1008 : index
      %get3A_1070 = tpu.vector_load %arg11[%get3A_1068, %get3A_1069] {strides = array<i32>} : memref<32x1024xf32, #tpu.memory_space<vmem>>, vector<1x16xf32>,
      %get3A_1071 = vector.shape_cast %get3A_1070 : vector<1x16xf32> to vector<16xf32>
      %mul3A_1072 = arith.mulf %get3A_1071, %get3A_55 : vector<16xf32>
      %add3A_1073 = arith.addf %mul3A_1067, %mul3A_1072 : vector<16xf32>
      %swap3A_1074 = arith.index_cast %scan3A_48 : i32 to index
      %swap3A_1075 = arith.constant 1008 : index
      %swap3A_1076 = tpu.vector_load %arg10[%swap3A_1074, %swap3A_1075] {strides = array<i32>} : memref<32x1024xf32, #tpu.memory_space<vmem>>, vector<1x16xf32>,
      %swap3A_1077 = vector.shape_cast %swap3A_1076 : vector<1x16xf32> to vector<16xf32>
      %swap3A_1078 = vector.shape_cast %add3A_1073 : vector<16xf32> to vector<1x16xf32>
      tpu.vector_store %arg10[%swap3A_1074, %swap3A_1075], %swap3A_1078 {strides = array<i32>} : memref<32x1024xf32, #tpu.memory_space<vmem>>, vector<1x16xf32>,
    }
    %scan3A_23 = arith.constant 32 : i32
    "tpu.region"() ({
      %run_scoped3A = tpu.sem_alloc : memref<!tpu.dma_semaphore, #tpu.memory_space<semaphore_mem>>
      %dma_start3A_48 = arith.constant 0 : i32
      %dma_start3A_49 = tpu.memref_slice %arg5[%add3A_4, %dma_start3A_48] : memref<2048x1024xf32, #tpu.memory_space<hbm>> -> memref<32x1024xf32, #tpu.memory_space<hbm>>
      %dma_start3A_50 = arith.constant 0 : i32
      %dma_start3A_51 = tpu.memref_slice %arg5[%add3A_4, %dma_start3A_50] : memref<2048x1024xf32, #tpu.memory_space<hbm>> -> memref<32x1024xf32, #tpu.memory_space<hbm>>
      tpu.enqueue_dma source(%arg10 : memref<32x1024xf32, #tpu.memory_space<vmem>>) target(%dma_start3A_51 : memref<32x1024xf32, #tpu.memory_space<hbm>>) target_semaphore(%run_scoped3A : memref<!tpu.dma_semaphore, #tpu.memory_space<semaphore_mem>>)
      %dma_wait3A_52 = arith.constant 0 : i32
      %dma_wait3A_53 = tpu.memref_slice %arg5[%add3A_4, %dma_wait3A_52] : memref<2048x1024xf32, #tpu.memory_space<hbm>> -> memref<32x1024xf32, #tpu.memory_space<hbm>>
      %dma_wait3A_54 = arith.constant 0 : i32
      %dma_wait3A_55 = tpu.memref_slice %arg5[%add3A_4, %dma_wait3A_54] : memref<2048x1024xf32, #tpu.memory_space<hbm>> -> memref<32x1024xf32, #tpu.memory_space<hbm>>
      tpu.wait_dma2 semaphore(%run_scoped3A : memref<!tpu.dma_semaphore, #tpu.memory_space<semaphore_mem>>) src(%arg10 : memref<32x1024xf32, #tpu.memory_space<vmem>>) dst(%dma_wait3A_55 : memref<32x1024xf32, #tpu.memory_space<hbm>>)
      tpu.yield
    }) : () -> ()
    %add3A_24 = arith.constant 32 : i32
    %add3A_25 = arith.addi %mul3A_2, %add3A_24 : i32
    "tpu.region"() ({
      %run_scoped3A = tpu.sem_alloc : memref<!tpu.dma_semaphore, #tpu.memory_space<semaphore_mem>>
      %dma_start3A_48 = tpu.memref_slice %arg3[%add3A_25] : memref<4096xi32, #tpu.memory_space<hbm>> -> memref<32xi32, #tpu.memory_space<hbm>>
      %dma_start3A_49 = tpu.memref_slice %arg3[%add3A_25] : memref<4096xi32, #tpu.memory_space<hbm>> -> memref<32xi32, #tpu.memory_space<hbm>>
      tpu.enqueue_dma source(%dma_start3A_49 : memref<32xi32, #tpu.memory_space<hbm>>) target(%arg6 : memref<32xi32, #tpu.memory_space<vmem>>) target_semaphore(%run_scoped3A : memref<!tpu.dma_semaphore, #tpu.memory_space<semaphore_mem>>)
      %dma_wait3A_50 = tpu.memref_slice %arg3[%add3A_25] : memref<4096xi32, #tpu.memory_space<hbm>> -> memref<32xi32, #tpu.memory_space<hbm>>
      %dma_wait3A_51 = tpu.memref_slice %arg3[%add3A_25] : memref<4096xi32, #tpu.memory_space<hbm>> -> memref<32xi32, #tpu.memory_space<hbm>>
      tpu.wait_dma2 semaphore(%run_scoped3A : memref<!tpu.dma_semaphore, #tpu.memory_space<semaphore_mem>>) src(%dma_wait3A_51 : memref<32xi32, #tpu.memory_space<hbm>>) dst(%arg6 : memref<32xi32, #tpu.memory_space<vmem>>)
      tpu.yield
    }) : () -> ()
    %add3A_26 = arith.constant 2048 : i32
    %add3A_27 = arith.addi %add3A_26, %add3A_25 : i32
    "tpu.region"() ({
      %run_scoped3A = tpu.sem_alloc : memref<!tpu.dma_semaphore, #tpu.memory_space<semaphore_mem>>
      %dma_start3A_48 = tpu.memref_slice %arg3[%add3A_27] : memref<4096xi32, #tpu.memory_space<hbm>> -> memref<32xi32, #tpu.memory_space<hbm>>
      %dma_start3A_49 = tpu.memref_slice %arg3[%add3A_27] : memref<4096xi32, #tpu.memory_space<hbm>> -> memref<32xi32, #tpu.memory_space<hbm>>
      tpu.enqueue_dma source(%dma_start3A_49 : memref<32xi32, #tpu.memory_space<hbm>>) target(%arg7 : memref<32xi32, #tpu.memory_space<vmem>>) target_semaphore(%run_scoped3A : memref<!tpu.dma_semaphore, #tpu.memory_space<semaphore_mem>>)
      %dma_wait3A_50 = tpu.memref_slice %arg3[%add3A_27] : memref<4096xi32, #tpu.memory_space<hbm>> -> memref<32xi32, #tpu.memory_space<hbm>>
      %dma_wait3A_51 = tpu.memref_slice %arg3[%add3A_27] : memref<4096xi32, #tpu.memory_space<hbm>> -> memref<32xi32, #tpu.memory_space<hbm>>
      tpu.wait_dma2 semaphore(%run_scoped3A : memref<!tpu.dma_semaphore, #tpu.memory_space<semaphore_mem>>) src(%dma_wait3A_51 : memref<32xi32, #tpu.memory_space<hbm>>) dst(%arg7 : memref<32xi32, #tpu.memory_space<vmem>>)
      tpu.yield
    }) : () -> ()
    "tpu.region"() ({
      %run_scoped3A = tpu.sem_alloc : memref<!tpu.dma_semaphore, #tpu.memory_space<semaphore_mem>>
      %dma_start3A_48 = arith.constant 0 : i32
      %dma_start3A_49 = tpu.memref_slice %arg4[%add3A_25, %dma_start3A_48] : memref<4096x16xf32, #tpu.memory_space<hbm>> -> memref<32x16xf32, #tpu.memory_space<hbm>>
      %dma_start3A_50 = arith.constant 0 : i32
      %dma_start3A_51 = tpu.memref_slice %arg4[%add3A_25, %dma_start3A_50] : memref<4096x16xf32, #tpu.memory_space<hbm>> -> memref<32x16xf32, #tpu.memory_space<hbm>>
      tpu.enqueue_dma source(%dma_start3A_51 : memref<32x16xf32, #tpu.memory_space<hbm>>) target(%arg8 : memref<32x16xf32, #tpu.memory_space<vmem>>) target_semaphore(%run_scoped3A : memref<!tpu.dma_semaphore, #tpu.memory_space<semaphore_mem>>)
      %dma_wait3A_52 = arith.constant 0 : i32
      %dma_wait3A_53 = tpu.memref_slice %arg4[%add3A_25, %dma_wait3A_52] : memref<4096x16xf32, #tpu.memory_space<hbm>> -> memref<32x16xf32, #tpu.memory_space<hbm>>
      %dma_wait3A_54 = arith.constant 0 : i32
      %dma_wait3A_55 = tpu.memref_slice %arg4[%add3A_25, %dma_wait3A_54] : memref<4096x16xf32, #tpu.memory_space<hbm>> -> memref<32x16xf32, #tpu.memory_space<hbm>>
      tpu.wait_dma2 semaphore(%run_scoped3A : memref<!tpu.dma_semaphore, #tpu.memory_space<semaphore_mem>>) src(%dma_wait3A_55 : memref<32x16xf32, #tpu.memory_space<hbm>>) dst(%arg8 : memref<32x16xf32, #tpu.memory_space<vmem>>)
      tpu.yield
    }) : () -> ()
    %add3A_28 = arith.constant 2048 : i32
    %add3A_29 = arith.addi %add3A_28, %add3A_25 : i32
    "tpu.region"() ({
      %run_scoped3A = tpu.sem_alloc : memref<!tpu.dma_semaphore, #tpu.memory_space<semaphore_mem>>
      %dma_start3A_48 = arith.constant 0 : i32
      %dma_start3A_49 = tpu.memref_slice %arg4[%add3A_29, %dma_start3A_48] : memref<4096x16xf32, #tpu.memory_space<hbm>> -> memref<32x16xf32, #tpu.memory_space<hbm>>
      %dma_start3A_50 = arith.constant 0 : i32
      %dma_start3A_51 = tpu.memref_slice %arg4[%add3A_29, %dma_start3A_50] : memref<4096x16xf32, #tpu.memory_space<hbm>> -> memref<32x16xf32, #tpu.memory_space<hbm>>
      tpu.enqueue_dma source(%dma_start3A_51 : memref<32x16xf32, #tpu.memory_space<hbm>>) target(%arg9 : memref<32x16xf32, #tpu.memory_space<vmem>>) target_semaphore(%run_scoped3A : memref<!tpu.dma_semaphore, #tpu.memory_space<semaphore_mem>>)
      %dma_wait3A_52 = arith.constant 0 : i32
      %dma_wait3A_53 = tpu.memref_slice %arg4[%add3A_29, %dma_wait3A_52] : memref<4096x16xf32, #tpu.memory_space<hbm>> -> memref<32x16xf32, #tpu.memory_space<hbm>>
      %dma_wait3A_54 = arith.constant 0 : i32
      %dma_wait3A_55 = tpu.memref_slice %arg4[%add3A_29, %dma_wait3A_54] : memref<4096x16xf32, #tpu.memory_space<hbm>> -> memref<32x16xf32, #tpu.memory_space<hbm>>
      tpu.wait_dma2 semaphore(%run_scoped3A : memref<!tpu.dma_semaphore, #tpu.memory_space<semaphore_mem>>) src(%dma_wait3A_55 : memref<32x16xf32, #tpu.memory_space<hbm>>) dst(%arg9 : memref<32x16xf32, #tpu.memory_space<vmem>>)
      tpu.yield
    }) : () -> ()
    %dma_start3A_30 = arith.constant 0 : i32
    %dma_start3A_31 = arith.constant 0 : i32
    %dma_start3A_32 = tpu.memref_slice %arg2[%dma_start3A_30, %dma_start3A_31] : memref<6144x1024xf32, #tpu.memory_space<hbm>> -> memref<6144x1024xf32, #tpu.memory_space<hbm>>
    tpu.enqueue_indirect_dma source(%dma_start3A_32 : memref<6144x1024xf32, #tpu.memory_space<hbm>>) target(%arg10 : memref<32x1024xf32, #tpu.memory_space<vmem>>) offsets(%arg6 : memref<32xi32, #tpu.memory_space<vmem>>) semaphore(%arg12 : memref<!tpu.dma_semaphore, #tpu.memory_space<semaphore_mem>>)
    %dma_start3A_33 = arith.constant 0 : i32
    %dma_start3A_34 = arith.constant 0 : i32
    %dma_start3A_35 = tpu.memref_slice %arg2[%dma_start3A_33, %dma_start3A_34] : memref<6144x1024xf32, #tpu.memory_space<hbm>> -> memref<6144x1024xf32, #tpu.memory_space<hbm>>
    tpu.enqueue_indirect_dma source(%dma_start3A_35 : memref<6144x1024xf32, #tpu.memory_space<hbm>>) target(%arg11 : memref<32x1024xf32, #tpu.memory_space<vmem>>) offsets(%arg7 : memref<32xi32, #tpu.memory_space<vmem>>) semaphore(%arg13 : memref<!tpu.dma_semaphore, #tpu.memory_space<semaphore_mem>>)
    %dma_wait3A_36 = arith.constant 0 : i32
    %dma_wait3A_37 = arith.constant 0 : i32
    %dma_wait3A_38 = tpu.memref_slice %arg2[%dma_wait3A_36, %dma_wait3A_37] : memref<6144x1024xf32, #tpu.memory_space<hbm>> -> memref<6144x1024xf32, #tpu.memory_space<hbm>>
    tpu.wait_indirect_dma semaphore(%arg12 : memref<!tpu.dma_semaphore, #tpu.memory_space<semaphore_mem>>) src(%dma_wait3A_38 : memref<6144x1024xf32, #tpu.memory_space<hbm>>) dst(%arg10 : memref<32x1024xf32, #tpu.memory_space<vmem>>)
    %dma_wait3A_39 = arith.constant 0 : i32
    %dma_wait3A_40 = arith.constant 0 : i32
    %dma_wait3A_41 = tpu.memref_slice %arg2[%dma_wait3A_39, %dma_wait3A_40] : memref<6144x1024xf32, #tpu.memory_space<hbm>> -> memref<6144x1024xf32, #tpu.memory_space<hbm>>
    tpu.wait_indirect_dma semaphore(%arg13 : memref<!tpu.dma_semaphore, #tpu.memory_space<semaphore_mem>>) src(%dma_wait3A_41 : memref<6144x1024xf32, #tpu.memory_space<hbm>>) dst(%arg11 : memref<32x1024xf32, #tpu.memory_space<vmem>>)
    %scan3A_42 = arith.constant 0 : i32
    %scan3A_43 = arith.constant 0 : i32
    %scan3A_44 = arith.constant 32 : i32
    %scan3A_45 = arith.addi %scan3A_43, %scan3A_44 : i32
    %scan3A_46 = arith.constant 1 : i32
    scf.for %scan3A_48 = %scan3A_43 to %scan3A_45 step %scan3A_46  : i32 {
      %get3A = arith.index_cast %scan3A_48 : i32 to index
      %get3A_49 = arith.constant 0 : index
      %get3A_50 = tpu.vector_load %arg8[%get3A, %get3A_49] {strides = array<i32>} : memref<32x16xf32, #tpu.memory_space<vmem>>, vector<1x16xf32>,
      %get3A_51 = vector.shape_cast %get3A_50 : vector<1x16xf32> to vector<16xf32>
      %get3A_52 = arith.index_cast %scan3A_48 : i32 to index
      %get3A_53 = arith.constant 0 : index
      %get3A_54 = tpu.vector_load %arg9[%get3A_52, %get3A_53] {strides = array<i32>} : memref<32x16xf32, #tpu.memory_space<vmem>>, vector<1x16xf32>,
      %get3A_55 = vector.shape_cast %get3A_54 : vector<1x16xf32> to vector<16xf32>
      %get3A_56 = arith.index_cast %scan3A_48 : i32 to index
      %get3A_57 = arith.constant 0 : index
      %get3A_58 = tpu.vector_load %arg10[%get3A_56, %get3A_57] {strides = array<i32>} : memref<32x1024xf32, #tpu.memory_space<vmem>>, vector<1x16xf32>,
      %get3A_59 = vector.shape_cast %get3A_58 : vector<1x16xf32> to vector<16xf32>
      %mul3A_60 = arith.mulf %get3A_59, %get3A_51 : vector<16xf32>
      %get3A_61 = arith.index_cast %scan3A_48 : i32 to index
      %get3A_62 = arith.constant 0 : index
      %get3A_63 = tpu.vector_load %arg11[%get3A_61, %get3A_62] {strides = array<i32>} : memref<32x1024xf32, #tpu.memory_space<vmem>>, vector<1x16xf32>,
      %get3A_64 = vector.shape_cast %get3A_63 : vector<1x16xf32> to vector<16xf32>
      %mul3A_65 = arith.mulf %get3A_64, %get3A_55 : vector<16xf32>
      %add3A_66 = arith.addf %mul3A_60, %mul3A_65 : vector<16xf32>
      %swap3A = arith.index_cast %scan3A_48 : i32 to index
      %swap3A_67 = arith.constant 0 : index
      %swap3A_68 = tpu.vector_load %arg10[%swap3A, %swap3A_67] {strides = array<i32>} : memref<32x1024xf32, #tpu.memory_space<vmem>>, vector<1x16xf32>,
      %swap3A_69 = vector.shape_cast %swap3A_68 : vector<1x16xf32> to vector<16xf32>
      %swap3A_70 = vector.shape_cast %add3A_66 : vector<16xf32> to vector<1x16xf32>
      tpu.vector_store %arg10[%swap3A, %swap3A_67], %swap3A_70 {strides = array<i32>} : memref<32x1024xf32, #tpu.memory_space<vmem>>, vector<1x16xf32>,
      %get3A_71 = arith.index_cast %scan3A_48 : i32 to index
      %get3A_72 = arith.constant 16 : index
      %get3A_73 = tpu.vector_load %arg10[%get3A_71, %get3A_72] {strides = array<i32>} : memref<32x1024xf32, #tpu.memory_space<vmem>>, vector<1x16xf32>,
      %get3A_74 = vector.shape_cast %get3A_73 : vector<1x16xf32> to vector<16xf32>
      %mul3A_75 = arith.mulf %get3A_74, %get3A_51 : vector<16xf32>
      %get3A_76 = arith.index_cast %scan3A_48 : i32 to index
      %get3A_77 = arith.constant 16 : index
      %get3A_78 = tpu.vector_load %arg11[%get3A_76, %get3A_77] {strides = array<i32>} : memref<32x1024xf32, #tpu.memory_space<vmem>>, vector<1x16xf32>,
      %get3A_79 = vector.shape_cast %get3A_78 : vector<1x16xf32> to vector<16xf32>
      %mul3A_80 = arith.mulf %get3A_79, %get3A_55 : vector<16xf32>
      %add3A_81 = arith.addf %mul3A_75, %mul3A_80 : vector<16xf32>
      %swap3A_82 = arith.index_cast %scan3A_48 : i32 to index
      %swap3A_83 = arith.constant 16 : index
      %swap3A_84 = tpu.vector_load %arg10[%swap3A_82, %swap3A_83] {strides = array<i32>} : memref<32x1024xf32, #tpu.memory_space<vmem>>, vector<1x16xf32>,
      %swap3A_85 = vector.shape_cast %swap3A_84 : vector<1x16xf32> to vector<16xf32>
      %swap3A_86 = vector.shape_cast %add3A_81 : vector<16xf32> to vector<1x16xf32>
      tpu.vector_store %arg10[%swap3A_82, %swap3A_83], %swap3A_86 {strides = array<i32>} : memref<32x1024xf32, #tpu.memory_space<vmem>>, vector<1x16xf32>,
      %get3A_87 = arith.index_cast %scan3A_48 : i32 to index
      %get3A_88 = arith.constant 32 : index
      %get3A_89 = tpu.vector_load %arg10[%get3A_87, %get3A_88] {strides = array<i32>} : memref<32x1024xf32, #tpu.memory_space<vmem>>, vector<1x16xf32>,
      %get3A_90 = vector.shape_cast %get3A_89 : vector<1x16xf32> to vector<16xf32>
      %mul3A_91 = arith.mulf %get3A_90, %get3A_51 : vector<16xf32>
      %get3A_92 = arith.index_cast %scan3A_48 : i32 to index
      %get3A_93 = arith.constant 32 : index
      %get3A_94 = tpu.vector_load %arg11[%get3A_92, %get3A_93] {strides = array<i32>} : memref<32x1024xf32, #tpu.memory_space<vmem>>, vector<1x16xf32>,
      %get3A_95 = vector.shape_cast %get3A_94 : vector<1x16xf32> to vector<16xf32>
      %mul3A_96 = arith.mulf %get3A_95, %get3A_55 : vector<16xf32>
      %add3A_97 = arith.addf %mul3A_91, %mul3A_96 : vector<16xf32>
      %swap3A_98 = arith.index_cast %scan3A_48 : i32 to index
      %swap3A_99 = arith.constant 32 : index
      %swap3A_100 = tpu.vector_load %arg10[%swap3A_98, %swap3A_99] {strides = array<i32>} : memref<32x1024xf32, #tpu.memory_space<vmem>>, vector<1x16xf32>,
      %swap3A_101 = vector.shape_cast %swap3A_100 : vector<1x16xf32> to vector<16xf32>
      %swap3A_102 = vector.shape_cast %add3A_97 : vector<16xf32> to vector<1x16xf32>
      tpu.vector_store %arg10[%swap3A_98, %swap3A_99], %swap3A_102 {strides = array<i32>} : memref<32x1024xf32, #tpu.memory_space<vmem>>, vector<1x16xf32>,
      %get3A_103 = arith.index_cast %scan3A_48 : i32 to index
      %get3A_104 = arith.constant 48 : index
      %get3A_105 = tpu.vector_load %arg10[%get3A_103, %get3A_104] {strides = array<i32>} : memref<32x1024xf32, #tpu.memory_space<vmem>>, vector<1x16xf32>,
      %get3A_106 = vector.shape_cast %get3A_105 : vector<1x16xf32> to vector<16xf32>
      %mul3A_107 = arith.mulf %get3A_106, %get3A_51 : vector<16xf32>
      %get3A_108 = arith.index_cast %scan3A_48 : i32 to index
      %get3A_109 = arith.constant 48 : index
      %get3A_110 = tpu.vector_load %arg11[%get3A_108, %get3A_109] {strides = array<i32>} : memref<32x1024xf32, #tpu.memory_space<vmem>>, vector<1x16xf32>,
      %get3A_111 = vector.shape_cast %get3A_110 : vector<1x16xf32> to vector<16xf32>
      %mul3A_112 = arith.mulf %get3A_111, %get3A_55 : vector<16xf32>
      %add3A_113 = arith.addf %mul3A_107, %mul3A_112 : vector<16xf32>
      %swap3A_114 = arith.index_cast %scan3A_48 : i32 to index
      %swap3A_115 = arith.constant 48 : index
      %swap3A_116 = tpu.vector_load %arg10[%swap3A_114, %swap3A_115] {strides = array<i32>} : memref<32x1024xf32, #tpu.memory_space<vmem>>, vector<1x16xf32>,
      %swap3A_117 = vector.shape_cast %swap3A_116 : vector<1x16xf32> to vector<16xf32>
      %swap3A_118 = vector.shape_cast %add3A_113 : vector<16xf32> to vector<1x16xf32>
      tpu.vector_store %arg10[%swap3A_114, %swap3A_115], %swap3A_118 {strides = array<i32>} : memref<32x1024xf32, #tpu.memory_space<vmem>>, vector<1x16xf32>,
      %get3A_119 = arith.index_cast %scan3A_48 : i32 to index
      %get3A_120 = arith.constant 64 : index
      %get3A_121 = tpu.vector_load %arg10[%get3A_119, %get3A_120] {strides = array<i32>} : memref<32x1024xf32, #tpu.memory_space<vmem>>, vector<1x16xf32>,
      %get3A_122 = vector.shape_cast %get3A_121 : vector<1x16xf32> to vector<16xf32>
      %mul3A_123 = arith.mulf %get3A_122, %get3A_51 : vector<16xf32>
      %get3A_124 = arith.index_cast %scan3A_48 : i32 to index
      %get3A_125 = arith.constant 64 : index
      %get3A_126 = tpu.vector_load %arg11[%get3A_124, %get3A_125] {strides = array<i32>} : memref<32x1024xf32, #tpu.memory_space<vmem>>, vector<1x16xf32>,
      %get3A_127 = vector.shape_cast %get3A_126 : vector<1x16xf32> to vector<16xf32>
      %mul3A_128 = arith.mulf %get3A_127, %get3A_55 : vector<16xf32>
      %add3A_129 = arith.addf %mul3A_123, %mul3A_128 : vector<16xf32>
      %swap3A_130 = arith.index_cast %scan3A_48 : i32 to index
      %swap3A_131 = arith.constant 64 : index
      %swap3A_132 = tpu.vector_load %arg10[%swap3A_130, %swap3A_131] {strides = array<i32>} : memref<32x1024xf32, #tpu.memory_space<vmem>>, vector<1x16xf32>,
      %swap3A_133 = vector.shape_cast %swap3A_132 : vector<1x16xf32> to vector<16xf32>
      %swap3A_134 = vector.shape_cast %add3A_129 : vector<16xf32> to vector<1x16xf32>
      tpu.vector_store %arg10[%swap3A_130, %swap3A_131], %swap3A_134 {strides = array<i32>} : memref<32x1024xf32, #tpu.memory_space<vmem>>, vector<1x16xf32>,
      %get3A_135 = arith.index_cast %scan3A_48 : i32 to index
      %get3A_136 = arith.constant 80 : index
      %get3A_137 = tpu.vector_load %arg10[%get3A_135, %get3A_136] {strides = array<i32>} : memref<32x1024xf32, #tpu.memory_space<vmem>>, vector<1x16xf32>,
      %get3A_138 = vector.shape_cast %get3A_137 : vector<1x16xf32> to vector<16xf32>
      %mul3A_139 = arith.mulf %get3A_138, %get3A_51 : vector<16xf32>
      %get3A_140 = arith.index_cast %scan3A_48 : i32 to index
      %get3A_141 = arith.constant 80 : index
      %get3A_142 = tpu.vector_load %arg11[%get3A_140, %get3A_141] {strides = array<i32>} : memref<32x1024xf32, #tpu.memory_space<vmem>>, vector<1x16xf32>,
      %get3A_143 = vector.shape_cast %get3A_142 : vector<1x16xf32> to vector<16xf32>
      %mul3A_144 = arith.mulf %get3A_143, %get3A_55 : vector<16xf32>
      %add3A_145 = arith.addf %mul3A_139, %mul3A_144 : vector<16xf32>
      %swap3A_146 = arith.index_cast %scan3A_48 : i32 to index
      %swap3A_147 = arith.constant 80 : index
      %swap3A_148 = tpu.vector_load %arg10[%swap3A_146, %swap3A_147] {strides = array<i32>} : memref<32x1024xf32, #tpu.memory_space<vmem>>, vector<1x16xf32>,
      %swap3A_149 = vector.shape_cast %swap3A_148 : vector<1x16xf32> to vector<16xf32>
      %swap3A_150 = vector.shape_cast %add3A_145 : vector<16xf32> to vector<1x16xf32>
      tpu.vector_store %arg10[%swap3A_146, %swap3A_147], %swap3A_150 {strides = array<i32>} : memref<32x1024xf32, #tpu.memory_space<vmem>>, vector<1x16xf32>,
      %get3A_151 = arith.index_cast %scan3A_48 : i32 to index
      %get3A_152 = arith.constant 96 : index
      %get3A_153 = tpu.vector_load %arg10[%get3A_151, %get3A_152] {strides = array<i32>} : memref<32x1024xf32, #tpu.memory_space<vmem>>, vector<1x16xf32>,
      %get3A_154 = vector.shape_cast %get3A_153 : vector<1x16xf32> to vector<16xf32>
      %mul3A_155 = arith.mulf %get3A_154, %get3A_51 : vector<16xf32>
      %get3A_156 = arith.index_cast %scan3A_48 : i32 to index
      %get3A_157 = arith.constant 96 : index
      %get3A_158 = tpu.vector_load %arg11[%get3A_156, %get3A_157] {strides = array<i32>} : memref<32x1024xf32, #tpu.memory_space<vmem>>, vector<1x16xf32>,
      %get3A_159 = vector.shape_cast %get3A_158 : vector<1x16xf32> to vector<16xf32>
      %mul3A_160 = arith.mulf %get3A_159, %get3A_55 : vector<16xf32>
      %add3A_161 = arith.addf %mul3A_155, %mul3A_160 : vector<16xf32>
      %swap3A_162 = arith.index_cast %scan3A_48 : i32 to index
      %swap3A_163 = arith.constant 96 : index
      %swap3A_164 = tpu.vector_load %arg10[%swap3A_162, %swap3A_163] {strides = array<i32>} : memref<32x1024xf32, #tpu.memory_space<vmem>>, vector<1x16xf32>,
      %swap3A_165 = vector.shape_cast %swap3A_164 : vector<1x16xf32> to vector<16xf32>
      %swap3A_166 = vector.shape_cast %add3A_161 : vector<16xf32> to vector<1x16xf32>
      tpu.vector_store %arg10[%swap3A_162, %swap3A_163], %swap3A_166 {strides = array<i32>} : memref<32x1024xf32, #tpu.memory_space<vmem>>, vector<1x16xf32>,
      %get3A_167 = arith.index_cast %scan3A_48 : i32 to index
      %get3A_168 = arith.constant 112 : index
      %get3A_169 = tpu.vector_load %arg10[%get3A_167, %get3A_168] {strides = array<i32>} : memref<32x1024xf32, #tpu.memory_space<vmem>>, vector<1x16xf32>,
      %get3A_170 = vector.shape_cast %get3A_169 : vector<1x16xf32> to vector<16xf32>
      %mul3A_171 = arith.mulf %get3A_170, %get3A_51 : vector<16xf32>
      %get3A_172 = arith.index_cast %scan3A_48 : i32 to index
      %get3A_173 = arith.constant 112 : index
      %get3A_174 = tpu.vector_load %arg11[%get3A_172, %get3A_173] {strides = array<i32>} : memref<32x1024xf32, #tpu.memory_space<vmem>>, vector<1x16xf32>,
      %get3A_175 = vector.shape_cast %get3A_174 : vector<1x16xf32> to vector<16xf32>
      %mul3A_176 = arith.mulf %get3A_175, %get3A_55 : vector<16xf32>
      %add3A_177 = arith.addf %mul3A_171, %mul3A_176 : vector<16xf32>
      %swap3A_178 = arith.index_cast %scan3A_48 : i32 to index
      %swap3A_179 = arith.constant 112 : index
      %swap3A_180 = tpu.vector_load %arg10[%swap3A_178, %swap3A_179] {strides = array<i32>} : memref<32x1024xf32, #tpu.memory_space<vmem>>, vector<1x16xf32>,
      %swap3A_181 = vector.shape_cast %swap3A_180 : vector<1x16xf32> to vector<16xf32>
      %swap3A_182 = vector.shape_cast %add3A_177 : vector<16xf32> to vector<1x16xf32>
      tpu.vector_store %arg10[%swap3A_178, %swap3A_179], %swap3A_182 {strides = array<i32>} : memref<32x1024xf32, #tpu.memory_space<vmem>>, vector<1x16xf32>,
      %get3A_183 = arith.index_cast %scan3A_48 : i32 to index
      %get3A_184 = arith.constant 128 : index
      %get3A_185 = tpu.vector_load %arg10[%get3A_183, %get3A_184] {strides = array<i32>} : memref<32x1024xf32, #tpu.memory_space<vmem>>, vector<1x16xf32>,
      %get3A_186 = vector.shape_cast %get3A_185 : vector<1x16xf32> to vector<16xf32>
      %mul3A_187 = arith.mulf %get3A_186, %get3A_51 : vector<16xf32>
      %get3A_188 = arith.index_cast %scan3A_48 : i32 to index
      %get3A_189 = arith.constant 128 : index
      %get3A_190 = tpu.vector_load %arg11[%get3A_188, %get3A_189] {strides = array<i32>} : memref<32x1024xf32, #tpu.memory_space<vmem>>, vector<1x16xf32>,
      %get3A_191 = vector.shape_cast %get3A_190 : vector<1x16xf32> to vector<16xf32>
      %mul3A_192 = arith.mulf %get3A_191, %get3A_55 : vector<16xf32>
      %add3A_193 = arith.addf %mul3A_187, %mul3A_192 : vector<16xf32>
      %swap3A_194 = arith.index_cast %scan3A_48 : i32 to index
      %swap3A_195 = arith.constant 128 : index
      %swap3A_196 = tpu.vector_load %arg10[%swap3A_194, %swap3A_195] {strides = array<i32>} : memref<32x1024xf32, #tpu.memory_space<vmem>>, vector<1x16xf32>,
      %swap3A_197 = vector.shape_cast %swap3A_196 : vector<1x16xf32> to vector<16xf32>
      %swap3A_198 = vector.shape_cast %add3A_193 : vector<16xf32> to vector<1x16xf32>
      tpu.vector_store %arg10[%swap3A_194, %swap3A_195], %swap3A_198 {strides = array<i32>} : memref<32x1024xf32, #tpu.memory_space<vmem>>, vector<1x16xf32>,
      %get3A_199 = arith.index_cast %scan3A_48 : i32 to index
      %get3A_200 = arith.constant 144 : index
      %get3A_201 = tpu.vector_load %arg10[%get3A_199, %get3A_200] {strides = array<i32>} : memref<32x1024xf32, #tpu.memory_space<vmem>>, vector<1x16xf32>,
      %get3A_202 = vector.shape_cast %get3A_201 : vector<1x16xf32> to vector<16xf32>
      %mul3A_203 = arith.mulf %get3A_202, %get3A_51 : vector<16xf32>
      %get3A_204 = arith.index_cast %scan3A_48 : i32 to index
      %get3A_205 = arith.constant 144 : index
      %get3A_206 = tpu.vector_load %arg11[%get3A_204, %get3A_205] {strides = array<i32>} : memref<32x1024xf32, #tpu.memory_space<vmem>>, vector<1x16xf32>,
      %get3A_207 = vector.shape_cast %get3A_206 : vector<1x16xf32> to vector<16xf32>
      %mul3A_208 = arith.mulf %get3A_207, %get3A_55 : vector<16xf32>
      %add3A_209 = arith.addf %mul3A_203, %mul3A_208 : vector<16xf32>
      %swap3A_210 = arith.index_cast %scan3A_48 : i32 to index
      %swap3A_211 = arith.constant 144 : index
      %swap3A_212 = tpu.vector_load %arg10[%swap3A_210, %swap3A_211] {strides = array<i32>} : memref<32x1024xf32, #tpu.memory_space<vmem>>, vector<1x16xf32>,
      %swap3A_213 = vector.shape_cast %swap3A_212 : vector<1x16xf32> to vector<16xf32>
      %swap3A_214 = vector.shape_cast %add3A_209 : vector<16xf32> to vector<1x16xf32>
      tpu.vector_store %arg10[%swap3A_210, %swap3A_211], %swap3A_214 {strides = array<i32>} : memref<32x1024xf32, #tpu.memory_space<vmem>>, vector<1x16xf32>,
      %get3A_215 = arith.index_cast %scan3A_48 : i32 to index
      %get3A_216 = arith.constant 160 : index
      %get3A_217 = tpu.vector_load %arg10[%get3A_215, %get3A_216] {strides = array<i32>} : memref<32x1024xf32, #tpu.memory_space<vmem>>, vector<1x16xf32>,
      %get3A_218 = vector.shape_cast %get3A_217 : vector<1x16xf32> to vector<16xf32>
      %mul3A_219 = arith.mulf %get3A_218, %get3A_51 : vector<16xf32>
      %get3A_220 = arith.index_cast %scan3A_48 : i32 to index
      %get3A_221 = arith.constant 160 : index
      %get3A_222 = tpu.vector_load %arg11[%get3A_220, %get3A_221] {strides = array<i32>} : memref<32x1024xf32, #tpu.memory_space<vmem>>, vector<1x16xf32>,
      %get3A_223 = vector.shape_cast %get3A_222 : vector<1x16xf32> to vector<16xf32>
      %mul3A_224 = arith.mulf %get3A_223, %get3A_55 : vector<16xf32>
      %add3A_225 = arith.addf %mul3A_219, %mul3A_224 : vector<16xf32>
      %swap3A_226 = arith.index_cast %scan3A_48 : i32 to index
      %swap3A_227 = arith.constant 160 : index
      %swap3A_228 = tpu.vector_load %arg10[%swap3A_226, %swap3A_227] {strides = array<i32>} : memref<32x1024xf32, #tpu.memory_space<vmem>>, vector<1x16xf32>,
      %swap3A_229 = vector.shape_cast %swap3A_228 : vector<1x16xf32> to vector<16xf32>
      %swap3A_230 = vector.shape_cast %add3A_225 : vector<16xf32> to vector<1x16xf32>
      tpu.vector_store %arg10[%swap3A_226, %swap3A_227], %swap3A_230 {strides = array<i32>} : memref<32x1024xf32, #tpu.memory_space<vmem>>, vector<1x16xf32>,
      %get3A_231 = arith.index_cast %scan3A_48 : i32 to index
      %get3A_232 = arith.constant 176 : index
      %get3A_233 = tpu.vector_load %arg10[%get3A_231, %get3A_232] {strides = array<i32>} : memref<32x1024xf32, #tpu.memory_space<vmem>>, vector<1x16xf32>,
      %get3A_234 = vector.shape_cast %get3A_233 : vector<1x16xf32> to vector<16xf32>
      %mul3A_235 = arith.mulf %get3A_234, %get3A_51 : vector<16xf32>
      %get3A_236 = arith.index_cast %scan3A_48 : i32 to index
      %get3A_237 = arith.constant 176 : index
      %get3A_238 = tpu.vector_load %arg11[%get3A_236, %get3A_237] {strides = array<i32>} : memref<32x1024xf32, #tpu.memory_space<vmem>>, vector<1x16xf32>,
      %get3A_239 = vector.shape_cast %get3A_238 : vector<1x16xf32> to vector<16xf32>
      %mul3A_240 = arith.mulf %get3A_239, %get3A_55 : vector<16xf32>
      %add3A_241 = arith.addf %mul3A_235, %mul3A_240 : vector<16xf32>
      %swap3A_242 = arith.index_cast %scan3A_48 : i32 to index
      %swap3A_243 = arith.constant 176 : index
      %swap3A_244 = tpu.vector_load %arg10[%swap3A_242, %swap3A_243] {strides = array<i32>} : memref<32x1024xf32, #tpu.memory_space<vmem>>, vector<1x16xf32>,
      %swap3A_245 = vector.shape_cast %swap3A_244 : vector<1x16xf32> to vector<16xf32>
      %swap3A_246 = vector.shape_cast %add3A_241 : vector<16xf32> to vector<1x16xf32>
      tpu.vector_store %arg10[%swap3A_242, %swap3A_243], %swap3A_246 {strides = array<i32>} : memref<32x1024xf32, #tpu.memory_space<vmem>>, vector<1x16xf32>,
      %get3A_247 = arith.index_cast %scan3A_48 : i32 to index
      %get3A_248 = arith.constant 192 : index
      %get3A_249 = tpu.vector_load %arg10[%get3A_247, %get3A_248] {strides = array<i32>} : memref<32x1024xf32, #tpu.memory_space<vmem>>, vector<1x16xf32>,
      %get3A_250 = vector.shape_cast %get3A_249 : vector<1x16xf32> to vector<16xf32>
      %mul3A_251 = arith.mulf %get3A_250, %get3A_51 : vector<16xf32>
      %get3A_252 = arith.index_cast %scan3A_48 : i32 to index
      %get3A_253 = arith.constant 192 : index
      %get3A_254 = tpu.vector_load %arg11[%get3A_252, %get3A_253] {strides = array<i32>} : memref<32x1024xf32, #tpu.memory_space<vmem>>, vector<1x16xf32>,
      %get3A_255 = vector.shape_cast %get3A_254 : vector<1x16xf32> to vector<16xf32>
      %mul3A_256 = arith.mulf %get3A_255, %get3A_55 : vector<16xf32>
      %add3A_257 = arith.addf %mul3A_251, %mul3A_256 : vector<16xf32>
      %swap3A_258 = arith.index_cast %scan3A_48 : i32 to index
      %swap3A_259 = arith.constant 192 : index
      %swap3A_260 = tpu.vector_load %arg10[%swap3A_258, %swap3A_259] {strides = array<i32>} : memref<32x1024xf32, #tpu.memory_space<vmem>>, vector<1x16xf32>,
      %swap3A_261 = vector.shape_cast %swap3A_260 : vector<1x16xf32> to vector<16xf32>
      %swap3A_262 = vector.shape_cast %add3A_257 : vector<16xf32> to vector<1x16xf32>
      tpu.vector_store %arg10[%swap3A_258, %swap3A_259], %swap3A_262 {strides = array<i32>} : memref<32x1024xf32, #tpu.memory_space<vmem>>, vector<1x16xf32>,
      %get3A_263 = arith.index_cast %scan3A_48 : i32 to index
      %get3A_264 = arith.constant 208 : index
      %get3A_265 = tpu.vector_load %arg10[%get3A_263, %get3A_264] {strides = array<i32>} : memref<32x1024xf32, #tpu.memory_space<vmem>>, vector<1x16xf32>,
      %get3A_266 = vector.shape_cast %get3A_265 : vector<1x16xf32> to vector<16xf32>
      %mul3A_267 = arith.mulf %get3A_266, %get3A_51 : vector<16xf32>
      %get3A_268 = arith.index_cast %scan3A_48 : i32 to index
      %get3A_269 = arith.constant 208 : index
      %get3A_270 = tpu.vector_load %arg11[%get3A_268, %get3A_269] {strides = array<i32>} : memref<32x1024xf32, #tpu.memory_space<vmem>>, vector<1x16xf32>,
      %get3A_271 = vector.shape_cast %get3A_270 : vector<1x16xf32> to vector<16xf32>
      %mul3A_272 = arith.mulf %get3A_271, %get3A_55 : vector<16xf32>
      %add3A_273 = arith.addf %mul3A_267, %mul3A_272 : vector<16xf32>
      %swap3A_274 = arith.index_cast %scan3A_48 : i32 to index
      %swap3A_275 = arith.constant 208 : index
      %swap3A_276 = tpu.vector_load %arg10[%swap3A_274, %swap3A_275] {strides = array<i32>} : memref<32x1024xf32, #tpu.memory_space<vmem>>, vector<1x16xf32>,
      %swap3A_277 = vector.shape_cast %swap3A_276 : vector<1x16xf32> to vector<16xf32>
      %swap3A_278 = vector.shape_cast %add3A_273 : vector<16xf32> to vector<1x16xf32>
      tpu.vector_store %arg10[%swap3A_274, %swap3A_275], %swap3A_278 {strides = array<i32>} : memref<32x1024xf32, #tpu.memory_space<vmem>>, vector<1x16xf32>,
      %get3A_279 = arith.index_cast %scan3A_48 : i32 to index
      %get3A_280 = arith.constant 224 : index
      %get3A_281 = tpu.vector_load %arg10[%get3A_279, %get3A_280] {strides = array<i32>} : memref<32x1024xf32, #tpu.memory_space<vmem>>, vector<1x16xf32>,
      %get3A_282 = vector.shape_cast %get3A_281 : vector<1x16xf32> to vector<16xf32>
      %mul3A_283 = arith.mulf %get3A_282, %get3A_51 : vector<16xf32>
      %get3A_284 = arith.index_cast %scan3A_48 : i32 to index
      %get3A_285 = arith.constant 224 : index
      %get3A_286 = tpu.vector_load %arg11[%get3A_284, %get3A_285] {strides = array<i32>} : memref<32x1024xf32, #tpu.memory_space<vmem>>, vector<1x16xf32>,
      %get3A_287 = vector.shape_cast %get3A_286 : vector<1x16xf32> to vector<16xf32>
      %mul3A_288 = arith.mulf %get3A_287, %get3A_55 : vector<16xf32>
      %add3A_289 = arith.addf %mul3A_283, %mul3A_288 : vector<16xf32>
      %swap3A_290 = arith.index_cast %scan3A_48 : i32 to index
      %swap3A_291 = arith.constant 224 : index
      %swap3A_292 = tpu.vector_load %arg10[%swap3A_290, %swap3A_291] {strides = array<i32>} : memref<32x1024xf32, #tpu.memory_space<vmem>>, vector<1x16xf32>,
      %swap3A_293 = vector.shape_cast %swap3A_292 : vector<1x16xf32> to vector<16xf32>
      %swap3A_294 = vector.shape_cast %add3A_289 : vector<16xf32> to vector<1x16xf32>
      tpu.vector_store %arg10[%swap3A_290, %swap3A_291], %swap3A_294 {strides = array<i32>} : memref<32x1024xf32, #tpu.memory_space<vmem>>, vector<1x16xf32>,
      %get3A_295 = arith.index_cast %scan3A_48 : i32 to index
      %get3A_296 = arith.constant 240 : index
      %get3A_297 = tpu.vector_load %arg10[%get3A_295, %get3A_296] {strides = array<i32>} : memref<32x1024xf32, #tpu.memory_space<vmem>>, vector<1x16xf32>,
      %get3A_298 = vector.shape_cast %get3A_297 : vector<1x16xf32> to vector<16xf32>
      %mul3A_299 = arith.mulf %get3A_298, %get3A_51 : vector<16xf32>
      %get3A_300 = arith.index_cast %scan3A_48 : i32 to index
      %get3A_301 = arith.constant 240 : index
      %get3A_302 = tpu.vector_load %arg11[%get3A_300, %get3A_301] {strides = array<i32>} : memref<32x1024xf32, #tpu.memory_space<vmem>>, vector<1x16xf32>,
      %get3A_303 = vector.shape_cast %get3A_302 : vector<1x16xf32> to vector<16xf32>
      %mul3A_304 = arith.mulf %get3A_303, %get3A_55 : vector<16xf32>
      %add3A_305 = arith.addf %mul3A_299, %mul3A_304 : vector<16xf32>
      %swap3A_306 = arith.index_cast %scan3A_48 : i32 to index
      %swap3A_307 = arith.constant 240 : index
      %swap3A_308 = tpu.vector_load %arg10[%swap3A_306, %swap3A_307] {strides = array<i32>} : memref<32x1024xf32, #tpu.memory_space<vmem>>, vector<1x16xf32>,
      %swap3A_309 = vector.shape_cast %swap3A_308 : vector<1x16xf32> to vector<16xf32>
      %swap3A_310 = vector.shape_cast %add3A_305 : vector<16xf32> to vector<1x16xf32>
      tpu.vector_store %arg10[%swap3A_306, %swap3A_307], %swap3A_310 {strides = array<i32>} : memref<32x1024xf32, #tpu.memory_space<vmem>>, vector<1x16xf32>,
      %get3A_311 = arith.index_cast %scan3A_48 : i32 to index
      %get3A_312 = arith.constant 256 : index
      %get3A_313 = tpu.vector_load %arg10[%get3A_311, %get3A_312] {strides = array<i32>} : memref<32x1024xf32, #tpu.memory_space<vmem>>, vector<1x16xf32>,
      %get3A_314 = vector.shape_cast %get3A_313 : vector<1x16xf32> to vector<16xf32>
      %mul3A_315 = arith.mulf %get3A_314, %get3A_51 : vector<16xf32>
      %get3A_316 = arith.index_cast %scan3A_48 : i32 to index
      %get3A_317 = arith.constant 256 : index
      %get3A_318 = tpu.vector_load %arg11[%get3A_316, %get3A_317] {strides = array<i32>} : memref<32x1024xf32, #tpu.memory_space<vmem>>, vector<1x16xf32>,
      %get3A_319 = vector.shape_cast %get3A_318 : vector<1x16xf32> to vector<16xf32>
      %mul3A_320 = arith.mulf %get3A_319, %get3A_55 : vector<16xf32>
      %add3A_321 = arith.addf %mul3A_315, %mul3A_320 : vector<16xf32>
      %swap3A_322 = arith.index_cast %scan3A_48 : i32 to index
      %swap3A_323 = arith.constant 256 : index
      %swap3A_324 = tpu.vector_load %arg10[%swap3A_322, %swap3A_323] {strides = array<i32>} : memref<32x1024xf32, #tpu.memory_space<vmem>>, vector<1x16xf32>,
      %swap3A_325 = vector.shape_cast %swap3A_324 : vector<1x16xf32> to vector<16xf32>
      %swap3A_326 = vector.shape_cast %add3A_321 : vector<16xf32> to vector<1x16xf32>
      tpu.vector_store %arg10[%swap3A_322, %swap3A_323], %swap3A_326 {strides = array<i32>} : memref<32x1024xf32, #tpu.memory_space<vmem>>, vector<1x16xf32>,
      %get3A_327 = arith.index_cast %scan3A_48 : i32 to index
      %get3A_328 = arith.constant 272 : index
      %get3A_329 = tpu.vector_load %arg10[%get3A_327, %get3A_328] {strides = array<i32>} : memref<32x1024xf32, #tpu.memory_space<vmem>>, vector<1x16xf32>,
      %get3A_330 = vector.shape_cast %get3A_329 : vector<1x16xf32> to vector<16xf32>
      %mul3A_331 = arith.mulf %get3A_330, %get3A_51 : vector<16xf32>
      %get3A_332 = arith.index_cast %scan3A_48 : i32 to index
      %get3A_333 = arith.constant 272 : index
      %get3A_334 = tpu.vector_load %arg11[%get3A_332, %get3A_333] {strides = array<i32>} : memref<32x1024xf32, #tpu.memory_space<vmem>>, vector<1x16xf32>,
      %get3A_335 = vector.shape_cast %get3A_334 : vector<1x16xf32> to vector<16xf32>
      %mul3A_336 = arith.mulf %get3A_335, %get3A_55 : vector<16xf32>
      %add3A_337 = arith.addf %mul3A_331, %mul3A_336 : vector<16xf32>
      %swap3A_338 = arith.index_cast %scan3A_48 : i32 to index
      %swap3A_339 = arith.constant 272 : index
      %swap3A_340 = tpu.vector_load %arg10[%swap3A_338, %swap3A_339] {strides = array<i32>} : memref<32x1024xf32, #tpu.memory_space<vmem>>, vector<1x16xf32>,
      %swap3A_341 = vector.shape_cast %swap3A_340 : vector<1x16xf32> to vector<16xf32>
      %swap3A_342 = vector.shape_cast %add3A_337 : vector<16xf32> to vector<1x16xf32>
      tpu.vector_store %arg10[%swap3A_338, %swap3A_339], %swap3A_342 {strides = array<i32>} : memref<32x1024xf32, #tpu.memory_space<vmem>>, vector<1x16xf32>,
      %get3A_343 = arith.index_cast %scan3A_48 : i32 to index
      %get3A_344 = arith.constant 288 : index
      %get3A_345 = tpu.vector_load %arg10[%get3A_343, %get3A_344] {strides = array<i32>} : memref<32x1024xf32, #tpu.memory_space<vmem>>, vector<1x16xf32>,
      %get3A_346 = vector.shape_cast %get3A_345 : vector<1x16xf32> to vector<16xf32>
      %mul3A_347 = arith.mulf %get3A_346, %get3A_51 : vector<16xf32>
      %get3A_348 = arith.index_cast %scan3A_48 : i32 to index
      %get3A_349 = arith.constant 288 : index
      %get3A_350 = tpu.vector_load %arg11[%get3A_348, %get3A_349] {strides = array<i32>} : memref<32x1024xf32, #tpu.memory_space<vmem>>, vector<1x16xf32>,
      %get3A_351 = vector.shape_cast %get3A_350 : vector<1x16xf32> to vector<16xf32>
      %mul3A_352 = arith.mulf %get3A_351, %get3A_55 : vector<16xf32>
      %add3A_353 = arith.addf %mul3A_347, %mul3A_352 : vector<16xf32>
      %swap3A_354 = arith.index_cast %scan3A_48 : i32 to index
      %swap3A_355 = arith.constant 288 : index
      %swap3A_356 = tpu.vector_load %arg10[%swap3A_354, %swap3A_355] {strides = array<i32>} : memref<32x1024xf32, #tpu.memory_space<vmem>>, vector<1x16xf32>,
      %swap3A_357 = vector.shape_cast %swap3A_356 : vector<1x16xf32> to vector<16xf32>
      %swap3A_358 = vector.shape_cast %add3A_353 : vector<16xf32> to vector<1x16xf32>
      tpu.vector_store %arg10[%swap3A_354, %swap3A_355], %swap3A_358 {strides = array<i32>} : memref<32x1024xf32, #tpu.memory_space<vmem>>, vector<1x16xf32>,
      %get3A_359 = arith.index_cast %scan3A_48 : i32 to index
      %get3A_360 = arith.constant 304 : index
      %get3A_361 = tpu.vector_load %arg10[%get3A_359, %get3A_360] {strides = array<i32>} : memref<32x1024xf32, #tpu.memory_space<vmem>>, vector<1x16xf32>,
      %get3A_362 = vector.shape_cast %get3A_361 : vector<1x16xf32> to vector<16xf32>
      %mul3A_363 = arith.mulf %get3A_362, %get3A_51 : vector<16xf32>
      %get3A_364 = arith.index_cast %scan3A_48 : i32 to index
      %get3A_365 = arith.constant 304 : index
      %get3A_366 = tpu.vector_load %arg11[%get3A_364, %get3A_365] {strides = array<i32>} : memref<32x1024xf32, #tpu.memory_space<vmem>>, vector<1x16xf32>,
      %get3A_367 = vector.shape_cast %get3A_366 : vector<1x16xf32> to vector<16xf32>
      %mul3A_368 = arith.mulf %get3A_367, %get3A_55 : vector<16xf32>
      %add3A_369 = arith.addf %mul3A_363, %mul3A_368 : vector<16xf32>
      %swap3A_370 = arith.index_cast %scan3A_48 : i32 to index
      %swap3A_371 = arith.constant 304 : index
      %swap3A_372 = tpu.vector_load %arg10[%swap3A_370, %swap3A_371] {strides = array<i32>} : memref<32x1024xf32, #tpu.memory_space<vmem>>, vector<1x16xf32>,
      %swap3A_373 = vector.shape_cast %swap3A_372 : vector<1x16xf32> to vector<16xf32>
      %swap3A_374 = vector.shape_cast %add3A_369 : vector<16xf32> to vector<1x16xf32>
      tpu.vector_store %arg10[%swap3A_370, %swap3A_371], %swap3A_374 {strides = array<i32>} : memref<32x1024xf32, #tpu.memory_space<vmem>>, vector<1x16xf32>,
      %get3A_375 = arith.index_cast %scan3A_48 : i32 to index
      %get3A_376 = arith.constant 320 : index
      %get3A_377 = tpu.vector_load %arg10[%get3A_375, %get3A_376] {strides = array<i32>} : memref<32x1024xf32, #tpu.memory_space<vmem>>, vector<1x16xf32>,
      %get3A_378 = vector.shape_cast %get3A_377 : vector<1x16xf32> to vector<16xf32>
      %mul3A_379 = arith.mulf %get3A_378, %get3A_51 : vector<16xf32>
      %get3A_380 = arith.index_cast %scan3A_48 : i32 to index
      %get3A_381 = arith.constant 320 : index
      %get3A_382 = tpu.vector_load %arg11[%get3A_380, %get3A_381] {strides = array<i32>} : memref<32x1024xf32, #tpu.memory_space<vmem>>, vector<1x16xf32>,
      %get3A_383 = vector.shape_cast %get3A_382 : vector<1x16xf32> to vector<16xf32>
      %mul3A_384 = arith.mulf %get3A_383, %get3A_55 : vector<16xf32>
      %add3A_385 = arith.addf %mul3A_379, %mul3A_384 : vector<16xf32>
      %swap3A_386 = arith.index_cast %scan3A_48 : i32 to index
      %swap3A_387 = arith.constant 320 : index
      %swap3A_388 = tpu.vector_load %arg10[%swap3A_386, %swap3A_387] {strides = array<i32>} : memref<32x1024xf32, #tpu.memory_space<vmem>>, vector<1x16xf32>,
      %swap3A_389 = vector.shape_cast %swap3A_388 : vector<1x16xf32> to vector<16xf32>
      %swap3A_390 = vector.shape_cast %add3A_385 : vector<16xf32> to vector<1x16xf32>
      tpu.vector_store %arg10[%swap3A_386, %swap3A_387], %swap3A_390 {strides = array<i32>} : memref<32x1024xf32, #tpu.memory_space<vmem>>, vector<1x16xf32>,
      %get3A_391 = arith.index_cast %scan3A_48 : i32 to index
      %get3A_392 = arith.constant 336 : index
      %get3A_393 = tpu.vector_load %arg10[%get3A_391, %get3A_392] {strides = array<i32>} : memref<32x1024xf32, #tpu.memory_space<vmem>>, vector<1x16xf32>,
      %get3A_394 = vector.shape_cast %get3A_393 : vector<1x16xf32> to vector<16xf32>
      %mul3A_395 = arith.mulf %get3A_394, %get3A_51 : vector<16xf32>
      %get3A_396 = arith.index_cast %scan3A_48 : i32 to index
      %get3A_397 = arith.constant 336 : index
      %get3A_398 = tpu.vector_load %arg11[%get3A_396, %get3A_397] {strides = array<i32>} : memref<32x1024xf32, #tpu.memory_space<vmem>>, vector<1x16xf32>,
      %get3A_399 = vector.shape_cast %get3A_398 : vector<1x16xf32> to vector<16xf32>
      %mul3A_400 = arith.mulf %get3A_399, %get3A_55 : vector<16xf32>
      %add3A_401 = arith.addf %mul3A_395, %mul3A_400 : vector<16xf32>
      %swap3A_402 = arith.index_cast %scan3A_48 : i32 to index
      %swap3A_403 = arith.constant 336 : index
      %swap3A_404 = tpu.vector_load %arg10[%swap3A_402, %swap3A_403] {strides = array<i32>} : memref<32x1024xf32, #tpu.memory_space<vmem>>, vector<1x16xf32>,
      %swap3A_405 = vector.shape_cast %swap3A_404 : vector<1x16xf32> to vector<16xf32>
      %swap3A_406 = vector.shape_cast %add3A_401 : vector<16xf32> to vector<1x16xf32>
      tpu.vector_store %arg10[%swap3A_402, %swap3A_403], %swap3A_406 {strides = array<i32>} : memref<32x1024xf32, #tpu.memory_space<vmem>>, vector<1x16xf32>,
      %get3A_407 = arith.index_cast %scan3A_48 : i32 to index
      %get3A_408 = arith.constant 352 : index
      %get3A_409 = tpu.vector_load %arg10[%get3A_407, %get3A_408] {strides = array<i32>} : memref<32x1024xf32, #tpu.memory_space<vmem>>, vector<1x16xf32>,
      %get3A_410 = vector.shape_cast %get3A_409 : vector<1x16xf32> to vector<16xf32>
      %mul3A_411 = arith.mulf %get3A_410, %get3A_51 : vector<16xf32>
      %get3A_412 = arith.index_cast %scan3A_48 : i32 to index
      %get3A_413 = arith.constant 352 : index
      %get3A_414 = tpu.vector_load %arg11[%get3A_412, %get3A_413] {strides = array<i32>} : memref<32x1024xf32, #tpu.memory_space<vmem>>, vector<1x16xf32>,
      %get3A_415 = vector.shape_cast %get3A_414 : vector<1x16xf32> to vector<16xf32>
      %mul3A_416 = arith.mulf %get3A_415, %get3A_55 : vector<16xf32>
      %add3A_417 = arith.addf %mul3A_411, %mul3A_416 : vector<16xf32>
      %swap3A_418 = arith.index_cast %scan3A_48 : i32 to index
      %swap3A_419 = arith.constant 352 : index
      %swap3A_420 = tpu.vector_load %arg10[%swap3A_418, %swap3A_419] {strides = array<i32>} : memref<32x1024xf32, #tpu.memory_space<vmem>>, vector<1x16xf32>,
      %swap3A_421 = vector.shape_cast %swap3A_420 : vector<1x16xf32> to vector<16xf32>
      %swap3A_422 = vector.shape_cast %add3A_417 : vector<16xf32> to vector<1x16xf32>
      tpu.vector_store %arg10[%swap3A_418, %swap3A_419], %swap3A_422 {strides = array<i32>} : memref<32x1024xf32, #tpu.memory_space<vmem>>, vector<1x16xf32>,
      %get3A_423 = arith.index_cast %scan3A_48 : i32 to index
      %get3A_424 = arith.constant 368 : index
      %get3A_425 = tpu.vector_load %arg10[%get3A_423, %get3A_424] {strides = array<i32>} : memref<32x1024xf32, #tpu.memory_space<vmem>>, vector<1x16xf32>,
      %get3A_426 = vector.shape_cast %get3A_425 : vector<1x16xf32> to vector<16xf32>
      %mul3A_427 = arith.mulf %get3A_426, %get3A_51 : vector<16xf32>
      %get3A_428 = arith.index_cast %scan3A_48 : i32 to index
      %get3A_429 = arith.constant 368 : index
      %get3A_430 = tpu.vector_load %arg11[%get3A_428, %get3A_429] {strides = array<i32>} : memref<32x1024xf32, #tpu.memory_space<vmem>>, vector<1x16xf32>,
      %get3A_431 = vector.shape_cast %get3A_430 : vector<1x16xf32> to vector<16xf32>
      %mul3A_432 = arith.mulf %get3A_431, %get3A_55 : vector<16xf32>
      %add3A_433 = arith.addf %mul3A_427, %mul3A_432 : vector<16xf32>
      %swap3A_434 = arith.index_cast %scan3A_48 : i32 to index
      %swap3A_435 = arith.constant 368 : index
      %swap3A_436 = tpu.vector_load %arg10[%swap3A_434, %swap3A_435] {strides = array<i32>} : memref<32x1024xf32, #tpu.memory_space<vmem>>, vector<1x16xf32>,
      %swap3A_437 = vector.shape_cast %swap3A_436 : vector<1x16xf32> to vector<16xf32>
      %swap3A_438 = vector.shape_cast %add3A_433 : vector<16xf32> to vector<1x16xf32>
      tpu.vector_store %arg10[%swap3A_434, %swap3A_435], %swap3A_438 {strides = array<i32>} : memref<32x1024xf32, #tpu.memory_space<vmem>>, vector<1x16xf32>,
      %get3A_439 = arith.index_cast %scan3A_48 : i32 to index
      %get3A_440 = arith.constant 384 : index
      %get3A_441 = tpu.vector_load %arg10[%get3A_439, %get3A_440] {strides = array<i32>} : memref<32x1024xf32, #tpu.memory_space<vmem>>, vector<1x16xf32>,
      %get3A_442 = vector.shape_cast %get3A_441 : vector<1x16xf32> to vector<16xf32>
      %mul3A_443 = arith.mulf %get3A_442, %get3A_51 : vector<16xf32>
      %get3A_444 = arith.index_cast %scan3A_48 : i32 to index
      %get3A_445 = arith.constant 384 : index
      %get3A_446 = tpu.vector_load %arg11[%get3A_444, %get3A_445] {strides = array<i32>} : memref<32x1024xf32, #tpu.memory_space<vmem>>, vector<1x16xf32>,
      %get3A_447 = vector.shape_cast %get3A_446 : vector<1x16xf32> to vector<16xf32>
      %mul3A_448 = arith.mulf %get3A_447, %get3A_55 : vector<16xf32>
      %add3A_449 = arith.addf %mul3A_443, %mul3A_448 : vector<16xf32>
      %swap3A_450 = arith.index_cast %scan3A_48 : i32 to index
      %swap3A_451 = arith.constant 384 : index
      %swap3A_452 = tpu.vector_load %arg10[%swap3A_450, %swap3A_451] {strides = array<i32>} : memref<32x1024xf32, #tpu.memory_space<vmem>>, vector<1x16xf32>,
      %swap3A_453 = vector.shape_cast %swap3A_452 : vector<1x16xf32> to vector<16xf32>
      %swap3A_454 = vector.shape_cast %add3A_449 : vector<16xf32> to vector<1x16xf32>
      tpu.vector_store %arg10[%swap3A_450, %swap3A_451], %swap3A_454 {strides = array<i32>} : memref<32x1024xf32, #tpu.memory_space<vmem>>, vector<1x16xf32>,
      %get3A_455 = arith.index_cast %scan3A_48 : i32 to index
      %get3A_456 = arith.constant 400 : index
      %get3A_457 = tpu.vector_load %arg10[%get3A_455, %get3A_456] {strides = array<i32>} : memref<32x1024xf32, #tpu.memory_space<vmem>>, vector<1x16xf32>,
      %get3A_458 = vector.shape_cast %get3A_457 : vector<1x16xf32> to vector<16xf32>
      %mul3A_459 = arith.mulf %get3A_458, %get3A_51 : vector<16xf32>
      %get3A_460 = arith.index_cast %scan3A_48 : i32 to index
      %get3A_461 = arith.constant 400 : index
      %get3A_462 = tpu.vector_load %arg11[%get3A_460, %get3A_461] {strides = array<i32>} : memref<32x1024xf32, #tpu.memory_space<vmem>>, vector<1x16xf32>,
      %get3A_463 = vector.shape_cast %get3A_462 : vector<1x16xf32> to vector<16xf32>
      %mul3A_464 = arith.mulf %get3A_463, %get3A_55 : vector<16xf32>
      %add3A_465 = arith.addf %mul3A_459, %mul3A_464 : vector<16xf32>
      %swap3A_466 = arith.index_cast %scan3A_48 : i32 to index
      %swap3A_467 = arith.constant 400 : index
      %swap3A_468 = tpu.vector_load %arg10[%swap3A_466, %swap3A_467] {strides = array<i32>} : memref<32x1024xf32, #tpu.memory_space<vmem>>, vector<1x16xf32>,
      %swap3A_469 = vector.shape_cast %swap3A_468 : vector<1x16xf32> to vector<16xf32>
      %swap3A_470 = vector.shape_cast %add3A_465 : vector<16xf32> to vector<1x16xf32>
      tpu.vector_store %arg10[%swap3A_466, %swap3A_467], %swap3A_470 {strides = array<i32>} : memref<32x1024xf32, #tpu.memory_space<vmem>>, vector<1x16xf32>,
      %get3A_471 = arith.index_cast %scan3A_48 : i32 to index
      %get3A_472 = arith.constant 416 : index
      %get3A_473 = tpu.vector_load %arg10[%get3A_471, %get3A_472] {strides = array<i32>} : memref<32x1024xf32, #tpu.memory_space<vmem>>, vector<1x16xf32>,
      %get3A_474 = vector.shape_cast %get3A_473 : vector<1x16xf32> to vector<16xf32>
      %mul3A_475 = arith.mulf %get3A_474, %get3A_51 : vector<16xf32>
      %get3A_476 = arith.index_cast %scan3A_48 : i32 to index
      %get3A_477 = arith.constant 416 : index
      %get3A_478 = tpu.vector_load %arg11[%get3A_476, %get3A_477] {strides = array<i32>} : memref<32x1024xf32, #tpu.memory_space<vmem>>, vector<1x16xf32>,
      %get3A_479 = vector.shape_cast %get3A_478 : vector<1x16xf32> to vector<16xf32>
      %mul3A_480 = arith.mulf %get3A_479, %get3A_55 : vector<16xf32>
      %add3A_481 = arith.addf %mul3A_475, %mul3A_480 : vector<16xf32>
      %swap3A_482 = arith.index_cast %scan3A_48 : i32 to index
      %swap3A_483 = arith.constant 416 : index
      %swap3A_484 = tpu.vector_load %arg10[%swap3A_482, %swap3A_483] {strides = array<i32>} : memref<32x1024xf32, #tpu.memory_space<vmem>>, vector<1x16xf32>,
      %swap3A_485 = vector.shape_cast %swap3A_484 : vector<1x16xf32> to vector<16xf32>
      %swap3A_486 = vector.shape_cast %add3A_481 : vector<16xf32> to vector<1x16xf32>
      tpu.vector_store %arg10[%swap3A_482, %swap3A_483], %swap3A_486 {strides = array<i32>} : memref<32x1024xf32, #tpu.memory_space<vmem>>, vector<1x16xf32>,
      %get3A_487 = arith.index_cast %scan3A_48 : i32 to index
      %get3A_488 = arith.constant 432 : index
      %get3A_489 = tpu.vector_load %arg10[%get3A_487, %get3A_488] {strides = array<i32>} : memref<32x1024xf32, #tpu.memory_space<vmem>>, vector<1x16xf32>,
      %get3A_490 = vector.shape_cast %get3A_489 : vector<1x16xf32> to vector<16xf32>
      %mul3A_491 = arith.mulf %get3A_490, %get3A_51 : vector<16xf32>
      %get3A_492 = arith.index_cast %scan3A_48 : i32 to index
      %get3A_493 = arith.constant 432 : index
      %get3A_494 = tpu.vector_load %arg11[%get3A_492, %get3A_493] {strides = array<i32>} : memref<32x1024xf32, #tpu.memory_space<vmem>>, vector<1x16xf32>,
      %get3A_495 = vector.shape_cast %get3A_494 : vector<1x16xf32> to vector<16xf32>
      %mul3A_496 = arith.mulf %get3A_495, %get3A_55 : vector<16xf32>
      %add3A_497 = arith.addf %mul3A_491, %mul3A_496 : vector<16xf32>
      %swap3A_498 = arith.index_cast %scan3A_48 : i32 to index
      %swap3A_499 = arith.constant 432 : index
      %swap3A_500 = tpu.vector_load %arg10[%swap3A_498, %swap3A_499] {strides = array<i32>} : memref<32x1024xf32, #tpu.memory_space<vmem>>, vector<1x16xf32>,
      %swap3A_501 = vector.shape_cast %swap3A_500 : vector<1x16xf32> to vector<16xf32>
      %swap3A_502 = vector.shape_cast %add3A_497 : vector<16xf32> to vector<1x16xf32>
      tpu.vector_store %arg10[%swap3A_498, %swap3A_499], %swap3A_502 {strides = array<i32>} : memref<32x1024xf32, #tpu.memory_space<vmem>>, vector<1x16xf32>,
      %get3A_503 = arith.index_cast %scan3A_48 : i32 to index
      %get3A_504 = arith.constant 448 : index
      %get3A_505 = tpu.vector_load %arg10[%get3A_503, %get3A_504] {strides = array<i32>} : memref<32x1024xf32, #tpu.memory_space<vmem>>, vector<1x16xf32>,
      %get3A_506 = vector.shape_cast %get3A_505 : vector<1x16xf32> to vector<16xf32>
      %mul3A_507 = arith.mulf %get3A_506, %get3A_51 : vector<16xf32>
      %get3A_508 = arith.index_cast %scan3A_48 : i32 to index
      %get3A_509 = arith.constant 448 : index
      %get3A_510 = tpu.vector_load %arg11[%get3A_508, %get3A_509] {strides = array<i32>} : memref<32x1024xf32, #tpu.memory_space<vmem>>, vector<1x16xf32>,
      %get3A_511 = vector.shape_cast %get3A_510 : vector<1x16xf32> to vector<16xf32>
      %mul3A_512 = arith.mulf %get3A_511, %get3A_55 : vector<16xf32>
      %add3A_513 = arith.addf %mul3A_507, %mul3A_512 : vector<16xf32>
      %swap3A_514 = arith.index_cast %scan3A_48 : i32 to index
      %swap3A_515 = arith.constant 448 : index
      %swap3A_516 = tpu.vector_load %arg10[%swap3A_514, %swap3A_515] {strides = array<i32>} : memref<32x1024xf32, #tpu.memory_space<vmem>>, vector<1x16xf32>,
      %swap3A_517 = vector.shape_cast %swap3A_516 : vector<1x16xf32> to vector<16xf32>
      %swap3A_518 = vector.shape_cast %add3A_513 : vector<16xf32> to vector<1x16xf32>
      tpu.vector_store %arg10[%swap3A_514, %swap3A_515], %swap3A_518 {strides = array<i32>} : memref<32x1024xf32, #tpu.memory_space<vmem>>, vector<1x16xf32>,
      %get3A_519 = arith.index_cast %scan3A_48 : i32 to index
      %get3A_520 = arith.constant 464 : index
      %get3A_521 = tpu.vector_load %arg10[%get3A_519, %get3A_520] {strides = array<i32>} : memref<32x1024xf32, #tpu.memory_space<vmem>>, vector<1x16xf32>,
      %get3A_522 = vector.shape_cast %get3A_521 : vector<1x16xf32> to vector<16xf32>
      %mul3A_523 = arith.mulf %get3A_522, %get3A_51 : vector<16xf32>
      %get3A_524 = arith.index_cast %scan3A_48 : i32 to index
      %get3A_525 = arith.constant 464 : index
      %get3A_526 = tpu.vector_load %arg11[%get3A_524, %get3A_525] {strides = array<i32>} : memref<32x1024xf32, #tpu.memory_space<vmem>>, vector<1x16xf32>,
      %get3A_527 = vector.shape_cast %get3A_526 : vector<1x16xf32> to vector<16xf32>
      %mul3A_528 = arith.mulf %get3A_527, %get3A_55 : vector<16xf32>
      %add3A_529 = arith.addf %mul3A_523, %mul3A_528 : vector<16xf32>
      %swap3A_530 = arith.index_cast %scan3A_48 : i32 to index
      %swap3A_531 = arith.constant 464 : index
      %swap3A_532 = tpu.vector_load %arg10[%swap3A_530, %swap3A_531] {strides = array<i32>} : memref<32x1024xf32, #tpu.memory_space<vmem>>, vector<1x16xf32>,
      %swap3A_533 = vector.shape_cast %swap3A_532 : vector<1x16xf32> to vector<16xf32>
      %swap3A_534 = vector.shape_cast %add3A_529 : vector<16xf32> to vector<1x16xf32>
      tpu.vector_store %arg10[%swap3A_530, %swap3A_531], %swap3A_534 {strides = array<i32>} : memref<32x1024xf32, #tpu.memory_space<vmem>>, vector<1x16xf32>,
      %get3A_535 = arith.index_cast %scan3A_48 : i32 to index
      %get3A_536 = arith.constant 480 : index
      %get3A_537 = tpu.vector_load %arg10[%get3A_535, %get3A_536] {strides = array<i32>} : memref<32x1024xf32, #tpu.memory_space<vmem>>, vector<1x16xf32>,
      %get3A_538 = vector.shape_cast %get3A_537 : vector<1x16xf32> to vector<16xf32>
      %mul3A_539 = arith.mulf %get3A_538, %get3A_51 : vector<16xf32>
      %get3A_540 = arith.index_cast %scan3A_48 : i32 to index
      %get3A_541 = arith.constant 480 : index
      %get3A_542 = tpu.vector_load %arg11[%get3A_540, %get3A_541] {strides = array<i32>} : memref<32x1024xf32, #tpu.memory_space<vmem>>, vector<1x16xf32>,
      %get3A_543 = vector.shape_cast %get3A_542 : vector<1x16xf32> to vector<16xf32>
      %mul3A_544 = arith.mulf %get3A_543, %get3A_55 : vector<16xf32>
      %add3A_545 = arith.addf %mul3A_539, %mul3A_544 : vector<16xf32>
      %swap3A_546 = arith.index_cast %scan3A_48 : i32 to index
      %swap3A_547 = arith.constant 480 : index
      %swap3A_548 = tpu.vector_load %arg10[%swap3A_546, %swap3A_547] {strides = array<i32>} : memref<32x1024xf32, #tpu.memory_space<vmem>>, vector<1x16xf32>,
      %swap3A_549 = vector.shape_cast %swap3A_548 : vector<1x16xf32> to vector<16xf32>
      %swap3A_550 = vector.shape_cast %add3A_545 : vector<16xf32> to vector<1x16xf32>
      tpu.vector_store %arg10[%swap3A_546, %swap3A_547], %swap3A_550 {strides = array<i32>} : memref<32x1024xf32, #tpu.memory_space<vmem>>, vector<1x16xf32>,
      %get3A_551 = arith.index_cast %scan3A_48 : i32 to index
      %get3A_552 = arith.constant 496 : index
      %get3A_553 = tpu.vector_load %arg10[%get3A_551, %get3A_552] {strides = array<i32>} : memref<32x1024xf32, #tpu.memory_space<vmem>>, vector<1x16xf32>,
      %get3A_554 = vector.shape_cast %get3A_553 : vector<1x16xf32> to vector<16xf32>
      %mul3A_555 = arith.mulf %get3A_554, %get3A_51 : vector<16xf32>
      %get3A_556 = arith.index_cast %scan3A_48 : i32 to index
      %get3A_557 = arith.constant 496 : index
      %get3A_558 = tpu.vector_load %arg11[%get3A_556, %get3A_557] {strides = array<i32>} : memref<32x1024xf32, #tpu.memory_space<vmem>>, vector<1x16xf32>,
      %get3A_559 = vector.shape_cast %get3A_558 : vector<1x16xf32> to vector<16xf32>
      %mul3A_560 = arith.mulf %get3A_559, %get3A_55 : vector<16xf32>
      %add3A_561 = arith.addf %mul3A_555, %mul3A_560 : vector<16xf32>
      %swap3A_562 = arith.index_cast %scan3A_48 : i32 to index
      %swap3A_563 = arith.constant 496 : index
      %swap3A_564 = tpu.vector_load %arg10[%swap3A_562, %swap3A_563] {strides = array<i32>} : memref<32x1024xf32, #tpu.memory_space<vmem>>, vector<1x16xf32>,
      %swap3A_565 = vector.shape_cast %swap3A_564 : vector<1x16xf32> to vector<16xf32>
      %swap3A_566 = vector.shape_cast %add3A_561 : vector<16xf32> to vector<1x16xf32>
      tpu.vector_store %arg10[%swap3A_562, %swap3A_563], %swap3A_566 {strides = array<i32>} : memref<32x1024xf32, #tpu.memory_space<vmem>>, vector<1x16xf32>,
      %get3A_567 = arith.index_cast %scan3A_48 : i32 to index
      %get3A_568 = arith.constant 512 : index
      %get3A_569 = tpu.vector_load %arg10[%get3A_567, %get3A_568] {strides = array<i32>} : memref<32x1024xf32, #tpu.memory_space<vmem>>, vector<1x16xf32>,
      %get3A_570 = vector.shape_cast %get3A_569 : vector<1x16xf32> to vector<16xf32>
      %mul3A_571 = arith.mulf %get3A_570, %get3A_51 : vector<16xf32>
      %get3A_572 = arith.index_cast %scan3A_48 : i32 to index
      %get3A_573 = arith.constant 512 : index
      %get3A_574 = tpu.vector_load %arg11[%get3A_572, %get3A_573] {strides = array<i32>} : memref<32x1024xf32, #tpu.memory_space<vmem>>, vector<1x16xf32>,
      %get3A_575 = vector.shape_cast %get3A_574 : vector<1x16xf32> to vector<16xf32>
      %mul3A_576 = arith.mulf %get3A_575, %get3A_55 : vector<16xf32>
      %add3A_577 = arith.addf %mul3A_571, %mul3A_576 : vector<16xf32>
      %swap3A_578 = arith.index_cast %scan3A_48 : i32 to index
      %swap3A_579 = arith.constant 512 : index
      %swap3A_580 = tpu.vector_load %arg10[%swap3A_578, %swap3A_579] {strides = array<i32>} : memref<32x1024xf32, #tpu.memory_space<vmem>>, vector<1x16xf32>,
      %swap3A_581 = vector.shape_cast %swap3A_580 : vector<1x16xf32> to vector<16xf32>
      %swap3A_582 = vector.shape_cast %add3A_577 : vector<16xf32> to vector<1x16xf32>
      tpu.vector_store %arg10[%swap3A_578, %swap3A_579], %swap3A_582 {strides = array<i32>} : memref<32x1024xf32, #tpu.memory_space<vmem>>, vector<1x16xf32>,
      %get3A_583 = arith.index_cast %scan3A_48 : i32 to index
      %get3A_584 = arith.constant 528 : index
      %get3A_585 = tpu.vector_load %arg10[%get3A_583, %get3A_584] {strides = array<i32>} : memref<32x1024xf32, #tpu.memory_space<vmem>>, vector<1x16xf32>,
      %get3A_586 = vector.shape_cast %get3A_585 : vector<1x16xf32> to vector<16xf32>
      %mul3A_587 = arith.mulf %get3A_586, %get3A_51 : vector<16xf32>
      %get3A_588 = arith.index_cast %scan3A_48 : i32 to index
      %get3A_589 = arith.constant 528 : index
      %get3A_590 = tpu.vector_load %arg11[%get3A_588, %get3A_589] {strides = array<i32>} : memref<32x1024xf32, #tpu.memory_space<vmem>>, vector<1x16xf32>,
      %get3A_591 = vector.shape_cast %get3A_590 : vector<1x16xf32> to vector<16xf32>
      %mul3A_592 = arith.mulf %get3A_591, %get3A_55 : vector<16xf32>
      %add3A_593 = arith.addf %mul3A_587, %mul3A_592 : vector<16xf32>
      %swap3A_594 = arith.index_cast %scan3A_48 : i32 to index
      %swap3A_595 = arith.constant 528 : index
      %swap3A_596 = tpu.vector_load %arg10[%swap3A_594, %swap3A_595] {strides = array<i32>} : memref<32x1024xf32, #tpu.memory_space<vmem>>, vector<1x16xf32>,
      %swap3A_597 = vector.shape_cast %swap3A_596 : vector<1x16xf32> to vector<16xf32>
      %swap3A_598 = vector.shape_cast %add3A_593 : vector<16xf32> to vector<1x16xf32>
      tpu.vector_store %arg10[%swap3A_594, %swap3A_595], %swap3A_598 {strides = array<i32>} : memref<32x1024xf32, #tpu.memory_space<vmem>>, vector<1x16xf32>,
      %get3A_599 = arith.index_cast %scan3A_48 : i32 to index
      %get3A_600 = arith.constant 544 : index
      %get3A_601 = tpu.vector_load %arg10[%get3A_599, %get3A_600] {strides = array<i32>} : memref<32x1024xf32, #tpu.memory_space<vmem>>, vector<1x16xf32>,
      %get3A_602 = vector.shape_cast %get3A_601 : vector<1x16xf32> to vector<16xf32>
      %mul3A_603 = arith.mulf %get3A_602, %get3A_51 : vector<16xf32>
      %get3A_604 = arith.index_cast %scan3A_48 : i32 to index
      %get3A_605 = arith.constant 544 : index
      %get3A_606 = tpu.vector_load %arg11[%get3A_604, %get3A_605] {strides = array<i32>} : memref<32x1024xf32, #tpu.memory_space<vmem>>, vector<1x16xf32>,
      %get3A_607 = vector.shape_cast %get3A_606 : vector<1x16xf32> to vector<16xf32>
      %mul3A_608 = arith.mulf %get3A_607, %get3A_55 : vector<16xf32>
      %add3A_609 = arith.addf %mul3A_603, %mul3A_608 : vector<16xf32>
      %swap3A_610 = arith.index_cast %scan3A_48 : i32 to index
      %swap3A_611 = arith.constant 544 : index
      %swap3A_612 = tpu.vector_load %arg10[%swap3A_610, %swap3A_611] {strides = array<i32>} : memref<32x1024xf32, #tpu.memory_space<vmem>>, vector<1x16xf32>,
      %swap3A_613 = vector.shape_cast %swap3A_612 : vector<1x16xf32> to vector<16xf32>
      %swap3A_614 = vector.shape_cast %add3A_609 : vector<16xf32> to vector<1x16xf32>
      tpu.vector_store %arg10[%swap3A_610, %swap3A_611], %swap3A_614 {strides = array<i32>} : memref<32x1024xf32, #tpu.memory_space<vmem>>, vector<1x16xf32>,
      %get3A_615 = arith.index_cast %scan3A_48 : i32 to index
      %get3A_616 = arith.constant 560 : index
      %get3A_617 = tpu.vector_load %arg10[%get3A_615, %get3A_616] {strides = array<i32>} : memref<32x1024xf32, #tpu.memory_space<vmem>>, vector<1x16xf32>,
      %get3A_618 = vector.shape_cast %get3A_617 : vector<1x16xf32> to vector<16xf32>
      %mul3A_619 = arith.mulf %get3A_618, %get3A_51 : vector<16xf32>
      %get3A_620 = arith.index_cast %scan3A_48 : i32 to index
      %get3A_621 = arith.constant 560 : index
      %get3A_622 = tpu.vector_load %arg11[%get3A_620, %get3A_621] {strides = array<i32>} : memref<32x1024xf32, #tpu.memory_space<vmem>>, vector<1x16xf32>,
      %get3A_623 = vector.shape_cast %get3A_622 : vector<1x16xf32> to vector<16xf32>
      %mul3A_624 = arith.mulf %get3A_623, %get3A_55 : vector<16xf32>
      %add3A_625 = arith.addf %mul3A_619, %mul3A_624 : vector<16xf32>
      %swap3A_626 = arith.index_cast %scan3A_48 : i32 to index
      %swap3A_627 = arith.constant 560 : index
      %swap3A_628 = tpu.vector_load %arg10[%swap3A_626, %swap3A_627] {strides = array<i32>} : memref<32x1024xf32, #tpu.memory_space<vmem>>, vector<1x16xf32>,
      %swap3A_629 = vector.shape_cast %swap3A_628 : vector<1x16xf32> to vector<16xf32>
      %swap3A_630 = vector.shape_cast %add3A_625 : vector<16xf32> to vector<1x16xf32>
      tpu.vector_store %arg10[%swap3A_626, %swap3A_627], %swap3A_630 {strides = array<i32>} : memref<32x1024xf32, #tpu.memory_space<vmem>>, vector<1x16xf32>,
      %get3A_631 = arith.index_cast %scan3A_48 : i32 to index
      %get3A_632 = arith.constant 576 : index
      %get3A_633 = tpu.vector_load %arg10[%get3A_631, %get3A_632] {strides = array<i32>} : memref<32x1024xf32, #tpu.memory_space<vmem>>, vector<1x16xf32>,
      %get3A_634 = vector.shape_cast %get3A_633 : vector<1x16xf32> to vector<16xf32>
      %mul3A_635 = arith.mulf %get3A_634, %get3A_51 : vector<16xf32>
      %get3A_636 = arith.index_cast %scan3A_48 : i32 to index
      %get3A_637 = arith.constant 576 : index
      %get3A_638 = tpu.vector_load %arg11[%get3A_636, %get3A_637] {strides = array<i32>} : memref<32x1024xf32, #tpu.memory_space<vmem>>, vector<1x16xf32>,
      %get3A_639 = vector.shape_cast %get3A_638 : vector<1x16xf32> to vector<16xf32>
      %mul3A_640 = arith.mulf %get3A_639, %get3A_55 : vector<16xf32>
      %add3A_641 = arith.addf %mul3A_635, %mul3A_640 : vector<16xf32>
      %swap3A_642 = arith.index_cast %scan3A_48 : i32 to index
      %swap3A_643 = arith.constant 576 : index
      %swap3A_644 = tpu.vector_load %arg10[%swap3A_642, %swap3A_643] {strides = array<i32>} : memref<32x1024xf32, #tpu.memory_space<vmem>>, vector<1x16xf32>,
      %swap3A_645 = vector.shape_cast %swap3A_644 : vector<1x16xf32> to vector<16xf32>
      %swap3A_646 = vector.shape_cast %add3A_641 : vector<16xf32> to vector<1x16xf32>
      tpu.vector_store %arg10[%swap3A_642, %swap3A_643], %swap3A_646 {strides = array<i32>} : memref<32x1024xf32, #tpu.memory_space<vmem>>, vector<1x16xf32>,
      %get3A_647 = arith.index_cast %scan3A_48 : i32 to index
      %get3A_648 = arith.constant 592 : index
      %get3A_649 = tpu.vector_load %arg10[%get3A_647, %get3A_648] {strides = array<i32>} : memref<32x1024xf32, #tpu.memory_space<vmem>>, vector<1x16xf32>,
      %get3A_650 = vector.shape_cast %get3A_649 : vector<1x16xf32> to vector<16xf32>
      %mul3A_651 = arith.mulf %get3A_650, %get3A_51 : vector<16xf32>
      %get3A_652 = arith.index_cast %scan3A_48 : i32 to index
      %get3A_653 = arith.constant 592 : index
      %get3A_654 = tpu.vector_load %arg11[%get3A_652, %get3A_653] {strides = array<i32>} : memref<32x1024xf32, #tpu.memory_space<vmem>>, vector<1x16xf32>,
      %get3A_655 = vector.shape_cast %get3A_654 : vector<1x16xf32> to vector<16xf32>
      %mul3A_656 = arith.mulf %get3A_655, %get3A_55 : vector<16xf32>
      %add3A_657 = arith.addf %mul3A_651, %mul3A_656 : vector<16xf32>
      %swap3A_658 = arith.index_cast %scan3A_48 : i32 to index
      %swap3A_659 = arith.constant 592 : index
      %swap3A_660 = tpu.vector_load %arg10[%swap3A_658, %swap3A_659] {strides = array<i32>} : memref<32x1024xf32, #tpu.memory_space<vmem>>, vector<1x16xf32>,
      %swap3A_661 = vector.shape_cast %swap3A_660 : vector<1x16xf32> to vector<16xf32>
      %swap3A_662 = vector.shape_cast %add3A_657 : vector<16xf32> to vector<1x16xf32>
      tpu.vector_store %arg10[%swap3A_658, %swap3A_659], %swap3A_662 {strides = array<i32>} : memref<32x1024xf32, #tpu.memory_space<vmem>>, vector<1x16xf32>,
      %get3A_663 = arith.index_cast %scan3A_48 : i32 to index
      %get3A_664 = arith.constant 608 : index
      %get3A_665 = tpu.vector_load %arg10[%get3A_663, %get3A_664] {strides = array<i32>} : memref<32x1024xf32, #tpu.memory_space<vmem>>, vector<1x16xf32>,
      %get3A_666 = vector.shape_cast %get3A_665 : vector<1x16xf32> to vector<16xf32>
      %mul3A_667 = arith.mulf %get3A_666, %get3A_51 : vector<16xf32>
      %get3A_668 = arith.index_cast %scan3A_48 : i32 to index
      %get3A_669 = arith.constant 608 : index
      %get3A_670 = tpu.vector_load %arg11[%get3A_668, %get3A_669] {strides = array<i32>} : memref<32x1024xf32, #tpu.memory_space<vmem>>, vector<1x16xf32>,
      %get3A_671 = vector.shape_cast %get3A_670 : vector<1x16xf32> to vector<16xf32>
      %mul3A_672 = arith.mulf %get3A_671, %get3A_55 : vector<16xf32>
      %add3A_673 = arith.addf %mul3A_667, %mul3A_672 : vector<16xf32>
      %swap3A_674 = arith.index_cast %scan3A_48 : i32 to index
      %swap3A_675 = arith.constant 608 : index
      %swap3A_676 = tpu.vector_load %arg10[%swap3A_674, %swap3A_675] {strides = array<i32>} : memref<32x1024xf32, #tpu.memory_space<vmem>>, vector<1x16xf32>,
      %swap3A_677 = vector.shape_cast %swap3A_676 : vector<1x16xf32> to vector<16xf32>
      %swap3A_678 = vector.shape_cast %add3A_673 : vector<16xf32> to vector<1x16xf32>
      tpu.vector_store %arg10[%swap3A_674, %swap3A_675], %swap3A_678 {strides = array<i32>} : memref<32x1024xf32, #tpu.memory_space<vmem>>, vector<1x16xf32>,
      %get3A_679 = arith.index_cast %scan3A_48 : i32 to index
      %get3A_680 = arith.constant 624 : index
      %get3A_681 = tpu.vector_load %arg10[%get3A_679, %get3A_680] {strides = array<i32>} : memref<32x1024xf32, #tpu.memory_space<vmem>>, vector<1x16xf32>,
      %get3A_682 = vector.shape_cast %get3A_681 : vector<1x16xf32> to vector<16xf32>
      %mul3A_683 = arith.mulf %get3A_682, %get3A_51 : vector<16xf32>
      %get3A_684 = arith.index_cast %scan3A_48 : i32 to index
      %get3A_685 = arith.constant 624 : index
      %get3A_686 = tpu.vector_load %arg11[%get3A_684, %get3A_685] {strides = array<i32>} : memref<32x1024xf32, #tpu.memory_space<vmem>>, vector<1x16xf32>,
      %get3A_687 = vector.shape_cast %get3A_686 : vector<1x16xf32> to vector<16xf32>
      %mul3A_688 = arith.mulf %get3A_687, %get3A_55 : vector<16xf32>
      %add3A_689 = arith.addf %mul3A_683, %mul3A_688 : vector<16xf32>
      %swap3A_690 = arith.index_cast %scan3A_48 : i32 to index
      %swap3A_691 = arith.constant 624 : index
      %swap3A_692 = tpu.vector_load %arg10[%swap3A_690, %swap3A_691] {strides = array<i32>} : memref<32x1024xf32, #tpu.memory_space<vmem>>, vector<1x16xf32>,
      %swap3A_693 = vector.shape_cast %swap3A_692 : vector<1x16xf32> to vector<16xf32>
      %swap3A_694 = vector.shape_cast %add3A_689 : vector<16xf32> to vector<1x16xf32>
      tpu.vector_store %arg10[%swap3A_690, %swap3A_691], %swap3A_694 {strides = array<i32>} : memref<32x1024xf32, #tpu.memory_space<vmem>>, vector<1x16xf32>,
      %get3A_695 = arith.index_cast %scan3A_48 : i32 to index
      %get3A_696 = arith.constant 640 : index
      %get3A_697 = tpu.vector_load %arg10[%get3A_695, %get3A_696] {strides = array<i32>} : memref<32x1024xf32, #tpu.memory_space<vmem>>, vector<1x16xf32>,
      %get3A_698 = vector.shape_cast %get3A_697 : vector<1x16xf32> to vector<16xf32>
      %mul3A_699 = arith.mulf %get3A_698, %get3A_51 : vector<16xf32>
      %get3A_700 = arith.index_cast %scan3A_48 : i32 to index
      %get3A_701 = arith.constant 640 : index
      %get3A_702 = tpu.vector_load %arg11[%get3A_700, %get3A_701] {strides = array<i32>} : memref<32x1024xf32, #tpu.memory_space<vmem>>, vector<1x16xf32>,
      %get3A_703 = vector.shape_cast %get3A_702 : vector<1x16xf32> to vector<16xf32>
      %mul3A_704 = arith.mulf %get3A_703, %get3A_55 : vector<16xf32>
      %add3A_705 = arith.addf %mul3A_699, %mul3A_704 : vector<16xf32>
      %swap3A_706 = arith.index_cast %scan3A_48 : i32 to index
      %swap3A_707 = arith.constant 640 : index
      %swap3A_708 = tpu.vector_load %arg10[%swap3A_706, %swap3A_707] {strides = array<i32>} : memref<32x1024xf32, #tpu.memory_space<vmem>>, vector<1x16xf32>,
      %swap3A_709 = vector.shape_cast %swap3A_708 : vector<1x16xf32> to vector<16xf32>
      %swap3A_710 = vector.shape_cast %add3A_705 : vector<16xf32> to vector<1x16xf32>
      tpu.vector_store %arg10[%swap3A_706, %swap3A_707], %swap3A_710 {strides = array<i32>} : memref<32x1024xf32, #tpu.memory_space<vmem>>, vector<1x16xf32>,
      %get3A_711 = arith.index_cast %scan3A_48 : i32 to index
      %get3A_712 = arith.constant 656 : index
      %get3A_713 = tpu.vector_load %arg10[%get3A_711, %get3A_712] {strides = array<i32>} : memref<32x1024xf32, #tpu.memory_space<vmem>>, vector<1x16xf32>,
      %get3A_714 = vector.shape_cast %get3A_713 : vector<1x16xf32> to vector<16xf32>
      %mul3A_715 = arith.mulf %get3A_714, %get3A_51 : vector<16xf32>
      %get3A_716 = arith.index_cast %scan3A_48 : i32 to index
      %get3A_717 = arith.constant 656 : index
      %get3A_718 = tpu.vector_load %arg11[%get3A_716, %get3A_717] {strides = array<i32>} : memref<32x1024xf32, #tpu.memory_space<vmem>>, vector<1x16xf32>,
      %get3A_719 = vector.shape_cast %get3A_718 : vector<1x16xf32> to vector<16xf32>
      %mul3A_720 = arith.mulf %get3A_719, %get3A_55 : vector<16xf32>
      %add3A_721 = arith.addf %mul3A_715, %mul3A_720 : vector<16xf32>
      %swap3A_722 = arith.index_cast %scan3A_48 : i32 to index
      %swap3A_723 = arith.constant 656 : index
      %swap3A_724 = tpu.vector_load %arg10[%swap3A_722, %swap3A_723] {strides = array<i32>} : memref<32x1024xf32, #tpu.memory_space<vmem>>, vector<1x16xf32>,
      %swap3A_725 = vector.shape_cast %swap3A_724 : vector<1x16xf32> to vector<16xf32>
      %swap3A_726 = vector.shape_cast %add3A_721 : vector<16xf32> to vector<1x16xf32>
      tpu.vector_store %arg10[%swap3A_722, %swap3A_723], %swap3A_726 {strides = array<i32>} : memref<32x1024xf32, #tpu.memory_space<vmem>>, vector<1x16xf32>,
      %get3A_727 = arith.index_cast %scan3A_48 : i32 to index
      %get3A_728 = arith.constant 672 : index
      %get3A_729 = tpu.vector_load %arg10[%get3A_727, %get3A_728] {strides = array<i32>} : memref<32x1024xf32, #tpu.memory_space<vmem>>, vector<1x16xf32>,
      %get3A_730 = vector.shape_cast %get3A_729 : vector<1x16xf32> to vector<16xf32>
      %mul3A_731 = arith.mulf %get3A_730, %get3A_51 : vector<16xf32>
      %get3A_732 = arith.index_cast %scan3A_48 : i32 to index
      %get3A_733 = arith.constant 672 : index
      %get3A_734 = tpu.vector_load %arg11[%get3A_732, %get3A_733] {strides = array<i32>} : memref<32x1024xf32, #tpu.memory_space<vmem>>, vector<1x16xf32>,
      %get3A_735 = vector.shape_cast %get3A_734 : vector<1x16xf32> to vector<16xf32>
      %mul3A_736 = arith.mulf %get3A_735, %get3A_55 : vector<16xf32>
      %add3A_737 = arith.addf %mul3A_731, %mul3A_736 : vector<16xf32>
      %swap3A_738 = arith.index_cast %scan3A_48 : i32 to index
      %swap3A_739 = arith.constant 672 : index
      %swap3A_740 = tpu.vector_load %arg10[%swap3A_738, %swap3A_739] {strides = array<i32>} : memref<32x1024xf32, #tpu.memory_space<vmem>>, vector<1x16xf32>,
      %swap3A_741 = vector.shape_cast %swap3A_740 : vector<1x16xf32> to vector<16xf32>
      %swap3A_742 = vector.shape_cast %add3A_737 : vector<16xf32> to vector<1x16xf32>
      tpu.vector_store %arg10[%swap3A_738, %swap3A_739], %swap3A_742 {strides = array<i32>} : memref<32x1024xf32, #tpu.memory_space<vmem>>, vector<1x16xf32>,
      %get3A_743 = arith.index_cast %scan3A_48 : i32 to index
      %get3A_744 = arith.constant 688 : index
      %get3A_745 = tpu.vector_load %arg10[%get3A_743, %get3A_744] {strides = array<i32>} : memref<32x1024xf32, #tpu.memory_space<vmem>>, vector<1x16xf32>,
      %get3A_746 = vector.shape_cast %get3A_745 : vector<1x16xf32> to vector<16xf32>
      %mul3A_747 = arith.mulf %get3A_746, %get3A_51 : vector<16xf32>
      %get3A_748 = arith.index_cast %scan3A_48 : i32 to index
      %get3A_749 = arith.constant 688 : index
      %get3A_750 = tpu.vector_load %arg11[%get3A_748, %get3A_749] {strides = array<i32>} : memref<32x1024xf32, #tpu.memory_space<vmem>>, vector<1x16xf32>,
      %get3A_751 = vector.shape_cast %get3A_750 : vector<1x16xf32> to vector<16xf32>
      %mul3A_752 = arith.mulf %get3A_751, %get3A_55 : vector<16xf32>
      %add3A_753 = arith.addf %mul3A_747, %mul3A_752 : vector<16xf32>
      %swap3A_754 = arith.index_cast %scan3A_48 : i32 to index
      %swap3A_755 = arith.constant 688 : index
      %swap3A_756 = tpu.vector_load %arg10[%swap3A_754, %swap3A_755] {strides = array<i32>} : memref<32x1024xf32, #tpu.memory_space<vmem>>, vector<1x16xf32>,
      %swap3A_757 = vector.shape_cast %swap3A_756 : vector<1x16xf32> to vector<16xf32>
      %swap3A_758 = vector.shape_cast %add3A_753 : vector<16xf32> to vector<1x16xf32>
      tpu.vector_store %arg10[%swap3A_754, %swap3A_755], %swap3A_758 {strides = array<i32>} : memref<32x1024xf32, #tpu.memory_space<vmem>>, vector<1x16xf32>,
      %get3A_759 = arith.index_cast %scan3A_48 : i32 to index
      %get3A_760 = arith.constant 704 : index
      %get3A_761 = tpu.vector_load %arg10[%get3A_759, %get3A_760] {strides = array<i32>} : memref<32x1024xf32, #tpu.memory_space<vmem>>, vector<1x16xf32>,
      %get3A_762 = vector.shape_cast %get3A_761 : vector<1x16xf32> to vector<16xf32>
      %mul3A_763 = arith.mulf %get3A_762, %get3A_51 : vector<16xf32>
      %get3A_764 = arith.index_cast %scan3A_48 : i32 to index
      %get3A_765 = arith.constant 704 : index
      %get3A_766 = tpu.vector_load %arg11[%get3A_764, %get3A_765] {strides = array<i32>} : memref<32x1024xf32, #tpu.memory_space<vmem>>, vector<1x16xf32>,
      %get3A_767 = vector.shape_cast %get3A_766 : vector<1x16xf32> to vector<16xf32>
      %mul3A_768 = arith.mulf %get3A_767, %get3A_55 : vector<16xf32>
      %add3A_769 = arith.addf %mul3A_763, %mul3A_768 : vector<16xf32>
      %swap3A_770 = arith.index_cast %scan3A_48 : i32 to index
      %swap3A_771 = arith.constant 704 : index
      %swap3A_772 = tpu.vector_load %arg10[%swap3A_770, %swap3A_771] {strides = array<i32>} : memref<32x1024xf32, #tpu.memory_space<vmem>>, vector<1x16xf32>,
      %swap3A_773 = vector.shape_cast %swap3A_772 : vector<1x16xf32> to vector<16xf32>
      %swap3A_774 = vector.shape_cast %add3A_769 : vector<16xf32> to vector<1x16xf32>
      tpu.vector_store %arg10[%swap3A_770, %swap3A_771], %swap3A_774 {strides = array<i32>} : memref<32x1024xf32, #tpu.memory_space<vmem>>, vector<1x16xf32>,
      %get3A_775 = arith.index_cast %scan3A_48 : i32 to index
      %get3A_776 = arith.constant 720 : index
      %get3A_777 = tpu.vector_load %arg10[%get3A_775, %get3A_776] {strides = array<i32>} : memref<32x1024xf32, #tpu.memory_space<vmem>>, vector<1x16xf32>,
      %get3A_778 = vector.shape_cast %get3A_777 : vector<1x16xf32> to vector<16xf32>
      %mul3A_779 = arith.mulf %get3A_778, %get3A_51 : vector<16xf32>
      %get3A_780 = arith.index_cast %scan3A_48 : i32 to index
      %get3A_781 = arith.constant 720 : index
      %get3A_782 = tpu.vector_load %arg11[%get3A_780, %get3A_781] {strides = array<i32>} : memref<32x1024xf32, #tpu.memory_space<vmem>>, vector<1x16xf32>,
      %get3A_783 = vector.shape_cast %get3A_782 : vector<1x16xf32> to vector<16xf32>
      %mul3A_784 = arith.mulf %get3A_783, %get3A_55 : vector<16xf32>
      %add3A_785 = arith.addf %mul3A_779, %mul3A_784 : vector<16xf32>
      %swap3A_786 = arith.index_cast %scan3A_48 : i32 to index
      %swap3A_787 = arith.constant 720 : index
      %swap3A_788 = tpu.vector_load %arg10[%swap3A_786, %swap3A_787] {strides = array<i32>} : memref<32x1024xf32, #tpu.memory_space<vmem>>, vector<1x16xf32>,
      %swap3A_789 = vector.shape_cast %swap3A_788 : vector<1x16xf32> to vector<16xf32>
      %swap3A_790 = vector.shape_cast %add3A_785 : vector<16xf32> to vector<1x16xf32>
      tpu.vector_store %arg10[%swap3A_786, %swap3A_787], %swap3A_790 {strides = array<i32>} : memref<32x1024xf32, #tpu.memory_space<vmem>>, vector<1x16xf32>,
      %get3A_791 = arith.index_cast %scan3A_48 : i32 to index
      %get3A_792 = arith.constant 736 : index
      %get3A_793 = tpu.vector_load %arg10[%get3A_791, %get3A_792] {strides = array<i32>} : memref<32x1024xf32, #tpu.memory_space<vmem>>, vector<1x16xf32>,
      %get3A_794 = vector.shape_cast %get3A_793 : vector<1x16xf32> to vector<16xf32>
      %mul3A_795 = arith.mulf %get3A_794, %get3A_51 : vector<16xf32>
      %get3A_796 = arith.index_cast %scan3A_48 : i32 to index
      %get3A_797 = arith.constant 736 : index
      %get3A_798 = tpu.vector_load %arg11[%get3A_796, %get3A_797] {strides = array<i32>} : memref<32x1024xf32, #tpu.memory_space<vmem>>, vector<1x16xf32>,
      %get3A_799 = vector.shape_cast %get3A_798 : vector<1x16xf32> to vector<16xf32>
      %mul3A_800 = arith.mulf %get3A_799, %get3A_55 : vector<16xf32>
      %add3A_801 = arith.addf %mul3A_795, %mul3A_800 : vector<16xf32>
      %swap3A_802 = arith.index_cast %scan3A_48 : i32 to index
      %swap3A_803 = arith.constant 736 : index
      %swap3A_804 = tpu.vector_load %arg10[%swap3A_802, %swap3A_803] {strides = array<i32>} : memref<32x1024xf32, #tpu.memory_space<vmem>>, vector<1x16xf32>,
      %swap3A_805 = vector.shape_cast %swap3A_804 : vector<1x16xf32> to vector<16xf32>
      %swap3A_806 = vector.shape_cast %add3A_801 : vector<16xf32> to vector<1x16xf32>
      tpu.vector_store %arg10[%swap3A_802, %swap3A_803], %swap3A_806 {strides = array<i32>} : memref<32x1024xf32, #tpu.memory_space<vmem>>, vector<1x16xf32>,
      %get3A_807 = arith.index_cast %scan3A_48 : i32 to index
      %get3A_808 = arith.constant 752 : index
      %get3A_809 = tpu.vector_load %arg10[%get3A_807, %get3A_808] {strides = array<i32>} : memref<32x1024xf32, #tpu.memory_space<vmem>>, vector<1x16xf32>,
      %get3A_810 = vector.shape_cast %get3A_809 : vector<1x16xf32> to vector<16xf32>
      %mul3A_811 = arith.mulf %get3A_810, %get3A_51 : vector<16xf32>
      %get3A_812 = arith.index_cast %scan3A_48 : i32 to index
      %get3A_813 = arith.constant 752 : index
      %get3A_814 = tpu.vector_load %arg11[%get3A_812, %get3A_813] {strides = array<i32>} : memref<32x1024xf32, #tpu.memory_space<vmem>>, vector<1x16xf32>,
      %get3A_815 = vector.shape_cast %get3A_814 : vector<1x16xf32> to vector<16xf32>
      %mul3A_816 = arith.mulf %get3A_815, %get3A_55 : vector<16xf32>
      %add3A_817 = arith.addf %mul3A_811, %mul3A_816 : vector<16xf32>
      %swap3A_818 = arith.index_cast %scan3A_48 : i32 to index
      %swap3A_819 = arith.constant 752 : index
      %swap3A_820 = tpu.vector_load %arg10[%swap3A_818, %swap3A_819] {strides = array<i32>} : memref<32x1024xf32, #tpu.memory_space<vmem>>, vector<1x16xf32>,
      %swap3A_821 = vector.shape_cast %swap3A_820 : vector<1x16xf32> to vector<16xf32>
      %swap3A_822 = vector.shape_cast %add3A_817 : vector<16xf32> to vector<1x16xf32>
      tpu.vector_store %arg10[%swap3A_818, %swap3A_819], %swap3A_822 {strides = array<i32>} : memref<32x1024xf32, #tpu.memory_space<vmem>>, vector<1x16xf32>,
      %get3A_823 = arith.index_cast %scan3A_48 : i32 to index
      %get3A_824 = arith.constant 768 : index
      %get3A_825 = tpu.vector_load %arg10[%get3A_823, %get3A_824] {strides = array<i32>} : memref<32x1024xf32, #tpu.memory_space<vmem>>, vector<1x16xf32>,
      %get3A_826 = vector.shape_cast %get3A_825 : vector<1x16xf32> to vector<16xf32>
      %mul3A_827 = arith.mulf %get3A_826, %get3A_51 : vector<16xf32>
      %get3A_828 = arith.index_cast %scan3A_48 : i32 to index
      %get3A_829 = arith.constant 768 : index
      %get3A_830 = tpu.vector_load %arg11[%get3A_828, %get3A_829] {strides = array<i32>} : memref<32x1024xf32, #tpu.memory_space<vmem>>, vector<1x16xf32>,
      %get3A_831 = vector.shape_cast %get3A_830 : vector<1x16xf32> to vector<16xf32>
      %mul3A_832 = arith.mulf %get3A_831, %get3A_55 : vector<16xf32>
      %add3A_833 = arith.addf %mul3A_827, %mul3A_832 : vector<16xf32>
      %swap3A_834 = arith.index_cast %scan3A_48 : i32 to index
      %swap3A_835 = arith.constant 768 : index
      %swap3A_836 = tpu.vector_load %arg10[%swap3A_834, %swap3A_835] {strides = array<i32>} : memref<32x1024xf32, #tpu.memory_space<vmem>>, vector<1x16xf32>,
      %swap3A_837 = vector.shape_cast %swap3A_836 : vector<1x16xf32> to vector<16xf32>
      %swap3A_838 = vector.shape_cast %add3A_833 : vector<16xf32> to vector<1x16xf32>
      tpu.vector_store %arg10[%swap3A_834, %swap3A_835], %swap3A_838 {strides = array<i32>} : memref<32x1024xf32, #tpu.memory_space<vmem>>, vector<1x16xf32>,
      %get3A_839 = arith.index_cast %scan3A_48 : i32 to index
      %get3A_840 = arith.constant 784 : index
      %get3A_841 = tpu.vector_load %arg10[%get3A_839, %get3A_840] {strides = array<i32>} : memref<32x1024xf32, #tpu.memory_space<vmem>>, vector<1x16xf32>,
      %get3A_842 = vector.shape_cast %get3A_841 : vector<1x16xf32> to vector<16xf32>
      %mul3A_843 = arith.mulf %get3A_842, %get3A_51 : vector<16xf32>
      %get3A_844 = arith.index_cast %scan3A_48 : i32 to index
      %get3A_845 = arith.constant 784 : index
      %get3A_846 = tpu.vector_load %arg11[%get3A_844, %get3A_845] {strides = array<i32>} : memref<32x1024xf32, #tpu.memory_space<vmem>>, vector<1x16xf32>,
      %get3A_847 = vector.shape_cast %get3A_846 : vector<1x16xf32> to vector<16xf32>
      %mul3A_848 = arith.mulf %get3A_847, %get3A_55 : vector<16xf32>
      %add3A_849 = arith.addf %mul3A_843, %mul3A_848 : vector<16xf32>
      %swap3A_850 = arith.index_cast %scan3A_48 : i32 to index
      %swap3A_851 = arith.constant 784 : index
      %swap3A_852 = tpu.vector_load %arg10[%swap3A_850, %swap3A_851] {strides = array<i32>} : memref<32x1024xf32, #tpu.memory_space<vmem>>, vector<1x16xf32>,
      %swap3A_853 = vector.shape_cast %swap3A_852 : vector<1x16xf32> to vector<16xf32>
      %swap3A_854 = vector.shape_cast %add3A_849 : vector<16xf32> to vector<1x16xf32>
      tpu.vector_store %arg10[%swap3A_850, %swap3A_851], %swap3A_854 {strides = array<i32>} : memref<32x1024xf32, #tpu.memory_space<vmem>>, vector<1x16xf32>,
      %get3A_855 = arith.index_cast %scan3A_48 : i32 to index
      %get3A_856 = arith.constant 800 : index
      %get3A_857 = tpu.vector_load %arg10[%get3A_855, %get3A_856] {strides = array<i32>} : memref<32x1024xf32, #tpu.memory_space<vmem>>, vector<1x16xf32>,
      %get3A_858 = vector.shape_cast %get3A_857 : vector<1x16xf32> to vector<16xf32>
      %mul3A_859 = arith.mulf %get3A_858, %get3A_51 : vector<16xf32>
      %get3A_860 = arith.index_cast %scan3A_48 : i32 to index
      %get3A_861 = arith.constant 800 : index
      %get3A_862 = tpu.vector_load %arg11[%get3A_860, %get3A_861] {strides = array<i32>} : memref<32x1024xf32, #tpu.memory_space<vmem>>, vector<1x16xf32>,
      %get3A_863 = vector.shape_cast %get3A_862 : vector<1x16xf32> to vector<16xf32>
      %mul3A_864 = arith.mulf %get3A_863, %get3A_55 : vector<16xf32>
      %add3A_865 = arith.addf %mul3A_859, %mul3A_864 : vector<16xf32>
      %swap3A_866 = arith.index_cast %scan3A_48 : i32 to index
      %swap3A_867 = arith.constant 800 : index
      %swap3A_868 = tpu.vector_load %arg10[%swap3A_866, %swap3A_867] {strides = array<i32>} : memref<32x1024xf32, #tpu.memory_space<vmem>>, vector<1x16xf32>,
      %swap3A_869 = vector.shape_cast %swap3A_868 : vector<1x16xf32> to vector<16xf32>
      %swap3A_870 = vector.shape_cast %add3A_865 : vector<16xf32> to vector<1x16xf32>
      tpu.vector_store %arg10[%swap3A_866, %swap3A_867], %swap3A_870 {strides = array<i32>} : memref<32x1024xf32, #tpu.memory_space<vmem>>, vector<1x16xf32>,
      %get3A_871 = arith.index_cast %scan3A_48 : i32 to index
      %get3A_872 = arith.constant 816 : index
      %get3A_873 = tpu.vector_load %arg10[%get3A_871, %get3A_872] {strides = array<i32>} : memref<32x1024xf32, #tpu.memory_space<vmem>>, vector<1x16xf32>,
      %get3A_874 = vector.shape_cast %get3A_873 : vector<1x16xf32> to vector<16xf32>
      %mul3A_875 = arith.mulf %get3A_874, %get3A_51 : vector<16xf32>
      %get3A_876 = arith.index_cast %scan3A_48 : i32 to index
      %get3A_877 = arith.constant 816 : index
      %get3A_878 = tpu.vector_load %arg11[%get3A_876, %get3A_877] {strides = array<i32>} : memref<32x1024xf32, #tpu.memory_space<vmem>>, vector<1x16xf32>,
      %get3A_879 = vector.shape_cast %get3A_878 : vector<1x16xf32> to vector<16xf32>
      %mul3A_880 = arith.mulf %get3A_879, %get3A_55 : vector<16xf32>
      %add3A_881 = arith.addf %mul3A_875, %mul3A_880 : vector<16xf32>
      %swap3A_882 = arith.index_cast %scan3A_48 : i32 to index
      %swap3A_883 = arith.constant 816 : index
      %swap3A_884 = tpu.vector_load %arg10[%swap3A_882, %swap3A_883] {strides = array<i32>} : memref<32x1024xf32, #tpu.memory_space<vmem>>, vector<1x16xf32>,
      %swap3A_885 = vector.shape_cast %swap3A_884 : vector<1x16xf32> to vector<16xf32>
      %swap3A_886 = vector.shape_cast %add3A_881 : vector<16xf32> to vector<1x16xf32>
      tpu.vector_store %arg10[%swap3A_882, %swap3A_883], %swap3A_886 {strides = array<i32>} : memref<32x1024xf32, #tpu.memory_space<vmem>>, vector<1x16xf32>,
      %get3A_887 = arith.index_cast %scan3A_48 : i32 to index
      %get3A_888 = arith.constant 832 : index
      %get3A_889 = tpu.vector_load %arg10[%get3A_887, %get3A_888] {strides = array<i32>} : memref<32x1024xf32, #tpu.memory_space<vmem>>, vector<1x16xf32>,
      %get3A_890 = vector.shape_cast %get3A_889 : vector<1x16xf32> to vector<16xf32>
      %mul3A_891 = arith.mulf %get3A_890, %get3A_51 : vector<16xf32>
      %get3A_892 = arith.index_cast %scan3A_48 : i32 to index
      %get3A_893 = arith.constant 832 : index
      %get3A_894 = tpu.vector_load %arg11[%get3A_892, %get3A_893] {strides = array<i32>} : memref<32x1024xf32, #tpu.memory_space<vmem>>, vector<1x16xf32>,
      %get3A_895 = vector.shape_cast %get3A_894 : vector<1x16xf32> to vector<16xf32>
      %mul3A_896 = arith.mulf %get3A_895, %get3A_55 : vector<16xf32>
      %add3A_897 = arith.addf %mul3A_891, %mul3A_896 : vector<16xf32>
      %swap3A_898 = arith.index_cast %scan3A_48 : i32 to index
      %swap3A_899 = arith.constant 832 : index
      %swap3A_900 = tpu.vector_load %arg10[%swap3A_898, %swap3A_899] {strides = array<i32>} : memref<32x1024xf32, #tpu.memory_space<vmem>>, vector<1x16xf32>,
      %swap3A_901 = vector.shape_cast %swap3A_900 : vector<1x16xf32> to vector<16xf32>
      %swap3A_902 = vector.shape_cast %add3A_897 : vector<16xf32> to vector<1x16xf32>
      tpu.vector_store %arg10[%swap3A_898, %swap3A_899], %swap3A_902 {strides = array<i32>} : memref<32x1024xf32, #tpu.memory_space<vmem>>, vector<1x16xf32>,
      %get3A_903 = arith.index_cast %scan3A_48 : i32 to index
      %get3A_904 = arith.constant 848 : index
      %get3A_905 = tpu.vector_load %arg10[%get3A_903, %get3A_904] {strides = array<i32>} : memref<32x1024xf32, #tpu.memory_space<vmem>>, vector<1x16xf32>,
      %get3A_906 = vector.shape_cast %get3A_905 : vector<1x16xf32> to vector<16xf32>
      %mul3A_907 = arith.mulf %get3A_906, %get3A_51 : vector<16xf32>
      %get3A_908 = arith.index_cast %scan3A_48 : i32 to index
      %get3A_909 = arith.constant 848 : index
      %get3A_910 = tpu.vector_load %arg11[%get3A_908, %get3A_909] {strides = array<i32>} : memref<32x1024xf32, #tpu.memory_space<vmem>>, vector<1x16xf32>,
      %get3A_911 = vector.shape_cast %get3A_910 : vector<1x16xf32> to vector<16xf32>
      %mul3A_912 = arith.mulf %get3A_911, %get3A_55 : vector<16xf32>
      %add3A_913 = arith.addf %mul3A_907, %mul3A_912 : vector<16xf32>
      %swap3A_914 = arith.index_cast %scan3A_48 : i32 to index
      %swap3A_915 = arith.constant 848 : index
      %swap3A_916 = tpu.vector_load %arg10[%swap3A_914, %swap3A_915] {strides = array<i32>} : memref<32x1024xf32, #tpu.memory_space<vmem>>, vector<1x16xf32>,
      %swap3A_917 = vector.shape_cast %swap3A_916 : vector<1x16xf32> to vector<16xf32>
      %swap3A_918 = vector.shape_cast %add3A_913 : vector<16xf32> to vector<1x16xf32>
      tpu.vector_store %arg10[%swap3A_914, %swap3A_915], %swap3A_918 {strides = array<i32>} : memref<32x1024xf32, #tpu.memory_space<vmem>>, vector<1x16xf32>,
      %get3A_919 = arith.index_cast %scan3A_48 : i32 to index
      %get3A_920 = arith.constant 864 : index
      %get3A_921 = tpu.vector_load %arg10[%get3A_919, %get3A_920] {strides = array<i32>} : memref<32x1024xf32, #tpu.memory_space<vmem>>, vector<1x16xf32>,
      %get3A_922 = vector.shape_cast %get3A_921 : vector<1x16xf32> to vector<16xf32>
      %mul3A_923 = arith.mulf %get3A_922, %get3A_51 : vector<16xf32>
      %get3A_924 = arith.index_cast %scan3A_48 : i32 to index
      %get3A_925 = arith.constant 864 : index
      %get3A_926 = tpu.vector_load %arg11[%get3A_924, %get3A_925] {strides = array<i32>} : memref<32x1024xf32, #tpu.memory_space<vmem>>, vector<1x16xf32>,
      %get3A_927 = vector.shape_cast %get3A_926 : vector<1x16xf32> to vector<16xf32>
      %mul3A_928 = arith.mulf %get3A_927, %get3A_55 : vector<16xf32>
      %add3A_929 = arith.addf %mul3A_923, %mul3A_928 : vector<16xf32>
      %swap3A_930 = arith.index_cast %scan3A_48 : i32 to index
      %swap3A_931 = arith.constant 864 : index
      %swap3A_932 = tpu.vector_load %arg10[%swap3A_930, %swap3A_931] {strides = array<i32>} : memref<32x1024xf32, #tpu.memory_space<vmem>>, vector<1x16xf32>,
      %swap3A_933 = vector.shape_cast %swap3A_932 : vector<1x16xf32> to vector<16xf32>
      %swap3A_934 = vector.shape_cast %add3A_929 : vector<16xf32> to vector<1x16xf32>
      tpu.vector_store %arg10[%swap3A_930, %swap3A_931], %swap3A_934 {strides = array<i32>} : memref<32x1024xf32, #tpu.memory_space<vmem>>, vector<1x16xf32>,
      %get3A_935 = arith.index_cast %scan3A_48 : i32 to index
      %get3A_936 = arith.constant 880 : index
      %get3A_937 = tpu.vector_load %arg10[%get3A_935, %get3A_936] {strides = array<i32>} : memref<32x1024xf32, #tpu.memory_space<vmem>>, vector<1x16xf32>,
      %get3A_938 = vector.shape_cast %get3A_937 : vector<1x16xf32> to vector<16xf32>
      %mul3A_939 = arith.mulf %get3A_938, %get3A_51 : vector<16xf32>
      %get3A_940 = arith.index_cast %scan3A_48 : i32 to index
      %get3A_941 = arith.constant 880 : index
      %get3A_942 = tpu.vector_load %arg11[%get3A_940, %get3A_941] {strides = array<i32>} : memref<32x1024xf32, #tpu.memory_space<vmem>>, vector<1x16xf32>,
      %get3A_943 = vector.shape_cast %get3A_942 : vector<1x16xf32> to vector<16xf32>
      %mul3A_944 = arith.mulf %get3A_943, %get3A_55 : vector<16xf32>
      %add3A_945 = arith.addf %mul3A_939, %mul3A_944 : vector<16xf32>
      %swap3A_946 = arith.index_cast %scan3A_48 : i32 to index
      %swap3A_947 = arith.constant 880 : index
      %swap3A_948 = tpu.vector_load %arg10[%swap3A_946, %swap3A_947] {strides = array<i32>} : memref<32x1024xf32, #tpu.memory_space<vmem>>, vector<1x16xf32>,
      %swap3A_949 = vector.shape_cast %swap3A_948 : vector<1x16xf32> to vector<16xf32>
      %swap3A_950 = vector.shape_cast %add3A_945 : vector<16xf32> to vector<1x16xf32>
      tpu.vector_store %arg10[%swap3A_946, %swap3A_947], %swap3A_950 {strides = array<i32>} : memref<32x1024xf32, #tpu.memory_space<vmem>>, vector<1x16xf32>,
      %get3A_951 = arith.index_cast %scan3A_48 : i32 to index
      %get3A_952 = arith.constant 896 : index
      %get3A_953 = tpu.vector_load %arg10[%get3A_951, %get3A_952] {strides = array<i32>} : memref<32x1024xf32, #tpu.memory_space<vmem>>, vector<1x16xf32>,
      %get3A_954 = vector.shape_cast %get3A_953 : vector<1x16xf32> to vector<16xf32>
      %mul3A_955 = arith.mulf %get3A_954, %get3A_51 : vector<16xf32>
      %get3A_956 = arith.index_cast %scan3A_48 : i32 to index
      %get3A_957 = arith.constant 896 : index
      %get3A_958 = tpu.vector_load %arg11[%get3A_956, %get3A_957] {strides = array<i32>} : memref<32x1024xf32, #tpu.memory_space<vmem>>, vector<1x16xf32>,
      %get3A_959 = vector.shape_cast %get3A_958 : vector<1x16xf32> to vector<16xf32>
      %mul3A_960 = arith.mulf %get3A_959, %get3A_55 : vector<16xf32>
      %add3A_961 = arith.addf %mul3A_955, %mul3A_960 : vector<16xf32>
      %swap3A_962 = arith.index_cast %scan3A_48 : i32 to index
      %swap3A_963 = arith.constant 896 : index
      %swap3A_964 = tpu.vector_load %arg10[%swap3A_962, %swap3A_963] {strides = array<i32>} : memref<32x1024xf32, #tpu.memory_space<vmem>>, vector<1x16xf32>,
      %swap3A_965 = vector.shape_cast %swap3A_964 : vector<1x16xf32> to vector<16xf32>
      %swap3A_966 = vector.shape_cast %add3A_961 : vector<16xf32> to vector<1x16xf32>
      tpu.vector_store %arg10[%swap3A_962, %swap3A_963], %swap3A_966 {strides = array<i32>} : memref<32x1024xf32, #tpu.memory_space<vmem>>, vector<1x16xf32>,
      %get3A_967 = arith.index_cast %scan3A_48 : i32 to index
      %get3A_968 = arith.constant 912 : index
      %get3A_969 = tpu.vector_load %arg10[%get3A_967, %get3A_968] {strides = array<i32>} : memref<32x1024xf32, #tpu.memory_space<vmem>>, vector<1x16xf32>,
      %get3A_970 = vector.shape_cast %get3A_969 : vector<1x16xf32> to vector<16xf32>
      %mul3A_971 = arith.mulf %get3A_970, %get3A_51 : vector<16xf32>
      %get3A_972 = arith.index_cast %scan3A_48 : i32 to index
      %get3A_973 = arith.constant 912 : index
      %get3A_974 = tpu.vector_load %arg11[%get3A_972, %get3A_973] {strides = array<i32>} : memref<32x1024xf32, #tpu.memory_space<vmem>>, vector<1x16xf32>,
      %get3A_975 = vector.shape_cast %get3A_974 : vector<1x16xf32> to vector<16xf32>
      %mul3A_976 = arith.mulf %get3A_975, %get3A_55 : vector<16xf32>
      %add3A_977 = arith.addf %mul3A_971, %mul3A_976 : vector<16xf32>
      %swap3A_978 = arith.index_cast %scan3A_48 : i32 to index
      %swap3A_979 = arith.constant 912 : index
      %swap3A_980 = tpu.vector_load %arg10[%swap3A_978, %swap3A_979] {strides = array<i32>} : memref<32x1024xf32, #tpu.memory_space<vmem>>, vector<1x16xf32>,
      %swap3A_981 = vector.shape_cast %swap3A_980 : vector<1x16xf32> to vector<16xf32>
      %swap3A_982 = vector.shape_cast %add3A_977 : vector<16xf32> to vector<1x16xf32>
      tpu.vector_store %arg10[%swap3A_978, %swap3A_979], %swap3A_982 {strides = array<i32>} : memref<32x1024xf32, #tpu.memory_space<vmem>>, vector<1x16xf32>,
      %get3A_983 = arith.index_cast %scan3A_48 : i32 to index
      %get3A_984 = arith.constant 928 : index
      %get3A_985 = tpu.vector_load %arg10[%get3A_983, %get3A_984] {strides = array<i32>} : memref<32x1024xf32, #tpu.memory_space<vmem>>, vector<1x16xf32>,
      %get3A_986 = vector.shape_cast %get3A_985 : vector<1x16xf32> to vector<16xf32>
      %mul3A_987 = arith.mulf %get3A_986, %get3A_51 : vector<16xf32>
      %get3A_988 = arith.index_cast %scan3A_48 : i32 to index
      %get3A_989 = arith.constant 928 : index
      %get3A_990 = tpu.vector_load %arg11[%get3A_988, %get3A_989] {strides = array<i32>} : memref<32x1024xf32, #tpu.memory_space<vmem>>, vector<1x16xf32>,
      %get3A_991 = vector.shape_cast %get3A_990 : vector<1x16xf32> to vector<16xf32>
      %mul3A_992 = arith.mulf %get3A_991, %get3A_55 : vector<16xf32>
      %add3A_993 = arith.addf %mul3A_987, %mul3A_992 : vector<16xf32>
      %swap3A_994 = arith.index_cast %scan3A_48 : i32 to index
      %swap3A_995 = arith.constant 928 : index
      %swap3A_996 = tpu.vector_load %arg10[%swap3A_994, %swap3A_995] {strides = array<i32>} : memref<32x1024xf32, #tpu.memory_space<vmem>>, vector<1x16xf32>,
      %swap3A_997 = vector.shape_cast %swap3A_996 : vector<1x16xf32> to vector<16xf32>
      %swap3A_998 = vector.shape_cast %add3A_993 : vector<16xf32> to vector<1x16xf32>
      tpu.vector_store %arg10[%swap3A_994, %swap3A_995], %swap3A_998 {strides = array<i32>} : memref<32x1024xf32, #tpu.memory_space<vmem>>, vector<1x16xf32>,
      %get3A_999 = arith.index_cast %scan3A_48 : i32 to index
      %get3A_1000 = arith.constant 944 : index
      %get3A_1001 = tpu.vector_load %arg10[%get3A_999, %get3A_1000] {strides = array<i32>} : memref<32x1024xf32, #tpu.memory_space<vmem>>, vector<1x16xf32>,
      %get3A_1002 = vector.shape_cast %get3A_1001 : vector<1x16xf32> to vector<16xf32>
      %mul3A_1003 = arith.mulf %get3A_1002, %get3A_51 : vector<16xf32>
      %get3A_1004 = arith.index_cast %scan3A_48 : i32 to index
      %get3A_1005 = arith.constant 944 : index
      %get3A_1006 = tpu.vector_load %arg11[%get3A_1004, %get3A_1005] {strides = array<i32>} : memref<32x1024xf32, #tpu.memory_space<vmem>>, vector<1x16xf32>,
      %get3A_1007 = vector.shape_cast %get3A_1006 : vector<1x16xf32> to vector<16xf32>
      %mul3A_1008 = arith.mulf %get3A_1007, %get3A_55 : vector<16xf32>
      %add3A_1009 = arith.addf %mul3A_1003, %mul3A_1008 : vector<16xf32>
      %swap3A_1010 = arith.index_cast %scan3A_48 : i32 to index
      %swap3A_1011 = arith.constant 944 : index
      %swap3A_1012 = tpu.vector_load %arg10[%swap3A_1010, %swap3A_1011] {strides = array<i32>} : memref<32x1024xf32, #tpu.memory_space<vmem>>, vector<1x16xf32>,
      %swap3A_1013 = vector.shape_cast %swap3A_1012 : vector<1x16xf32> to vector<16xf32>
      %swap3A_1014 = vector.shape_cast %add3A_1009 : vector<16xf32> to vector<1x16xf32>
      tpu.vector_store %arg10[%swap3A_1010, %swap3A_1011], %swap3A_1014 {strides = array<i32>} : memref<32x1024xf32, #tpu.memory_space<vmem>>, vector<1x16xf32>,
      %get3A_1015 = arith.index_cast %scan3A_48 : i32 to index
      %get3A_1016 = arith.constant 960 : index
      %get3A_1017 = tpu.vector_load %arg10[%get3A_1015, %get3A_1016] {strides = array<i32>} : memref<32x1024xf32, #tpu.memory_space<vmem>>, vector<1x16xf32>,
      %get3A_1018 = vector.shape_cast %get3A_1017 : vector<1x16xf32> to vector<16xf32>
      %mul3A_1019 = arith.mulf %get3A_1018, %get3A_51 : vector<16xf32>
      %get3A_1020 = arith.index_cast %scan3A_48 : i32 to index
      %get3A_1021 = arith.constant 960 : index
      %get3A_1022 = tpu.vector_load %arg11[%get3A_1020, %get3A_1021] {strides = array<i32>} : memref<32x1024xf32, #tpu.memory_space<vmem>>, vector<1x16xf32>,
      %get3A_1023 = vector.shape_cast %get3A_1022 : vector<1x16xf32> to vector<16xf32>
      %mul3A_1024 = arith.mulf %get3A_1023, %get3A_55 : vector<16xf32>
      %add3A_1025 = arith.addf %mul3A_1019, %mul3A_1024 : vector<16xf32>
      %swap3A_1026 = arith.index_cast %scan3A_48 : i32 to index
      %swap3A_1027 = arith.constant 960 : index
      %swap3A_1028 = tpu.vector_load %arg10[%swap3A_1026, %swap3A_1027] {strides = array<i32>} : memref<32x1024xf32, #tpu.memory_space<vmem>>, vector<1x16xf32>,
      %swap3A_1029 = vector.shape_cast %swap3A_1028 : vector<1x16xf32> to vector<16xf32>
      %swap3A_1030 = vector.shape_cast %add3A_1025 : vector<16xf32> to vector<1x16xf32>
      tpu.vector_store %arg10[%swap3A_1026, %swap3A_1027], %swap3A_1030 {strides = array<i32>} : memref<32x1024xf32, #tpu.memory_space<vmem>>, vector<1x16xf32>,
      %get3A_1031 = arith.index_cast %scan3A_48 : i32 to index
      %get3A_1032 = arith.constant 976 : index
      %get3A_1033 = tpu.vector_load %arg10[%get3A_1031, %get3A_1032] {strides = array<i32>} : memref<32x1024xf32, #tpu.memory_space<vmem>>, vector<1x16xf32>,
      %get3A_1034 = vector.shape_cast %get3A_1033 : vector<1x16xf32> to vector<16xf32>
      %mul3A_1035 = arith.mulf %get3A_1034, %get3A_51 : vector<16xf32>
      %get3A_1036 = arith.index_cast %scan3A_48 : i32 to index
      %get3A_1037 = arith.constant 976 : index
      %get3A_1038 = tpu.vector_load %arg11[%get3A_1036, %get3A_1037] {strides = array<i32>} : memref<32x1024xf32, #tpu.memory_space<vmem>>, vector<1x16xf32>,
      %get3A_1039 = vector.shape_cast %get3A_1038 : vector<1x16xf32> to vector<16xf32>
      %mul3A_1040 = arith.mulf %get3A_1039, %get3A_55 : vector<16xf32>
      %add3A_1041 = arith.addf %mul3A_1035, %mul3A_1040 : vector<16xf32>
      %swap3A_1042 = arith.index_cast %scan3A_48 : i32 to index
      %swap3A_1043 = arith.constant 976 : index
      %swap3A_1044 = tpu.vector_load %arg10[%swap3A_1042, %swap3A_1043] {strides = array<i32>} : memref<32x1024xf32, #tpu.memory_space<vmem>>, vector<1x16xf32>,
      %swap3A_1045 = vector.shape_cast %swap3A_1044 : vector<1x16xf32> to vector<16xf32>
      %swap3A_1046 = vector.shape_cast %add3A_1041 : vector<16xf32> to vector<1x16xf32>
      tpu.vector_store %arg10[%swap3A_1042, %swap3A_1043], %swap3A_1046 {strides = array<i32>} : memref<32x1024xf32, #tpu.memory_space<vmem>>, vector<1x16xf32>,
      %get3A_1047 = arith.index_cast %scan3A_48 : i32 to index
      %get3A_1048 = arith.constant 992 : index
      %get3A_1049 = tpu.vector_load %arg10[%get3A_1047, %get3A_1048] {strides = array<i32>} : memref<32x1024xf32, #tpu.memory_space<vmem>>, vector<1x16xf32>,
      %get3A_1050 = vector.shape_cast %get3A_1049 : vector<1x16xf32> to vector<16xf32>
      %mul3A_1051 = arith.mulf %get3A_1050, %get3A_51 : vector<16xf32>
      %get3A_1052 = arith.index_cast %scan3A_48 : i32 to index
      %get3A_1053 = arith.constant 992 : index
      %get3A_1054 = tpu.vector_load %arg11[%get3A_1052, %get3A_1053] {strides = array<i32>} : memref<32x1024xf32, #tpu.memory_space<vmem>>, vector<1x16xf32>,
      %get3A_1055 = vector.shape_cast %get3A_1054 : vector<1x16xf32> to vector<16xf32>
      %mul3A_1056 = arith.mulf %get3A_1055, %get3A_55 : vector<16xf32>
      %add3A_1057 = arith.addf %mul3A_1051, %mul3A_1056 : vector<16xf32>
      %swap3A_1058 = arith.index_cast %scan3A_48 : i32 to index
      %swap3A_1059 = arith.constant 992 : index
      %swap3A_1060 = tpu.vector_load %arg10[%swap3A_1058, %swap3A_1059] {strides = array<i32>} : memref<32x1024xf32, #tpu.memory_space<vmem>>, vector<1x16xf32>,
      %swap3A_1061 = vector.shape_cast %swap3A_1060 : vector<1x16xf32> to vector<16xf32>
      %swap3A_1062 = vector.shape_cast %add3A_1057 : vector<16xf32> to vector<1x16xf32>
      tpu.vector_store %arg10[%swap3A_1058, %swap3A_1059], %swap3A_1062 {strides = array<i32>} : memref<32x1024xf32, #tpu.memory_space<vmem>>, vector<1x16xf32>,
      %get3A_1063 = arith.index_cast %scan3A_48 : i32 to index
      %get3A_1064 = arith.constant 1008 : index
      %get3A_1065 = tpu.vector_load %arg10[%get3A_1063, %get3A_1064] {strides = array<i32>} : memref<32x1024xf32, #tpu.memory_space<vmem>>, vector<1x16xf32>,
      %get3A_1066 = vector.shape_cast %get3A_1065 : vector<1x16xf32> to vector<16xf32>
      %mul3A_1067 = arith.mulf %get3A_1066, %get3A_51 : vector<16xf32>
      %get3A_1068 = arith.index_cast %scan3A_48 : i32 to index
      %get3A_1069 = arith.constant 1008 : index
      %get3A_1070 = tpu.vector_load %arg11[%get3A_1068, %get3A_1069] {strides = array<i32>} : memref<32x1024xf32, #tpu.memory_space<vmem>>, vector<1x16xf32>,
      %get3A_1071 = vector.shape_cast %get3A_1070 : vector<1x16xf32> to vector<16xf32>
      %mul3A_1072 = arith.mulf %get3A_1071, %get3A_55 : vector<16xf32>
      %add3A_1073 = arith.addf %mul3A_1067, %mul3A_1072 : vector<16xf32>
      %swap3A_1074 = arith.index_cast %scan3A_48 : i32 to index
      %swap3A_1075 = arith.constant 1008 : index
      %swap3A_1076 = tpu.vector_load %arg10[%swap3A_1074, %swap3A_1075] {strides = array<i32>} : memref<32x1024xf32, #tpu.memory_space<vmem>>, vector<1x16xf32>,
      %swap3A_1077 = vector.shape_cast %swap3A_1076 : vector<1x16xf32> to vector<16xf32>
      %swap3A_1078 = vector.shape_cast %add3A_1073 : vector<16xf32> to vector<1x16xf32>
      tpu.vector_store %arg10[%swap3A_1074, %swap3A_1075], %swap3A_1078 {strides = array<i32>} : memref<32x1024xf32, #tpu.memory_space<vmem>>, vector<1x16xf32>,
    }
    %scan3A_47 = arith.constant 32 : i32
    "tpu.region"() ({
      %run_scoped3A = tpu.sem_alloc : memref<!tpu.dma_semaphore, #tpu.memory_space<semaphore_mem>>
      %dma_start3A_48 = arith.constant 0 : i32
      %dma_start3A_49 = tpu.memref_slice %arg5[%add3A_25, %dma_start3A_48] : memref<2048x1024xf32, #tpu.memory_space<hbm>> -> memref<32x1024xf32, #tpu.memory_space<hbm>>
      %dma_start3A_50 = arith.constant 0 : i32
      %dma_start3A_51 = tpu.memref_slice %arg5[%add3A_25, %dma_start3A_50] : memref<2048x1024xf32, #tpu.memory_space<hbm>> -> memref<32x1024xf32, #tpu.memory_space<hbm>>
      tpu.enqueue_dma source(%arg10 : memref<32x1024xf32, #tpu.memory_space<vmem>>) target(%dma_start3A_51 : memref<32x1024xf32, #tpu.memory_space<hbm>>) target_semaphore(%run_scoped3A : memref<!tpu.dma_semaphore, #tpu.memory_space<semaphore_mem>>)
      %dma_wait3A_52 = arith.constant 0 : i32
      %dma_wait3A_53 = tpu.memref_slice %arg5[%add3A_25, %dma_wait3A_52] : memref<2048x1024xf32, #tpu.memory_space<hbm>> -> memref<32x1024xf32, #tpu.memory_space<hbm>>
      %dma_wait3A_54 = arith.constant 0 : i32
      %dma_wait3A_55 = tpu.memref_slice %arg5[%add3A_25, %dma_wait3A_54] : memref<2048x1024xf32, #tpu.memory_space<hbm>> -> memref<32x1024xf32, #tpu.memory_space<hbm>>
      tpu.wait_dma2 semaphore(%run_scoped3A : memref<!tpu.dma_semaphore, #tpu.memory_space<semaphore_mem>>) src(%arg10 : memref<32x1024xf32, #tpu.memory_space<vmem>>) dst(%dma_wait3A_55 : memref<32x1024xf32, #tpu.memory_space<hbm>>)
      tpu.yield
    }) : () -> ()
    return
  }
}

module attributes {stable_mosaic.version = 14 : i64} {
  func.func @_routing_kernel(%arg0: i32, %arg1: memref<256x1024xf32, #tpu.memory_space<vmem>>, %arg2: memref<1024x8xf32, #tpu.memory_space<vmem>>, %arg3: memref<256x2xi32, #tpu.memory_space<vmem>>, %arg4: memref<256x2xf32, #tpu.memory_space<vmem>>) attributes {dimension_semantics = [#tpu.dimension_semantics<arbitrary>], iteration_bounds = array<i64: 8>, scalar_prefetch = 0 : i64, scratch_operands = 0 : i64, tpu.core_type = #tpu.core_type<tc>, window_params = [{transform_indices = @transform_0, window_bounds = array<i64: 256, 1024>}, {pipeline_mode = #tpu.pipeline_mode<synchronous>, transform_indices = @transform_1, window_bounds = array<i64: 1024, 8>}, {transform_indices = @transform_2, window_bounds = array<i64: 256, 2>}, {transform_indices = @transform_3, window_bounds = array<i64: 256, 2>}]} {
    %get3A = arith.constant 0 : index
    %get3A_0 = arith.constant 0 : index
    %get3A_1 = vector.load %arg1[%get3A, %get3A_0] : memref<256x1024xf32, #tpu.memory_space<vmem>>, vector<256x1024xf32>
    %get3A_2 = arith.constant 0 : index
    %get3A_3 = arith.constant 0 : index
    %get3A_4 = vector.load %arg2[%get3A_2, %get3A_3] : memref<1024x8xf32, #tpu.memory_space<vmem>>, vector<1024x8xf32>
    %dot_general3A = arith.constant dense<0.000000e+00> : vector<256x8xf32>
    %dot_general3A_5 = tpu.matmul %get3A_1, %get3A_4, %dot_general3A {dimension_numbers = #tpu.dot_dimension_numbers<[1], [0], [0], [1], [0, 0, 1, 1], [], []>, transpose_lhs_hint = false} : vector<256x1024xf32>, vector<1024x8xf32>, vector<256x8xf32> -> vector<256x8xf32>
    %iota3A = tpu.iota {dimensions = array<i32: 1>} : vector<256x8xi32>
    %reduce_max3A = arith.constant dense<0xFF800000> : vector<256xf32>
    %reduce_max3A_6 = vector.multi_reduction <maximumf>, %dot_general3A_5, %reduce_max3A [1] : vector<256x8xf32> to vector<256xf32>
    %broadcast_in_dim3A = vector.shape_cast %reduce_max3A_6 : vector<256xf32> to vector<256x1xf32>
    %eq3A = vector.broadcast %broadcast_in_dim3A : vector<256x1xf32> to vector<256x8xf32>
    %eq3A_7 = arith.cmpf oeq, %dot_general3A_5, %eq3A : vector<256x8xf32>
    %jit3A = arith.constant 8 : i32
    %broadcast_in_dim3A_8 = vector.broadcast %jit3A : i32 to vector<256x8xi32>
    %select_n3A = arith.select %eq3A_7, %iota3A, %broadcast_in_dim3A_8 : vector<256x8xi1>, vector<256x8xi32>
    %reduce_min3A = arith.constant dense<2147483647> : vector<256xi32>
    %reduce_min3A_9 = vector.multi_reduction <minsi>, %select_n3A, %reduce_min3A [1] : vector<256x8xi32> to vector<256xi32>
    %broadcast_in_dim3A_10 = vector.shape_cast %reduce_min3A_9 : vector<256xi32> to vector<256x1xi32>
    %eq3A_11 = vector.broadcast %broadcast_in_dim3A_10 : vector<256x1xi32> to vector<256x8xi32>
    %eq3A_12 = arith.cmpi eq, %iota3A, %eq3A_11 : vector<256x8xi32>
    %jit3A_13 = arith.constant 0xFF800000 : f32
    %broadcast_in_dim3A_14 = vector.broadcast %jit3A_13 : f32 to vector<256x8xf32>
    %select_n3A_15 = arith.select %eq3A_12, %broadcast_in_dim3A_14, %dot_general3A_5 : vector<256x8xi1>, vector<256x8xf32>
    %reduce_max3A_16 = arith.constant dense<0xFF800000> : vector<256xf32>
    %reduce_max3A_17 = vector.multi_reduction <maximumf>, %select_n3A_15, %reduce_max3A_16 [1] : vector<256x8xf32> to vector<256xf32>
    %broadcast_in_dim3A_18 = vector.shape_cast %reduce_max3A_17 : vector<256xf32> to vector<256x1xf32>
    %eq3A_19 = vector.broadcast %broadcast_in_dim3A_18 : vector<256x1xf32> to vector<256x8xf32>
    %eq3A_20 = arith.cmpf oeq, %select_n3A_15, %eq3A_19 : vector<256x8xf32>
    %jit3A_21 = arith.constant 8 : i32
    %broadcast_in_dim3A_22 = vector.broadcast %jit3A_21 : i32 to vector<256x8xi32>
    %select_n3A_23 = arith.select %eq3A_20, %iota3A, %broadcast_in_dim3A_22 : vector<256x8xi1>, vector<256x8xi32>
    %reduce_min3A_24 = arith.constant dense<2147483647> : vector<256xi32>
    %reduce_min3A_25 = vector.multi_reduction <minsi>, %select_n3A_23, %reduce_min3A_24 [1] : vector<256x8xi32> to vector<256xi32>
    %broadcast_in_dim3A_26 = vector.shape_cast %reduce_min3A_25 : vector<256xi32> to vector<256x1xi32>
    %iota3A_27 = tpu.iota {dimensions = array<i32: 1>} : vector<256x2xi32>
    %eq3A_28 = arith.constant 0 : i32
    %eq3A_29 = vector.broadcast %eq3A_28 : i32 to vector<256x2xi32>
    %eq3A_30 = arith.cmpi eq, %iota3A_27, %eq3A_29 : vector<256x2xi32>
    %broadcast_in_dim3A_31 = vector.shape_cast %broadcast_in_dim3A_10 : vector<256x1xi32> to vector<256x1xi32>
    %broadcast_in_dim3A_32 = vector.broadcast %broadcast_in_dim3A_31 : vector<256x1xi32> to vector<256x2xi32>
    %broadcast_in_dim3A_33 = vector.shape_cast %broadcast_in_dim3A_26 : vector<256x1xi32> to vector<256x1xi32>
    %broadcast_in_dim3A_34 = vector.broadcast %broadcast_in_dim3A_33 : vector<256x1xi32> to vector<256x2xi32>
    %select_n3A_35 = arith.select %eq3A_30, %broadcast_in_dim3A_32, %broadcast_in_dim3A_34 : vector<256x2xi1>, vector<256x2xi32>
    %swap3A = arith.constant 0 : index
    %swap3A_36 = arith.constant 0 : index
    %swap3A_37 = vector.load %arg3[%swap3A, %swap3A_36] : memref<256x2xi32, #tpu.memory_space<vmem>>, vector<256x2xi32>
    tpu.vector_store %arg3[%swap3A, %swap3A_36], %select_n3A_35 {strides = array<i32>} : memref<256x2xi32, #tpu.memory_space<vmem>>, vector<256x2xi32>,
    %sub3A = arith.subf %broadcast_in_dim3A_18, %broadcast_in_dim3A : vector<256x1xf32>
    %exp3A = math.exp %sub3A : vector<256x1xf32>
    %add3A = arith.constant 1.000000e+00 : f32
    %add3A_38 = vector.broadcast %add3A : f32 to vector<256x1xf32>
    %add3A_39 = arith.addf %add3A_38, %exp3A : vector<256x1xf32>
    %div3A = arith.constant 1.000000e+00 : f32
    %div3A_40 = vector.broadcast %div3A : f32 to vector<256x1xf32>
    %div3A_41 = arith.divf %div3A_40, %add3A_39 : vector<256x1xf32>
    %eq3A_42 = arith.constant 0 : i32
    %eq3A_43 = vector.broadcast %eq3A_42 : i32 to vector<256x2xi32>
    %eq3A_44 = arith.cmpi eq, %iota3A_27, %eq3A_43 : vector<256x2xi32>
    %sub3A_45 = arith.constant 1.000000e+00 : f32
    %sub3A_46 = vector.broadcast %sub3A_45 : f32 to vector<256x1xf32>
    %sub3A_47 = arith.subf %sub3A_46, %div3A_41 : vector<256x1xf32>
    %broadcast_in_dim3A_48 = vector.shape_cast %div3A_41 : vector<256x1xf32> to vector<256x1xf32>
    %broadcast_in_dim3A_49 = vector.broadcast %broadcast_in_dim3A_48 : vector<256x1xf32> to vector<256x2xf32>
    %broadcast_in_dim3A_50 = vector.shape_cast %sub3A_47 : vector<256x1xf32> to vector<256x1xf32>
    %broadcast_in_dim3A_51 = vector.broadcast %broadcast_in_dim3A_50 : vector<256x1xf32> to vector<256x2xf32>
    %select_n3A_52 = arith.select %eq3A_44, %broadcast_in_dim3A_49, %broadcast_in_dim3A_51 : vector<256x2xi1>, vector<256x2xf32>
    %swap3A_53 = arith.constant 0 : index
    %swap3A_54 = arith.constant 0 : index
    %swap3A_55 = vector.load %arg4[%swap3A_53, %swap3A_54] : memref<256x2xf32, #tpu.memory_space<vmem>>, vector<256x2xf32>
    tpu.vector_store %arg4[%swap3A_53, %swap3A_54], %select_n3A_52 {strides = array<i32>} : memref<256x2xf32, #tpu.memory_space<vmem>>, vector<256x2xf32>,
    return
  }
  func.func @transform_0(%arg0: i32) -> (i32, i32) {
    %c0_i32 = arith.constant 0 : i32
    %c0_i32_0 = arith.constant 0 : i32
    return %arg0, %c0_i32 : i32, i32
  }
  func.func @transform_1(%arg0: i32) -> (i32, i32) {
    %c0_i32 = arith.constant 0 : i32
    %c0_i32_0 = arith.constant 0 : i32
    %c0_i32_1 = arith.constant 0 : i32
    return %c0_i32, %c0_i32_0 : i32, i32
  }
  func.func @transform_2(%arg0: i32) -> (i32, i32) {
    %c0_i32 = arith.constant 0 : i32
    %c0_i32_0 = arith.constant 0 : i32
    return %arg0, %c0_i32 : i32, i32
  }
  func.func @transform_3(%arg0: i32) -> (i32, i32) {
    %c0_i32 = arith.constant 0 : i32
    %c0_i32_0 = arith.constant 0 : i32
    return %arg0, %c0_i32 : i32, i32
  }
}

module attributes {stable_mosaic.version = 14 : i64} {
  func.func @_ffn_kernel(%arg0: i32, %arg1: i32, %arg2: memref<24xi32, #tpu.memory_space<smem>>, %arg3: memref<256x1024xf32, #tpu.memory_space<vmem>>, %arg4: memref<1x1024x1024xf32, #tpu.memory_space<vmem>>, %arg5: memref<1x1024x1024xf32, #tpu.memory_space<vmem>>, %arg6: memref<1x1024x1024xf32, #tpu.memory_space<vmem>>, %arg7: memref<256x1024xf32, #tpu.memory_space<vmem>>) attributes {dimension_semantics = [#tpu.dimension_semantics<arbitrary>, #tpu.dimension_semantics<arbitrary>], iteration_bounds = array<i64: -9223372036854775808, 4>, scalar_prefetch = 1 : i64, scratch_operands = 0 : i64, tpu.core_type = #tpu.core_type<tc>, window_params = [{transform_indices = @transform_0, window_bounds = array<i64: 256, 1024>}, {transform_indices = @transform_1, window_bounds = array<i64: 1, 1024, 1024>}, {transform_indices = @transform_2, window_bounds = array<i64: 1, 1024, 1024>}, {transform_indices = @transform_3, window_bounds = array<i64: 1, 1024, 1024>}, {transform_indices = @transform_4, window_bounds = array<i64: 256, 1024>}]} {
    %get3A = arith.constant 0 : index
    %get3A_0 = arith.constant 0 : index
    %get3A_1 = vector.load %arg3[%get3A, %get3A_0] : memref<256x1024xf32, #tpu.memory_space<vmem>>, vector<256x1024xf32>
    %get3A_2 = arith.constant 0 : index
    %get3A_3 = arith.constant 0 : index
    %get3A_4 = arith.constant 0 : index
    %get3A_5 = vector.load %arg4[%get3A_2, %get3A_3, %get3A_4] : memref<1x1024x1024xf32, #tpu.memory_space<vmem>>, vector<1x1024x1024xf32>
    %get3A_6 = vector.shape_cast %get3A_5 : vector<1x1024x1024xf32> to vector<1024x1024xf32>
    %dot_general3A = arith.constant dense<0.000000e+00> : vector<256x1024xf32>
    %dot_general3A_7 = tpu.matmul %get3A_1, %get3A_6, %dot_general3A {dimension_numbers = #tpu.dot_dimension_numbers<[1], [0], [0], [1], [0, 0, 1, 1], [], []>, transpose_lhs_hint = false} : vector<256x1024xf32>, vector<1024x1024xf32>, vector<256x1024xf32> -> vector<256x1024xf32>
    %get3A_8 = arith.constant 0 : index
    %get3A_9 = arith.constant 0 : index
    %get3A_10 = arith.constant 0 : index
    %get3A_11 = vector.load %arg5[%get3A_8, %get3A_9, %get3A_10] : memref<1x1024x1024xf32, #tpu.memory_space<vmem>>, vector<1x1024x1024xf32>
    %get3A_12 = vector.shape_cast %get3A_11 : vector<1x1024x1024xf32> to vector<1024x1024xf32>
    %dot_general3A_13 = arith.constant dense<0.000000e+00> : vector<256x1024xf32>
    %dot_general3A_14 = tpu.matmul %get3A_1, %get3A_12, %dot_general3A_13 {dimension_numbers = #tpu.dot_dimension_numbers<[1], [0], [0], [1], [0, 0, 1, 1], [], []>, transpose_lhs_hint = false} : vector<256x1024xf32>, vector<1024x1024xf32>, vector<256x1024xf32> -> vector<256x1024xf32>
    %neg3A = arith.constant 0.000000e+00 : f32
    %neg3A_15 = vector.broadcast %neg3A : f32 to vector<256x1024xf32>
    %neg3A_16 = arith.subf %neg3A_15, %dot_general3A_7 : vector<256x1024xf32>
    %exp3A = math.exp %neg3A_16 : vector<256x1024xf32>
    %add3A = arith.constant 1.000000e+00 : f32
    %add3A_17 = vector.broadcast %add3A : f32 to vector<256x1024xf32>
    %add3A_18 = arith.addf %add3A_17, %exp3A : vector<256x1024xf32>
    %div3A = arith.divf %dot_general3A_7, %add3A_18 : vector<256x1024xf32>
    %mul3A = arith.mulf %div3A, %dot_general3A_14 : vector<256x1024xf32>
    %get3A_19 = arith.constant 0 : index
    %get3A_20 = arith.constant 0 : index
    %get3A_21 = arith.constant 0 : index
    %get3A_22 = vector.load %arg6[%get3A_19, %get3A_20, %get3A_21] : memref<1x1024x1024xf32, #tpu.memory_space<vmem>>, vector<1x1024x1024xf32>
    %get3A_23 = vector.shape_cast %get3A_22 : vector<1x1024x1024xf32> to vector<1024x1024xf32>
    %dot_general3A_24 = arith.constant dense<0.000000e+00> : vector<256x1024xf32>
    %dot_general3A_25 = tpu.matmul %mul3A, %get3A_23, %dot_general3A_24 {dimension_numbers = #tpu.dot_dimension_numbers<[1], [0], [0], [1], [0, 0, 1, 1], [], []>, transpose_lhs_hint = false} : vector<256x1024xf32>, vector<1024x1024xf32>, vector<256x1024xf32> -> vector<256x1024xf32>
    %eq3A = arith.constant 0 : i32
    %eq3A_26 = arith.cmpi eq, %arg1, %eq3A : i32
    %convert_element_type3A = arith.extui %eq3A_26 : i1 to i32
    %cond3A = arith.constant 0 : i32
    %cond3A_27 = arith.cmpi ne, %convert_element_type3A, %cond3A : i32
    scf.if %cond3A_27 {
      %swap3A = arith.constant 0 : index
      %swap3A_32 = arith.constant 0 : index
      %swap3A_33 = vector.load %arg7[%swap3A, %swap3A_32] : memref<256x1024xf32, #tpu.memory_space<vmem>>, vector<256x1024xf32>
      tpu.vector_store %arg7[%swap3A, %swap3A_32], %dot_general3A_25 {strides = array<i32>} : memref<256x1024xf32, #tpu.memory_space<vmem>>, vector<256x1024xf32>,
    } else {
    }
    %gt3A = arith.constant 0 : i32
    %gt3A_28 = arith.cmpi sgt, %arg1, %gt3A : i32
    %convert_element_type3A_29 = arith.extui %gt3A_28 : i1 to i32
    %cond3A_30 = arith.constant 0 : i32
    %cond3A_31 = arith.cmpi ne, %convert_element_type3A_29, %cond3A_30 : i32
    scf.if %cond3A_31 {
      %get3A_32 = arith.constant 0 : index
      %get3A_33 = arith.constant 0 : index
      %get3A_34 = vector.load %arg7[%get3A_32, %get3A_33] : memref<256x1024xf32, #tpu.memory_space<vmem>>, vector<256x1024xf32>
      %add3A_35 = arith.addf %get3A_34, %dot_general3A_25 : vector<256x1024xf32>
      %swap3A = arith.constant 0 : index
      %swap3A_36 = arith.constant 0 : index
      %swap3A_37 = vector.load %arg7[%swap3A, %swap3A_36] : memref<256x1024xf32, #tpu.memory_space<vmem>>, vector<256x1024xf32>
      tpu.vector_store %arg7[%swap3A, %swap3A_36], %add3A_35 {strides = array<i32>} : memref<256x1024xf32, #tpu.memory_space<vmem>>, vector<256x1024xf32>,
    } else {
    }
    return
  }
  func.func @transform_0(%arg0: i32, %arg1: i32, %arg2: memref<24xi32, #tpu.memory_space<smem>>) -> (i32, i32) {
    %c0_i32 = arith.constant 0 : i32
    %c0_i32_0 = arith.constant 0 : i32
    return %arg0, %c0_i32 : i32, i32
  }
  func.func @transform_1(%arg0: i32, %arg1: i32, %arg2: memref<24xi32, #tpu.memory_space<smem>>) -> (i32, i32, i32) {
    %get3A = arith.index_cast %arg0 : i32 to index
    %get3A_0 = memref.load %arg2[%get3A] : memref<24xi32, #tpu.memory_space<smem>>
    %c0_i32 = arith.constant 0 : i32
    %c0_i32_1 = arith.constant 0 : i32
    return %get3A_0, %c0_i32, %arg1 : i32, i32, i32
  }
  func.func @transform_2(%arg0: i32, %arg1: i32, %arg2: memref<24xi32, #tpu.memory_space<smem>>) -> (i32, i32, i32) {
    %get3A = arith.index_cast %arg0 : i32 to index
    %get3A_0 = memref.load %arg2[%get3A] : memref<24xi32, #tpu.memory_space<smem>>
    %c0_i32 = arith.constant 0 : i32
    %c0_i32_1 = arith.constant 0 : i32
    return %get3A_0, %c0_i32, %arg1 : i32, i32, i32
  }
  func.func @transform_3(%arg0: i32, %arg1: i32, %arg2: memref<24xi32, #tpu.memory_space<smem>>) -> (i32, i32, i32) {
    %get3A = arith.index_cast %arg0 : i32 to index
    %get3A_0 = memref.load %arg2[%get3A] : memref<24xi32, #tpu.memory_space<smem>>
    %c0_i32 = arith.constant 0 : i32
    %c0_i32_1 = arith.constant 0 : i32
    return %get3A_0, %arg1, %c0_i32 : i32, i32, i32
  }
  func.func @transform_4(%arg0: i32, %arg1: i32, %arg2: memref<24xi32, #tpu.memory_space<smem>>) -> (i32, i32) {
    %c0_i32 = arith.constant 0 : i32
    %c0_i32_0 = arith.constant 0 : i32
    return %arg0, %c0_i32 : i32, i32
  }
}

</mosaic_0001>

<sc_bundles>
// kernel: gather_offload_async_start
scs
__scs_entry_jumppad:
0x0: {  	(pc) =	sbr.rel $0x88, $3  }
0x1: {  	(tag) =	ssettag $0x0;
	lr =	simm.s32 $0x1  }
0x2: {  	[smem:$0x3F9C] =	sst lr;
	_ =	strace $0xD0000000  }
0x3: {  	_ = 	snop  }
0x4: {  	_ = 	snop  }
0x5: {  	_ = 	snop  }
0x6: {  	_ = 	snop  }
0x7: {  	_ = 	snop  }
__scs_overlays_trampoline_lowered:
0x8: {  	[smem:$0x3FAB] =	sst s0  }
0x9: {  	[smem:$0x3FAC] =	sst s1  }
0xa: {  	[smem:$0x3FAD] =	sst s2  }
0xb: {  	[smem:$0x3FAE] =	sst s3  }
0xc: {  	[smem:$0x3FAF] =	sst s4  }
0xd: {  	[smem:$0x3FB0] =	sst s5  }
0xe: {  	[smem:$0x3FB1] =	sst s6  }
0xf: {  	[smem:$0x3FB2] =	sst s7  }
0x10: {  	[smem:$0x3FB3] =	sst s8  }
0x11: {  	[smem:$0x3FB4] =	sst s9;
	s0 =	simm.s32 @!p0 $0x0  }
0x12: {  	s1 =	sld [smem:$0x3F9A];
	s0 =	simm.s32 @p0 $0x1  }
0x13: {  	[smem:$0x3FB5] =	sst s0;
	s0 =	simm.s32 @!p1 $0x0  }
0x14: {  	s2 =	sld [smem:$0x3F99];
	s0 =	simm.s32 @p1 $0x1  }
0x15: {  	[smem:$0x3FB6] =	sst s0;
	s0 =	simm.s32 @!p2 $0x0  }
0x16: {  	s3 =	sld [smem:$0x3FDB];
	s0 =	simm.s32 @p2 $0x1  }
0x17: {  	s4 =	simm.s32 $0x1BF5;
	[smem:$0x3FB8] =	sst s0  }
0x18: {  	s0 =	sld [smem:$0x3F9B];
	_ =	swait.ge [sflag:s4], $0x0  }
0x19: {  	s7 =	sld [smem:$0x3F9C]  }
0x1a: {  	s8 =	sadd.s32 $0xFFFFE003, lr  }
0x1b: {  	s9 =	sadd.s32 $0xFFFFFEF7, lr;
	s5 =	simm.s32 $0xFFFFFFFF;
	p2 =	slt.u32 s8, $0xFFFFF086  }
0x1c: {  	p1 =	slt.u32 s9, $0xF7A;
	s5 =	simm.s32 @!p2 $0x0  }
0x1d: {  	s5 =	simm.s32 @p1 $0x1;
	p0 =	seq.s32 s7, s2  }
0x1e: {  	s7 =	smul.u32 @!p0 $0xF7A, s2;
	p2 =	seq.s32 @!p0 s5, $0x0  }
0x1f: {  	s9 =	smul.u32 $0xF7A, s1;
	s8 =	simm.s32 @!p0 $0x1BF5;
	p2 =	por !p2, p0  }
0x20: {  	[sflag:s8] =	ssyncset.s32 @!p0 $0xFFFFF086;
	s6 =	sadd.s32 @!p0 s3, s7;
	s7 =	simm.s32 @!p0 $0x108  }
0x21: {  	s3 =	sadd.s32 s3, s9;
	s6 =	sadd.s32 @!p0 $0x88, s6;
	s7 =	simm.s32 @p2 $0x1082  }
0x22: {  	[simem:s7], [sflag:s8] =	dma.local @!p0 [hbm:s6], $0xF7A  }
0x23: {  	s9 =	sor.u32 $0xD0000000, s2;
	s6 =	simm.s32 $0x108;
	_ =	swait.ge @!p0 [sflag:s8], $0x0  }
0x24: {  	s3 =	sadd.s32 $0x88, s3;
	s6 =	simm.s32 @!p1 $0x1082;
	[sflag:s4] =	ssyncset.s32 $0xFFFFF086  }
0x25: {  	[simem:s6], [sflag:s4] =	dma.local [hbm:s3], $0xF7A  }
0x26: {  	[smem:$0x3F9C] =	sst s1;
	(tag) =	ssettag s2;
	_ =	strace s9  }
0x27: {  	s1 =	sld [smem:$0x3FAC]  }
0x28: {  	s2 =	sld [smem:$0x3FAD]  }
0x29: {  	s4 =	sld [smem:$0x3FAF]  }
0x2a: {  	p0 =	seq.s32 s5, $0x0;
	s5 =	sld [smem:$0x3FB0]  }
0x2b: {  	s6 =	sld [smem:$0x3FB1]  }
0x2c: {  	s7 =	sld [smem:$0x3FB2]  }
0x2d: {  	s3 =	simm.s32 $0x108;
	s8 =	sld [smem:$0x3FB3]  }
0x2e: {  	s3 =	simm.s32 @!p0 $0x1082;
	s9 =	sld [smem:$0x3FB4]  }
0x2f: {  	lr =	sadd.s32 s0, s3;
	s0 =	sld [smem:$0x3FAB]  }
0x30: {  	s3 =	sld [smem:$0x3FAE]  }
0x31: {  	[smem:$0x3FB7] =	sst s10  }
0x32: {  	s10 =	sld [smem:$0x3FB5];
	_ =	sdelay $0x3  }
0x33: {  	p0 =	seq.s32 s10, $0x1;
	s10 =	sld [smem:$0x3FB7];
	_ =	sdelay $0x3  }
0x34: {  	[smem:$0x3FB7] =	sst s10  }
0x35: {  	s10 =	sld [smem:$0x3FB6];
	_ =	sdelay $0x3  }
0x36: {  	p1 =	seq.s32 s10, $0x1;
	s10 =	sld [smem:$0x3FB7];
	_ =	sdelay $0x3  }
0x37: {  	[smem:$0x3FB7] =	sst s10  }
0x38: {  	s10 =	sld [smem:$0x3FB8]  }
0x39: {  	_ = 	snop;
	(pc) =	sbr.ind lr, $3  }
0x3a: {  	_ = 	snop  }
0x3b: {  	_ = 	snop  }
0x3c: {  	p2 =	seq.s32 s10, $0x1;
	s10 =	sld [smem:$0x3FB7]  }
0x3d: {  	_ =	shalt  }
0x3e: {  	_ =	shalt  }
0x3f: {  	_ =	shalt  }
0x40: {  	_ =	shalt  }
0x41: {  	_ =	shalt  }
0x42: {  	_ =	shalt  }
0x43: {  	_ =	shalt  }
0x44: {  	_ =	shalt  }
0x45: {  	_ =	shalt  }
0x46: {  	_ =	shalt  }
0x47: {  	_ =	shalt  }
0x48: {  	_ =	shalt  }
0x49: {  	_ =	shalt  }
0x4a: {  	_ =	shalt  }
0x4b: {  	_ =	shalt  }
0x4c: {  	_ =	shalt  }
0x4d: {  	_ =	shalt  }
0x4e: {  	_ =	shalt  }
0x4f: {  	_ =	shalt  }
0x50: {  	_ =	shalt  }
0x51: {  	_ =	shalt  }
0x52: {  	_ =	shalt  }
0x53: {  	_ =	shalt  }
0x54: {  	_ =	shalt  }
0x55: {  	_ =	shalt  }
0x56: {  	_ =	shalt  }
0x57: {  	_ =	shalt  }
0x58: {  	_ =	shalt  }
0x59: {  	_ =	shalt  }
0x5a: {  	_ =	shalt  }
0x5b: {  	_ =	shalt  }
0x5c: {  	_ =	shalt  }
0x5d: {  	_ =	shalt  }
0x5e: {  	_ =	shalt  }
0x5f: {  	_ =	shalt  }
0x60: {  	_ =	shalt  }
0x61: {  	_ =	shalt  }
0x62: {  	_ =	shalt  }
0x63: {  	_ =	shalt  }
0x64: {  	_ =	shalt  }
0x65: {  	_ =	shalt  }
0x66: {  	_ =	shalt  }
0x67: {  	_ =	shalt  }
0x68: {  	_ =	shalt  }
0x69: {  	_ =	shalt  }
0x6a: {  	_ =	shalt  }
0x6b: {  	_ =	shalt  }
0x6c: {  	_ =	shalt  }
0x6d: {  	_ =	shalt  }
0x6e: {  	_ =	shalt  }
0x6f: {  	_ =	shalt  }
0x70: {  	_ =	shalt  }
0x71: {  	_ =	shalt  }
0x72: {  	_ =	shalt  }
0x73: {  	_ =	shalt  }
0x74: {  	_ =	shalt  }
0x75: {  	_ =	shalt  }
0x76: {  	_ =	shalt  }
0x77: {  	_ =	shalt  }
0x78: {  	_ =	shalt  }
0x79: {  	_ =	shalt  }
0x7a: {  	_ =	shalt  }
0x7b: {  	_ =	shalt  }
0x7c: {  	_ =	shalt  }
0x7d: {  	_ =	shalt  }
0x7e: {  	_ =	shalt  }
0x7f: {  	_ =	shalt  }
0x80: {  	_ =	shalt  }
0x81: {  	_ =	shalt  }
0x82: {  	_ =	shalt  }
0x83: {  	_ =	shalt  }
0x84: {  	_ =	shalt  }
0x85: {  	_ =	shalt  }
0x86: {  	_ =	shalt  }
0x87: {  	_ =	shalt  }
.Lfunc_end0:
.L_simem_size_0:
called_computation_lowered:
.L_overlay_start_0:
0x88: {  	s2 =	sld [smem:$0x3FD9]  }
0x89: {  	s3 =	sld [smem:$0x3FFE];
	_ =	sdelay $0x1  }
0x8a: {  	s1 =	srdreg.scid  }
0x8b: {  	s0 =	sand.u32 $0x1, s1  }
0x8c: {  	s17 =	sshll.u32 s0, $0xA;
	s2 =	sadd.s32 s3, s2  }
0x8d: {  	s2 =	sadd.s32 s2, s17  }
0x8e: {  	[smem:$0x3FC3] =	sst s2  }
0x8f: {  	_ = 	snop  }
0x90: {  	s2 =	sld [smem:$0x3FD0];
	(tm) =	ssettm $0x1  }
0x91: {  	s18 =	sld [smem:$0x3FFB];
	_ =	sdelay $0x3  }
0x92: {  	_ =	strace s18  }
0x93: {  	s3 =	sld [smem:$0x3FFC];
	_ =	sdelay $0x3  }
0x94: {  	_ =	strace s3  }
0x95: {  	s3 =	sld [smem:$0x3FFD];
	_ =	sdelay $0x3  }
0x96: {  	_ =	strace s3  }
0x97: {  	_ =	strace $0x8FFFFFFF  }
0x98: {  	s19 =	sld [smem:$0x3FDB];
	_ =	sdelay $0x1  }
0x99: {  	s4 =	simm.s32 $_scs_section_size  }
0x9a: {  	s5 =	simm.s32 $_size__tile_overlayer_lowered;
	s6 =	simm.s32 $_tile_overlayer_lowered  }
0x9b: {  	s22 =	simm.s32 $0x1BFF;
	s21 =	sshll.u32 s6, $0x1;
	s3 =	sadd.s32 s4, s19  }
0x9c: {  	s7 =	simm.s32 $0x0;
	s20 =	sshll.u32 s5, $0x1;
	s5 =	sadd.s32 s21, s3  }
0x9d: {  	[timem:s7], [sflag:s22] =	dma.local [hbm:s5], s20  }
0x9e: {  	_ =	swait.ge [sflag:s22], s20  }
0x9f: {  	s4 =	ssub.s32 $0x0, s20;
	[sflag:s22] =	ssyncset.done $0x0  }
0xa0: {  	[sflag:s22] =	ssyncadd.s32 s4;
	_ =	sdelay $0x1  }
0xa1: {  	s23 =	simm.s32 $0x1B8B  }
0xa2: {  	_ =	swait.ge [sflag:s23], $0x1  }
0xa3: {  	[sflag:s23] =	ssyncset.done $0x0  }
0xa4: {  	s25 =	simm.s32 $0x1B8E;
	s24 =	sld [smem:$0x3FFE];
	[sflag:s23] =	ssyncadd.s32 $0xFFFFFFFF  }
0xa5: {  	s26 =	simm.s32 $execute0_lowered;
	[smem:$0x3FD2] =	sst s25  }
0xa6: {  	s5 =	sshll.u32 s26, $0x1;
	_ =	strace $0x80000046;
	[dreg:$0x1] =	wrdreg $0xFFFFFFFF  }
0xa7: {  	s28 =	simm.s32 $_size_execute0_lowered;
	s3 =	sadd.s32 s3, s5;
	[dreg:$0x0] =	wrdreg $0x0  }
0xa8: {  	s5 =	sshll.u32 s28, $0x1;
	[dreg:$0x2] =	wrdreg s3  }
0xa9: {  	[dreg:$0x3] =	wrdreg s5  }
0xaa: {  	[dreg:$0x4] =	wrdreg $0xC0  }
0xab: {  	_ =	task [dreg:s7], $0x5FFFF  }
0xac: {  	[dreg:$0x1] =	wrdreg $0xFFFFFFFF  }
0xad: {  	[dreg:$0x0] =	wrdreg $0x60  }
0xae: {  	[dreg:$0x2] =	wrdreg s2  }
0xaf: {  	[dreg:$0x3] =	wrdreg s24  }
0xb0: {  	[dreg:$0x4] =	wrdreg $0x9  }
0xb1: {  	_ =	task.clear_ibuf [dreg:s7], $0x5FFFF;
	_ =	strace $0x90000046  }
0xb2: {  	s29 =	simm.s32 $0x9;
	_ =	strace $0x80000048  }
0xb3: {  	_ =	swait.ge [sflag:s29], $0x1  }
0xb4: {  	[sflag:s29] =	ssyncadd.s32 $0xFFFFFFFF  }
0xb5: {  	_ =	strace $0x90000048  }
0xb6: {  	_ =	sfence  }
0xb7: {  	s30 =	sld [smem:$0x0];
	_ =	sdelay $0x2  }
0xb8: {  	s31 =	sshll.u32 s1, $0xD;
	s1 =	sshrl.u32 s1, $0x2  }
0xb9: {  	s3 =	sand.u32 $0x4000, s31;
	s1 =	sadd.s32 s1, s30  }
0xba: {  	s0 =	sor.u32 s3, s0;
	s1 =	sshll.u32 s1, $0x11  }
0xbb: {  	s0 =	sor.u32 s1, s0  }
0xbc: {  	s0 =	sadd.s32 $0x8F2B, s0  }
0xbd: {  	[sflag:s0] =	ssyncadd.remote.s32 $0x1  }
0xbe: {  	_ =	sfence.sel $0xFFFF  }
0xbf: {  	[dreg:$0x0] =	wrdreg $0xFFFFFFFF;
	(pc) =	sbr.abs _section_cstart, $3  }
0xc0: {  	[dreg:$0x1] =	wrdreg $0xFFFFFFFF  }
0xc1: {  	_ =	task.clear_ibuf [dreg:s7], $0x2FFFF;
	_ =	strace $0x9FFFFFFF  }
0xc2: {  	(tm) =	ssettm $0x7FFFFFFF  }
0xc3: {  	_ =	shalt  }
tec
execute0_lowered:
.L_overlay_start_1:
0x0: {  	(tag) =	ssettag $0x1  }
0x1: {  	s1 =	srdreg.scid;
	s2 =	rddreg [dreg:$0x0]  }
0x2: {  	s0 =	stileid.u32;
	s3 =	rddreg [dreg:$0x1]  }
0x3: {  	s6 =	simm.s32 $0x1;
	s9 =	simm.s32 $0x1;
	s1 =	sshll.u32 s1, $0x6  }
0x4: {  	s10 =	simm.s32 $0x3;
	s4 =	sshll.u32 s0, $0x7;
	s5 =	sand.u32 $0x40, s1  }
0x5: {  	s13 =	simm.s32 $0x0;
	s12 =	simm.s32 $0x0;
	s4 =	sor.u32 s4, s5  }
0x6: {  	s1 =	rddreg [dreg:$0x2];
	_ =	strace $0x80000047;
	s8 =	ssub.s32 $0x1000, s4  }
.Ltmp0:
0x7: {  	s5 =	sadd.s32 $0x1000, s3;
	s7 =	sand.u32 $0x7C0, s8;
	(pc) =	sbr.rel .LBB2_1-.Ltmp0, $4  }
0x8: {  	[sflag:s6] =	ssyncpa.u1 $0x0;
	s11 =	smov.u32 s4;
	p0 =	sne.s32 s7, $0x0  }
0x9: {  	s8 =	sshrl.u32 s8, $0xB;
	s7 =	simm.s32 $0x2;
	s9 =	simm.s32 @!p0 $0x0  }
0xa: {  	[sflag:s7] =	ssyncpa.u1 $0x0;
	p0 =	por $0x0, $0x0;
	s8 =	sadd.s32 s9, s8  }
0xb: {  	vm0 =	vmmov $0xffff;
	[sflag:s10] =	ssyncpa.u1 $0x0;
	s10 =	simm.s32 $0x0;
	s9 =	sadd.s32 $0x1, s8  }
.LBB2_4:
0xc: {  	v5 =	vshrl.u32 v1, $0xC;
	v6 =	vshll.u32 v1, $0x7  }
0xd: {  	vm1 =	veq.s32 v1, $0x80000000;
	v58 =	vand.u32 $0x7, v5;
	v59 =	vand.u32 $0x7FF80, v6  }
0xe: {  	v1 =	vsel vm1, $0xFFFFFFFF, v58;
	v5 =	vsel vm1, $0xFFFFFF80, v59  }
0xf: {  	v3 =	vor.u32 v4, v3;
	v60 =	vand.u32 $0xFFFFFC00, v5;
	v61 =	vand.u32 $0xFFFFFC00, v1  }
0x10: {  	v2 =	vor.u32 v2, v3;
	v63 =	vand.u32 $0x380, v5;
	v62 =	vadd.s32 v61, v60  }
0x11: {  	v1 =	vand.u32 $0x7F, v1;
	v3 =	vor.u32 v63, v62  }
0x12: {  	v1 =	vor.u32 v1, v3  }
0x13: {  	[tilespmem:s15], [sflag:$0x1] =	stream.indirect_vreg.gather [hbm4b:s2+s10], $0x1, v0, vm0, $0x4038;
	[tilespmem:$0x100] =	vst v63  }
0x14: {  	(ifvalue) =	ssetifvalue $0x7FFFFFFF  }
0x15: {  	[tilespmem:s16], [sflag:$0x1] =	stream.indirect_vreg.gather [hbm4b:s2+s10], $0x1, v2, vm0, $0x4038;
	[tilespmem:$0x100] =	vst v63  }
0x16: {  	s29 =	sadd.s32 $0x10, s16;
	(ifvalue) =	ssetifvalue $0x7FFFFFFF  }
0x17: {  	[tilespmem:s29], [sflag:$0x1] =	stream.indirect_vreg.gather [hbm4b:s2+s10], $0x1, v1, vm0, $0x4038;
	[tilespmem:$0x100] =	vst v63  }
0x18: {  	_ =	swait.ge [sflag:s6], $0x40  }
0x19: {  	s30 =	sshrl.u32 s13, $0x3;
	[sflag:s6] =	ssyncset.done $0x0  }
0x1a: {  	s31 =	sand.u32 $0x7, s13;
	s15 =	sadd.s32 s3, s30;
	[sflag:s6] =	ssyncadd.s32 $0xFFFFFFC0  }
0x1b: {  	[hbm4b:s15+s31] =	stream.linear.scatter [tilespmem:s14], [sflag:$0x3], $0x40, $0x38;
	[tilespmem:$0x100] =	vst v63  }
.LBB2_5:
0x1c: {  	s15 =	sadd.s32 $0x800, s11  }
0x1d: {  	p2 =	sgt.s32 s15, $0xFFF  }
0x1e: {  	s15 =	smov.u32 @p2 s4;
	p2 =	sne.s32 s12, s9  }
.Ltmp1:
0x1f: {  	p1 =	slt.u32 s12, $0x2;
	(pc) =	sbr.rel @!p2 .LBB2_6-.Ltmp1, $4  }
0x20: {  	s14 =	simm.s32 @!p1 $0x3  }
0x21: {  	s16 =	sadd.s32 $0x1, s12;
	_ =	swait.ge @!p1 [sflag:s14], $0x40  }
0x22: {  	s13 =	smov.u32 s11;
	p0 =	por !p0, !p0;
	[sflag:s14] =	ssyncset.done @!p1 $0x0  }
0x23: {  	s12 =	smov.u32 s16;
	s11 =	smov.u32 s15;
	[sflag:s14] =	ssyncadd.s32 @!p1 $0xFFFFFFC0  }
.LBB2_1:
0x24: {  	p1 =	sge.u32 s12, s8  }
0x25: {  	s14 =	sxor.u32 @!p1 $0xFFFFFFFF, s12  }
0x26: {  	s31 =	sadd.s32 $0xFFFFFFFF, s12;
	s15 =	sshrl.u32 @!p1 s11, $0x3;
	s14 =	sshll.u32 @!p1 s14, $0x6  }
0x27: {  	s16 =	sand.u32 @!p1 $0x7, s11;
	s15 =	sadd.s32 @!p1 s5, s15;
	s14 =	sand.u32 @!p1 $0x40, s14  }
0x28: {  	[tilespmem:s14], [sflag:$0x2] =	stream.linear.gather @!p1 [hbm4b:s15+s16], $0x40, $0x38;
	[tilespmem:$0x100] =	vst v63  }
0x29: {  	p1 =	sge.u32 s31, s8  }
.Ltmp2:
0x2a: {  	_ = 	snop;
	(pc) =	sbr.rel @p1 .LBB2_5-.Ltmp2, $1  }
0x2b: {  	_ =	sdelay $0x3  }
0x2c: {  	s14 =	simm.s32 $0x1  }
0x2d: {  	_ =	swait.ge [sflag:s7], $0x40;
	s14 =	simm.s32 @!p0 $0x0  }
0x2e: {  	[sflag:s7] =	ssyncset.done $0x0;
	s14 =	sshll.u32 s14, $0x6  }
0x2f: {  	[sflag:s7] =	ssyncadd.s32 $0xFFFFFFC0;
	(ifvalue) =	ssetifvalue $0x7FFFFFFF;
	v0 =	vld.msk [tilespmem:s14+$0x0 ss:$0x1], $0xffff;
	_ =	sdelay $0x4  }
0x30: {  	s15 =	sadd.s32 $0x10, s14;
	v2 =	vshrl.u32 v0, $0xC;
	v3 =	vshll.u32 v0, $0x7  }
0x31: {  	v1 =	vld.msk [tilespmem:s15+$0x0 ss:$0x1], $0xffff;
	vm1 =	veq.s32 v0, $0x80000000;
	v0 =	vand.u32 $0x7, v2;
	v2 =	vand.u32 $0x7FF80, v3  }
0x32: {  	v0 =	vsel vm1, $0xFFFFFFFF, v0;
	v2 =	vsel vm1, $0xFFFFFF80, v2  }
0x33: {  	v3 =	vand.u32 $0xFFFFFC00, v2;
	v4 =	vand.u32 $0xFFFFFC00, v0  }
0x34: {  	v2 =	vand.u32 $0x380, v2;
	v3 =	vadd.s32 v4, v3  }
0x35: {  	v0 =	vand.u32 $0x7F, v0;
	v2 =	vor.u32 v2, v3  }
0x36: {  	v5 =	vshll.u32 v1, $0x7;
	v4 =	vshrl.u32 v1, $0xC;
	v0 =	vor.u32 v0, v2  }
0x37: {  	s16 =	sshll.u32 s12, $0x6;
	vm1 =	veq.s32 v1, $0x80000000;
	v1 =	vand.u32 $0x7, v4;
	v4 =	vand.u32 $0x7FF80, v5  }
0x38: {  	s16 =	sand.u32 $0x40, s16;
	s18 =	sadd.s32 $0x10, s15;
	v3 =	vsel vm1, $0xFFFFFFFF, v1;
	v4 =	vsel vm1, $0xFFFFFF80, v4  }
0x39: {  	s17 =	simm.s32 $0x20;
	s15 =	sor.u32 $0x80, s14;
	s14 =	sor.u32 $0x80, s16;
	v1 =	vld.msk [tilespmem:s18+$0x0 ss:$0x1], $0xffff;
	v5 =	vand.u32 $0xFFFFFC00, v4;
	v6 =	vand.u32 $0xFFFFFC00, v3  }
0x3a: {  	s16 =	sadd.s32 $0x10, s15;
	s18 =	sadd.s32 $0x10, s18;
	(ifvalue) =	ssetifvalue $0x7FFFFFFF;
	v2 =	vand.u32 $0x7F, v3;
	v4 =	vand.u32 $0x380, v4;
	v3 =	vadd.s32 v6, v5  }
.LBB2_3:
0x3b: {  	[tilespmem:s15], [sflag:$0x1] =	stream.indirect_vreg.gather [hbm4b:s2+s10], $0x1, v0, vm0, $0x4038;
	[tilespmem:$0x100] =	vst v63  }
0x3c: {  	s17 =	sadd.s32 $0x10, s17  }
0x3d: {  	v3 =	vor.u32 v4, v3;
	p1 =	slt.u32 s17, $0x30  }
.Ltmp3:
0x3e: {  	v4 =	vshrl.u32 v1, $0xC;
	v5 =	vshll.u32 v1, $0x7;
	s15 =	smov.u32 s16;
	v0 =	vor.u32 v2, v3;
	v2 =	vmovc v1;
	v1 =	vld.msk [tilespmem:s18+$0x0 ss:$0x1], $0xffff;
	(pc) =	sbr.rel @p1 .LBB2_3-.Ltmp3, $4  }
0x3f: {  	v3 =	vand.u32 $0x7FF80, v5;
	vm1 =	veq.s32 v2, $0x80000000;
	v2 =	vand.u32 $0x7, v4  }
0x40: {  	v4 =	vsel vm1, $0xFFFFFFFF, v2;
	v5 =	vsel vm1, $0xFFFFFF80, v3  }
0x41: {  	v2 =	vand.u32 $0x7F, v4;
	v3 =	vand.u32 $0xFFFFFC00, v5;
	v4 =	vand.u32 $0xFFFFFC00, v4  }
0x42: {  	s16 =	sadd.s32 $0x10, s16;
	s18 =	sadd.s32 $0x10, s18;
	v3 =	vadd.s32 v4, v3;
	v4 =	vand.u32 $0x380, v5;
	(ifvalue) =	ssetifvalue $0x7FFFFFFF  }
.Ltmp4:
0x43: {  	_ = 	snop;
	(pc) =	sbr.rel .LBB2_4-.Ltmp4, $1  }
0x44: {  	_ =	sdelay $0x3  }
.LBB2_6:
0x45: {  	_ =	sfence.sel $0x180000  }
0x46: {  	s2 =	simm.s32 $0x2;
	[bflag:$0x0] =	sbarrier.arrive $0xFFFF  }
0x47: {  	s30 =	simm.s32 $0x3;
	[sflag:s2] =	ssyncpa.u1 $0x1  }
0x48: {  	s31 =	simm.s32 $0x1;
	[sflag:s30] =	ssyncpa.u1 $0x1  }
0x49: {  	[sflag:s31] =	ssyncpa.u1 $0x1  }
0x4a: {  	p0 =	sne.s32 s0, $0x0;
	_ =	strace $0x90000047  }
0x4b: {  	s0 =	sadd.s32 @!p0 $0x100000, s1;
	[bflag:$0x2] =	sbarrier.arrive $0xFFFF  }
0x4c: {  	[sflag:s0] =	ssyncadd.tile.s32 @!p0 $0x1;
	_ =	shalt  }
.Lfunc_end2:
_tile_overlayer_lowered:
.L_overlay_start_2:
0x4d: {  	(tag) =	ssettag $0x2  }
0x4e: {  	s0 =	rddreg [dreg:$0x0];
	s2 =	stileid.u32  }
0x4f: {  	s1 =	rddreg [dreg:$0x1];
	p0 =	sne.s32 s2, $0x0  }
0x50: {  	s3 =	rddreg [dreg:$0x2];
	[bflag:$0x3] =	sbarrier.arrive $0xFFFF;
	s2 =	simm.s32 @!p0 $0x1C01  }
0x51: {  	[timem:s3], [sflag:s2] =	dma.local @!p0 [hbm:s0], s1  }
0x52: {  	s0 =	simm.s32 @!p0 $0x1  }
0x53: {  	_ =	swait.ge @!p0 [sflag:s0], s1  }
0x54: {  	s1 =	ssub.s32 @!p0 $0x0, s1;
	[sflag:s0] =	ssyncset.done @!p0 $0x0  }
0x55: {  	[sflag:s0] =	ssyncadd.s32 @!p0 s1  }
0x56: {  	[bflag:$0x3] =	sbarrier.arrive $0xFFFF  }
0x57: {  	_ =	shalt  }

// kernel: kernel.6.cloned.1.call-start
scs
__scs_entry_jumppad:
0x0: {  	(pc) =	sbr.rel $0x88, $3  }
0x1: {  	(tag) =	ssettag $0x0;
	lr =	simm.s32 $0x1  }
0x2: {  	[smem:$0x3F9C] =	sst lr;
	_ =	strace $0xD0000000  }
0x3: {  	_ = 	snop  }
0x4: {  	_ = 	snop  }
0x5: {  	_ = 	snop  }
0x6: {  	_ = 	snop  }
0x7: {  	_ = 	snop  }
__scs_overlays_trampoline_lowered:
0x8: {  	[smem:$0x3FAB] =	sst s0  }
0x9: {  	[smem:$0x3FAC] =	sst s1  }
0xa: {  	[smem:$0x3FAD] =	sst s2  }
0xb: {  	[smem:$0x3FAE] =	sst s3  }
0xc: {  	[smem:$0x3FAF] =	sst s4  }
0xd: {  	[smem:$0x3FB0] =	sst s5  }
0xe: {  	[smem:$0x3FB1] =	sst s6  }
0xf: {  	[smem:$0x3FB2] =	sst s7  }
0x10: {  	[smem:$0x3FB3] =	sst s8  }
0x11: {  	[smem:$0x3FB4] =	sst s9;
	s0 =	simm.s32 @!p0 $0x0  }
0x12: {  	s1 =	sld [smem:$0x3F9A];
	s0 =	simm.s32 @p0 $0x1  }
0x13: {  	[smem:$0x3FB5] =	sst s0;
	s0 =	simm.s32 @!p1 $0x0  }
0x14: {  	s2 =	sld [smem:$0x3F99];
	s0 =	simm.s32 @p1 $0x1  }
0x15: {  	[smem:$0x3FB6] =	sst s0;
	s0 =	simm.s32 @!p2 $0x0  }
0x16: {  	s3 =	sld [smem:$0x3FDB];
	s0 =	simm.s32 @p2 $0x1  }
0x17: {  	s4 =	simm.s32 $0x1BF5;
	[smem:$0x3FB8] =	sst s0  }
0x18: {  	s0 =	sld [smem:$0x3F9B];
	_ =	swait.ge [sflag:s4], $0x0  }
0x19: {  	s7 =	sld [smem:$0x3F9C]  }
0x1a: {  	s8 =	sadd.s32 $0xFFFFE003, lr  }
0x1b: {  	s9 =	sadd.s32 $0xFFFFFEF7, lr;
	s5 =	simm.s32 $0xFFFFFFFF;
	p2 =	slt.u32 s8, $0xFFFFF086  }
0x1c: {  	p1 =	slt.u32 s9, $0xF7A;
	s5 =	simm.s32 @!p2 $0x0  }
0x1d: {  	s5 =	simm.s32 @p1 $0x1;
	p0 =	seq.s32 s7, s2  }
0x1e: {  	s7 =	smul.u32 @!p0 $0xF7A, s2;
	p2 =	seq.s32 @!p0 s5, $0x0  }
0x1f: {  	s9 =	smul.u32 $0xF7A, s1;
	s8 =	simm.s32 @!p0 $0x1BF5;
	p2 =	por !p2, p0  }
0x20: {  	[sflag:s8] =	ssyncset.s32 @!p0 $0xFFFFF086;
	s6 =	sadd.s32 @!p0 s3, s7;
	s7 =	simm.s32 @!p0 $0x108  }
0x21: {  	s3 =	sadd.s32 s3, s9;
	s6 =	sadd.s32 @!p0 $0x88, s6;
	s7 =	simm.s32 @p2 $0x1082  }
0x22: {  	[simem:s7], [sflag:s8] =	dma.local @!p0 [hbm:s6], $0xF7A  }
0x23: {  	s9 =	sor.u32 $0xD0000000, s2;
	s6 =	simm.s32 $0x108;
	_ =	swait.ge @!p0 [sflag:s8], $0x0  }
0x24: {  	s3 =	sadd.s32 $0x88, s3;
	s6 =	simm.s32 @!p1 $0x1082;
	[sflag:s4] =	ssyncset.s32 $0xFFFFF086  }
0x25: {  	[simem:s6], [sflag:s4] =	dma.local [hbm:s3], $0xF7A  }
0x26: {  	[smem:$0x3F9C] =	sst s1;
	(tag) =	ssettag s2;
	_ =	strace s9  }
0x27: {  	s1 =	sld [smem:$0x3FAC]  }
0x28: {  	s2 =	sld [smem:$0x3FAD]  }
0x29: {  	s4 =	sld [smem:$0x3FAF]  }
0x2a: {  	p0 =	seq.s32 s5, $0x0;
	s5 =	sld [smem:$0x3FB0]  }
0x2b: {  	s6 =	sld [smem:$0x3FB1]  }
0x2c: {  	s7 =	sld [smem:$0x3FB2]  }
0x2d: {  	s3 =	simm.s32 $0x108;
	s8 =	sld [smem:$0x3FB3]  }
0x2e: {  	s3 =	simm.s32 @!p0 $0x1082;
	s9 =	sld [smem:$0x3FB4]  }
0x2f: {  	lr =	sadd.s32 s0, s3;
	s0 =	sld [smem:$0x3FAB]  }
0x30: {  	s3 =	sld [smem:$0x3FAE]  }
0x31: {  	[smem:$0x3FB7] =	sst s10  }
0x32: {  	s10 =	sld [smem:$0x3FB5];
	_ =	sdelay $0x3  }
0x33: {  	p0 =	seq.s32 s10, $0x1;
	s10 =	sld [smem:$0x3FB7];
	_ =	sdelay $0x3  }
0x34: {  	[smem:$0x3FB7] =	sst s10  }
0x35: {  	s10 =	sld [smem:$0x3FB6];
	_ =	sdelay $0x3  }
0x36: {  	p1 =	seq.s32 s10, $0x1;
	s10 =	sld [smem:$0x3FB7];
	_ =	sdelay $0x3  }
0x37: {  	[smem:$0x3FB7] =	sst s10  }
0x38: {  	s10 =	sld [smem:$0x3FB8]  }
0x39: {  	_ = 	snop;
	(pc) =	sbr.ind lr, $3  }
0x3a: {  	_ = 	snop  }
0x3b: {  	_ = 	snop  }
0x3c: {  	p2 =	seq.s32 s10, $0x1;
	s10 =	sld [smem:$0x3FB7]  }
0x3d: {  	_ =	shalt  }
0x3e: {  	_ =	shalt  }
0x3f: {  	_ =	shalt  }
0x40: {  	_ =	shalt  }
0x41: {  	_ =	shalt  }
0x42: {  	_ =	shalt  }
0x43: {  	_ =	shalt  }
0x44: {  	_ =	shalt  }
0x45: {  	_ =	shalt  }
0x46: {  	_ =	shalt  }
0x47: {  	_ =	shalt  }
0x48: {  	_ =	shalt  }
0x49: {  	_ =	shalt  }
0x4a: {  	_ =	shalt  }
0x4b: {  	_ =	shalt  }
0x4c: {  	_ =	shalt  }
0x4d: {  	_ =	shalt  }
0x4e: {  	_ =	shalt  }
0x4f: {  	_ =	shalt  }
0x50: {  	_ =	shalt  }
0x51: {  	_ =	shalt  }
0x52: {  	_ =	shalt  }
0x53: {  	_ =	shalt  }
0x54: {  	_ =	shalt  }
0x55: {  	_ =	shalt  }
0x56: {  	_ =	shalt  }
0x57: {  	_ =	shalt  }
0x58: {  	_ =	shalt  }
0x59: {  	_ =	shalt  }
0x5a: {  	_ =	shalt  }
0x5b: {  	_ =	shalt  }
0x5c: {  	_ =	shalt  }
0x5d: {  	_ =	shalt  }
0x5e: {  	_ =	shalt  }
0x5f: {  	_ =	shalt  }
0x60: {  	_ =	shalt  }
0x61: {  	_ =	shalt  }
0x62: {  	_ =	shalt  }
0x63: {  	_ =	shalt  }
0x64: {  	_ =	shalt  }
0x65: {  	_ =	shalt  }
0x66: {  	_ =	shalt  }
0x67: {  	_ =	shalt  }
0x68: {  	_ =	shalt  }
0x69: {  	_ =	shalt  }
0x6a: {  	_ =	shalt  }
0x6b: {  	_ =	shalt  }
0x6c: {  	_ =	shalt  }
0x6d: {  	_ =	shalt  }
0x6e: {  	_ =	shalt  }
0x6f: {  	_ =	shalt  }
0x70: {  	_ =	shalt  }
0x71: {  	_ =	shalt  }
0x72: {  	_ =	shalt  }
0x73: {  	_ =	shalt  }
0x74: {  	_ =	shalt  }
0x75: {  	_ =	shalt  }
0x76: {  	_ =	shalt  }
0x77: {  	_ =	shalt  }
0x78: {  	_ =	shalt  }
0x79: {  	_ =	shalt  }
0x7a: {  	_ =	shalt  }
0x7b: {  	_ =	shalt  }
0x7c: {  	_ =	shalt  }
0x7d: {  	_ =	shalt  }
0x7e: {  	_ =	shalt  }
0x7f: {  	_ =	shalt  }
0x80: {  	_ =	shalt  }
0x81: {  	_ =	shalt  }
0x82: {  	_ =	shalt  }
0x83: {  	_ =	shalt  }
0x84: {  	_ =	shalt  }
0x85: {  	_ =	shalt  }
0x86: {  	_ =	shalt  }
0x87: {  	_ =	shalt  }
.Lfunc_end0:
.L_simem_size_0:
called_computation.1_lowered:
.L_overlay_start_0:
0x88: {  	s2 =	sld [smem:$0x3FD9]  }
0x89: {  	s3 =	sld [smem:$0x3FFE];
	_ =	sdelay $0x1  }
0x8a: {  	s1 =	srdreg.scid  }
0x8b: {  	s0 =	sand.u32 $0x1, s1  }
0x8c: {  	s17 =	sshll.u32 s0, $0xA;
	s2 =	sadd.s32 s3, s2  }
0x8d: {  	s2 =	sadd.s32 s2, s17  }
0x8e: {  	[smem:$0x3FC3] =	sst s2  }
0x8f: {  	_ = 	snop  }
0x90: {  	s2 =	sld [smem:$0x3FC9]  }
0x91: {  	s18 =	sld [smem:$0x3FD0];
	(tm) =	ssettm $0x1  }
0x92: {  	s4 =	sld [smem:$0x3FFB];
	_ =	sdelay $0x3  }
0x93: {  	_ =	strace s4  }
0x94: {  	s4 =	sld [smem:$0x3FFC];
	_ =	sdelay $0x3  }
0x95: {  	_ =	strace s4  }
0x96: {  	s4 =	sld [smem:$0x3FFD];
	_ =	sdelay $0x3  }
0x97: {  	_ =	strace s4  }
0x98: {  	_ =	strace $0x8FFFFFFF  }
0x99: {  	s19 =	sld [smem:$0x3FDB];
	_ =	sdelay $0x1  }
0x9a: {  	s5 =	simm.s32 $_scs_section_size  }
0x9b: {  	s6 =	simm.s32 $_size__tile_overlayer_lowered;
	s7 =	simm.s32 $_tile_overlayer_lowered  }
0x9c: {  	s22 =	simm.s32 $0x1BFF;
	s21 =	sshll.u32 s7, $0x1;
	s4 =	sadd.s32 s5, s19  }
0x9d: {  	s8 =	simm.s32 $0x0;
	s20 =	sshll.u32 s6, $0x1;
	s6 =	sadd.s32 s21, s4  }
0x9e: {  	[timem:s8], [sflag:s22] =	dma.local [hbm:s6], s20  }
0x9f: {  	_ =	swait.ge [sflag:s22], s20  }
0xa0: {  	s5 =	ssub.s32 $0x0, s20;
	[sflag:s22] =	ssyncset.done $0x0  }
0xa1: {  	[sflag:s22] =	ssyncadd.s32 s5;
	_ =	sdelay $0x1  }
0xa2: {  	s23 =	simm.s32 $0x1B8B  }
0xa3: {  	_ =	swait.ge [sflag:s23], $0x1  }
0xa4: {  	[sflag:s23] =	ssyncset.done $0x0  }
0xa5: {  	s25 =	simm.s32 $0x1B8E;
	s24 =	sld [smem:$0x3FFE];
	[sflag:s23] =	ssyncadd.s32 $0xFFFFFFFF  }
0xa6: {  	s26 =	simm.s32 $execute0_lowered;
	[smem:$0x3FD2] =	sst s25  }
0xa7: {  	s6 =	sshll.u32 s26, $0x1;
	_ =	strace $0x80000049;
	[dreg:$0x1] =	wrdreg $0xFFFFFFFF  }
0xa8: {  	s28 =	simm.s32 $_size_execute0_lowered;
	s4 =	sadd.s32 s4, s6;
	[dreg:$0x0] =	wrdreg $0x0  }
0xa9: {  	s6 =	sshll.u32 s28, $0x1;
	[dreg:$0x2] =	wrdreg s4  }
0xaa: {  	[dreg:$0x3] =	wrdreg s6  }
0xab: {  	[dreg:$0x4] =	wrdreg $0xC0  }
0xac: {  	_ =	task [dreg:s8], $0x5FFFF  }
0xad: {  	[dreg:$0x1] =	wrdreg $0xFFFFFFFF  }
0xae: {  	[dreg:$0x0] =	wrdreg $0x60  }
0xaf: {  	[dreg:$0x2] =	wrdreg s2  }
0xb0: {  	[dreg:$0x3] =	wrdreg s18  }
0xb1: {  	[dreg:$0x4] =	wrdreg s24  }
0xb2: {  	[dreg:$0x5] =	wrdreg $0x9  }
0xb3: {  	_ =	task.clear_ibuf [dreg:s8], $0x6FFFF;
	_ =	strace $0x90000049  }
0xb4: {  	s29 =	simm.s32 $0x9;
	_ =	strace $0x8000004B  }
0xb5: {  	_ =	swait.ge [sflag:s29], $0x1  }
0xb6: {  	[sflag:s29] =	ssyncadd.s32 $0xFFFFFFFF  }
0xb7: {  	_ =	strace $0x9000004B  }
0xb8: {  	_ =	sfence  }
0xb9: {  	s30 =	sld [smem:$0x0];
	_ =	sdelay $0x2  }
0xba: {  	s31 =	sshll.u32 s1, $0xD;
	s1 =	sshrl.u32 s1, $0x2  }
0xbb: {  	s3 =	sand.u32 $0x4000, s31;
	s1 =	sadd.s32 s1, s30  }
0xbc: {  	s0 =	sor.u32 s3, s0;
	s1 =	sshll.u32 s1, $0x11  }
0xbd: {  	s0 =	sor.u32 s1, s0  }
0xbe: {  	s0 =	sadd.s32 $0x8F2B, s0  }
0xbf: {  	[sflag:s0] =	ssyncadd.remote.s32 $0x1  }
0xc0: {  	_ =	sfence.sel $0xFFFF  }
0xc1: {  	[dreg:$0x0] =	wrdreg $0xFFFFFFFF;
	(pc) =	sbr.abs _section_cstart, $3  }
0xc2: {  	[dreg:$0x1] =	wrdreg $0xFFFFFFFF  }
0xc3: {  	_ =	task.clear_ibuf [dreg:s8], $0x2FFFF;
	_ =	strace $0x9FFFFFFF  }
0xc4: {  	(tm) =	ssettm $0x7FFFFFFF  }
0xc5: {  	_ =	shalt  }
tec
execute0_lowered:
.L_overlay_start_1:
0x0: {  	(tag) =	ssettag $0x1  }
0x1: {  	s0 =	rddreg [dreg:$0x0]  }
0x2: {  	s1 =	rddreg [dreg:$0x1]  }
0x3: {  	s4 =	rddreg [dreg:$0x2];
	s3 =	srdreg.scid  }
0x4: {  	s6 =	stileid.u32;
	s2 =	simm.s32 $0x0;
	s26 =	simm.s32 $0x80  }
0x5: {  	s9 =	simm.s32 $0x3;
	s23 =	simm.s32 $0x1900;
	s28 =	simm.s32 $0x3900  }
0x6: {  	s29 =	simm.s32 $0x4100;
	s30 =	simm.s32 $0x4900;
	s31 =	simm.s32 $0x5100  }
0x7: {  	s11 =	simm.s32 $0x7100;
	s12 =	simm.s32 $0x7900;
	s13 =	simm.s32 $0x8100  }
0x8: {  	s14 =	simm.s32 $0x8900;
	s15 =	simm.s32 $0x9100;
	s16 =	simm.s32 $0x9900  }
0x9: {  	s17 =	simm.s32 $0xA100;
	s18 =	simm.s32 $0xA900;
	s10 =	simm.s32 $0xB100  }
0xa: {  	s20 =	simm.s32 $0xB900;
	s5 =	sand.u32 $0x1, s3;
	s24 =	sshll.u32 s6, $0x1  }
0xb: {  	[smem:$0x7FF] =	sst s2;
	s3 =	sadd.s32 $0x200, s4;
	s6 =	sor.u32 s5, s24  }
0xc: {  	_ =	strace $0x8000004A;
	s5 =	ssub.s32 $0x2, s5;
	[dreg:$0x6] =	wrdreg s26  }
0xd: {  	s24 =	simm.s32 $0x2100;
	s26 =	simm.s32 $0x3100;
	s7 =	sshll.u32 s6, $0x5  }
0xe: {  	s25 =	sshrl.u32 s5, $0x1;
	s6 =	sshll.u32 s6, $0xD;
	s7 =	sadd.s32 s1, s7  }
0xf: {  	s1 =	ssub.s32 s5, s25;
	s0 =	sadd.s32 s0, s6;
	s5 =	sadd.s32 $0x300, s4  }
0x10: {  	v2 =	vlaneseq.u32;
	s6 =	sadd.s32 $0x400, s4;
	s25 =	simm.s32 $0x2900;
	[dreg:$0x7] =	wrdreg s7  }
0x11: {  	vm0 =	vmmov $0xffff;
	v1 =	vshrl.u32 v2, $0x3;
	s7 =	sadd.s32 $0x10, s7;
	[dreg:$0x5] =	wrdreg s0;
	s8 =	smax.u32 s1, $0x1  }
0x12: {  	v0 =	vand.u32 $0x7, v2;
	v2 =	vor.u32 $0x8, v2;
	v1 =	vmul.u32 $0x8, v1;
	[dreg:$0x4] =	wrdreg s7;
	s7 =	sadd.s32 $0x500, s4;
	s4 =	simm.s32 $0x6900  }
.LBB2_1:
0x13: {  	s21 =	rddreg [dreg:$0x7]  }
0x14: {  	[tilespmem:s2], [sflag:$0x3] =	stream.linear.gather [hbm4b:s21+s2], $0x80, $0x38;
	[tilespmem:$0x10100] =	vst v63  }
0x15: {  	_ =	swait.ge [sflag:s9], $0x80  }
0x16: {  	s0 =	rddreg [dreg:$0x4];
	[sflag:s9] =	ssyncset.done $0x0  }
0x17: {  	s22 =	rddreg [dreg:$0x6];
	[sflag:s9] =	ssyncadd.s32 $0xFFFFFF80  }
0x18: {  	[tilespmem:s22], [sflag:$0x3] =	stream.linear.gather [hbm4b:s0+s2], $0x80, $0x38;
	[tilespmem:$0x10100] =	vst v63  }
0x19: {  	_ =	swait.ge [sflag:s9], $0x80  }
0x1a: {  	[sflag:s9] =	ssyncset.done $0x0  }
0x1b: {  	s19 =	simm.s32 $0x100;
	s1 =	rddreg [dreg:$0x5];
	[sflag:s9] =	ssyncadd.s32 $0xFFFFFF80  }
0x1c: {  	[tilespmem:s19], [sflag:$0x3] =	stream.linear.gather [hbm4b:s1+s2], $0x10000, $0x38;
	[tilespmem:$0x10100] =	vst v63  }
0x1d: {  	_ =	swait.ge [sflag:s9], $0x10000  }
0x1e: {  	[sflag:s9] =	ssyncset.done $0x0  }
0x1f: {  	[sflag:s9] =	ssyncadd.s32 $0xFFFF0000  }
0x20: {  	v3 =	vld [tilespmem:$0x0];
	_ =	sdelay $0x4  }
0x21: {  	v4 =	vshll.u32 v3, $0x3  }
0x22: {  	v3 =	vand.u32 $0x7, v3;
	v4 =	vand.u32 $0xFFFFFFC0, v4  }
0x23: {  	v3 =	vor.u32 v3, v4  }
0x24: {  	v4 =	vperm.xlane v3, v0;
	_ =	sdelay $0x1  }
0x25: {  	v4 =	vadd.s32 v1, v4;
	_ =	sdelay $0x4  }
0x26: {  	[hbm4b:s3+s2] =	stream.indirect_vreg.scatter [tilespmem:s19], [sflag:$0x1], $0x80, v4, vm0, $0xb8;
	[tilespmem:$0x10100] =	vst v63  }
0x27: {  	s21 =	simm.s32 $0x900;
	v3 =	vperm.xlane v3, v2  }
0x28: {  	[hbm4b:s5+s2] =	stream.indirect_vreg.scatter [tilespmem:s21], [sflag:$0x1], $0x80, v4, vm0, $0xb8;
	[tilespmem:$0x10100] =	vst v63  }
0x29: {  	s22 =	simm.s32 $0x1100;
	v3 =	vadd.s32 v1, v3  }
0x2a: {  	[hbm4b:s6+s2] =	stream.indirect_vreg.scatter [tilespmem:s22], [sflag:$0x1], $0x80, v4, vm0, $0xb8;
	[tilespmem:$0x10100] =	vst v63  }
0x2b: {  	_ = 	snop  }
0x2c: {  	[hbm4b:s7+s2] =	stream.indirect_vreg.scatter [tilespmem:s23], [sflag:$0x1], $0x80, v4, vm0, $0xb8;
	[tilespmem:$0x10100] =	vst v63  }
0x2d: {  	_ = 	snop  }
0x2e: {  	[hbm4b:s3+s2] =	stream.indirect_vreg.scatter [tilespmem:s24], [sflag:$0x1], $0x80, v3, vm0, $0xb8;
	[tilespmem:$0x10100] =	vst v63  }
0x2f: {  	_ = 	snop  }
0x30: {  	[hbm4b:s5+s2] =	stream.indirect_vreg.scatter [tilespmem:s25], [sflag:$0x1], $0x80, v3, vm0, $0xb8;
	[tilespmem:$0x10100] =	vst v63  }
0x31: {  	_ = 	snop  }
0x32: {  	[hbm4b:s6+s2] =	stream.indirect_vreg.scatter [tilespmem:s26], [sflag:$0x1], $0x80, v3, vm0, $0xb8;
	[tilespmem:$0x10100] =	vst v63  }
0x33: {  	_ = 	snop  }
0x34: {  	[hbm4b:s7+s2] =	stream.indirect_vreg.scatter [tilespmem:s28], [sflag:$0x1], $0x80, v3, vm0, $0xb8;
	[tilespmem:$0x10100] =	vst v63  }
0x35: {  	v3 =	vld [tilespmem:$0x10];
	_ =	sdelay $0x4  }
0x36: {  	v57 =	vshll.u32 v3, $0x3  }
0x37: {  	v3 =	vand.u32 $0x7, v3;
	v4 =	vand.u32 $0xFFFFFFC0, v57  }
0x38: {  	v3 =	vor.u32 v3, v4  }
0x39: {  	v4 =	vperm.xlane v3, v0;
	_ =	sdelay $0x1  }
0x3a: {  	v4 =	vadd.s32 v1, v4;
	_ =	sdelay $0x4  }
0x3b: {  	[hbm4b:s3+s2] =	stream.indirect_vreg.scatter [tilespmem:s29], [sflag:$0x1], $0x80, v4, vm0, $0xb8;
	[tilespmem:$0x10100] =	vst v63  }
0x3c: {  	v3 =	vperm.xlane v3, v2  }
0x3d: {  	[hbm4b:s5+s2] =	stream.indirect_vreg.scatter [tilespmem:s30], [sflag:$0x1], $0x80, v4, vm0, $0xb8;
	[tilespmem:$0x10100] =	vst v63  }
0x3e: {  	v3 =	vadd.s32 v1, v3  }
0x3f: {  	[hbm4b:s6+s2] =	stream.indirect_vreg.scatter [tilespmem:s31], [sflag:$0x1], $0x80, v4, vm0, $0xb8;
	[tilespmem:$0x10100] =	vst v63  }
0x40: {  	s0 =	simm.s32 $0x5900  }
0x41: {  	[hbm4b:s7+s2] =	stream.indirect_vreg.scatter [tilespmem:s0], [sflag:$0x1], $0x80, v4, vm0, $0xb8;
	[tilespmem:$0x10100] =	vst v63  }
0x42: {  	s1 =	simm.s32 $0x6100  }
0x43: {  	[hbm4b:s3+s2] =	stream.indirect_vreg.scatter [tilespmem:s1], [sflag:$0x1], $0x80, v3, vm0, $0xb8;
	[tilespmem:$0x10100] =	vst v63  }
0x44: {  	_ = 	snop  }
0x45: {  	[hbm4b:s5+s2] =	stream.indirect_vreg.scatter [tilespmem:s4], [sflag:$0x1], $0x80, v3, vm0, $0xb8;
	[tilespmem:$0x10100] =	vst v63  }
0x46: {  	_ = 	snop  }
0x47: {  	[hbm4b:s6+s2] =	stream.indirect_vreg.scatter [tilespmem:s11], [sflag:$0x1], $0x80, v3, vm0, $0xb8;
	[tilespmem:$0x10100] =	vst v63  }
0x48: {  	_ = 	snop  }
0x49: {  	[hbm4b:s7+s2] =	stream.indirect_vreg.scatter [tilespmem:s12], [sflag:$0x1], $0x80, v3, vm0, $0xb8;
	[tilespmem:$0x10100] =	vst v63  }
0x4a: {  	v3 =	vld [tilespmem:$0x20];
	_ =	sdelay $0x4  }
0x4b: {  	v58 =	vshll.u32 v3, $0x3  }
0x4c: {  	v3 =	vand.u32 $0x7, v3;
	v4 =	vand.u32 $0xFFFFFFC0, v58  }
0x4d: {  	v3 =	vor.u32 v3, v4  }
0x4e: {  	v4 =	vperm.xlane v3, v0;
	_ =	sdelay $0x1  }
0x4f: {  	v4 =	vadd.s32 v1, v4;
	_ =	sdelay $0x4  }
0x50: {  	[hbm4b:s3+s2] =	stream.indirect_vreg.scatter [tilespmem:s13], [sflag:$0x1], $0x80, v4, vm0, $0xb8;
	[tilespmem:$0x10100] =	vst v63  }
0x51: {  	v3 =	vperm.xlane v3, v2  }
0x52: {  	[hbm4b:s5+s2] =	stream.indirect_vreg.scatter [tilespmem:s14], [sflag:$0x1], $0x80, v4, vm0, $0xb8;
	[tilespmem:$0x10100] =	vst v63  }
0x53: {  	v3 =	vadd.s32 v1, v3  }
0x54: {  	[hbm4b:s6+s2] =	stream.indirect_vreg.scatter [tilespmem:s15], [sflag:$0x1], $0x80, v4, vm0, $0xb8;
	[tilespmem:$0x10100] =	vst v63  }
0x55: {  	_ = 	snop  }
0x56: {  	[hbm4b:s7+s2] =	stream.indirect_vreg.scatter [tilespmem:s16], [sflag:$0x1], $0x80, v4, vm0, $0xb8;
	[tilespmem:$0x10100] =	vst v63  }
0x57: {  	_ = 	snop  }
0x58: {  	[hbm4b:s3+s2] =	stream.indirect_vreg.scatter [tilespmem:s17], [sflag:$0x1], $0x80, v3, vm0, $0xb8;
	[tilespmem:$0x10100] =	vst v63  }
0x59: {  	_ = 	snop  }
0x5a: {  	[hbm4b:s5+s2] =	stream.indirect_vreg.scatter [tilespmem:s18], [sflag:$0x1], $0x80, v3, vm0, $0xb8;
	[tilespmem:$0x10100] =	vst v63  }
0x5b: {  	_ = 	snop  }
0x5c: {  	[hbm4b:s6+s2] =	stream.indirect_vreg.scatter [tilespmem:s10], [sflag:$0x1], $0x80, v3, vm0, $0xb8;
	[tilespmem:$0x10100] =	vst v63  }
0x5d: {  	_ = 	snop  }
0x5e: {  	[hbm4b:s7+s2] =	stream.indirect_vreg.scatter [tilespmem:s20], [sflag:$0x1], $0x80, v3, vm0, $0xb8;
	[tilespmem:$0x10100] =	vst v63  }
0x5f: {  	v3 =	vld [tilespmem:$0x30];
	_ =	sdelay $0x4  }
0x60: {  	v59 =	vshll.u32 v3, $0x3  }
0x61: {  	v3 =	vand.u32 $0x7, v3;
	v4 =	vand.u32 $0xFFFFFFC0, v59  }
0x62: {  	v3 =	vor.u32 v3, v4  }
0x63: {  	v4 =	vperm.xlane v3, v0;
	_ =	sdelay $0x1  }
0x64: {  	v4 =	vadd.s32 v1, v4;
	_ =	sdelay $0x3  }
0x65: {  	s0 =	simm.s32 $0xC100  }
0x66: {  	[hbm4b:s3+s2] =	stream.indirect_vreg.scatter [tilespmem:s0], [sflag:$0x1], $0x80, v4, vm0, $0xb8;
	[tilespmem:$0x10100] =	vst v63  }
0x67: {  	v3 =	vperm.xlane v3, v2;
	s0 =	simm.s32 $0xC900  }
0x68: {  	[hbm4b:s5+s2] =	stream.indirect_vreg.scatter [tilespmem:s0], [sflag:$0x1], $0x80, v4, vm0, $0xb8;
	[tilespmem:$0x10100] =	vst v63  }
0x69: {  	v3 =	vadd.s32 v1, v3;
	s0 =	simm.s32 $0xD100  }
0x6a: {  	[hbm4b:s6+s2] =	stream.indirect_vreg.scatter [tilespmem:s0], [sflag:$0x1], $0x80, v4, vm0, $0xb8;
	[tilespmem:$0x10100] =	vst v63  }
0x6b: {  	s0 =	simm.s32 $0xD900  }
0x6c: {  	[hbm4b:s7+s2] =	stream.indirect_vreg.scatter [tilespmem:s0], [sflag:$0x1], $0x80, v4, vm0, $0xb8;
	[tilespmem:$0x10100] =	vst v63  }
0x6d: {  	s0 =	simm.s32 $0xE100  }
0x6e: {  	[hbm4b:s3+s2] =	stream.indirect_vreg.scatter [tilespmem:s0], [sflag:$0x1], $0x80, v3, vm0, $0xb8;
	[tilespmem:$0x10100] =	vst v63  }
0x6f: {  	s0 =	simm.s32 $0xE900  }
0x70: {  	[hbm4b:s5+s2] =	stream.indirect_vreg.scatter [tilespmem:s0], [sflag:$0x1], $0x80, v3, vm0, $0xb8;
	[tilespmem:$0x10100] =	vst v63  }
0x71: {  	s0 =	simm.s32 $0xF100  }
0x72: {  	[hbm4b:s6+s2] =	stream.indirect_vreg.scatter [tilespmem:s0], [sflag:$0x1], $0x80, v3, vm0, $0xb8;
	[tilespmem:$0x10100] =	vst v63  }
0x73: {  	s0 =	simm.s32 $0xF900  }
0x74: {  	[hbm4b:s7+s2] =	stream.indirect_vreg.scatter [tilespmem:s0], [sflag:$0x1], $0x80, v3, vm0, $0xb8;
	[tilespmem:$0x10100] =	vst v63  }
0x75: {  	v3 =	vld [tilespmem:$0x80];
	_ =	sdelay $0x4  }
0x76: {  	v60 =	vshll.u32 v3, $0x3  }
0x77: {  	v3 =	vand.u32 $0x7, v3;
	v4 =	vand.u32 $0xFFFFFFC0, v60  }
0x78: {  	v3 =	vor.u32 v3, v4  }
0x79: {  	v4 =	vperm.xlane v3, v0;
	_ =	sdelay $0x1  }
0x7a: {  	v4 =	vadd.s32 v1, v4;
	_ =	sdelay $0x4  }
0x7b: {  	[hbm4b:s3+s2] =	stream.indirect_vreg.scatter [tilespmem:s19], [sflag:$0x2], $0x80, v4, vm0, $0xb8;
	[tilespmem:$0x10100] =	vst v63  }
0x7c: {  	v3 =	vperm.xlane v3, v2  }
0x7d: {  	[hbm4b:s5+s2] =	stream.indirect_vreg.scatter [tilespmem:s21], [sflag:$0x2], $0x80, v4, vm0, $0xb8;
	[tilespmem:$0x10100] =	vst v63  }
0x7e: {  	v3 =	vadd.s32 v1, v3  }
0x7f: {  	[hbm4b:s6+s2] =	stream.indirect_vreg.scatter [tilespmem:s22], [sflag:$0x2], $0x80, v4, vm0, $0xb8;
	[tilespmem:$0x10100] =	vst v63  }
0x80: {  	_ = 	snop  }
0x81: {  	[hbm4b:s7+s2] =	stream.indirect_vreg.scatter [tilespmem:s23], [sflag:$0x2], $0x80, v4, vm0, $0xb8;
	[tilespmem:$0x10100] =	vst v63  }
0x82: {  	_ = 	snop  }
0x83: {  	[hbm4b:s3+s2] =	stream.indirect_vreg.scatter [tilespmem:s24], [sflag:$0x2], $0x80, v3, vm0, $0xb8;
	[tilespmem:$0x10100] =	vst v63  }
0x84: {  	_ = 	snop  }
0x85: {  	[hbm4b:s5+s2] =	stream.indirect_vreg.scatter [tilespmem:s25], [sflag:$0x2], $0x80, v3, vm0, $0xb8;
	[tilespmem:$0x10100] =	vst v63  }
0x86: {  	_ = 	snop  }
0x87: {  	[hbm4b:s6+s2] =	stream.indirect_vreg.scatter [tilespmem:s26], [sflag:$0x2], $0x80, v3, vm0, $0xb8;
	[tilespmem:$0x10100] =	vst v63  }
0x88: {  	_ = 	snop  }
0x89: {  	[hbm4b:s7+s2] =	stream.indirect_vreg.scatter [tilespmem:s28], [sflag:$0x2], $0x80, v3, vm0, $0xb8;
	[tilespmem:$0x10100] =	vst v63  }
0x8a: {  	v3 =	vld [tilespmem:$0x90];
	_ =	sdelay $0x4  }
0x8b: {  	v61 =	vshll.u32 v3, $0x3  }
0x8c: {  	v3 =	vand.u32 $0x7, v3;
	v4 =	vand.u32 $0xFFFFFFC0, v61  }
0x8d: {  	v3 =	vor.u32 v3, v4  }
0x8e: {  	v4 =	vperm.xlane v3, v0;
	_ =	sdelay $0x1  }
0x8f: {  	v4 =	vadd.s32 v1, v4;
	_ =	sdelay $0x4  }
0x90: {  	[hbm4b:s3+s2] =	stream.indirect_vreg.scatter [tilespmem:s29], [sflag:$0x2], $0x80, v4, vm0, $0xb8;
	[tilespmem:$0x10100] =	vst v63  }
0x91: {  	v3 =	vperm.xlane v3, v2  }
0x92: {  	[hbm4b:s5+s2] =	stream.indirect_vreg.scatter [tilespmem:s30], [sflag:$0x2], $0x80, v4, vm0, $0xb8;
	[tilespmem:$0x10100] =	vst v63  }
0x93: {  	v3 =	vadd.s32 v1, v3  }
0x94: {  	[hbm4b:s6+s2] =	stream.indirect_vreg.scatter [tilespmem:s31], [sflag:$0x2], $0x80, v4, vm0, $0xb8;
	[tilespmem:$0x10100] =	vst v63  }
0x95: {  	s22 =	simm.s32 $0x5900  }
0x96: {  	[hbm4b:s7+s2] =	stream.indirect_vreg.scatter [tilespmem:s22], [sflag:$0x2], $0x80, v4, vm0, $0xb8;
	[tilespmem:$0x10100] =	vst v63  }
0x97: {  	_ = 	snop  }
0x98: {  	[hbm4b:s3+s2] =	stream.indirect_vreg.scatter [tilespmem:s1], [sflag:$0x2], $0x80, v3, vm0, $0xb8;
	[tilespmem:$0x10100] =	vst v63  }
0x99: {  	_ = 	snop  }
0x9a: {  	[hbm4b:s5+s2] =	stream.indirect_vreg.scatter [tilespmem:s4], [sflag:$0x2], $0x80, v3, vm0, $0xb8;
	[tilespmem:$0x10100] =	vst v63  }
0x9b: {  	_ = 	snop  }
0x9c: {  	[hbm4b:s6+s2] =	stream.indirect_vreg.scatter [tilespmem:s11], [sflag:$0x2], $0x80, v3, vm0, $0xb8;
	[tilespmem:$0x10100] =	vst v63  }
0x9d: {  	_ = 	snop  }
0x9e: {  	[hbm4b:s7+s2] =	stream.indirect_vreg.scatter [tilespmem:s12], [sflag:$0x2], $0x80, v3, vm0, $0xb8;
	[tilespmem:$0x10100] =	vst v63  }
0x9f: {  	v3 =	vld [tilespmem:$0xA0];
	_ =	sdelay $0x4  }
0xa0: {  	v62 =	vshll.u32 v3, $0x3  }
0xa1: {  	v3 =	vand.u32 $0x7, v3;
	v4 =	vand.u32 $0xFFFFFFC0, v62  }
0xa2: {  	v3 =	vor.u32 v3, v4  }
0xa3: {  	v4 =	vperm.xlane v3, v0;
	_ =	sdelay $0x1  }
0xa4: {  	v4 =	vadd.s32 v1, v4;
	_ =	sdelay $0x4  }
0xa5: {  	[hbm4b:s3+s2] =	stream.indirect_vreg.scatter [tilespmem:s13], [sflag:$0x2], $0x80, v4, vm0, $0xb8;
	[tilespmem:$0x10100] =	vst v63  }
0xa6: {  	v3 =	vperm.xlane v3, v2  }
0xa7: {  	[hbm4b:s5+s2] =	stream.indirect_vreg.scatter [tilespmem:s14], [sflag:$0x2], $0x80, v4, vm0, $0xb8;
	[tilespmem:$0x10100] =	vst v63  }
0xa8: {  	v3 =	vadd.s32 v1, v3  }
0xa9: {  	[hbm4b:s6+s2] =	stream.indirect_vreg.scatter [tilespmem:s15], [sflag:$0x2], $0x80, v4, vm0, $0xb8;
	[tilespmem:$0x10100] =	vst v63  }
0xaa: {  	_ = 	snop  }
0xab: {  	[hbm4b:s7+s2] =	stream.indirect_vreg.scatter [tilespmem:s16], [sflag:$0x2], $0x80, v4, vm0, $0xb8;
	[tilespmem:$0x10100] =	vst v63  }
0xac: {  	_ = 	snop  }
0xad: {  	[hbm4b:s3+s2] =	stream.indirect_vreg.scatter [tilespmem:s17], [sflag:$0x2], $0x80, v3, vm0, $0xb8;
	[tilespmem:$0x10100] =	vst v63  }
0xae: {  	_ = 	snop  }
0xaf: {  	[hbm4b:s5+s2] =	stream.indirect_vreg.scatter [tilespmem:s18], [sflag:$0x2], $0x80, v3, vm0, $0xb8;
	[tilespmem:$0x10100] =	vst v63  }
0xb0: {  	_ = 	snop  }
0xb1: {  	[hbm4b:s6+s2] =	stream.indirect_vreg.scatter [tilespmem:s10], [sflag:$0x2], $0x80, v3, vm0, $0xb8;
	[tilespmem:$0x10100] =	vst v63  }
0xb2: {  	_ = 	snop  }
0xb3: {  	[hbm4b:s7+s2] =	stream.indirect_vreg.scatter [tilespmem:s20], [sflag:$0x2], $0x80, v3, vm0, $0xb8;
	[tilespmem:$0x10100] =	vst v63  }
0xb4: {  	v3 =	vld [tilespmem:$0xB0];
	_ =	sdelay $0x4  }
0xb5: {  	v63 =	vshll.u32 v3, $0x3  }
0xb6: {  	v3 =	vand.u32 $0x7, v3;
	v4 =	vand.u32 $0xFFFFFFC0, v63  }
0xb7: {  	v3 =	vor.u32 v3, v4  }
0xb8: {  	v4 =	vperm.xlane v3, v0;
	_ =	sdelay $0x1  }
0xb9: {  	v4 =	vadd.s32 v1, v4;
	_ =	sdelay $0x3  }
0xba: {  	s19 =	simm.s32 $0xC100  }
0xbb: {  	[hbm4b:s3+s2] =	stream.indirect_vreg.scatter [tilespmem:s19], [sflag:$0x2], $0x80, v4, vm0, $0xb8;
	[tilespmem:$0x10100] =	vst v63  }
0xbc: {  	s21 =	simm.s32 $0xC900;
	v3 =	vperm.xlane v3, v2  }
0xbd: {  	[hbm4b:s5+s2] =	stream.indirect_vreg.scatter [tilespmem:s21], [sflag:$0x2], $0x80, v4, vm0, $0xb8;
	[tilespmem:$0x10100] =	vst v63  }
0xbe: {  	s22 =	simm.s32 $0xD100;
	v3 =	vadd.s32 v1, v3  }
0xbf: {  	[hbm4b:s6+s2] =	stream.indirect_vreg.scatter [tilespmem:s22], [sflag:$0x2], $0x80, v4, vm0, $0xb8;
	[tilespmem:$0x10100] =	vst v63  }
0xc0: {  	s19 =	simm.s32 $0xD900  }
0xc1: {  	[hbm4b:s7+s2] =	stream.indirect_vreg.scatter [tilespmem:s19], [sflag:$0x2], $0x80, v4, vm0, $0xb8;
	[tilespmem:$0x10100] =	vst v63  }
0xc2: {  	s21 =	simm.s32 $0xE100  }
0xc3: {  	[hbm4b:s3+s2] =	stream.indirect_vreg.scatter [tilespmem:s21], [sflag:$0x2], $0x80, v3, vm0, $0xb8;
	[tilespmem:$0x10100] =	vst v63  }
0xc4: {  	s22 =	simm.s32 $0xE900  }
0xc5: {  	[hbm4b:s5+s2] =	stream.indirect_vreg.scatter [tilespmem:s22], [sflag:$0x2], $0x80, v3, vm0, $0xb8;
	[tilespmem:$0x10100] =	vst v63  }
0xc6: {  	s19 =	simm.s32 $0xF100  }
0xc7: {  	[hbm4b:s6+s2] =	stream.indirect_vreg.scatter [tilespmem:s19], [sflag:$0x2], $0x80, v3, vm0, $0xb8;
	[tilespmem:$0x10100] =	vst v63  }
0xc8: {  	s21 =	simm.s32 $0x1  }
0xc9: {  	[hbm4b:s7+s2] =	stream.indirect_vreg.scatter [tilespmem:s0], [sflag:$0x2], $0x80, v3, vm0, $0xb8;
	[tilespmem:$0x10100] =	vst v63  }
0xca: {  	p0 =	sne.s32 s8, $0x1;
	_ =	swait.ge [sflag:s21], $0x10000  }
.Ltmp0:
0xcb: {  	[sflag:s21] =	ssyncset.done $0x0;
	(pc) =	sbr.rel @p0 .LBB2_1-.Ltmp0, $4  }
0xcc: {  	s22 =	simm.s32 $0x2;
	[sflag:s21] =	ssyncadd.s32 $0xFFFF0000  }
0xcd: {  	_ =	swait.ge [sflag:s22], $0x10000  }
0xce: {  	[sflag:s22] =	ssyncset.done $0x0  }
0xcf: {  	s8 =	sadd.s32 $0xFFFFFFFF, s8;
	[sflag:s22] =	ssyncadd.s32 $0xFFFF0000  }
0xd0: {  	_ =	sfence.sel $0x180000  }
0xd1: {  	[bflag:$0x0] =	sbarrier.arrive $0xFFFF  }
0xd2: {  	_ =	strace $0x9000004A  }
0xd3: {  	s0 =	stileid.u32;
	[bflag:$0x2] =	sbarrier.arrive $0xFFFF  }
0xd4: {  	p0 =	sne.s32 s0, $0x0;
	s0 =	rddreg [dreg:$0x3]  }
0xd5: {  	s0 =	sadd.s32 @!p0 $0x100000, s0  }
0xd6: {  	[sflag:s0] =	ssyncadd.tile.s32 @!p0 $0x1;
	_ =	shalt  }
.Lfunc_end2:
_tile_overlayer_lowered:
.L_overlay_start_2:
0xd7: {  	(tag) =	ssettag $0x2  }
0xd8: {  	s0 =	rddreg [dreg:$0x0];
	s2 =	stileid.u32  }
0xd9: {  	s1 =	rddreg [dreg:$0x1];
	p0 =	sne.s32 s2, $0x0  }
0xda: {  	s3 =	rddreg [dreg:$0x2];
	[bflag:$0x3] =	sbarrier.arrive $0xFFFF;
	s2 =	simm.s32 @!p0 $0x1C03  }
0xdb: {  	[timem:s3], [sflag:s2] =	dma.local @!p0 [hbm:s0], s1  }
0xdc: {  	s0 =	simm.s32 @!p0 $0x3  }
0xdd: {  	_ =	swait.ge @!p0 [sflag:s0], s1  }
0xde: {  	s1 =	ssub.s32 @!p0 $0x0, s1;
	[sflag:s0] =	ssyncset.done @!p0 $0x0  }
0xdf: {  	[sflag:s0] =	ssyncadd.s32 @!p0 s1  }
0xe0: {  	[bflag:$0x3] =	sbarrier.arrive $0xFFFF  }
0xe1: {  	_ =	shalt  }

// kernel: kernel.9.cloned.1.call-start
scs
__scs_entry_jumppad:
0x0: {  	(pc) =	sbr.rel $0x88, $3  }
0x1: {  	(tag) =	ssettag $0x0;
	lr =	simm.s32 $0x1  }
0x2: {  	[smem:$0x3F9C] =	sst lr;
	_ =	strace $0xD0000000  }
0x3: {  	_ = 	snop  }
0x4: {  	_ = 	snop  }
0x5: {  	_ = 	snop  }
0x6: {  	_ = 	snop  }
0x7: {  	_ = 	snop  }
__scs_overlays_trampoline_lowered:
0x8: {  	[smem:$0x3FAB] =	sst s0  }
0x9: {  	[smem:$0x3FAC] =	sst s1  }
0xa: {  	[smem:$0x3FAD] =	sst s2  }
0xb: {  	[smem:$0x3FAE] =	sst s3  }
0xc: {  	[smem:$0x3FAF] =	sst s4  }
0xd: {  	[smem:$0x3FB0] =	sst s5  }
0xe: {  	[smem:$0x3FB1] =	sst s6  }
0xf: {  	[smem:$0x3FB2] =	sst s7  }
0x10: {  	[smem:$0x3FB3] =	sst s8  }
0x11: {  	[smem:$0x3FB4] =	sst s9;
	s0 =	simm.s32 @!p0 $0x0  }
0x12: {  	s1 =	sld [smem:$0x3F9A];
	s0 =	simm.s32 @p0 $0x1  }
0x13: {  	[smem:$0x3FB5] =	sst s0;
	s0 =	simm.s32 @!p1 $0x0  }
0x14: {  	s2 =	sld [smem:$0x3F99];
	s0 =	simm.s32 @p1 $0x1  }
0x15: {  	[smem:$0x3FB6] =	sst s0;
	s0 =	simm.s32 @!p2 $0x0  }
0x16: {  	s3 =	sld [smem:$0x3FDB];
	s0 =	simm.s32 @p2 $0x1  }
0x17: {  	s4 =	simm.s32 $0x1BF5;
	[smem:$0x3FB8] =	sst s0  }
0x18: {  	s0 =	sld [smem:$0x3F9B];
	_ =	swait.ge [sflag:s4], $0x0  }
0x19: {  	s7 =	sld [smem:$0x3F9C]  }
0x1a: {  	s8 =	sadd.s32 $0xFFFFE003, lr  }
0x1b: {  	s9 =	sadd.s32 $0xFFFFFEF7, lr;
	s5 =	simm.s32 $0xFFFFFFFF;
	p2 =	slt.u32 s8, $0xFFFFF086  }
0x1c: {  	p1 =	slt.u32 s9, $0xF7A;
	s5 =	simm.s32 @!p2 $0x0  }
0x1d: {  	s5 =	simm.s32 @p1 $0x1;
	p0 =	seq.s32 s7, s2  }
0x1e: {  	s7 =	smul.u32 @!p0 $0xF7A, s2;
	p2 =	seq.s32 @!p0 s5, $0x0  }
0x1f: {  	s9 =	smul.u32 $0xF7A, s1;
	s8 =	simm.s32 @!p0 $0x1BF5;
	p2 =	por !p2, p0  }
0x20: {  	[sflag:s8] =	ssyncset.s32 @!p0 $0xFFFFF086;
	s6 =	sadd.s32 @!p0 s3, s7;
	s7 =	simm.s32 @!p0 $0x108  }
0x21: {  	s3 =	sadd.s32 s3, s9;
	s6 =	sadd.s32 @!p0 $0x88, s6;
	s7 =	simm.s32 @p2 $0x1082  }
0x22: {  	[simem:s7], [sflag:s8] =	dma.local @!p0 [hbm:s6], $0xF7A  }
0x23: {  	s9 =	sor.u32 $0xD0000000, s2;
	s6 =	simm.s32 $0x108;
	_ =	swait.ge @!p0 [sflag:s8], $0x0  }
0x24: {  	s3 =	sadd.s32 $0x88, s3;
	s6 =	simm.s32 @!p1 $0x1082;
	[sflag:s4] =	ssyncset.s32 $0xFFFFF086  }
0x25: {  	[simem:s6], [sflag:s4] =	dma.local [hbm:s3], $0xF7A  }
0x26: {  	[smem:$0x3F9C] =	sst s1;
	(tag) =	ssettag s2;
	_ =	strace s9  }
0x27: {  	s1 =	sld [smem:$0x3FAC]  }
0x28: {  	s2 =	sld [smem:$0x3FAD]  }
0x29: {  	s4 =	sld [smem:$0x3FAF]  }
0x2a: {  	p0 =	seq.s32 s5, $0x0;
	s5 =	sld [smem:$0x3FB0]  }
0x2b: {  	s6 =	sld [smem:$0x3FB1]  }
0x2c: {  	s7 =	sld [smem:$0x3FB2]  }
0x2d: {  	s3 =	simm.s32 $0x108;
	s8 =	sld [smem:$0x3FB3]  }
0x2e: {  	s3 =	simm.s32 @!p0 $0x1082;
	s9 =	sld [smem:$0x3FB4]  }
0x2f: {  	lr =	sadd.s32 s0, s3;
	s0 =	sld [smem:$0x3FAB]  }
0x30: {  	s3 =	sld [smem:$0x3FAE]  }
0x31: {  	[smem:$0x3FB7] =	sst s10  }
0x32: {  	s10 =	sld [smem:$0x3FB5];
	_ =	sdelay $0x3  }
0x33: {  	p0 =	seq.s32 s10, $0x1;
	s10 =	sld [smem:$0x3FB7];
	_ =	sdelay $0x3  }
0x34: {  	[smem:$0x3FB7] =	sst s10  }
0x35: {  	s10 =	sld [smem:$0x3FB6];
	_ =	sdelay $0x3  }
0x36: {  	p1 =	seq.s32 s10, $0x1;
	s10 =	sld [smem:$0x3FB7];
	_ =	sdelay $0x3  }
0x37: {  	[smem:$0x3FB7] =	sst s10  }
0x38: {  	s10 =	sld [smem:$0x3FB8]  }
0x39: {  	_ = 	snop;
	(pc) =	sbr.ind lr, $3  }
0x3a: {  	_ = 	snop  }
0x3b: {  	_ = 	snop  }
0x3c: {  	p2 =	seq.s32 s10, $0x1;
	s10 =	sld [smem:$0x3FB7]  }
0x3d: {  	_ =	shalt  }
0x3e: {  	_ =	shalt  }
0x3f: {  	_ =	shalt  }
0x40: {  	_ =	shalt  }
0x41: {  	_ =	shalt  }
0x42: {  	_ =	shalt  }
0x43: {  	_ =	shalt  }
0x44: {  	_ =	shalt  }
0x45: {  	_ =	shalt  }
0x46: {  	_ =	shalt  }
0x47: {  	_ =	shalt  }
0x48: {  	_ =	shalt  }
0x49: {  	_ =	shalt  }
0x4a: {  	_ =	shalt  }
0x4b: {  	_ =	shalt  }
0x4c: {  	_ =	shalt  }
0x4d: {  	_ =	shalt  }
0x4e: {  	_ =	shalt  }
0x4f: {  	_ =	shalt  }
0x50: {  	_ =	shalt  }
0x51: {  	_ =	shalt  }
0x52: {  	_ =	shalt  }
0x53: {  	_ =	shalt  }
0x54: {  	_ =	shalt  }
0x55: {  	_ =	shalt  }
0x56: {  	_ =	shalt  }
0x57: {  	_ =	shalt  }
0x58: {  	_ =	shalt  }
0x59: {  	_ =	shalt  }
0x5a: {  	_ =	shalt  }
0x5b: {  	_ =	shalt  }
0x5c: {  	_ =	shalt  }
0x5d: {  	_ =	shalt  }
0x5e: {  	_ =	shalt  }
0x5f: {  	_ =	shalt  }
0x60: {  	_ =	shalt  }
0x61: {  	_ =	shalt  }
0x62: {  	_ =	shalt  }
0x63: {  	_ =	shalt  }
0x64: {  	_ =	shalt  }
0x65: {  	_ =	shalt  }
0x66: {  	_ =	shalt  }
0x67: {  	_ =	shalt  }
0x68: {  	_ =	shalt  }
0x69: {  	_ =	shalt  }
0x6a: {  	_ =	shalt  }
0x6b: {  	_ =	shalt  }
0x6c: {  	_ =	shalt  }
0x6d: {  	_ =	shalt  }
0x6e: {  	_ =	shalt  }
0x6f: {  	_ =	shalt  }
0x70: {  	_ =	shalt  }
0x71: {  	_ =	shalt  }
0x72: {  	_ =	shalt  }
0x73: {  	_ =	shalt  }
0x74: {  	_ =	shalt  }
0x75: {  	_ =	shalt  }
0x76: {  	_ =	shalt  }
0x77: {  	_ =	shalt  }
0x78: {  	_ =	shalt  }
0x79: {  	_ =	shalt  }
0x7a: {  	_ =	shalt  }
0x7b: {  	_ =	shalt  }
0x7c: {  	_ =	shalt  }
0x7d: {  	_ =	shalt  }
0x7e: {  	_ =	shalt  }
0x7f: {  	_ =	shalt  }
0x80: {  	_ =	shalt  }
0x81: {  	_ =	shalt  }
0x82: {  	_ =	shalt  }
0x83: {  	_ =	shalt  }
0x84: {  	_ =	shalt  }
0x85: {  	_ =	shalt  }
0x86: {  	_ =	shalt  }
0x87: {  	_ =	shalt  }
.Lfunc_end0:
.L_simem_size_0:
called_computation.2_lowered:
.L_overlay_start_0:
0x88: {  	s2 =	sld [smem:$0x3FD9]  }
0x89: {  	s3 =	sld [smem:$0x3FFE];
	_ =	sdelay $0x1  }
0x8a: {  	s1 =	srdreg.scid  }
0x8b: {  	s0 =	sand.u32 $0x1, s1  }
0x8c: {  	s17 =	sshll.u32 s0, $0xA;
	s2 =	sadd.s32 s3, s2  }
0x8d: {  	s2 =	sadd.s32 s2, s17  }
0x8e: {  	[smem:$0x3FC3] =	sst s2  }
0x8f: {  	_ = 	snop  }
0x90: {  	s2 =	sld [smem:$0x3FD0];
	(tm) =	ssettm $0x1  }
0x91: {  	s18 =	sld [smem:$0x3FFB];
	_ =	sdelay $0x3  }
0x92: {  	_ =	strace s18  }
0x93: {  	s3 =	sld [smem:$0x3FFC];
	_ =	sdelay $0x3  }
0x94: {  	_ =	strace s3  }
0x95: {  	s3 =	sld [smem:$0x3FFD];
	_ =	sdelay $0x3  }
0x96: {  	_ =	strace s3  }
0x97: {  	_ =	strace $0x8FFFFFFF  }
0x98: {  	s19 =	sld [smem:$0x3FDB];
	_ =	sdelay $0x1  }
0x99: {  	s4 =	simm.s32 $_scs_section_size  }
0x9a: {  	s5 =	simm.s32 $_size__tile_overlayer_lowered;
	s6 =	simm.s32 $_tile_overlayer_lowered  }
0x9b: {  	s22 =	simm.s32 $0x1BFF;
	s21 =	sshll.u32 s6, $0x1;
	s3 =	sadd.s32 s4, s19  }
0x9c: {  	s7 =	simm.s32 $0x0;
	s20 =	sshll.u32 s5, $0x1;
	s5 =	sadd.s32 s21, s3  }
0x9d: {  	[timem:s7], [sflag:s22] =	dma.local [hbm:s5], s20  }
0x9e: {  	_ =	swait.ge [sflag:s22], s20  }
0x9f: {  	s4 =	ssub.s32 $0x0, s20;
	[sflag:s22] =	ssyncset.done $0x0  }
0xa0: {  	[sflag:s22] =	ssyncadd.s32 s4;
	_ =	sdelay $0x1  }
0xa1: {  	s23 =	simm.s32 $0x1B8B  }
0xa2: {  	_ =	swait.ge [sflag:s23], $0x1  }
0xa3: {  	[sflag:s23] =	ssyncset.done $0x0  }
0xa4: {  	s25 =	simm.s32 $0x1B8E;
	s24 =	sld [smem:$0x3FFE];
	[sflag:s23] =	ssyncadd.s32 $0xFFFFFFFF  }
0xa5: {  	s26 =	simm.s32 $execute0_lowered;
	[smem:$0x3FD2] =	sst s25  }
0xa6: {  	s5 =	sshll.u32 s26, $0x1;
	_ =	strace $0x8000004C;
	[dreg:$0x1] =	wrdreg $0xFFFFFFFF  }
0xa7: {  	s28 =	simm.s32 $_size_execute0_lowered;
	s3 =	sadd.s32 s3, s5;
	[dreg:$0x0] =	wrdreg $0x0  }
0xa8: {  	s5 =	sshll.u32 s28, $0x1;
	[dreg:$0x2] =	wrdreg s3  }
0xa9: {  	[dreg:$0x3] =	wrdreg s5  }
0xaa: {  	[dreg:$0x4] =	wrdreg $0xC0  }
0xab: {  	_ =	task [dreg:s7], $0x5FFFF  }
0xac: {  	[dreg:$0x1] =	wrdreg $0xFFFFFFFF  }
0xad: {  	[dreg:$0x0] =	wrdreg $0x60  }
0xae: {  	[dreg:$0x2] =	wrdreg s24  }
0xaf: {  	[dreg:$0x3] =	wrdreg s2  }
0xb0: {  	[dreg:$0x4] =	wrdreg $0x9  }
0xb1: {  	_ =	task.clear_ibuf [dreg:s7], $0x5FFFF;
	_ =	strace $0x9000004C  }
0xb2: {  	s29 =	simm.s32 $0x9;
	_ =	strace $0x8000004E  }
0xb3: {  	_ =	swait.ge [sflag:s29], $0x1  }
0xb4: {  	[sflag:s29] =	ssyncadd.s32 $0xFFFFFFFF  }
0xb5: {  	_ =	strace $0x9000004E  }
0xb6: {  	_ =	sfence  }
0xb7: {  	s30 =	sld [smem:$0x0];
	_ =	sdelay $0x2  }
0xb8: {  	s31 =	sshll.u32 s1, $0xD;
	s1 =	sshrl.u32 s1, $0x2  }
0xb9: {  	s3 =	sand.u32 $0x4000, s31;
	s1 =	sadd.s32 s1, s30  }
0xba: {  	s0 =	sor.u32 s3, s0;
	s1 =	sshll.u32 s1, $0x11  }
0xbb: {  	s0 =	sor.u32 s1, s0  }
0xbc: {  	s0 =	sadd.s32 $0x8F2B, s0  }
0xbd: {  	[sflag:s0] =	ssyncadd.remote.s32 $0x1  }
0xbe: {  	_ =	sfence.sel $0xFFFF  }
0xbf: {  	[dreg:$0x0] =	wrdreg $0xFFFFFFFF;
	(pc) =	sbr.abs _section_cstart, $3  }
0xc0: {  	[dreg:$0x1] =	wrdreg $0xFFFFFFFF  }
0xc1: {  	_ =	task.clear_ibuf [dreg:s7], $0x2FFFF;
	_ =	strace $0x9FFFFFFF  }
0xc2: {  	(tm) =	ssettm $0x7FFFFFFF  }
0xc3: {  	_ =	shalt  }
tec
execute0_lowered:
.L_overlay_start_1:
0x0: {  	(tag) =	ssettag $0x1  }
0x1: {  	s0 =	rddreg [dreg:$0x0]  }
0x2: {  	s1 =	rddreg [dreg:$0x1];
	s2 =	simm.s32 $0x0  }
0x3: {  	s3 =	srdreg.scid;
	s5 =	stileid.u32;
	s13 =	simm.s32 $0xF100  }
0x4: {  	s28 =	simm.s32 $0xF900;
	s29 =	simm.s32 $0x10100;
	s30 =	simm.s32 $0x10900  }
0x5: {  	s31 =	simm.s32 $0x11900;
	[smem:$0x7FF] =	sst s2;
	s4 =	sand.u32 $0x1, s3  }
0x6: {  	s3 =	sadd.s32 $0xC0600, s0;
	s5 =	sshll.u32 s5, $0x7;
	s7 =	sadd.s32 $0x200, s0  }
0x7: {  	s10 =	sadd.s32 $0xC0900, s0;
	s6 =	sshll.u32 s4, $0x6;
	s4 =	ssub.s32 $0x2, s4  }
0x8: {  	_ =	strace $0x8000004D;
	s5 =	sor.u32 s6, s5;
	s14 =	sshrl.u32 s4, $0x1  }
0x9: {  	s8 =	sshrl.u32 s5, $0x3;
	s9 =	sor.u32 $0x800, s5;
	s4 =	ssub.s32 s4, s14  }
0xa: {  	s17 =	sshll.u32 s5, $0x4;
	s20 =	sor.u32 $0x20, s5;
	s11 =	sshll.u32 s5, $0x7  }
0xb: {  	s5 =	sor.u32 $0x820, s5;
	s14 =	simm.s32 $0x11100;
	s15 =	sadd.s32 s0, s8  }
0xc: {  	s16 =	sshrl.u32 s9, $0x3;
	s18 =	sshll.u32 s9, $0x4;
	s8 =	sadd.s32 $0xC0700, s0  }
0xd: {  	s9 =	sadd.s32 $0xC0800, s0;
	s12 =	sshrl.u32 s20, $0x3;
	s11 =	sadd.s32 s1, s11  }
0xe: {  	s22 =	sshrl.u32 s5, $0x3;
	s23 =	sshll.u32 s20, $0x4;
	s5 =	sshll.u32 s5, $0x4  }
0xf: {  	s25 =	sshll.u32 s20, $0x7;
	s26 =	smax.u32 s4, $0x1;
	[dreg:$0x3] =	wrdreg s15  }
0x10: {  	s20 =	simm.s32 $0x2100;
	s6 =	sadd.s32 s0, s16;
	[dreg:$0x7] =	wrdreg s11  }
0x11: {  	s19 =	sadd.s32 s7, s18;
	s21 =	sadd.s32 s0, s12;
	[dreg:$0xd] =	wrdreg s26  }
0x12: {  	s0 =	sadd.s32 s0, s22;
	s24 =	sadd.s32 s7, s5;
	[dreg:$0x4] =	wrdreg s6  }
0x13: {  	s18 =	simm.s32 $0x3;
	s22 =	simm.s32 $0xB900;
	[dreg:$0x6] =	wrdreg s19  }
0x14: {  	s11 =	simm.s32 $0xC900;
	s12 =	simm.s32 $0xD900;
	[dreg:$0x8] =	wrdreg s21  }
0x15: {  	v2 =	vlaneseq.u32;
	s26 =	simm.s32 $0xE900;
	s15 =	simm.s32 $0x1;
	[dreg:$0x9] =	wrdreg s0  }
0x16: {  	v0 =	vand.u32 $0x7, v2;
	v1 =	vshrl.u32 v2, $0x3;
	s6 =	sadd.s32 s7, s17;
	s0 =	sadd.s32 s7, s23;
	[dreg:$0xb] =	wrdreg s24  }
0x17: {  	v63 =	vor.u32 $0x8, v2;
	[tilespmem:$0x1FFD0] =	vst v0;
	v62 =	vmul.u32 $0x8, v1;
	s23 =	simm.s32 $0xC100;
	s24 =	simm.s32 $0xD100;
	[dreg:$0x5] =	wrdreg s6  }
0x18: {  	[tilespmem:$0x1FFF0] =	vst v63;
	[dreg:$0xa] =	wrdreg s0;
	s0 =	sadd.s32 s1, s25;
	s25 =	simm.s32 $0xE100  }
0x19: {  	vm0 =	vmmov $0xffff;
	[tilespmem:$0x1FFE0] =	vst v62;
	s1 =	simm.s32 $0x0;
	[dreg:$0xc] =	wrdreg s0;
	s0 =	simm.s32 $0x2  }
.LBB2_1:
0x1a: {  	s4 =	rddreg [dreg:$0x3]  }
0x1b: {  	[tilespmem:s2], [sflag:$0x3] =	stream.linear.gather [hbm4b:s4+s2], $0x20, $0x38;
	[tilespmem:$0x12100] =	vst v63  }
0x1c: {  	_ =	swait.ge [sflag:s18], $0x20  }
0x1d: {  	[sflag:s18] =	ssyncset.done $0x0  }
0x1e: {  	s5 =	simm.s32 $0x80;
	s21 =	rddreg [dreg:$0x4];
	[sflag:s18] =	ssyncadd.s32 $0xFFFFFFE0  }
0x1f: {  	[tilespmem:s5], [sflag:$0x3] =	stream.linear.gather [hbm4b:s21+s2], $0x20, $0x38;
	[tilespmem:$0x12100] =	vst v63  }
0x20: {  	_ =	swait.ge [sflag:s18], $0x20  }
0x21: {  	[sflag:s18] =	ssyncset.done $0x0  }
0x22: {  	s16 =	simm.s32 $0x100;
	s6 =	rddreg [dreg:$0x5];
	[sflag:s18] =	ssyncadd.s32 $0xFFFFFFE0  }
0x23: {  	[tilespmem:s16], [sflag:$0x3] =	stream.linear.gather [hbm4b:s6+s2], $0x1000, $0x38;
	[tilespmem:$0x12100] =	vst v63  }
0x24: {  	_ =	swait.ge [sflag:s18], $0x1000  }
0x25: {  	[sflag:s18] =	ssyncset.done $0x0  }
0x26: {  	s4 =	simm.s32 $0x1100;
	s7 =	rddreg [dreg:$0x6];
	[sflag:s18] =	ssyncadd.s32 $0xFFFFF000  }
0x27: {  	[tilespmem:s4], [sflag:$0x3] =	stream.linear.gather [hbm4b:s7+s2], $0x1000, $0x38;
	[tilespmem:$0x12100] =	vst v63  }
0x28: {  	_ =	swait.ge [sflag:s18], $0x1000  }
0x29: {  	[sflag:s18] =	ssyncset.done $0x0  }
0x2a: {  	[sflag:s18] =	ssyncadd.s32 $0xFFFFF000  }
0x2b: {  	v3 =	vld [tilespmem:$0x0];
	_ =	sdelay $0x2  }
0x2c: {  	v0 =	vld [tilespmem:$0x1FFD0];
	_ =	sdelay $0x1  }
0x2d: {  	v1 =	vld [tilespmem:$0x1FFE0];
	v4 =	vshll.u32 v3, $0x3  }
0x2e: {  	v3 =	vand.u32 $0x7, v3;
	v4 =	vand.u32 $0xFFFFFFC0, v4  }
0x2f: {  	v3 =	vor.u32 v3, v4  }
0x30: {  	v4 =	vperm.xlane v3, v0;
	_ =	sdelay $0x1  }
0x31: {  	v4 =	vadd.s32 v1, v4  }
0x32: {  	v2 =	vld [tilespmem:$0x1FFF0];
	_ =	sdelay $0x3  }
0x33: {  	[tilespmem:s20], [sflag:$0x1] =	stream.indirect_vreg.gather [hbm4b:s3+s2], $0x80, v4, vm0, $0xb8;
	[tilespmem:$0x12100] =	vst v63  }
0x34: {  	s17 =	simm.s32 $0x2900;
	v3 =	vperm.xlane v3, v2  }
0x35: {  	[tilespmem:s17], [sflag:$0x1] =	stream.indirect_vreg.gather [hbm4b:s8+s2], $0x80, v4, vm0, $0xb8;
	[tilespmem:$0x12100] =	vst v63  }
0x36: {  	s19 =	simm.s32 $0x3100;
	v3 =	vadd.s32 v1, v3  }
0x37: {  	[tilespmem:s19], [sflag:$0x1] =	stream.indirect_vreg.gather [hbm4b:s9+s2], $0x80, v4, vm0, $0xb8;
	[tilespmem:$0x12100] =	vst v63  }
0x38: {  	s21 =	simm.s32 $0x3900  }
0x39: {  	[tilespmem:s21], [sflag:$0x1] =	stream.indirect_vreg.gather [hbm4b:s10+s2], $0x80, v4, vm0, $0xb8;
	[tilespmem:$0x12100] =	vst v63  }
0x3a: {  	s6 =	simm.s32 $0x4100  }
0x3b: {  	[tilespmem:s6], [sflag:$0x1] =	stream.indirect_vreg.gather [hbm4b:s3+s2], $0x80, v3, vm0, $0xb8;
	[tilespmem:$0x12100] =	vst v63  }
0x3c: {  	s7 =	simm.s32 $0x4900  }
0x3d: {  	[tilespmem:s7], [sflag:$0x1] =	stream.indirect_vreg.gather [hbm4b:s8+s2], $0x80, v3, vm0, $0xb8;
	[tilespmem:$0x12100] =	vst v63  }
0x3e: {  	s17 =	simm.s32 $0x5100  }
0x3f: {  	[tilespmem:s17], [sflag:$0x1] =	stream.indirect_vreg.gather [hbm4b:s9+s2], $0x80, v3, vm0, $0xb8;
	[tilespmem:$0x12100] =	vst v63  }
0x40: {  	s19 =	simm.s32 $0x5900  }
0x41: {  	[tilespmem:s19], [sflag:$0x1] =	stream.indirect_vreg.gather [hbm4b:s10+s2], $0x80, v3, vm0, $0xb8;
	[tilespmem:$0x12100] =	vst v63  }
0x42: {  	v3 =	vld [tilespmem:$0x10];
	_ =	sdelay $0x4  }
0x43: {  	v61 =	vshll.u32 v3, $0x3  }
0x44: {  	v3 =	vand.u32 $0x7, v3;
	v4 =	vand.u32 $0xFFFFFFC0, v61  }
0x45: {  	v3 =	vor.u32 v3, v4  }
0x46: {  	v4 =	vperm.xlane v3, v0;
	_ =	sdelay $0x1  }
0x47: {  	v4 =	vadd.s32 v1, v4;
	_ =	sdelay $0x3  }
0x48: {  	s21 =	simm.s32 $0x6100  }
0x49: {  	[tilespmem:s21], [sflag:$0x1] =	stream.indirect_vreg.gather [hbm4b:s3+s2], $0x80, v4, vm0, $0xb8;
	[tilespmem:$0x12100] =	vst v63  }
0x4a: {  	s6 =	simm.s32 $0x6900;
	v3 =	vperm.xlane v3, v2  }
0x4b: {  	[tilespmem:s6], [sflag:$0x1] =	stream.indirect_vreg.gather [hbm4b:s8+s2], $0x80, v4, vm0, $0xb8;
	[tilespmem:$0x12100] =	vst v63  }
0x4c: {  	s7 =	simm.s32 $0x7100;
	v3 =	vadd.s32 v1, v3  }
0x4d: {  	[tilespmem:s7], [sflag:$0x1] =	stream.indirect_vreg.gather [hbm4b:s9+s2], $0x80, v4, vm0, $0xb8;
	[tilespmem:$0x12100] =	vst v63  }
0x4e: {  	s17 =	simm.s32 $0x7900  }
0x4f: {  	[tilespmem:s17], [sflag:$0x1] =	stream.indirect_vreg.gather [hbm4b:s10+s2], $0x80, v4, vm0, $0xb8;
	[tilespmem:$0x12100] =	vst v63  }
0x50: {  	s19 =	simm.s32 $0x8100  }
0x51: {  	[tilespmem:s19], [sflag:$0x1] =	stream.indirect_vreg.gather [hbm4b:s3+s2], $0x80, v3, vm0, $0xb8;
	[tilespmem:$0x12100] =	vst v63  }
0x52: {  	s21 =	simm.s32 $0x8900  }
0x53: {  	[tilespmem:s21], [sflag:$0x1] =	stream.indirect_vreg.gather [hbm4b:s8+s2], $0x80, v3, vm0, $0xb8;
	[tilespmem:$0x12100] =	vst v63  }
0x54: {  	s6 =	simm.s32 $0x9100  }
0x55: {  	[tilespmem:s6], [sflag:$0x1] =	stream.indirect_vreg.gather [hbm4b:s9+s2], $0x80, v3, vm0, $0xb8;
	[tilespmem:$0x12100] =	vst v63  }
0x56: {  	s7 =	simm.s32 $0x9900  }
0x57: {  	[tilespmem:s7], [sflag:$0x1] =	stream.indirect_vreg.gather [hbm4b:s10+s2], $0x80, v3, vm0, $0xb8;
	[tilespmem:$0x12100] =	vst v63  }
0x58: {  	v3 =	vld [tilespmem:$0x80];
	_ =	sdelay $0x4  }
0x59: {  	v62 =	vshll.u32 v3, $0x3  }
0x5a: {  	v3 =	vand.u32 $0x7, v3;
	v4 =	vand.u32 $0xFFFFFFC0, v62  }
0x5b: {  	v3 =	vor.u32 v3, v4  }
0x5c: {  	v4 =	vperm.xlane v3, v0;
	_ =	sdelay $0x1  }
0x5d: {  	v4 =	vadd.s32 v1, v4;
	_ =	sdelay $0x3  }
0x5e: {  	s17 =	simm.s32 $0xA100  }
0x5f: {  	[tilespmem:s17], [sflag:$0x2] =	stream.indirect_vreg.gather [hbm4b:s3+s2], $0x80, v4, vm0, $0xb8;
	[tilespmem:$0x12100] =	vst v63  }
0x60: {  	s19 =	simm.s32 $0xA900;
	v3 =	vperm.xlane v3, v2  }
0x61: {  	[tilespmem:s19], [sflag:$0x2] =	stream.indirect_vreg.gather [hbm4b:s8+s2], $0x80, v4, vm0, $0xb8;
	[tilespmem:$0x12100] =	vst v63  }
0x62: {  	s21 =	simm.s32 $0xB100;
	v3 =	vadd.s32 v1, v3  }
0x63: {  	[tilespmem:s21], [sflag:$0x2] =	stream.indirect_vreg.gather [hbm4b:s9+s2], $0x80, v4, vm0, $0xb8;
	[tilespmem:$0x12100] =	vst v63  }
0x64: {  	_ = 	snop  }
0x65: {  	[tilespmem:s22], [sflag:$0x2] =	stream.indirect_vreg.gather [hbm4b:s10+s2], $0x80, v4, vm0, $0xb8;
	[tilespmem:$0x12100] =	vst v63  }
0x66: {  	_ = 	snop  }
0x67: {  	[tilespmem:s23], [sflag:$0x2] =	stream.indirect_vreg.gather [hbm4b:s3+s2], $0x80, v3, vm0, $0xb8;
	[tilespmem:$0x12100] =	vst v63  }
0x68: {  	_ = 	snop  }
0x69: {  	[tilespmem:s11], [sflag:$0x2] =	stream.indirect_vreg.gather [hbm4b:s8+s2], $0x80, v3, vm0, $0xb8;
	[tilespmem:$0x12100] =	vst v63  }
0x6a: {  	_ = 	snop  }
0x6b: {  	[tilespmem:s24], [sflag:$0x2] =	stream.indirect_vreg.gather [hbm4b:s9+s2], $0x80, v3, vm0, $0xb8;
	[tilespmem:$0x12100] =	vst v63  }
0x6c: {  	_ = 	snop  }
0x6d: {  	[tilespmem:s12], [sflag:$0x2] =	stream.indirect_vreg.gather [hbm4b:s10+s2], $0x80, v3, vm0, $0xb8;
	[tilespmem:$0x12100] =	vst v63  }
0x6e: {  	v3 =	vld [tilespmem:$0x90];
	_ =	sdelay $0x4  }
0x6f: {  	v63 =	vshll.u32 v3, $0x3  }
0x70: {  	v3 =	vand.u32 $0x7, v3;
	v4 =	vand.u32 $0xFFFFFFC0, v63  }
0x71: {  	v3 =	vor.u32 v3, v4  }
0x72: {  	v4 =	vperm.xlane v3, v0;
	_ =	sdelay $0x1  }
0x73: {  	v4 =	vadd.s32 v1, v4;
	_ =	sdelay $0x4  }
0x74: {  	[tilespmem:s25], [sflag:$0x2] =	stream.indirect_vreg.gather [hbm4b:s3+s2], $0x80, v4, vm0, $0xb8;
	[tilespmem:$0x12100] =	vst v63  }
0x75: {  	v3 =	vperm.xlane v3, v2  }
0x76: {  	[tilespmem:s26], [sflag:$0x2] =	stream.indirect_vreg.gather [hbm4b:s8+s2], $0x80, v4, vm0, $0xb8;
	[tilespmem:$0x12100] =	vst v63  }
0x77: {  	v3 =	vadd.s32 v1, v3  }
0x78: {  	[tilespmem:s13], [sflag:$0x2] =	stream.indirect_vreg.gather [hbm4b:s9+s2], $0x80, v4, vm0, $0xb8;
	[tilespmem:$0x12100] =	vst v63  }
0x79: {  	_ = 	snop  }
0x7a: {  	[tilespmem:s28], [sflag:$0x2] =	stream.indirect_vreg.gather [hbm4b:s10+s2], $0x80, v4, vm0, $0xb8;
	[tilespmem:$0x12100] =	vst v63  }
0x7b: {  	_ = 	snop  }
0x7c: {  	[tilespmem:s29], [sflag:$0x2] =	stream.indirect_vreg.gather [hbm4b:s3+s2], $0x80, v3, vm0, $0xb8;
	[tilespmem:$0x12100] =	vst v63  }
0x7d: {  	_ = 	snop  }
0x7e: {  	[tilespmem:s30], [sflag:$0x2] =	stream.indirect_vreg.gather [hbm4b:s8+s2], $0x80, v3, vm0, $0xb8;
	[tilespmem:$0x12100] =	vst v63  }
0x7f: {  	_ = 	snop  }
0x80: {  	[tilespmem:s14], [sflag:$0x2] =	stream.indirect_vreg.gather [hbm4b:s9+s2], $0x80, v3, vm0, $0xb8;
	[tilespmem:$0x12100] =	vst v63  }
0x81: {  	_ = 	snop  }
0x82: {  	[tilespmem:s31], [sflag:$0x2] =	stream.indirect_vreg.gather [hbm4b:s10+s2], $0x80, v3, vm0, $0xb8;
	[tilespmem:$0x12100] =	vst v63  }
0x83: {  	_ =	swait.ge [sflag:s15], $0x8000  }
0x84: {  	[sflag:s15] =	ssyncset.done $0x0  }
0x85: {  	[sflag:s15] =	ssyncadd.s32 $0xFFFF8000  }
0x86: {  	_ =	swait.ge [sflag:s0], $0x8000  }
0x87: {  	s5 =	simm.s32 $0x0;
	[sflag:s0] =	ssyncset.done $0x0  }
0x88: {  	s6 =	simm.s32 $0x0;
	s17 =	simm.s32 $0x0;
	[sflag:s0] =	ssyncadd.s32 $0xFFFF8000  }
.LBB2_2:
0x89: {  	v3 =	vld [tilespmem:s16+$0x0];
	s7 =	sand.u32 $0x6000, s5;
	s19 =	sand.u32 $0x380, s6  }
0x8a: {  	v4 =	vld [tilespmem:s4+$0x0];
	s7 =	sor.u32 s19, s7  }
0x8b: {  	v6 =	vld [tilespmem:s7+$0x2100]  }
0x8c: {  	v7 =	vld [tilespmem:s7+$0xA100]  }
0x8d: {  	v10 =	vld [tilespmem:s7+$0x2110]  }
0x8e: {  	v11 =	vld [tilespmem:s7+$0xA110]  }
0x8f: {  	v14 =	vld [tilespmem:s7+$0x2120]  }
0x90: {  	v17 =	vld [tilespmem:s7+$0xA120]  }
0x91: {  	v20 =	vld [tilespmem:s7+$0x2130]  }
0x92: {  	v21 =	vld [tilespmem:s7+$0xA130]  }
0x93: {  	v26 =	vld [tilespmem:s7+$0x2140]  }
0x94: {  	v27 =	vld [tilespmem:s7+$0xA140]  }
0x95: {  	v28 =	vld [tilespmem:s7+$0x2150]  }
0x96: {  	v29 =	vld [tilespmem:s7+$0xA150]  }
0x97: {  	v30 =	vld [tilespmem:s7+$0x2160]  }
0x98: {  	v31 =	vld [tilespmem:s7+$0xA160]  }
0x99: {  	v32 =	vld [tilespmem:s7+$0x2170]  }
0x9a: {  	v33 =	vld [tilespmem:s7+$0xA170]  }
0x9b: {  	v34 =	vld [tilespmem:s7+$0x2500]  }
0x9c: {  	v35 =	vld [tilespmem:s7+$0xA500]  }
0x9d: {  	v36 =	vld [tilespmem:s7+$0x2510]  }
0x9e: {  	v37 =	vld [tilespmem:s7+$0xA510]  }
0x9f: {  	v38 =	vld [tilespmem:s7+$0x2520]  }
0xa0: {  	v39 =	vld [tilespmem:s7+$0xA520]  }
0xa1: {  	v40 =	vld [tilespmem:s7+$0x2530]  }
0xa2: {  	v41 =	vld [tilespmem:s7+$0xA530]  }
0xa3: {  	v42 =	vld [tilespmem:s7+$0x2540]  }
0xa4: {  	v43 =	vld [tilespmem:s7+$0xA540]  }
0xa5: {  	v44 =	vld [tilespmem:s7+$0x2550]  }
0xa6: {  	v45 =	vld [tilespmem:s7+$0xA550]  }
0xa7: {  	v46 =	vld [tilespmem:s7+$0x2560]  }
0xa8: {  	v47 =	vld [tilespmem:s7+$0xA560]  }
0xa9: {  	v48 =	vld [tilespmem:s7+$0x2570]  }
0xaa: {  	v49 =	vld [tilespmem:s7+$0xA570]  }
0xab: {  	v50 =	vld [tilespmem:s7+$0x2900]  }
0xac: {  	v51 =	vld [tilespmem:s7+$0xA900]  }
0xad: {  	v52 =	vld [tilespmem:s7+$0x2910]  }
0xae: {  	v53 =	vld [tilespmem:s7+$0xA910]  }
0xaf: {  	v54 =	vld [tilespmem:s7+$0x2920]  }
0xb0: {  	v55 =	vld [tilespmem:s7+$0xA920]  }
0xb1: {  	v56 =	vld [tilespmem:s7+$0x2930]  }
0xb2: {  	v57 =	vld [tilespmem:s7+$0xA930]  }
0xb3: {  	v58 =	vld [tilespmem:s7+$0x2940]  }
0xb4: {  	v59 =	vld [tilespmem:s7+$0xA940]  }
0xb5: {  	v60 =	vld [tilespmem:s7+$0x2950]  }
0xb6: {  	v61 =	vld [tilespmem:s7+$0xA950]  }
0xb7: {  	v62 =	vld [tilespmem:s7+$0x2960]  }
0xb8: {  	v63 =	vld [tilespmem:s7+$0xA960]  }
0xb9: {  	v5 =	vld [tilespmem:s7+$0x2970]  }
0xba: {  	v2 =	vld [tilespmem:s7+$0xA970]  }
0xbb: {  	v24 =	vld [tilespmem:s7+$0x2D00]  }
0xbc: {  	v25 =	vld [tilespmem:s7+$0xAD00]  }
0xbd: {  	v22 =	vld [tilespmem:s7+$0x2D10]  }
0xbe: {  	v23 =	vld [tilespmem:s7+$0xAD10]  }
0xbf: {  	v18 =	vld [tilespmem:s7+$0x2D20]  }
0xc0: {  	v0 =	vld [tilespmem:s7+$0x2D60]  }
0xc1: {  	v19 =	vld [tilespmem:s7+$0xAD20]  }
0xc2: {  	v15 =	vld [tilespmem:s7+$0x2D30]  }
0xc3: {  	v16 =	vld [tilespmem:s7+$0xAD30]  }
0xc4: {  	v12 =	vld [tilespmem:s7+$0x2D40];
	v1 =	vmul.f32 v6, v3  }
0xc5: {  	v13 =	vld [tilespmem:s7+$0xAD40];
	[tilespmem:$0x1FFC0] =	vst v0;
	v0 =	vmul.f32 v7, v4;
	v10 =	vmul.f32 v10, v3  }
0xc6: {  	v8 =	vld [tilespmem:s7+$0x2D50];
	v11 =	vmul.f32 v11, v4;
	v14 =	vmul.f32 v14, v3  }
0xc7: {  	v9 =	vld [tilespmem:s7+$0xAD50];
	v17 =	vmul.f32 v17, v4;
	v20 =	vmul.f32 v20, v3  }
0xc8: {  	v7 =	vld [tilespmem:s7+$0xAD60];
	v21 =	vmul.f32 v21, v4;
	v26 =	vmul.f32 v26, v3  }
0xc9: {  	v6 =	vld [tilespmem:s7+$0x2D70];
	v27 =	vmul.f32 v27, v4;
	v34 =	vmul.f32 v34, v3  }
0xca: {  	v35 =	vmul.f32 v35, v4;
	v38 =	vmul.f32 v38, v3;
	v1 =	vadd.f32 v0, v1;
	v0 =	vld [tilespmem:s7+$0xAD70]  }
0xcb: {  	v39 =	vmul.f32 v39, v4;
	v40 =	vmul.f32 v40, v3;
	v10 =	vadd.f32 v11, v10;
	v11 =	vld [tilespmem:s7+$0x3100]  }
0xcc: {  	v5 =	vmul.f32 v5, v3;
	v2 =	vmul.f32 v2, v4;
	[tilespmem:s7+$0x2100] =	vst v1;
	v1 =	vadd.f32 v17, v14;
	v14 =	vld [tilespmem:s7+$0xB100]  }
0xcd: {  	[tilespmem:s7+$0x2110] =	vst v10;
	v10 =	vadd.f32 v21, v20;
	v21 =	vmul.f32 v28, v3;
	v28 =	vmul.f32 v29, v4;
	v17 =	vld [tilespmem:s7+$0x3110]  }
0xce: {  	v52 =	vmul.f32 v52, v3;
	v2 =	vadd.f32 v2, v5;
	v20 =	vld [tilespmem:s7+$0xB110];
	v29 =	vmul.f32 v33, v4;
	[tilespmem:s7+$0x2120] =	vst v1  }
0xcf: {  	v1 =	vadd.f32 v27, v26;
	v26 =	vmul.f32 v30, v3;
	[tilespmem:s7+$0x2130] =	vst v10;
	v10 =	vadd.f32 v28, v21;
	v21 =	vld [tilespmem:s7+$0x3120]  }
0xd0: {  	v27 =	vmul.f32 v31, v4;
	v28 =	vmul.f32 v32, v3;
	v31 =	vld [tilespmem:s7+$0x3130]  }
0xd1: {  	v24 =	vmul.f32 v24, v3;
	v25 =	vmul.f32 v25, v4;
	[tilespmem:s7+$0x2970] =	vst v2;
	v32 =	vld [tilespmem:s7+$0xB130]  }
0xd2: {  	v18 =	vmul.f32 v18, v3;
	v33 =	vadd.f32 v27, v26;
	v26 =	vld [tilespmem:s7+$0xB120];
	[tilespmem:s7+$0x2150] =	vst v10;
	v10 =	vadd.f32 v29, v28  }
0xd3: {  	[tilespmem:s7+$0x2140] =	vst v1;
	v28 =	vmul.f32 v36, v3;
	v36 =	vmul.f32 v37, v4;
	v37 =	vadd.f32 v35, v34;
	v34 =	vld [tilespmem:s7+$0xB140]  }
0xd4: {  	v19 =	vmul.f32 v19, v4;
	v12 =	vmul.f32 v12, v3;
	v35 =	vld [tilespmem:s7+$0x3150];
	[tilespmem:s7+$0x2160] =	vst v33  }
0xd5: {  	v13 =	vmul.f32 v13, v4;
	v27 =	vld [tilespmem:s7+$0xB520];
	v29 =	vadd.f32 v25, v24;
	[tilespmem:s7+$0x2170] =	vst v10;
	v10 =	vadd.f32 v36, v28  }
0xd6: {  	v36 =	vmul.f32 v41, v4;
	v33 =	vld [tilespmem:s7+$0x3140];
	[tilespmem:s7+$0x2500] =	vst v37;
	v37 =	vadd.f32 v39, v38;
	v38 =	vmul.f32 v42, v3  }
0xd7: {  	v39 =	vmul.f32 v43, v4;
	v41 =	vmul.f32 v45, v4;
	v28 =	vld [tilespmem:s7+$0x3520];
	[tilespmem:s7+$0x2D00] =	vst v29  }
0xd8: {  	v43 =	vmul.f32 v46, v3;
	[tilespmem:s7+$0x2510] =	vst v10;
	v10 =	vadd.f32 v36, v40;
	v40 =	vmul.f32 v44, v3;
	v36 =	vld [tilespmem:s7+$0xB150]  }
0xd9: {  	v46 =	vmul.f32 v48, v3;
	[tilespmem:s7+$0x2520] =	vst v37;
	v42 =	vadd.f32 v39, v38;
	v44 =	vmul.f32 v47, v4;
	v37 =	vld [tilespmem:s7+$0x3160]  }
0xda: {  	v47 =	vmul.f32 v49, v4;
	v49 =	vmul.f32 v50, v3;
	v38 =	vld [tilespmem:s7+$0xB160];
	[tilespmem:s7+$0x2530] =	vst v10;
	v45 =	vadd.f32 v41, v40  }
0xdb: {  	v50 =	vmul.f32 v51, v4;
	v39 =	vld [tilespmem:s7+$0x3170];
	[tilespmem:s7+$0x2540] =	vst v42;
	v48 =	vadd.f32 v44, v43;
	v44 =	vmul.f32 v53, v4  }
0xdc: {  	v51 =	vadd.f32 v47, v46;
	v46 =	vmul.f32 v54, v3;
	v47 =	vmul.f32 v55, v4;
	v40 =	vld [tilespmem:s7+$0xB170];
	[tilespmem:s7+$0x2550] =	vst v45  }
0xdd: {  	v41 =	vld [tilespmem:s7+$0x3500];
	v53 =	vmul.f32 v59, v4;
	v55 =	vmul.f32 v60, v3;
	[tilespmem:s7+$0x2560] =	vst v48;
	v45 =	vadd.f32 v50, v49  }
0xde: {  	v42 =	vld [tilespmem:s7+$0xB500];
	v59 =	vmul.f32 v63, v4;
	v63 =	vmul.f32 v23, v4;
	[tilespmem:s7+$0x2570] =	vst v51;
	v48 =	vadd.f32 v44, v52  }
0xdf: {  	v43 =	vld [tilespmem:s7+$0x3510];
	v49 =	vmul.f32 v56, v3;
	v50 =	vmul.f32 v57, v4;
	v51 =	vadd.f32 v47, v46;
	[tilespmem:s7+$0x2900] =	vst v45  }
0xe0: {  	v23 =	vld [tilespmem:s7+$0xB530];
	v25 =	vmul.f32 v33, v3;
	v52 =	vmul.f32 v58, v3;
	v47 =	vadd.f32 v19, v18;
	[tilespmem:s7+$0x2910] =	vst v48  }
0xe1: {  	v56 =	vmul.f32 v61, v4;
	v58 =	vmul.f32 v62, v3;
	v44 =	vld [tilespmem:s7+$0xB510];
	v54 =	vadd.f32 v50, v49;
	[tilespmem:s7+$0x2920] =	vst v51  }
0xe2: {  	v62 =	vmul.f32 v22, v3;
	v22 =	vld [tilespmem:s7+$0x3530];
	v46 =	vmul.f32 v16, v4;
	v57 =	vadd.f32 v53, v52;
	[tilespmem:s7+$0x2D20] =	vst v47  }
0xe3: {  	v16 =	vld [tilespmem:s7+$0xB540];
	v33 =	vmul.f32 v37, v3;
	v60 =	vadd.f32 v56, v55;
	v45 =	vmul.f32 v15, v3;
	[tilespmem:s7+$0x2930] =	vst v54  }
0xe4: {  	v18 =	vld [tilespmem:s7+$0x3910];
	v61 =	vadd.f32 v59, v58;
	v49 =	vmul.f32 v8, v3;
	v50 =	vmul.f32 v9, v4;
	[tilespmem:s7+$0x2940] =	vst v57  }
0xe5: {  	v19 =	vld [tilespmem:s7+$0xB910];
	v30 =	vadd.f32 v63, v62;
	v56 =	vmul.f32 v11, v3;
	v58 =	vmul.f32 v17, v3;
	[tilespmem:s7+$0x2950] =	vst v60  }
0xe6: {  	v15 =	vld [tilespmem:s7+$0x3540];
	v51 =	vadd.f32 v13, v12;
	v59 =	vmul.f32 v20, v4;
	v62 =	vmul.f32 v26, v4;
	[tilespmem:s7+$0x2960] =	vst v61  }
0xe7: {  	v9 =	vld [tilespmem:s7+$0x3550];
	v20 =	vmul.f32 v31, v3;
	v26 =	vmul.f32 v34, v4;
	[tilespmem:s7+$0x2D10] =	vst v30;
	v48 =	vadd.f32 v46, v45  }
0xe8: {  	v52 =	vld [tilespmem:$0x1FFC0];
	v31 =	vmul.f32 v36, v4;
	v34 =	vmul.f32 v38, v4;
	v53 =	vadd.f32 v50, v49;
	[tilespmem:s7+$0x2D40] =	vst v51  }
0xe9: {  	v12 =	vld [tilespmem:s7+$0xB550];
	v36 =	vmul.f32 v39, v3;
	v37 =	vmul.f32 v40, v4;
	v63 =	vadd.f32 v59, v58;
	[tilespmem:s7+$0x2D30] =	vst v48  }
0xea: {  	v11 =	vld [tilespmem:s7+$0x3570];
	v61 =	vmul.f32 v21, v3;
	v21 =	vmul.f32 v32, v4;
	v32 =	vadd.f32 v26, v25;
	[tilespmem:s7+$0x2D50] =	vst v53  }
0xeb: {  	v13 =	vld [tilespmem:s7+$0xB570];
	v39 =	vmul.f32 v41, v3;
	v40 =	vmul.f32 v42, v4;
	v38 =	vadd.f32 v34, v33;
	[tilespmem:s7+$0x3110] =	vst v63  }
0xec: {  	v0 =	vmul.f32 v0, v4;
	v17 =	vld [tilespmem:s7+$0xB900];
	v54 =	vmul.f32 v6, v3;
	v42 =	vadd.f32 v37, v36;
	[tilespmem:s7+$0x3140] =	vst v32  }
0xed: {  	v41 =	vld [tilespmem:s7+$0xB920];
	v57 =	vmul.f32 v14, v4;
	v47 =	vadd.f32 v40, v39;
	[tilespmem:s7+$0x3160] =	vst v38  }
0xee: {  	v6 =	vld [tilespmem:s7+$0x3560];
	v0 =	vadd.f32 v0, v54;
	[tilespmem:s7+$0x3170] =	vst v42  }
0xef: {  	v14 =	vld [tilespmem:s7+$0x3900];
	v60 =	vadd.f32 v57, v56;
	[tilespmem:s7+$0x3500] =	vst v47  }
0xf0: {  	v7 =	vmul.f32 v7, v4;
	v30 =	vmul.f32 v35, v3;
	v46 =	vld [tilespmem:s7+$0x3930];
	v24 =	vadd.f32 v62, v61;
	[tilespmem:s7+$0x2D70] =	vst v0  }
0xf1: {  	v43 =	vmul.f32 v43, v3;
	v50 =	vld [tilespmem:s7+$0xB930];
	v45 =	vmul.f32 v44, v4;
	v29 =	vadd.f32 v21, v20;
	[tilespmem:s7+$0x3100] =	vst v60  }
0xf2: {  	v49 =	vmul.f32 v27, v4;
	v58 =	vld [tilespmem:s7+$0x3950];
	v35 =	vadd.f32 v31, v30;
	v10 =	vmul.f32 v52, v3;
	[tilespmem:s7+$0x3120] =	vst v24  }
0xf3: {  	v36 =	vld [tilespmem:s7+$0xB970];
	v53 =	vmul.f32 v23, v4;
	v51 =	vadd.f32 v45, v43;
	v52 =	vmul.f32 v22, v3;
	[tilespmem:s7+$0x3130] =	vst v29  }
0xf4: {  	v40 =	vld [tilespmem:s7+$0xB940];
	v57 =	vmul.f32 v16, v4;
	v56 =	vmul.f32 v15, v3;
	[tilespmem:s7+$0x3150] =	vst v35;
	v55 =	vadd.f32 v7, v10  }
0xf5: {  	v20 =	vld [tilespmem:s7+$0x3920];
	v26 =	vmul.f32 v11, v3;
	v27 =	vmul.f32 v13, v4;
	[tilespmem:s7+$0x3510] =	vst v51;
	v59 =	vadd.f32 v53, v52  }
0xf6: {  	v62 =	vld [tilespmem:s7+$0xB950];
	v61 =	vmul.f32 v12, v4;
	v60 =	vmul.f32 v9, v3;
	v63 =	vadd.f32 v57, v56;
	[tilespmem:s7+$0x2D60] =	vst v55  }
0xf7: {  	v34 =	vmul.f32 v18, v3;
	v16 =	vld [tilespmem:s7+$0x3960];
	v35 =	vmul.f32 v19, v4;
	v33 =	vadd.f32 v27, v26;
	[tilespmem:s7+$0x3530] =	vst v59  }
0xf8: {  	v48 =	vmul.f32 v28, v3;
	v28 =	vld [tilespmem:s7+$0xB960];
	v31 =	vmul.f32 v17, v4;
	v23 =	vadd.f32 v61, v60;
	[tilespmem:s7+$0x3540] =	vst v63  }
0xf9: {  	v32 =	vld [tilespmem:s7+$0x3970];
	v39 =	vmul.f32 v41, v4;
	v30 =	vmul.f32 v14, v3;
	v41 =	vadd.f32 v35, v34;
	[tilespmem:s7+$0x3570] =	vst v33  }
0xfa: {  	v10 =	vld [tilespmem:s7+$0xB560];
	v42 =	vmul.f32 v46, v3;
	v43 =	vmul.f32 v50, v4;
	v55 =	vadd.f32 v49, v48;
	[tilespmem:s7+$0x3550] =	vst v23  }
0xfb: {  	v54 =	vld [tilespmem:s7+$0x3940];
	v37 =	vadd.f32 v31, v30;
	v38 =	vmul.f32 v20, v3;
	[tilespmem:s7+$0x3910] =	vst v41  }
0xfc: {  	v45 =	vmul.f32 v58, v3;
	v46 =	vmul.f32 v62, v4;
	v47 =	vadd.f32 v43, v42;
	[tilespmem:s7+$0x3520] =	vst v55  }
0xfd: {  	v48 =	vmul.f32 v16, v3;
	v49 =	vmul.f32 v28, v4;
	[tilespmem:s7+$0x3900] =	vst v37;
	v44 =	vadd.f32 v39, v38  }
0xfe: {  	v52 =	vmul.f32 v36, v4;
	v51 =	vmul.f32 v32, v3;
	v50 =	vadd.f32 v46, v45;
	[tilespmem:s7+$0x3930] =	vst v47  }
0xff: {  	v6 =	vmul.f32 v6, v3;
	v53 =	vadd.f32 v49, v48;
	v12 =	vmul.f32 v10, v4;
	[tilespmem:s7+$0x3920] =	vst v44  }
0x100: {  	s21 =	sand.u32 $0x7, s17;
	v54 =	vmul.f32 v54, v3;
	v55 =	vmul.f32 v40, v4;
	v56 =	vadd.f32 v52, v51;
	[tilespmem:s7+$0x3950] =	vst v50  }
0x101: {  	s19 =	sshll.u32 s21, $0x7;
	[tilespmem:s7+$0x3960] =	vst v53;
	v29 =	vadd.f32 v12, v6  }
0x102: {  	s19 =	sadd.s32 s19, s5;
	v2 =	vadd.f32 v55, v54;
	[tilespmem:s7+$0x3970] =	vst v56  }
0x103: {  	s21 =	sor.u32 $0x1C00, s19;
	[tilespmem:s7+$0x3560] =	vst v29  }
0x104: {  	[tilespmem:s7+$0x3940] =	vst v2;
	v0 =	vld [tilespmem:s21+$0x2100]  }
0x105: {  	v1 =	vld [tilespmem:s21+$0xA100];
	_ =	sdelay $0x4  }
0x106: {  	v0 =	vmul.f32 v0, v3;
	v1 =	vmul.f32 v1, v4;
	_ =	sdelay $0x1  }
0x107: {  	v0 =	vadd.f32 v1, v0;
	_ =	sdelay $0x1  }
0x108: {  	[tilespmem:s21+$0x2100] =	vst v0;
	s21 =	sor.u32 $0x1C10, s19  }
0x109: {  	v0 =	vld [tilespmem:s21+$0x2100]  }
0x10a: {  	v57 =	vld [tilespmem:s21+$0xA100];
	_ =	sdelay $0x4  }
0x10b: {  	v0 =	vmul.f32 v0, v3;
	v1 =	vmul.f32 v57, v4;
	_ =	sdelay $0x1  }
0x10c: {  	v0 =	vadd.f32 v1, v0;
	_ =	sdelay $0x1  }
0x10d: {  	[tilespmem:s21+$0x2100] =	vst v0;
	s21 =	sor.u32 $0x1C20, s19  }
0x10e: {  	v0 =	vld [tilespmem:s21+$0x2100]  }
0x10f: {  	v58 =	vld [tilespmem:s21+$0xA100];
	_ =	sdelay $0x4  }
0x110: {  	v0 =	vmul.f32 v0, v3;
	v1 =	vmul.f32 v58, v4;
	_ =	sdelay $0x1  }
0x111: {  	v0 =	vadd.f32 v1, v0;
	_ =	sdelay $0x1  }
0x112: {  	[tilespmem:s21+$0x2100] =	vst v0;
	s21 =	sor.u32 $0x1C30, s19  }
0x113: {  	v0 =	vld [tilespmem:s21+$0x2100]  }
0x114: {  	v59 =	vld [tilespmem:s21+$0xA100];
	_ =	sdelay $0x4  }
0x115: {  	v0 =	vmul.f32 v0, v3;
	v1 =	vmul.f32 v59, v4;
	_ =	sdelay $0x1  }
0x116: {  	v0 =	vadd.f32 v1, v0;
	_ =	sdelay $0x1  }
0x117: {  	[tilespmem:s21+$0x2100] =	vst v0;
	s21 =	sor.u32 $0x1C40, s19  }
0x118: {  	v0 =	vld [tilespmem:s21+$0x2100]  }
0x119: {  	v60 =	vld [tilespmem:s21+$0xA100];
	_ =	sdelay $0x4  }
0x11a: {  	v0 =	vmul.f32 v0, v3;
	v1 =	vmul.f32 v60, v4;
	_ =	sdelay $0x1  }
0x11b: {  	v0 =	vadd.f32 v1, v0;
	_ =	sdelay $0x1  }
0x11c: {  	[tilespmem:s21+$0x2100] =	vst v0;
	s21 =	sor.u32 $0x1C50, s19  }
0x11d: {  	v0 =	vld [tilespmem:s21+$0x2100]  }
0x11e: {  	v61 =	vld [tilespmem:s21+$0xA100];
	_ =	sdelay $0x4  }
0x11f: {  	v0 =	vmul.f32 v0, v3;
	v1 =	vmul.f32 v61, v4;
	_ =	sdelay $0x1  }
0x120: {  	v0 =	vadd.f32 v1, v0;
	_ =	sdelay $0x1  }
0x121: {  	[tilespmem:s21+$0x2100] =	vst v0;
	s21 =	sor.u32 $0x1C60, s19  }
0x122: {  	v0 =	vld [tilespmem:s21+$0x2100]  }
0x123: {  	v62 =	vld [tilespmem:s21+$0xA100];
	_ =	sdelay $0x4  }
0x124: {  	v0 =	vmul.f32 v0, v3;
	v1 =	vmul.f32 v62, v4;
	_ =	sdelay $0x1  }
0x125: {  	v0 =	vadd.f32 v1, v0;
	_ =	sdelay $0x1  }
0x126: {  	[tilespmem:s21+$0x2100] =	vst v0;
	s21 =	sor.u32 $0x1C70, s19  }
0x127: {  	v0 =	vld [tilespmem:s21+$0x2100]  }
0x128: {  	v63 =	vld [tilespmem:s21+$0xA100];
	_ =	sdelay $0x3  }
0x129: {  	p0 =	sne.s32 s6, $0xF80  }
.Ltmp0:
0x12a: {  	v0 =	vmul.f32 v0, v3;
	v1 =	vmul.f32 v63, v4;
	(pc) =	sbr.rel @p0 .LBB2_2-.Ltmp0, $4  }
0x12b: {  	_ = 	snop  }
0x12c: {  	v0 =	vadd.f32 v1, v0  }
0x12d: {  	s17 =	sadd.s32 $0x1, s17;
	s16 =	sadd.s32 $0x80, s16  }
0x12e: {  	s4 =	sadd.s32 $0x80, s4;
	s6 =	sadd.s32 $0x80, s6;
	s5 =	sadd.s32 $0x400, s5;
	[tilespmem:s21+$0x2100] =	vst v0  }
0x12f: {  	s16 =	simm.s32 $0x0;
	s4 =	rddreg [dreg:$0x7]  }
0x130: {  	[hbm4b:s4+s16] =	stream.linear.scatter [tilespmem:s20], [sflag:$0x3], $0x8000, $0x38;
	[tilespmem:$0x12100] =	vst v63  }
0x131: {  	_ =	swait.ge [sflag:s18], $0x8000  }
0x132: {  	[sflag:s18] =	ssyncset.done $0x0  }
0x133: {  	s19 =	rddreg [dreg:$0x8];
	[sflag:s18] =	ssyncadd.s32 $0xFFFF8000  }
0x134: {  	[tilespmem:s16], [sflag:$0x3] =	stream.linear.gather [hbm4b:s19+s16], $0x20, $0x38;
	[tilespmem:$0x12100] =	vst v63  }
0x135: {  	_ =	swait.ge [sflag:s18], $0x20  }
0x136: {  	[sflag:s18] =	ssyncset.done $0x0  }
0x137: {  	s5 =	simm.s32 $0x80;
	s21 =	rddreg [dreg:$0x9];
	[sflag:s18] =	ssyncadd.s32 $0xFFFFFFE0  }
0x138: {  	[tilespmem:s5], [sflag:$0x3] =	stream.linear.gather [hbm4b:s21+s16], $0x20, $0x38;
	[tilespmem:$0x12100] =	vst v63  }
0x139: {  	_ =	swait.ge [sflag:s18], $0x20  }
0x13a: {  	[sflag:s18] =	ssyncset.done $0x0  }
0x13b: {  	s4 =	simm.s32 $0x100;
	s6 =	rddreg [dreg:$0xa];
	[sflag:s18] =	ssyncadd.s32 $0xFFFFFFE0  }
0x13c: {  	[tilespmem:s4], [sflag:$0x3] =	stream.linear.gather [hbm4b:s6+s16], $0x1000, $0x38;
	[tilespmem:$0x12100] =	vst v63  }
0x13d: {  	_ =	swait.ge [sflag:s18], $0x1000  }
0x13e: {  	[sflag:s18] =	ssyncset.done $0x0  }
0x13f: {  	s17 =	simm.s32 $0x1100;
	s7 =	rddreg [dreg:$0xb];
	[sflag:s18] =	ssyncadd.s32 $0xFFFFF000  }
0x140: {  	[tilespmem:s17], [sflag:$0x3] =	stream.linear.gather [hbm4b:s7+s16], $0x1000, $0x38;
	[tilespmem:$0x12100] =	vst v63  }
0x141: {  	_ =	swait.ge [sflag:s18], $0x1000  }
0x142: {  	[sflag:s18] =	ssyncset.done $0x0  }
0x143: {  	[sflag:s18] =	ssyncadd.s32 $0xFFFFF000  }
0x144: {  	v0 =	vld [tilespmem:$0x0];
	_ =	sdelay $0x2  }
0x145: {  	v2 =	vld [tilespmem:$0x1FFD0];
	_ =	sdelay $0x1  }
0x146: {  	v3 =	vld [tilespmem:$0x1FFE0];
	v1 =	vshll.u32 v0, $0x3  }
0x147: {  	v0 =	vand.u32 $0x7, v0;
	v1 =	vand.u32 $0xFFFFFFC0, v1  }
0x148: {  	v0 =	vor.u32 v0, v1  }
0x149: {  	v1 =	vperm.xlane v0, v2;
	_ =	sdelay $0x1  }
0x14a: {  	v1 =	vadd.s32 v3, v1  }
0x14b: {  	v4 =	vld [tilespmem:$0x1FFF0];
	_ =	sdelay $0x3  }
0x14c: {  	[tilespmem:s20], [sflag:$0x1] =	stream.indirect_vreg.gather [hbm4b:s3+s16], $0x80, v1, vm0, $0xb8;
	[tilespmem:$0x12100] =	vst v63  }
0x14d: {  	s19 =	simm.s32 $0x2900;
	v0 =	vperm.xlane v0, v4  }
0x14e: {  	[tilespmem:s19], [sflag:$0x1] =	stream.indirect_vreg.gather [hbm4b:s8+s16], $0x80, v1, vm0, $0xb8;
	[tilespmem:$0x12100] =	vst v63  }
0x14f: {  	s21 =	simm.s32 $0x3100;
	v0 =	vadd.s32 v3, v0  }
0x150: {  	[tilespmem:s21], [sflag:$0x1] =	stream.indirect_vreg.gather [hbm4b:s9+s16], $0x80, v1, vm0, $0xb8;
	[tilespmem:$0x12100] =	vst v63  }
0x151: {  	s6 =	simm.s32 $0x3900  }
0x152: {  	[tilespmem:s6], [sflag:$0x1] =	stream.indirect_vreg.gather [hbm4b:s10+s16], $0x80, v1, vm0, $0xb8;
	[tilespmem:$0x12100] =	vst v63  }
0x153: {  	s7 =	simm.s32 $0x4100  }
0x154: {  	[tilespmem:s7], [sflag:$0x1] =	stream.indirect_vreg.gather [hbm4b:s3+s16], $0x80, v0, vm0, $0xb8;
	[tilespmem:$0x12100] =	vst v63  }
0x155: {  	s19 =	simm.s32 $0x4900  }
0x156: {  	[tilespmem:s19], [sflag:$0x1] =	stream.indirect_vreg.gather [hbm4b:s8+s16], $0x80, v0, vm0, $0xb8;
	[tilespmem:$0x12100] =	vst v63  }
0x157: {  	s21 =	simm.s32 $0x5100  }
0x158: {  	[tilespmem:s21], [sflag:$0x1] =	stream.indirect_vreg.gather [hbm4b:s9+s16], $0x80, v0, vm0, $0xb8;
	[tilespmem:$0x12100] =	vst v63  }
0x159: {  	s6 =	simm.s32 $0x5900  }
0x15a: {  	[tilespmem:s6], [sflag:$0x1] =	stream.indirect_vreg.gather [hbm4b:s10+s16], $0x80, v0, vm0, $0xb8;
	[tilespmem:$0x12100] =	vst v63  }
0x15b: {  	v0 =	vld [tilespmem:$0x10];
	_ =	sdelay $0x4  }
0x15c: {  	v61 =	vshll.u32 v0, $0x3  }
0x15d: {  	v0 =	vand.u32 $0x7, v0;
	v1 =	vand.u32 $0xFFFFFFC0, v61  }
0x15e: {  	v0 =	vor.u32 v0, v1  }
0x15f: {  	v1 =	vperm.xlane v0, v2;
	_ =	sdelay $0x1  }
0x160: {  	v1 =	vadd.s32 v3, v1;
	_ =	sdelay $0x3  }
0x161: {  	s7 =	simm.s32 $0x6100  }
0x162: {  	[tilespmem:s7], [sflag:$0x1] =	stream.indirect_vreg.gather [hbm4b:s3+s16], $0x80, v1, vm0, $0xb8;
	[tilespmem:$0x12100] =	vst v63  }
0x163: {  	s19 =	simm.s32 $0x6900;
	v0 =	vperm.xlane v0, v4  }
0x164: {  	[tilespmem:s19], [sflag:$0x1] =	stream.indirect_vreg.gather [hbm4b:s8+s16], $0x80, v1, vm0, $0xb8;
	[tilespmem:$0x12100] =	vst v63  }
0x165: {  	s21 =	simm.s32 $0x7100;
	v0 =	vadd.s32 v3, v0  }
0x166: {  	[tilespmem:s21], [sflag:$0x1] =	stream.indirect_vreg.gather [hbm4b:s9+s16], $0x80, v1, vm0, $0xb8;
	[tilespmem:$0x12100] =	vst v63  }
0x167: {  	s6 =	simm.s32 $0x7900  }
0x168: {  	[tilespmem:s6], [sflag:$0x1] =	stream.indirect_vreg.gather [hbm4b:s10+s16], $0x80, v1, vm0, $0xb8;
	[tilespmem:$0x12100] =	vst v63  }
0x169: {  	s7 =	simm.s32 $0x8100  }
0x16a: {  	[tilespmem:s7], [sflag:$0x1] =	stream.indirect_vreg.gather [hbm4b:s3+s16], $0x80, v0, vm0, $0xb8;
	[tilespmem:$0x12100] =	vst v63  }
0x16b: {  	s19 =	simm.s32 $0x8900  }
0x16c: {  	[tilespmem:s19], [sflag:$0x1] =	stream.indirect_vreg.gather [hbm4b:s8+s16], $0x80, v0, vm0, $0xb8;
	[tilespmem:$0x12100] =	vst v63  }
0x16d: {  	s21 =	simm.s32 $0x9100  }
0x16e: {  	[tilespmem:s21], [sflag:$0x1] =	stream.indirect_vreg.gather [hbm4b:s9+s16], $0x80, v0, vm0, $0xb8;
	[tilespmem:$0x12100] =	vst v63  }
0x16f: {  	s6 =	simm.s32 $0x9900  }
0x170: {  	[tilespmem:s6], [sflag:$0x1] =	stream.indirect_vreg.gather [hbm4b:s10+s16], $0x80, v0, vm0, $0xb8;
	[tilespmem:$0x12100] =	vst v63  }
0x171: {  	v0 =	vld [tilespmem:$0x80];
	_ =	sdelay $0x4  }
0x172: {  	v62 =	vshll.u32 v0, $0x3  }
0x173: {  	v0 =	vand.u32 $0x7, v0;
	v1 =	vand.u32 $0xFFFFFFC0, v62  }
0x174: {  	v0 =	vor.u32 v0, v1  }
0x175: {  	v1 =	vperm.xlane v0, v2;
	_ =	sdelay $0x1  }
0x176: {  	v1 =	vadd.s32 v3, v1;
	_ =	sdelay $0x3  }
0x177: {  	s7 =	simm.s32 $0xA100  }
0x178: {  	[tilespmem:s7], [sflag:$0x2] =	stream.indirect_vreg.gather [hbm4b:s3+s16], $0x80, v1, vm0, $0xb8;
	[tilespmem:$0x12100] =	vst v63  }
0x179: {  	s19 =	simm.s32 $0xA900;
	v0 =	vperm.xlane v0, v4  }
0x17a: {  	[tilespmem:s19], [sflag:$0x2] =	stream.indirect_vreg.gather [hbm4b:s8+s16], $0x80, v1, vm0, $0xb8;
	[tilespmem:$0x12100] =	vst v63  }
0x17b: {  	s21 =	simm.s32 $0xB100;
	v0 =	vadd.s32 v3, v0  }
0x17c: {  	[tilespmem:s21], [sflag:$0x2] =	stream.indirect_vreg.gather [hbm4b:s9+s16], $0x80, v1, vm0, $0xb8;
	[tilespmem:$0x12100] =	vst v63  }
0x17d: {  	_ = 	snop  }
0x17e: {  	[tilespmem:s22], [sflag:$0x2] =	stream.indirect_vreg.gather [hbm4b:s10+s16], $0x80, v1, vm0, $0xb8;
	[tilespmem:$0x12100] =	vst v63  }
0x17f: {  	_ = 	snop  }
0x180: {  	[tilespmem:s23], [sflag:$0x2] =	stream.indirect_vreg.gather [hbm4b:s3+s16], $0x80, v0, vm0, $0xb8;
	[tilespmem:$0x12100] =	vst v63  }
0x181: {  	_ = 	snop  }
0x182: {  	[tilespmem:s11], [sflag:$0x2] =	stream.indirect_vreg.gather [hbm4b:s8+s16], $0x80, v0, vm0, $0xb8;
	[tilespmem:$0x12100] =	vst v63  }
0x183: {  	_ = 	snop  }
0x184: {  	[tilespmem:s24], [sflag:$0x2] =	stream.indirect_vreg.gather [hbm4b:s9+s16], $0x80, v0, vm0, $0xb8;
	[tilespmem:$0x12100] =	vst v63  }
0x185: {  	_ = 	snop  }
0x186: {  	[tilespmem:s12], [sflag:$0x2] =	stream.indirect_vreg.gather [hbm4b:s10+s16], $0x80, v0, vm0, $0xb8;
	[tilespmem:$0x12100] =	vst v63  }
0x187: {  	v0 =	vld [tilespmem:$0x90];
	_ =	sdelay $0x4  }
0x188: {  	v63 =	vshll.u32 v0, $0x3  }
0x189: {  	v0 =	vand.u32 $0x7, v0;
	v1 =	vand.u32 $0xFFFFFFC0, v63  }
0x18a: {  	v0 =	vor.u32 v0, v1  }
0x18b: {  	v1 =	vperm.xlane v0, v2;
	_ =	sdelay $0x1  }
0x18c: {  	v1 =	vadd.s32 v3, v1;
	_ =	sdelay $0x4  }
0x18d: {  	[tilespmem:s25], [sflag:$0x2] =	stream.indirect_vreg.gather [hbm4b:s3+s16], $0x80, v1, vm0, $0xb8;
	[tilespmem:$0x12100] =	vst v63  }
0x18e: {  	v0 =	vperm.xlane v0, v4  }
0x18f: {  	[tilespmem:s26], [sflag:$0x2] =	stream.indirect_vreg.gather [hbm4b:s8+s16], $0x80, v1, vm0, $0xb8;
	[tilespmem:$0x12100] =	vst v63  }
0x190: {  	v0 =	vadd.s32 v3, v0  }
0x191: {  	[tilespmem:s13], [sflag:$0x2] =	stream.indirect_vreg.gather [hbm4b:s9+s16], $0x80, v1, vm0, $0xb8;
	[tilespmem:$0x12100] =	vst v63  }
0x192: {  	_ = 	snop  }
0x193: {  	[tilespmem:s28], [sflag:$0x2] =	stream.indirect_vreg.gather [hbm4b:s10+s16], $0x80, v1, vm0, $0xb8;
	[tilespmem:$0x12100] =	vst v63  }
0x194: {  	_ = 	snop  }
0x195: {  	[tilespmem:s29], [sflag:$0x2] =	stream.indirect_vreg.gather [hbm4b:s3+s16], $0x80, v0, vm0, $0xb8;
	[tilespmem:$0x12100] =	vst v63  }
0x196: {  	_ = 	snop  }
0x197: {  	[tilespmem:s30], [sflag:$0x2] =	stream.indirect_vreg.gather [hbm4b:s8+s16], $0x80, v0, vm0, $0xb8;
	[tilespmem:$0x12100] =	vst v63  }
0x198: {  	_ = 	snop  }
0x199: {  	[tilespmem:s14], [sflag:$0x2] =	stream.indirect_vreg.gather [hbm4b:s9+s16], $0x80, v0, vm0, $0xb8;
	[tilespmem:$0x12100] =	vst v63  }
0x19a: {  	_ = 	snop  }
0x19b: {  	[tilespmem:s31], [sflag:$0x2] =	stream.indirect_vreg.gather [hbm4b:s10+s16], $0x80, v0, vm0, $0xb8;
	[tilespmem:$0x12100] =	vst v63  }
0x19c: {  	_ =	swait.ge [sflag:s15], $0x8000  }
0x19d: {  	[sflag:s15] =	ssyncset.done $0x0  }
0x19e: {  	[sflag:s15] =	ssyncadd.s32 $0xFFFF8000  }
0x19f: {  	_ =	swait.ge [sflag:s0], $0x8000  }
0x1a0: {  	[sflag:s0] =	ssyncset.done $0x0  }
0x1a1: {  	s5 =	simm.s32 $0x0;
	s6 =	simm.s32 $0x0;
	[sflag:s0] =	ssyncadd.s32 $0xFFFF8000  }
.LBB2_4:
0x1a2: {  	v3 =	vld [tilespmem:s4+$0x0];
	s7 =	sand.u32 $0x6000, s5;
	s19 =	sand.u32 $0x380, s6  }
0x1a3: {  	v4 =	vld [tilespmem:s17+$0x0];
	s7 =	sor.u32 s19, s7  }
0x1a4: {  	v0 =	vld [tilespmem:s7+$0x2100]  }
0x1a5: {  	v1 =	vld [tilespmem:s7+$0xA100]  }
0x1a6: {  	v2 =	vld [tilespmem:s7+$0x2110]  }
0x1a7: {  	v6 =	vld [tilespmem:s7+$0xA110]  }
0x1a8: {  	v10 =	vld [tilespmem:s7+$0x2120]  }
0x1a9: {  	v11 =	vld [tilespmem:s7+$0xA120]  }
0x1aa: {  	v14 =	vld [tilespmem:s7+$0x2130]  }
0x1ab: {  	v17 =	vld [tilespmem:s7+$0xA130]  }
0x1ac: {  	v20 =	vld [tilespmem:s7+$0x2140]  }
0x1ad: {  	v21 =	vld [tilespmem:s7+$0xA140]  }
0x1ae: {  	v26 =	vld [tilespmem:s7+$0x2150]  }
0x1af: {  	v27 =	vld [tilespmem:s7+$0xA150]  }
0x1b0: {  	v28 =	vld [tilespmem:s7+$0x2160]  }
0x1b1: {  	v29 =	vld [tilespmem:s7+$0xA160]  }
0x1b2: {  	v30 =	vld [tilespmem:s7+$0x2170]  }
0x1b3: {  	v31 =	vld [tilespmem:s7+$0xA170]  }
0x1b4: {  	v32 =	vld [tilespmem:s7+$0x2500]  }
0x1b5: {  	v33 =	vld [tilespmem:s7+$0xA500]  }
0x1b6: {  	v34 =	vld [tilespmem:s7+$0x2510]  }
0x1b7: {  	v35 =	vld [tilespmem:s7+$0xA510]  }
0x1b8: {  	v36 =	vld [tilespmem:s7+$0x2520]  }
0x1b9: {  	v37 =	vld [tilespmem:s7+$0xA520]  }
0x1ba: {  	v38 =	vld [tilespmem:s7+$0x2530]  }
0x1bb: {  	v39 =	vld [tilespmem:s7+$0xA530]  }
0x1bc: {  	v40 =	vld [tilespmem:s7+$0x2540]  }
0x1bd: {  	v41 =	vld [tilespmem:s7+$0xA540]  }
0x1be: {  	v42 =	vld [tilespmem:s7+$0x2550]  }
0x1bf: {  	v43 =	vld [tilespmem:s7+$0xA550]  }
0x1c0: {  	v44 =	vld [tilespmem:s7+$0x2560]  }
0x1c1: {  	v45 =	vld [tilespmem:s7+$0xA560]  }
0x1c2: {  	v46 =	vld [tilespmem:s7+$0x2570]  }
0x1c3: {  	v47 =	vld [tilespmem:s7+$0xA570]  }
0x1c4: {  	v48 =	vld [tilespmem:s7+$0x2900]  }
0x1c5: {  	v49 =	vld [tilespmem:s7+$0xA900]  }
0x1c6: {  	v50 =	vld [tilespmem:s7+$0x2910]  }
0x1c7: {  	v51 =	vld [tilespmem:s7+$0xA910]  }
0x1c8: {  	v52 =	vld [tilespmem:s7+$0x2920]  }
0x1c9: {  	v53 =	vld [tilespmem:s7+$0xA920]  }
0x1ca: {  	v54 =	vld [tilespmem:s7+$0x2930]  }
0x1cb: {  	v55 =	vld [tilespmem:s7+$0xA930]  }
0x1cc: {  	v56 =	vld [tilespmem:s7+$0x2940]  }
0x1cd: {  	v57 =	vld [tilespmem:s7+$0xA940]  }
0x1ce: {  	v58 =	vld [tilespmem:s7+$0x2950]  }
0x1cf: {  	v59 =	vld [tilespmem:s7+$0xA950]  }
0x1d0: {  	v60 =	vld [tilespmem:s7+$0x2960]  }
0x1d1: {  	v61 =	vld [tilespmem:s7+$0xA960]  }
0x1d2: {  	v62 =	vld [tilespmem:s7+$0x2970]  }
0x1d3: {  	v63 =	vld [tilespmem:s7+$0xA970]  }
0x1d4: {  	v24 =	vld [tilespmem:s7+$0x2D00]  }
0x1d5: {  	v25 =	vld [tilespmem:s7+$0xAD00]  }
0x1d6: {  	v22 =	vld [tilespmem:s7+$0x2D10]  }
0x1d7: {  	v23 =	vld [tilespmem:s7+$0xAD10]  }
0x1d8: {  	v18 =	vld [tilespmem:s7+$0x2D20]  }
0x1d9: {  	v19 =	vld [tilespmem:s7+$0xAD20]  }
0x1da: {  	v15 =	vld [tilespmem:s7+$0x2D30]  }
0x1db: {  	v16 =	vld [tilespmem:s7+$0xAD30]  }
0x1dc: {  	v5 =	vld [tilespmem:s7+$0x2D60]  }
0x1dd: {  	v12 =	vld [tilespmem:s7+$0x2D40]  }
0x1de: {  	v13 =	vld [tilespmem:s7+$0xAD40]  }
0x1df: {  	v8 =	vld [tilespmem:s7+$0x2D50]  }
0x1e0: {  	v9 =	vld [tilespmem:s7+$0xAD50];
	v0 =	vmul.f32 v0, v3;
	v1 =	vmul.f32 v1, v4  }
0x1e1: {  	v7 =	vld [tilespmem:s7+$0xAD60];
	[tilespmem:$0x1FFA0] =	vst v5;
	v5 =	vmul.f32 v2, v3;
	v2 =	vmul.f32 v6, v4  }
0x1e2: {  	v6 =	vld [tilespmem:s7+$0x2D70];
	v17 =	vmul.f32 v17, v4;
	v0 =	vadd.f32 v1, v0  }
0x1e3: {  	v1 =	vmul.f32 v10, v3;
	v10 =	vld [tilespmem:s7+$0xAD70];
	v5 =	vadd.f32 v2, v5;
	v2 =	vmul.f32 v14, v3  }
0x1e4: {  	v11 =	vmul.f32 v11, v4;
	v14 =	vld [tilespmem:s7+$0xB100]  }
0x1e5: {  	v26 =	vmul.f32 v26, v3;
	v2 =	vadd.f32 v17, v2;
	v17 =	vld [tilespmem:s7+$0x3110]  }
0x1e6: {  	[tilespmem:s7+$0x2100] =	vst v0;
	v0 =	vadd.f32 v11, v1;
	v1 =	vmul.f32 v20, v3;
	v11 =	vmul.f32 v21, v4;
	v20 =	vld [tilespmem:s7+$0xB110]  }
0x1e7: {  	v27 =	vmul.f32 v27, v4;
	v30 =	vmul.f32 v30, v3;
	v21 =	vld [tilespmem:s7+$0x3120];
	[tilespmem:$0x1FFB0] =	vst v6  }
0x1e8: {  	v31 =	vmul.f32 v31, v4;
	v33 =	vmul.f32 v33, v4;
	v6 =	vld [tilespmem:s7+$0x3100];
	[tilespmem:s7+$0x2120] =	vst v0;
	v0 =	vadd.f32 v11, v1  }
0x1e9: {  	v1 =	vmul.f32 v28, v3;
	v11 =	vmul.f32 v29, v4;
	[tilespmem:s7+$0x2130] =	vst v2;
	v2 =	vadd.f32 v27, v26;
	v26 =	vld [tilespmem:s7+$0xB120]  }
0x1ea: {  	v42 =	vmul.f32 v42, v3;
	[tilespmem:s7+$0x2110] =	vst v5;
	v5 =	vmul.f32 v34, v3;
	v28 =	vld [tilespmem:s7+$0x3130]  }
0x1eb: {  	v34 =	vmul.f32 v37, v4;
	v29 =	vld [tilespmem:s7+$0xB130];
	[tilespmem:s7+$0x2140] =	vst v0;
	v0 =	vadd.f32 v11, v1;
	v1 =	vmul.f32 v32, v3  }
0x1ec: {  	v37 =	vmul.f32 v39, v4;
	[tilespmem:s7+$0x2150] =	vst v2;
	v2 =	vadd.f32 v31, v30;
	v32 =	vmul.f32 v35, v4;
	v30 =	vld [tilespmem:s7+$0x3140]  }
0x1ed: {  	v31 =	vld [tilespmem:s7+$0xB140];
	[tilespmem:s7+$0x2160] =	vst v0;
	v0 =	vadd.f32 v33, v1;
	v33 =	vmul.f32 v36, v3;
	v36 =	vmul.f32 v38, v3  }
0x1ee: {  	v39 =	vmul.f32 v40, v3;
	v40 =	vmul.f32 v41, v4;
	v11 =	vld [tilespmem:s7+$0xB550];
	[tilespmem:s7+$0x2170] =	vst v2;
	v35 =	vadd.f32 v32, v5  }
0x1ef: {  	v56 =	vmul.f32 v56, v3;
	v32 =	vld [tilespmem:s7+$0x3150];
	[tilespmem:s7+$0x2500] =	vst v0;
	v38 =	vadd.f32 v34, v33;
	v41 =	vadd.f32 v37, v36  }
0x1f0: {  	[tilespmem:s7+$0x2510] =	vst v35;
	v36 =	vmul.f32 v43, v4;
	v37 =	vadd.f32 v40, v39;
	v39 =	vmul.f32 v45, v4;
	v33 =	vld [tilespmem:s7+$0xB150]  }
0x1f1: {  	v34 =	vld [tilespmem:s7+$0x3160];
	v45 =	vmul.f32 v49, v4;
	[tilespmem:s7+$0x2520] =	vst v38;
	v38 =	vmul.f32 v44, v3  }
0x1f2: {  	v35 =	vld [tilespmem:s7+$0xB160];
	[tilespmem:s7+$0x2530] =	vst v41;
	v40 =	vadd.f32 v36, v42;
	v41 =	vmul.f32 v46, v3;
	v42 =	vmul.f32 v47, v4  }
0x1f3: {  	[tilespmem:s7+$0x2540] =	vst v37;
	v44 =	vmul.f32 v48, v3;
	v47 =	vmul.f32 v50, v3;
	v36 =	vld [tilespmem:s7+$0x3170];
	v43 =	vadd.f32 v39, v38  }
0x1f4: {  	v48 =	vmul.f32 v51, v4;
	v50 =	vmul.f32 v52, v3;
	v37 =	vld [tilespmem:s7+$0xB170];
	[tilespmem:s7+$0x2550] =	vst v40;
	v46 =	vadd.f32 v42, v41  }
0x1f5: {  	v51 =	vmul.f32 v53, v4;
	v53 =	vmul.f32 v54, v3;
	v49 =	vadd.f32 v45, v44;
	v38 =	vld [tilespmem:s7+$0x3500];
	[tilespmem:s7+$0x2560] =	vst v43  }
0x1f6: {  	v54 =	vmul.f32 v55, v4;
	v52 =	vadd.f32 v48, v47;
	v44 =	vmul.f32 v57, v4;
	v39 =	vld [tilespmem:s7+$0xB500];
	[tilespmem:s7+$0x2570] =	vst v46  }
0x1f7: {  	v55 =	vadd.f32 v51, v50;
	v47 =	vmul.f32 v59, v4;
	v40 =	vld [tilespmem:s7+$0x3510];
	v50 =	vmul.f32 v61, v4;
	[tilespmem:s7+$0x2900] =	vst v49  }
0x1f8: {  	v45 =	vadd.f32 v54, v53;
	v41 =	vld [tilespmem:s7+$0xB510];
	v53 =	vmul.f32 v63, v4;
	[tilespmem:s7+$0x2910] =	vst v52;
	v46 =	vmul.f32 v58, v3  }
0x1f9: {  	v42 =	vld [tilespmem:s7+$0x3520];
	v59 =	vmul.f32 v23, v4;
	[tilespmem:s7+$0x2920] =	vst v55;
	v48 =	vadd.f32 v44, v56;
	v49 =	vmul.f32 v60, v3  }
0x1fa: {  	v23 =	vld [tilespmem:s7+$0x3530];
	v61 =	vmul.f32 v18, v3;
	[tilespmem:s7+$0x2930] =	vst v45;
	v52 =	vmul.f32 v62, v3;
	v51 =	vadd.f32 v47, v46  }
0x1fb: {  	v18 =	vld [tilespmem:s7+$0xB530];
	v55 =	vmul.f32 v24, v3;
	v56 =	vmul.f32 v25, v4;
	[tilespmem:s7+$0x2940] =	vst v48;
	v54 =	vadd.f32 v50, v49  }
0x1fc: {  	v24 =	vld [tilespmem:s7+$0xB520];
	v58 =	vmul.f32 v22, v3;
	v62 =	vmul.f32 v19, v4;
	v57 =	vadd.f32 v53, v52;
	[tilespmem:s7+$0x2950] =	vst v51  }
0x1fd: {  	v22 =	vmul.f32 v15, v3;
	v25 =	vmul.f32 v16, v4;
	v16 =	vld [tilespmem:s7+$0x3540];
	v60 =	vadd.f32 v56, v55;
	[tilespmem:s7+$0x2960] =	vst v54  }
0x1fe: {  	v43 =	vmul.f32 v12, v3;
	v44 =	vmul.f32 v13, v4;
	v12 =	vld [tilespmem:s7+$0xB540];
	v63 =	vadd.f32 v59, v58;
	[tilespmem:s7+$0x2970] =	vst v57  }
0x1ff: {  	v13 =	vld [tilespmem:s7+$0x3570];
	v27 =	vadd.f32 v62, v61;
	v46 =	vmul.f32 v8, v3;
	v47 =	vmul.f32 v9, v4;
	[tilespmem:s7+$0x2D00] =	vst v60  }
0x200: {  	v15 =	vld [tilespmem:s7+$0x3900];
	v45 =	vadd.f32 v25, v22;
	v55 =	vmul.f32 v14, v4;
	v58 =	vmul.f32 v20, v4;
	[tilespmem:s7+$0x2D10] =	vst v63  }
0x201: {  	v19 =	vld [tilespmem:s7+$0x3910];
	v48 =	vadd.f32 v44, v43;
	v22 =	vmul.f32 v30, v3;
	v25 =	vmul.f32 v31, v4;
	[tilespmem:s7+$0x2D20] =	vst v27  }
0x202: {  	v9 =	vld [tilespmem:s7+$0x3550];
	v30 =	vmul.f32 v34, v3;
	v31 =	vmul.f32 v35, v4;
	[tilespmem:s7+$0x2D30] =	vst v45;
	v50 =	vadd.f32 v47, v46  }
0x203: {  	v49 =	vld [tilespmem:$0x1FFA0];
	v20 =	vmul.f32 v29, v4;
	[tilespmem:s7+$0x2D40] =	vst v48;
	v54 =	vmul.f32 v6, v3;
	v29 =	vadd.f32 v25, v22  }
0x204: {  	v52 =	vmul.f32 v10, v4;
	v10 =	vld [tilespmem:s7+$0x3560];
	v57 =	vmul.f32 v17, v3;
	v35 =	vadd.f32 v31, v30;
	[tilespmem:s7+$0x2D50] =	vst v50  }
0x205: {  	v61 =	vmul.f32 v26, v4;
	v14 =	vld [tilespmem:s7+$0xB570];
	v60 =	vmul.f32 v21, v3;
	v59 =	vadd.f32 v55, v54;
	[tilespmem:s7+$0x3140] =	vst v29  }
0x206: {  	v7 =	vmul.f32 v7, v4;
	v44 =	vld [tilespmem:s7+$0x3930];
	v63 =	vmul.f32 v28, v3;
	v62 =	vadd.f32 v58, v57;
	[tilespmem:s7+$0x3160] =	vst v35  }
0x207: {  	v51 =	vld [tilespmem:$0x1FFB0];
	v27 =	vmul.f32 v32, v3;
	v28 =	vmul.f32 v33, v4;
	v21 =	vadd.f32 v61, v60;
	[tilespmem:s7+$0x3100] =	vst v59  }
0x208: {  	v34 =	vmul.f32 v37, v4;
	v17 =	vld [tilespmem:s7+$0xB900];
	v33 =	vmul.f32 v36, v3;
	v26 =	vadd.f32 v20, v63;
	[tilespmem:s7+$0x3110] =	vst v62  }
0x209: {  	v37 =	vmul.f32 v39, v4;
	v36 =	vmul.f32 v38, v3;
	v38 =	vld [tilespmem:s7+$0xB920];
	v32 =	vadd.f32 v28, v27;
	[tilespmem:s7+$0x3120] =	vst v21  }
0x20a: {  	v40 =	vmul.f32 v40, v3;
	v43 =	vmul.f32 v41, v4;
	v48 =	vld [tilespmem:s7+$0xB930];
	v39 =	vadd.f32 v34, v33;
	[tilespmem:s7+$0x3130] =	vst v26  }
0x20b: {  	v31 =	vld [tilespmem:s7+$0x3970];
	v45 =	vadd.f32 v37, v36;
	v50 =	vmul.f32 v23, v3;
	v1 =	vmul.f32 v49, v3;
	[tilespmem:s7+$0x3150] =	vst v32  }
0x20c: {  	v20 =	vld [tilespmem:s7+$0xB910];
	v23 =	vmul.f32 v13, v3;
	v49 =	vadd.f32 v43, v40;
	[tilespmem:s7+$0x3170] =	vst v39;
	v26 =	vmul.f32 v14, v4  }
0x20d: {  	v46 =	vmul.f32 v42, v3;
	v55 =	vld [tilespmem:s7+$0x3950];
	[tilespmem:s7+$0x3500] =	vst v45;
	v5 =	vmul.f32 v51, v3;
	v53 =	vadd.f32 v7, v1  }
0x20e: {  	v47 =	vmul.f32 v24, v4;
	v58 =	vmul.f32 v11, v4;
	v63 =	vld [tilespmem:s7+$0x3960];
	[tilespmem:s7+$0x3510] =	vst v49;
	v32 =	vadd.f32 v26, v23  }
0x20f: {  	v27 =	vld [tilespmem:s7+$0xB960];
	v29 =	vmul.f32 v15, v3;
	v57 =	vmul.f32 v9, v3;
	v56 =	vadd.f32 v52, v5;
	[tilespmem:s7+$0x2D60] =	vst v53  }
0x210: {  	v35 =	vld [tilespmem:s7+$0xB970];
	v41 =	vmul.f32 v44, v3;
	v30 =	vmul.f32 v17, v4;
	v52 =	vadd.f32 v47, v46;
	[tilespmem:s7+$0x3570] =	vst v32  }
0x211: {  	v21 =	vld [tilespmem:s7+$0x3920];
	v42 =	vmul.f32 v48, v4;
	v53 =	vmul.f32 v16, v3;
	v16 =	vadd.f32 v58, v57;
	[tilespmem:s7+$0x2D70] =	vst v56  }
0x212: {  	v59 =	vld [tilespmem:s7+$0xB950];
	v51 =	vmul.f32 v18, v4;
	v36 =	vadd.f32 v30, v29;
	[tilespmem:s7+$0x3520] =	vst v52  }
0x213: {  	v54 =	vmul.f32 v12, v4;
	v39 =	vld [tilespmem:s7+$0xB940];
	v46 =	vadd.f32 v42, v41;
	[tilespmem:s7+$0x3550] =	vst v16  }
0x214: {  	v33 =	vmul.f32 v19, v3;
	v7 =	vld [tilespmem:s7+$0xB560];
	v34 =	vmul.f32 v20, v4;
	v56 =	vadd.f32 v51, v50;
	[tilespmem:s7+$0x3900] =	vst v36  }
0x215: {  	v18 =	vld [tilespmem:s7+$0x3940];
	v47 =	vmul.f32 v63, v3;
	v48 =	vmul.f32 v27, v4;
	v60 =	vadd.f32 v54, v53;
	[tilespmem:s7+$0x3930] =	vst v46  }
0x216: {  	v38 =	vmul.f32 v38, v4;
	v37 =	vmul.f32 v21, v3;
	v40 =	vadd.f32 v34, v33;
	[tilespmem:s7+$0x3530] =	vst v56  }
0x217: {  	v44 =	vmul.f32 v55, v3;
	v45 =	vmul.f32 v59, v4;
	v52 =	vadd.f32 v48, v47;
	[tilespmem:s7+$0x3540] =	vst v60  }
0x218: {  	v50 =	vmul.f32 v31, v3;
	v51 =	vmul.f32 v35, v4;
	v43 =	vadd.f32 v38, v37;
	[tilespmem:s7+$0x3910] =	vst v40  }
0x219: {  	v61 =	vmul.f32 v10, v3;
	v62 =	vmul.f32 v7, v4;
	v49 =	vadd.f32 v45, v44;
	[tilespmem:s7+$0x3960] =	vst v52  }
0x21a: {  	s21 =	sand.u32 $0x7, s16;
	v54 =	vmul.f32 v39, v4;
	v53 =	vmul.f32 v18, v3;
	v55 =	vadd.f32 v51, v50;
	[tilespmem:s7+$0x3920] =	vst v43  }
0x21b: {  	s19 =	sshll.u32 s21, $0x7;
	v28 =	vadd.f32 v62, v61;
	[tilespmem:s7+$0x3950] =	vst v49  }
0x21c: {  	s19 =	sadd.s32 s19, s5;
	v56 =	vadd.f32 v54, v53;
	[tilespmem:s7+$0x3970] =	vst v55  }
0x21d: {  	s21 =	sor.u32 $0x1C00, s19;
	[tilespmem:s7+$0x3560] =	vst v28  }
0x21e: {  	[tilespmem:s7+$0x3940] =	vst v56;
	v0 =	vld [tilespmem:s21+$0x2100]  }
0x21f: {  	v1 =	vld [tilespmem:s21+$0xA100];
	_ =	sdelay $0x4  }
0x220: {  	v0 =	vmul.f32 v0, v3;
	v1 =	vmul.f32 v1, v4;
	_ =	sdelay $0x1  }
0x221: {  	v0 =	vadd.f32 v1, v0;
	_ =	sdelay $0x1  }
0x222: {  	[tilespmem:s21+$0x2100] =	vst v0;
	s21 =	sor.u32 $0x1C10, s19  }
0x223: {  	v0 =	vld [tilespmem:s21+$0x2100]  }
0x224: {  	v57 =	vld [tilespmem:s21+$0xA100];
	_ =	sdelay $0x4  }
0x225: {  	v0 =	vmul.f32 v0, v3;
	v1 =	vmul.f32 v57, v4;
	_ =	sdelay $0x1  }
0x226: {  	v0 =	vadd.f32 v1, v0;
	_ =	sdelay $0x1  }
0x227: {  	[tilespmem:s21+$0x2100] =	vst v0;
	s21 =	sor.u32 $0x1C20, s19  }
0x228: {  	v0 =	vld [tilespmem:s21+$0x2100]  }
0x229: {  	v58 =	vld [tilespmem:s21+$0xA100];
	_ =	sdelay $0x4  }
0x22a: {  	v0 =	vmul.f32 v0, v3;
	v1 =	vmul.f32 v58, v4;
	_ =	sdelay $0x1  }
0x22b: {  	v0 =	vadd.f32 v1, v0;
	_ =	sdelay $0x1  }
0x22c: {  	[tilespmem:s21+$0x2100] =	vst v0;
	s21 =	sor.u32 $0x1C30, s19  }
0x22d: {  	v0 =	vld [tilespmem:s21+$0x2100]  }
0x22e: {  	v59 =	vld [tilespmem:s21+$0xA100];
	_ =	sdelay $0x4  }
0x22f: {  	v0 =	vmul.f32 v0, v3;
	v1 =	vmul.f32 v59, v4;
	_ =	sdelay $0x1  }
0x230: {  	v0 =	vadd.f32 v1, v0;
	_ =	sdelay $0x1  }
0x231: {  	[tilespmem:s21+$0x2100] =	vst v0;
	s21 =	sor.u32 $0x1C40, s19  }
0x232: {  	v0 =	vld [tilespmem:s21+$0x2100]  }
0x233: {  	v60 =	vld [tilespmem:s21+$0xA100];
	_ =	sdelay $0x4  }
0x234: {  	v0 =	vmul.f32 v0, v3;
	v1 =	vmul.f32 v60, v4;
	_ =	sdelay $0x1  }
0x235: {  	v0 =	vadd.f32 v1, v0;
	_ =	sdelay $0x1  }
0x236: {  	[tilespmem:s21+$0x2100] =	vst v0;
	s21 =	sor.u32 $0x1C50, s19  }
0x237: {  	v0 =	vld [tilespmem:s21+$0x2100]  }
0x238: {  	v61 =	vld [tilespmem:s21+$0xA100];
	_ =	sdelay $0x4  }
0x239: {  	v0 =	vmul.f32 v0, v3;
	v1 =	vmul.f32 v61, v4;
	_ =	sdelay $0x1  }
0x23a: {  	v0 =	vadd.f32 v1, v0;
	_ =	sdelay $0x1  }
0x23b: {  	[tilespmem:s21+$0x2100] =	vst v0;
	s21 =	sor.u32 $0x1C60, s19  }
0x23c: {  	v0 =	vld [tilespmem:s21+$0x2100]  }
0x23d: {  	v62 =	vld [tilespmem:s21+$0xA100];
	_ =	sdelay $0x4  }
0x23e: {  	v0 =	vmul.f32 v0, v3;
	v1 =	vmul.f32 v62, v4;
	_ =	sdelay $0x1  }
0x23f: {  	v0 =	vadd.f32 v1, v0;
	_ =	sdelay $0x1  }
0x240: {  	[tilespmem:s21+$0x2100] =	vst v0;
	s21 =	sor.u32 $0x1C70, s19  }
0x241: {  	v0 =	vld [tilespmem:s21+$0x2100]  }
0x242: {  	v63 =	vld [tilespmem:s21+$0xA100];
	_ =	sdelay $0x3  }
0x243: {  	p0 =	sne.s32 s6, $0xF80  }
.Ltmp1:
0x244: {  	v0 =	vmul.f32 v0, v3;
	v1 =	vmul.f32 v63, v4;
	(pc) =	sbr.rel @p0 .LBB2_4-.Ltmp1, $4  }
0x245: {  	_ = 	snop  }
0x246: {  	v0 =	vadd.f32 v1, v0  }
0x247: {  	s16 =	sadd.s32 $0x1, s16;
	s4 =	sadd.s32 $0x80, s4  }
0x248: {  	s17 =	sadd.s32 $0x80, s17;
	s6 =	sadd.s32 $0x80, s6;
	s5 =	sadd.s32 $0x400, s5;
	[tilespmem:s21+$0x2100] =	vst v0  }
0x249: {  	s4 =	rddreg [dreg:$0xc]  }
0x24a: {  	[hbm4b:s4+s2] =	stream.linear.scatter [tilespmem:s20], [sflag:$0x3], $0x8000, $0x38;
	[tilespmem:$0x12100] =	vst v63  }
0x24b: {  	_ =	swait.ge [sflag:s18], $0x8000  }
0x24c: {  	s1 =	sadd.s32 $0x1, s1;
	s21 =	rddreg [dreg:$0xd]  }
0x24d: {  	p0 =	sne.s32 s1, s21  }
.Ltmp2:
0x24e: {  	_ = 	snop;
	(pc) =	sbr.rel @p0 .LBB2_1-.Ltmp2, $3  }
0x24f: {  	_ =	sdelay $0x1  }
0x250: {  	[sflag:s18] =	ssyncset.done $0x0  }
0x251: {  	[sflag:s18] =	ssyncadd.s32 $0xFFFF8000  }
0x252: {  	_ =	sfence.sel $0x180000  }
0x253: {  	[bflag:$0x0] =	sbarrier.arrive $0xFFFF  }
0x254: {  	_ =	strace $0x9000004D  }
0x255: {  	s0 =	stileid.u32;
	[bflag:$0x2] =	sbarrier.arrive $0xFFFF  }
0x256: {  	p0 =	sne.s32 s0, $0x0;
	s0 =	rddreg [dreg:$0x2]  }
0x257: {  	s0 =	sadd.s32 @!p0 $0x100000, s0  }
0x258: {  	[sflag:s0] =	ssyncadd.tile.s32 @!p0 $0x1;
	_ =	shalt  }
.Lfunc_end2:
_tile_overlayer_lowered:
.L_overlay_start_2:
0x259: {  	(tag) =	ssettag $0x2  }
0x25a: {  	s0 =	rddreg [dreg:$0x0];
	s2 =	stileid.u32  }
0x25b: {  	s1 =	rddreg [dreg:$0x1];
	p0 =	sne.s32 s2, $0x0  }
0x25c: {  	s3 =	rddreg [dreg:$0x2];
	[bflag:$0x3] =	sbarrier.arrive $0xFFFF;
	s2 =	simm.s32 @!p0 $0x1C03  }
0x25d: {  	[timem:s3], [sflag:s2] =	dma.local @!p0 [hbm:s0], s1  }
0x25e: {  	s0 =	simm.s32 @!p0 $0x3  }
0x25f: {  	_ =	swait.ge @!p0 [sflag:s0], s1  }
0x260: {  	s1 =	ssub.s32 @!p0 $0x0, s1;
	[sflag:s0] =	ssyncset.done @!p0 $0x0  }
0x261: {  	[sflag:s0] =	ssyncadd.s32 @!p0 s1  }
0x262: {  	[bflag:$0x3] =	sbarrier.arrive $0xFFFF  }
0x263: {  	_ =	shalt  }

</sc_bundles>
